<compile_context>
chip_gen: v7x
topology: tpu7x:2x2x1
jax: 0.10.2.dev20260603
libtpu: 0.0.44.dev20260713+nightly
codegen_flags: <defaults>
</compile_context>

<pallas_src>
import functools

import jax
import jax.numpy as jnp
import numpy as np
from jax import lax
from jax.experimental import pallas as pl
from jax.experimental.pallas import tpu as pltpu
from jax.experimental.pallas import tpu_sc as plsc

VOCAB = 100000
EMBED_DIM = 2048
SCALE = float(np.sqrt(EMBED_DIM))

NUM_CORES = 2
NUM_SUBCORES = 16
NUM_WORKERS = NUM_CORES * NUM_SUBCORES

CHUNK = 8
NBUF = 7


def _sc_embedding(n_rows: int):
    n_per_w = n_rows // NUM_WORKERS
    n_chunks = n_per_w // CHUNK
    n_main = (n_chunks // NBUF) * NBUF

    mesh = plsc.VectorSubcoreMesh(
        core_axis_name="c", subcore_axis_name="s",
        num_cores=NUM_CORES, num_subcores=NUM_SUBCORES,
    )

    @functools.partial(
        pl.kernel,
        mesh=mesh,
        out_type=jax.ShapeDtypeStruct((n_rows, EMBED_DIM), jnp.float32),
        scratch_types=[
            pltpu.VMEM((n_per_w,), jnp.int32),
            pltpu.VMEM((NBUF * CHUNK, EMBED_DIM), jnp.float32),
            [pltpu.SemaphoreType.DMA] * NBUF,
            [pltpu.SemaphoreType.DMA] * NBUF,
        ],
    )
    def run(idx_hbm, table_hbm, out_hbm, idx_v, bufs, gsems, ssems):
        wid = lax.axis_index("s") * NUM_CORES + lax.axis_index("c")
        base = wid * n_per_w
        pltpu.sync_copy(idx_hbm.at[pl.ds(base, n_per_w)], idx_v)

        def gather(chunk, buf):
            return pltpu.make_async_copy(
                table_hbm.at[idx_v.at[pl.ds(chunk * CHUNK, CHUNK)]],
                bufs.at[pl.ds(buf * CHUNK, CHUNK)],
                gsems[buf],
            )

        def scatter(chunk, buf):
            return pltpu.make_async_copy(
                bufs.at[pl.ds(buf * CHUNK, CHUNK)],
                out_hbm.at[pl.ds(base + chunk * CHUNK, CHUNK)],
                ssems[buf],
            )

        scale = jnp.float32(SCALE)

        def scale_buf(b):
            @plsc.parallel_loop(0, EMBED_DIM, step=16, unroll=2)
            def _(col):
                for r in range(CHUNK):
                    row = b * CHUNK + r
                    v = bufs[row, pl.ds(col, 16)]
                    bufs[row, pl.ds(col, 16)] = v * scale

        for b in range(min(NBUF, n_chunks)):
            gather(b, b).start()

        def step(g2, _):
            for b in range(NBUF):
                g = g2 * NBUF + b
                gather(g, b).wait()
                scale_buf(b)
                scatter(g, b).start()

                bp = (b + NBUF - 1) % NBUF
                gp = g - 1

                @pl.when((gp >= 0) & (gp + NBUF < n_chunks))
                def _():
                    scatter(gp, bp).wait()
                    gather(gp + NBUF, bp).start()

            return 0

        lax.fori_loop(0, n_main // NBUF, step, 0)

        for g in range(n_main, n_chunks):
            b = g % NBUF
            gather(g, b).wait()
            scale_buf(b)
            scatter(g, b).start()
            gp = g - 1
            if gp >= 0 and gp + NBUF < n_chunks:
                scatter(gp, gp % NBUF).wait()
                gather(gp + NBUF, gp % NBUF).start()

        for g in range(max(0, n_chunks - NBUF), n_chunks):
            scatter(g, g % NBUF).wait()

    return run


def kernel(input_ids, weight):
    b, s = input_ids.shape
    idx = input_ids.reshape(-1).astype(jnp.int32)
    out = _sc_embedding(b * s)(idx, weight)
    return out.reshape(b, s, EMBED_DIM)

# --- scband reference (transcript-rebuilt; emitter-appended) ---
"""Pipeline reference for scband-neuron-gemma4-scaled-word-embedding-74792560493251 (READ-ONLY COPY).

The authoritative reference and input builder live on the scoring server;
editing this copy changes nothing except your own understanding.
"""

import jax, jax.numpy as jnp
import numpy as np

VOCAB = 100000
EMBED_DIM = 2048
BATCH = 4
SEQ = 4096
EMBED_SCALE = float(np.sqrt(EMBED_DIM))


def setup_inputs(seed: int = 0) -> dict:
    key = jax.random.key(seed)
    k_ids, k_w = jax.random.split(key)
    input_ids = jax.random.randint(k_ids, (BATCH, SEQ), 0, VOCAB, dtype=jnp.int64)
    weight = jax.random.normal(k_w, (VOCAB, EMBED_DIM), dtype=jnp.float32) * 0.02
    return {"input_ids": input_ids, "weight": weight}


def reference(input_ids, weight):
    # ParallelEmbedding lookup (gather) then explicit forward-time scale
    # (scale is NOT folded into the weight, matching HF Gemma behavior).
    x = jnp.take(weight, input_ids, axis=0)  # [B, S, D]
    scale = jnp.asarray(EMBED_SCALE, dtype=x.dtype)
    return x * scale

if __name__ == "__main__":
    import jax
    _d = setup_inputs()
    print(jax.jit(kernel)(*tuple(_d.values())))

</pallas_src>

<mosaic_0001>
#map = affine_map<(d0, d1) -> (0)>
#map1 = affine_map<(d0, d1) -> (0, 0)>
module attributes {stable_mosaic.version = 14 : i64} {
  func.func @run(%arg0: i32, %arg1: i32, %arg2: memref<16384xi32, #tpu.memory_space<hbm>>, %arg3: memref<100000x2048xf32, #tpu.memory_space<hbm>>, %arg4: memref<16384x2048xf32, #tpu.memory_space<hbm>>, %arg5: memref<512xi32, #tpu.memory_space<vmem>>, %arg6: memref<56x2048xf32, #tpu.memory_space<vmem>>, %arg7: memref<!tpu.dma_semaphore, #tpu.memory_space<semaphore_mem>>, %arg8: memref<!tpu.dma_semaphore, #tpu.memory_space<semaphore_mem>>, %arg9: memref<!tpu.dma_semaphore, #tpu.memory_space<semaphore_mem>>, %arg10: memref<!tpu.dma_semaphore, #tpu.memory_space<semaphore_mem>>, %arg11: memref<!tpu.dma_semaphore, #tpu.memory_space<semaphore_mem>>, %arg12: memref<!tpu.dma_semaphore, #tpu.memory_space<semaphore_mem>>, %arg13: memref<!tpu.dma_semaphore, #tpu.memory_space<semaphore_mem>>, %arg14: memref<!tpu.dma_semaphore, #tpu.memory_space<semaphore_mem>>, %arg15: memref<!tpu.dma_semaphore, #tpu.memory_space<semaphore_mem>>, %arg16: memref<!tpu.dma_semaphore, #tpu.memory_space<semaphore_mem>>, %arg17: memref<!tpu.dma_semaphore, #tpu.memory_space<semaphore_mem>>, %arg18: memref<!tpu.dma_semaphore, #tpu.memory_space<semaphore_mem>>, %arg19: memref<!tpu.dma_semaphore, #tpu.memory_space<semaphore_mem>>, %arg20: memref<!tpu.dma_semaphore, #tpu.memory_space<semaphore_mem>>) attributes {dimension_semantics = [#tpu.dimension_semantics<core_parallel>, #tpu.dimension_semantics<subcore_parallel>], iteration_bounds = array<i64: 2, 16>, scalar_prefetch = 0 : i64, scratch_operands = 16 : i64, tpu.core_type = #tpu.core_type<sc_vector_subcore>, window_params = [{transform_indices = #map}, {transform_indices = #map1}, {transform_indices = #map1}]} {
    %mul3A = arith.constant 2 : i32
    %mul3A_0 = arith.muli %arg1, %mul3A : i32
    %add3A = arith.addi %mul3A_0, %arg0 : i32
    %mul3A_1 = arith.constant 512 : i32
    %mul3A_2 = arith.muli %add3A, %mul3A_1 : i32
    "tpu.region"() ({
      %run_scoped3A = tpu.sem_alloc : memref<!tpu.dma_semaphore, #tpu.memory_space<semaphore_mem>>
      %dma_start3A_171 = tpu.memref_slice %arg2[%mul3A_2] : memref<16384xi32, #tpu.memory_space<hbm>> -> memref<512xi32, #tpu.memory_space<hbm>>
      %dma_start3A_172 = tpu.memref_slice %arg2[%mul3A_2] : memref<16384xi32, #tpu.memory_space<hbm>> -> memref<512xi32, #tpu.memory_space<hbm>>
      tpu.enqueue_dma source(%dma_start3A_172 : memref<512xi32, #tpu.memory_space<hbm>>) target(%arg5 : memref<512xi32, #tpu.memory_space<vmem>>) target_semaphore(%run_scoped3A : memref<!tpu.dma_semaphore, #tpu.memory_space<semaphore_mem>>)
      %dma_wait3A_173 = tpu.memref_slice %arg2[%mul3A_2] : memref<16384xi32, #tpu.memory_space<hbm>> -> memref<512xi32, #tpu.memory_space<hbm>>
      %dma_wait3A_174 = tpu.memref_slice %arg2[%mul3A_2] : memref<16384xi32, #tpu.memory_space<hbm>> -> memref<512xi32, #tpu.memory_space<hbm>>
      tpu.wait_dma2 semaphore(%run_scoped3A : memref<!tpu.dma_semaphore, #tpu.memory_space<semaphore_mem>>) src(%dma_wait3A_174 : memref<512xi32, #tpu.memory_space<hbm>>) dst(%arg5 : memref<512xi32, #tpu.memory_space<vmem>>)
      tpu.yield
    }) : () -> ()
    %dma_start3A = arith.constant 0 : i32
    %dma_start3A_3 = arith.constant 0 : i32
    %dma_start3A_4 = tpu.memref_slice %arg6[%dma_start3A, %dma_start3A_3] : memref<56x2048xf32, #tpu.memory_space<vmem>> -> memref<8x2048xf32, #tpu.memory_space<vmem>>
    %dma_start3A_5 = arith.constant 0 : i32
    %dma_start3A_6 = tpu.memref_slice %arg5[%dma_start3A_5] : memref<512xi32, #tpu.memory_space<vmem>> -> memref<8xi32, #tpu.memory_space<vmem>>
    %dma_start3A_7 = arith.constant 0 : i32
    %dma_start3A_8 = arith.constant 0 : i32
    %dma_start3A_9 = tpu.memref_slice %arg3[%dma_start3A_7, %dma_start3A_8] : memref<100000x2048xf32, #tpu.memory_space<hbm>> -> memref<100000x2048xf32, #tpu.memory_space<hbm>>
    tpu.enqueue_indirect_dma source(%dma_start3A_9 : memref<100000x2048xf32, #tpu.memory_space<hbm>>) target(%dma_start3A_4 : memref<8x2048xf32, #tpu.memory_space<vmem>>) offsets(%dma_start3A_6 : memref<8xi32, #tpu.memory_space<vmem>>) semaphore(%arg7 : memref<!tpu.dma_semaphore, #tpu.memory_space<semaphore_mem>>)
    %dma_start3A_10 = arith.constant 8 : i32
    %dma_start3A_11 = arith.constant 0 : i32
    %dma_start3A_12 = tpu.memref_slice %arg6[%dma_start3A_10, %dma_start3A_11] : memref<56x2048xf32, #tpu.memory_space<vmem>> -> memref<8x2048xf32, #tpu.memory_space<vmem>>
    %dma_start3A_13 = arith.constant 8 : i32
    %dma_start3A_14 = tpu.memref_slice %arg5[%dma_start3A_13] : memref<512xi32, #tpu.memory_space<vmem>> -> memref<8xi32, #tpu.memory_space<vmem>>
    %dma_start3A_15 = arith.constant 0 : i32
    %dma_start3A_16 = arith.constant 0 : i32
    %dma_start3A_17 = tpu.memref_slice %arg3[%dma_start3A_15, %dma_start3A_16] : memref<100000x2048xf32, #tpu.memory_space<hbm>> -> memref<100000x2048xf32, #tpu.memory_space<hbm>>
    tpu.enqueue_indirect_dma source(%dma_start3A_17 : memref<100000x2048xf32, #tpu.memory_space<hbm>>) target(%dma_start3A_12 : memref<8x2048xf32, #tpu.memory_space<vmem>>) offsets(%dma_start3A_14 : memref<8xi32, #tpu.memory_space<vmem>>) semaphore(%arg8 : memref<!tpu.dma_semaphore, #tpu.memory_space<semaphore_mem>>)
    %dma_start3A_18 = arith.constant 16 : i32
    %dma_start3A_19 = arith.constant 0 : i32
    %dma_start3A_20 = tpu.memref_slice %arg6[%dma_start3A_18, %dma_start3A_19] : memref<56x2048xf32, #tpu.memory_space<vmem>> -> memref<8x2048xf32, #tpu.memory_space<vmem>>
    %dma_start3A_21 = arith.constant 16 : i32
    %dma_start3A_22 = tpu.memref_slice %arg5[%dma_start3A_21] : memref<512xi32, #tpu.memory_space<vmem>> -> memref<8xi32, #tpu.memory_space<vmem>>
    %dma_start3A_23 = arith.constant 0 : i32
    %dma_start3A_24 = arith.constant 0 : i32
    %dma_start3A_25 = tpu.memref_slice %arg3[%dma_start3A_23, %dma_start3A_24] : memref<100000x2048xf32, #tpu.memory_space<hbm>> -> memref<100000x2048xf32, #tpu.memory_space<hbm>>
    tpu.enqueue_indirect_dma source(%dma_start3A_25 : memref<100000x2048xf32, #tpu.memory_space<hbm>>) target(%dma_start3A_20 : memref<8x2048xf32, #tpu.memory_space<vmem>>) offsets(%dma_start3A_22 : memref<8xi32, #tpu.memory_space<vmem>>) semaphore(%arg9 : memref<!tpu.dma_semaphore, #tpu.memory_space<semaphore_mem>>)
    %dma_start3A_26 = arith.constant 24 : i32
    %dma_start3A_27 = arith.constant 0 : i32
    %dma_start3A_28 = tpu.memref_slice %arg6[%dma_start3A_26, %dma_start3A_27] : memref<56x2048xf32, #tpu.memory_space<vmem>> -> memref<8x2048xf32, #tpu.memory_space<vmem>>
    %dma_start3A_29 = arith.constant 24 : i32
    %dma_start3A_30 = tpu.memref_slice %arg5[%dma_start3A_29] : memref<512xi32, #tpu.memory_space<vmem>> -> memref<8xi32, #tpu.memory_space<vmem>>
    %dma_start3A_31 = arith.constant 0 : i32
    %dma_start3A_32 = arith.constant 0 : i32
    %dma_start3A_33 = tpu.memref_slice %arg3[%dma_start3A_31, %dma_start3A_32] : memref<100000x2048xf32, #tpu.memory_space<hbm>> -> memref<100000x2048xf32, #tpu.memory_space<hbm>>
    tpu.enqueue_indirect_dma source(%dma_start3A_33 : memref<100000x2048xf32, #tpu.memory_space<hbm>>) target(%dma_start3A_28 : memref<8x2048xf32, #tpu.memory_space<vmem>>) offsets(%dma_start3A_30 : memref<8xi32, #tpu.memory_space<vmem>>) semaphore(%arg10 : memref<!tpu.dma_semaphore, #tpu.memory_space<semaphore_mem>>)
    %dma_start3A_34 = arith.constant 32 : i32
    %dma_start3A_35 = arith.constant 0 : i32
    %dma_start3A_36 = tpu.memref_slice %arg6[%dma_start3A_34, %dma_start3A_35] : memref<56x2048xf32, #tpu.memory_space<vmem>> -> memref<8x2048xf32, #tpu.memory_space<vmem>>
    %dma_start3A_37 = arith.constant 32 : i32
    %dma_start3A_38 = tpu.memref_slice %arg5[%dma_start3A_37] : memref<512xi32, #tpu.memory_space<vmem>> -> memref<8xi32, #tpu.memory_space<vmem>>
    %dma_start3A_39 = arith.constant 0 : i32
    %dma_start3A_40 = arith.constant 0 : i32
    %dma_start3A_41 = tpu.memref_slice %arg3[%dma_start3A_39, %dma_start3A_40] : memref<100000x2048xf32, #tpu.memory_space<hbm>> -> memref<100000x2048xf32, #tpu.memory_space<hbm>>
    tpu.enqueue_indirect_dma source(%dma_start3A_41 : memref<100000x2048xf32, #tpu.memory_space<hbm>>) target(%dma_start3A_36 : memref<8x2048xf32, #tpu.memory_space<vmem>>) offsets(%dma_start3A_38 : memref<8xi32, #tpu.memory_space<vmem>>) semaphore(%arg11 : memref<!tpu.dma_semaphore, #tpu.memory_space<semaphore_mem>>)
    %dma_start3A_42 = arith.constant 40 : i32
    %dma_start3A_43 = arith.constant 0 : i32
    %dma_start3A_44 = tpu.memref_slice %arg6[%dma_start3A_42, %dma_start3A_43] : memref<56x2048xf32, #tpu.memory_space<vmem>> -> memref<8x2048xf32, #tpu.memory_space<vmem>>
    %dma_start3A_45 = arith.constant 40 : i32
    %dma_start3A_46 = tpu.memref_slice %arg5[%dma_start3A_45] : memref<512xi32, #tpu.memory_space<vmem>> -> memref<8xi32, #tpu.memory_space<vmem>>
    %dma_start3A_47 = arith.constant 0 : i32
    %dma_start3A_48 = arith.constant 0 : i32
    %dma_start3A_49 = tpu.memref_slice %arg3[%dma_start3A_47, %dma_start3A_48] : memref<100000x2048xf32, #tpu.memory_space<hbm>> -> memref<100000x2048xf32, #tpu.memory_space<hbm>>
    tpu.enqueue_indirect_dma source(%dma_start3A_49 : memref<100000x2048xf32, #tpu.memory_space<hbm>>) target(%dma_start3A_44 : memref<8x2048xf32, #tpu.memory_space<vmem>>) offsets(%dma_start3A_46 : memref<8xi32, #tpu.memory_space<vmem>>) semaphore(%arg12 : memref<!tpu.dma_semaphore, #tpu.memory_space<semaphore_mem>>)
    %dma_start3A_50 = arith.constant 48 : i32
    %dma_start3A_51 = arith.constant 0 : i32
    %dma_start3A_52 = tpu.memref_slice %arg6[%dma_start3A_50, %dma_start3A_51] : memref<56x2048xf32, #tpu.memory_space<vmem>> -> memref<8x2048xf32, #tpu.memory_space<vmem>>
    %dma_start3A_53 = arith.constant 48 : i32
    %dma_start3A_54 = tpu.memref_slice %arg5[%dma_start3A_53] : memref<512xi32, #tpu.memory_space<vmem>> -> memref<8xi32, #tpu.memory_space<vmem>>
    %dma_start3A_55 = arith.constant 0 : i32
    %dma_start3A_56 = arith.constant 0 : i32
    %dma_start3A_57 = tpu.memref_slice %arg3[%dma_start3A_55, %dma_start3A_56] : memref<100000x2048xf32, #tpu.memory_space<hbm>> -> memref<100000x2048xf32, #tpu.memory_space<hbm>>
    tpu.enqueue_indirect_dma source(%dma_start3A_57 : memref<100000x2048xf32, #tpu.memory_space<hbm>>) target(%dma_start3A_52 : memref<8x2048xf32, #tpu.memory_space<vmem>>) offsets(%dma_start3A_54 : memref<8xi32, #tpu.memory_space<vmem>>) semaphore(%arg13 : memref<!tpu.dma_semaphore, #tpu.memory_space<semaphore_mem>>)
    %scan3A = arith.constant 45.2548332 : f32
    %scan3A_58 = arith.constant 0 : i32
    %scan3A_59 = arith.constant 0 : i32
    %scan3A_60 = arith.constant 9 : i32
    %scan3A_61 = arith.addi %scan3A_59, %scan3A_60 : i32
    %scan3A_62 = arith.constant 1 : i32
    %scan3A_63 = scf.for %scan3A_171 = %scan3A_59 to %scan3A_61 step %scan3A_62 iter_args(%scan3A_172 = %scan3A_58) -> (i32)  : i32 {
      %mul3A_173 = arith.constant 7 : i32
      %mul3A_174 = arith.muli %scan3A_171, %mul3A_173 : i32
      %add3A_175 = arith.constant 0 : i32
      %add3A_176 = arith.addi %mul3A_174, %add3A_175 : i32
      %mul3A_177 = arith.constant 8 : i32
      %mul3A_178 = arith.muli %add3A_176, %mul3A_177 : i32
      %dma_wait3A_179 = arith.constant 0 : i32
      %dma_wait3A_180 = arith.constant 0 : i32
      %dma_wait3A_181 = tpu.memref_slice %arg6[%dma_wait3A_179, %dma_wait3A_180] : memref<56x2048xf32, #tpu.memory_space<vmem>> -> memref<8x2048xf32, #tpu.memory_space<vmem>>
      %dma_wait3A_182 = tpu.memref_slice %arg5[%mul3A_178] : memref<512xi32, #tpu.memory_space<vmem>> -> memref<8xi32, #tpu.memory_space<vmem>>
      %dma_wait3A_183 = arith.constant 0 : i32
      %dma_wait3A_184 = arith.constant 0 : i32
      %dma_wait3A_185 = tpu.memref_slice %arg3[%dma_wait3A_183, %dma_wait3A_184] : memref<100000x2048xf32, #tpu.memory_space<hbm>> -> memref<100000x2048xf32, #tpu.memory_space<hbm>>
      tpu.wait_indirect_dma semaphore(%arg7 : memref<!tpu.dma_semaphore, #tpu.memory_space<semaphore_mem>>) src(%dma_wait3A_185 : memref<100000x2048xf32, #tpu.memory_space<hbm>>) dst(%dma_wait3A_181 : memref<8x2048xf32, #tpu.memory_space<vmem>>)
      %parallel_loop3A_186 = arith.constant 0 : i32
      %parallel_loop3A_187 = arith.constant 2048 : i32
      %parallel_loop3A_188 = arith.constant 16 : i32
      scf.for %parallel_loop3A_455 = %parallel_loop3A_186 to %parallel_loop3A_187 step %parallel_loop3A_188  : i32 {
        %parallel_loop3A_456 = arith.constant 0 : i32
        %parallel_loop3A_457 = arith.index_cast %parallel_loop3A_456 : i32 to index
        %parallel_loop3A_458 = arith.index_cast %parallel_loop3A_455 : i32 to index
        %parallel_loop3A_459 = tpu.vector_load %arg6[%parallel_loop3A_457, %parallel_loop3A_458] {strides = array<i32>} : memref<56x2048xf32, #tpu.memory_space<vmem>>, vector<1x16xf32>,
        %parallel_loop3A_460 = vector.shape_cast %parallel_loop3A_459 : vector<1x16xf32> to vector<16xf32>
        %parallel_loop3A_461 = vector.broadcast %scan3A : f32 to vector<16xf32>
        %parallel_loop3A_462 = arith.mulf %parallel_loop3A_460, %parallel_loop3A_461 : vector<16xf32>
        %parallel_loop3A_463 = arith.constant 0 : i32
        %parallel_loop3A_464 = arith.index_cast %parallel_loop3A_463 : i32 to index
        %parallel_loop3A_465 = arith.index_cast %parallel_loop3A_455 : i32 to index
        %parallel_loop3A_466 = tpu.vector_load %arg6[%parallel_loop3A_464, %parallel_loop3A_465] {strides = array<i32>} : memref<56x2048xf32, #tpu.memory_space<vmem>>, vector<1x16xf32>,
        %parallel_loop3A_467 = vector.shape_cast %parallel_loop3A_466 : vector<1x16xf32> to vector<16xf32>
        %parallel_loop3A_468 = vector.shape_cast %parallel_loop3A_462 : vector<16xf32> to vector<1x16xf32>
        tpu.vector_store %arg6[%parallel_loop3A_464, %parallel_loop3A_465], %parallel_loop3A_468 {strides = array<i32>} : memref<56x2048xf32, #tpu.memory_space<vmem>>, vector<1x16xf32>,
        %parallel_loop3A_469 = arith.constant 1 : i32
        %parallel_loop3A_470 = arith.index_cast %parallel_loop3A_469 : i32 to index
        %parallel_loop3A_471 = arith.index_cast %parallel_loop3A_455 : i32 to index
        %parallel_loop3A_472 = tpu.vector_load %arg6[%parallel_loop3A_470, %parallel_loop3A_471] {strides = array<i32>} : memref<56x2048xf32, #tpu.memory_space<vmem>>, vector<1x16xf32>,
        %parallel_loop3A_473 = vector.shape_cast %parallel_loop3A_472 : vector<1x16xf32> to vector<16xf32>
        %parallel_loop3A_474 = vector.broadcast %scan3A : f32 to vector<16xf32>
        %parallel_loop3A_475 = arith.mulf %parallel_loop3A_473, %parallel_loop3A_474 : vector<16xf32>
        %parallel_loop3A_476 = arith.constant 1 : i32
        %parallel_loop3A_477 = arith.index_cast %parallel_loop3A_476 : i32 to index
        %parallel_loop3A_478 = arith.index_cast %parallel_loop3A_455 : i32 to index
        %parallel_loop3A_479 = tpu.vector_load %arg6[%parallel_loop3A_477, %parallel_loop3A_478] {strides = array<i32>} : memref<56x2048xf32, #tpu.memory_space<vmem>>, vector<1x16xf32>,
        %parallel_loop3A_480 = vector.shape_cast %parallel_loop3A_479 : vector<1x16xf32> to vector<16xf32>
        %parallel_loop3A_481 = vector.shape_cast %parallel_loop3A_475 : vector<16xf32> to vector<1x16xf32>
        tpu.vector_store %arg6[%parallel_loop3A_477, %parallel_loop3A_478], %parallel_loop3A_481 {strides = array<i32>} : memref<56x2048xf32, #tpu.memory_space<vmem>>, vector<1x16xf32>,
        %parallel_loop3A_482 = arith.constant 2 : i32
        %parallel_loop3A_483 = arith.index_cast %parallel_loop3A_482 : i32 to index
        %parallel_loop3A_484 = arith.index_cast %parallel_loop3A_455 : i32 to index
        %parallel_loop3A_485 = tpu.vector_load %arg6[%parallel_loop3A_483, %parallel_loop3A_484] {strides = array<i32>} : memref<56x2048xf32, #tpu.memory_space<vmem>>, vector<1x16xf32>,
        %parallel_loop3A_486 = vector.shape_cast %parallel_loop3A_485 : vector<1x16xf32> to vector<16xf32>
        %parallel_loop3A_487 = vector.broadcast %scan3A : f32 to vector<16xf32>
        %parallel_loop3A_488 = arith.mulf %parallel_loop3A_486, %parallel_loop3A_487 : vector<16xf32>
        %parallel_loop3A_489 = arith.constant 2 : i32
        %parallel_loop3A_490 = arith.index_cast %parallel_loop3A_489 : i32 to index
        %parallel_loop3A_491 = arith.index_cast %parallel_loop3A_455 : i32 to index
        %parallel_loop3A_492 = tpu.vector_load %arg6[%parallel_loop3A_490, %parallel_loop3A_491] {strides = array<i32>} : memref<56x2048xf32, #tpu.memory_space<vmem>>, vector<1x16xf32>,
        %parallel_loop3A_493 = vector.shape_cast %parallel_loop3A_492 : vector<1x16xf32> to vector<16xf32>
        %parallel_loop3A_494 = vector.shape_cast %parallel_loop3A_488 : vector<16xf32> to vector<1x16xf32>
        tpu.vector_store %arg6[%parallel_loop3A_490, %parallel_loop3A_491], %parallel_loop3A_494 {strides = array<i32>} : memref<56x2048xf32, #tpu.memory_space<vmem>>, vector<1x16xf32>,
        %parallel_loop3A_495 = arith.constant 3 : i32
        %parallel_loop3A_496 = arith.index_cast %parallel_loop3A_495 : i32 to index
        %parallel_loop3A_497 = arith.index_cast %parallel_loop3A_455 : i32 to index
        %parallel_loop3A_498 = tpu.vector_load %arg6[%parallel_loop3A_496, %parallel_loop3A_497] {strides = array<i32>} : memref<56x2048xf32, #tpu.memory_space<vmem>>, vector<1x16xf32>,
        %parallel_loop3A_499 = vector.shape_cast %parallel_loop3A_498 : vector<1x16xf32> to vector<16xf32>
        %parallel_loop3A_500 = vector.broadcast %scan3A : f32 to vector<16xf32>
        %parallel_loop3A_501 = arith.mulf %parallel_loop3A_499, %parallel_loop3A_500 : vector<16xf32>
        %parallel_loop3A_502 = arith.constant 3 : i32
        %parallel_loop3A_503 = arith.index_cast %parallel_loop3A_502 : i32 to index
        %parallel_loop3A_504 = arith.index_cast %parallel_loop3A_455 : i32 to index
        %parallel_loop3A_505 = tpu.vector_load %arg6[%parallel_loop3A_503, %parallel_loop3A_504] {strides = array<i32>} : memref<56x2048xf32, #tpu.memory_space<vmem>>, vector<1x16xf32>,
        %parallel_loop3A_506 = vector.shape_cast %parallel_loop3A_505 : vector<1x16xf32> to vector<16xf32>
        %parallel_loop3A_507 = vector.shape_cast %parallel_loop3A_501 : vector<16xf32> to vector<1x16xf32>
        tpu.vector_store %arg6[%parallel_loop3A_503, %parallel_loop3A_504], %parallel_loop3A_507 {strides = array<i32>} : memref<56x2048xf32, #tpu.memory_space<vmem>>, vector<1x16xf32>,
        %parallel_loop3A_508 = arith.constant 4 : i32
        %parallel_loop3A_509 = arith.index_cast %parallel_loop3A_508 : i32 to index
        %parallel_loop3A_510 = arith.index_cast %parallel_loop3A_455 : i32 to index
        %parallel_loop3A_511 = tpu.vector_load %arg6[%parallel_loop3A_509, %parallel_loop3A_510] {strides = array<i32>} : memref<56x2048xf32, #tpu.memory_space<vmem>>, vector<1x16xf32>,
        %parallel_loop3A_512 = vector.shape_cast %parallel_loop3A_511 : vector<1x16xf32> to vector<16xf32>
        %parallel_loop3A_513 = vector.broadcast %scan3A : f32 to vector<16xf32>
        %parallel_loop3A_514 = arith.mulf %parallel_loop3A_512, %parallel_loop3A_513 : vector<16xf32>
        %parallel_loop3A_515 = arith.constant 4 : i32
        %parallel_loop3A_516 = arith.index_cast %parallel_loop3A_515 : i32 to index
        %parallel_loop3A_517 = arith.index_cast %parallel_loop3A_455 : i32 to index
        %parallel_loop3A_518 = tpu.vector_load %arg6[%parallel_loop3A_516, %parallel_loop3A_517] {strides = array<i32>} : memref<56x2048xf32, #tpu.memory_space<vmem>>, vector<1x16xf32>,
        %parallel_loop3A_519 = vector.shape_cast %parallel_loop3A_518 : vector<1x16xf32> to vector<16xf32>
        %parallel_loop3A_520 = vector.shape_cast %parallel_loop3A_514 : vector<16xf32> to vector<1x16xf32>
        tpu.vector_store %arg6[%parallel_loop3A_516, %parallel_loop3A_517], %parallel_loop3A_520 {strides = array<i32>} : memref<56x2048xf32, #tpu.memory_space<vmem>>, vector<1x16xf32>,
        %parallel_loop3A_521 = arith.constant 5 : i32
        %parallel_loop3A_522 = arith.index_cast %parallel_loop3A_521 : i32 to index
        %parallel_loop3A_523 = arith.index_cast %parallel_loop3A_455 : i32 to index
        %parallel_loop3A_524 = tpu.vector_load %arg6[%parallel_loop3A_522, %parallel_loop3A_523] {strides = array<i32>} : memref<56x2048xf32, #tpu.memory_space<vmem>>, vector<1x16xf32>,
        %parallel_loop3A_525 = vector.shape_cast %parallel_loop3A_524 : vector<1x16xf32> to vector<16xf32>
        %parallel_loop3A_526 = vector.broadcast %scan3A : f32 to vector<16xf32>
        %parallel_loop3A_527 = arith.mulf %parallel_loop3A_525, %parallel_loop3A_526 : vector<16xf32>
        %parallel_loop3A_528 = arith.constant 5 : i32
        %parallel_loop3A_529 = arith.index_cast %parallel_loop3A_528 : i32 to index
        %parallel_loop3A_530 = arith.index_cast %parallel_loop3A_455 : i32 to index
        %parallel_loop3A_531 = tpu.vector_load %arg6[%parallel_loop3A_529, %parallel_loop3A_530] {strides = array<i32>} : memref<56x2048xf32, #tpu.memory_space<vmem>>, vector<1x16xf32>,
        %parallel_loop3A_532 = vector.shape_cast %parallel_loop3A_531 : vector<1x16xf32> to vector<16xf32>
        %parallel_loop3A_533 = vector.shape_cast %parallel_loop3A_527 : vector<16xf32> to vector<1x16xf32>
        tpu.vector_store %arg6[%parallel_loop3A_529, %parallel_loop3A_530], %parallel_loop3A_533 {strides = array<i32>} : memref<56x2048xf32, #tpu.memory_space<vmem>>, vector<1x16xf32>,
        %parallel_loop3A_534 = arith.constant 6 : i32
        %parallel_loop3A_535 = arith.index_cast %parallel_loop3A_534 : i32 to index
        %parallel_loop3A_536 = arith.index_cast %parallel_loop3A_455 : i32 to index
        %parallel_loop3A_537 = tpu.vector_load %arg6[%parallel_loop3A_535, %parallel_loop3A_536] {strides = array<i32>} : memref<56x2048xf32, #tpu.memory_space<vmem>>, vector<1x16xf32>,
        %parallel_loop3A_538 = vector.shape_cast %parallel_loop3A_537 : vector<1x16xf32> to vector<16xf32>
        %parallel_loop3A_539 = vector.broadcast %scan3A : f32 to vector<16xf32>
        %parallel_loop3A_540 = arith.mulf %parallel_loop3A_538, %parallel_loop3A_539 : vector<16xf32>
        %parallel_loop3A_541 = arith.constant 6 : i32
        %parallel_loop3A_542 = arith.index_cast %parallel_loop3A_541 : i32 to index
        %parallel_loop3A_543 = arith.index_cast %parallel_loop3A_455 : i32 to index
        %parallel_loop3A_544 = tpu.vector_load %arg6[%parallel_loop3A_542, %parallel_loop3A_543] {strides = array<i32>} : memref<56x2048xf32, #tpu.memory_space<vmem>>, vector<1x16xf32>,
        %parallel_loop3A_545 = vector.shape_cast %parallel_loop3A_544 : vector<1x16xf32> to vector<16xf32>
        %parallel_loop3A_546 = vector.shape_cast %parallel_loop3A_540 : vector<16xf32> to vector<1x16xf32>
        tpu.vector_store %arg6[%parallel_loop3A_542, %parallel_loop3A_543], %parallel_loop3A_546 {strides = array<i32>} : memref<56x2048xf32, #tpu.memory_space<vmem>>, vector<1x16xf32>,
        %parallel_loop3A_547 = arith.constant 7 : i32
        %parallel_loop3A_548 = arith.index_cast %parallel_loop3A_547 : i32 to index
        %parallel_loop3A_549 = arith.index_cast %parallel_loop3A_455 : i32 to index
        %parallel_loop3A_550 = tpu.vector_load %arg6[%parallel_loop3A_548, %parallel_loop3A_549] {strides = array<i32>} : memref<56x2048xf32, #tpu.memory_space<vmem>>, vector<1x16xf32>,
        %parallel_loop3A_551 = vector.shape_cast %parallel_loop3A_550 : vector<1x16xf32> to vector<16xf32>
        %parallel_loop3A_552 = vector.broadcast %scan3A : f32 to vector<16xf32>
        %parallel_loop3A_553 = arith.mulf %parallel_loop3A_551, %parallel_loop3A_552 : vector<16xf32>
        %parallel_loop3A_554 = arith.constant 7 : i32
        %parallel_loop3A_555 = arith.index_cast %parallel_loop3A_554 : i32 to index
        %parallel_loop3A_556 = arith.index_cast %parallel_loop3A_455 : i32 to index
        %parallel_loop3A_557 = tpu.vector_load %arg6[%parallel_loop3A_555, %parallel_loop3A_556] {strides = array<i32>} : memref<56x2048xf32, #tpu.memory_space<vmem>>, vector<1x16xf32>,
        %parallel_loop3A_558 = vector.shape_cast %parallel_loop3A_557 : vector<1x16xf32> to vector<16xf32>
        %parallel_loop3A_559 = vector.shape_cast %parallel_loop3A_553 : vector<16xf32> to vector<1x16xf32>
        tpu.vector_store %arg6[%parallel_loop3A_555, %parallel_loop3A_556], %parallel_loop3A_559 {strides = array<i32>} : memref<56x2048xf32, #tpu.memory_space<vmem>>, vector<1x16xf32>,
      } {sc.loop_unroll_factor = 2 : i64, sc.parallel_access}
      %mul3A_189 = arith.constant 8 : i32
      %mul3A_190 = arith.muli %add3A_176, %mul3A_189 : i32
      %add3A_191 = arith.addi %mul3A_2, %mul3A_190 : i32
      %dma_start3A_192 = arith.constant 0 : i32
      %dma_start3A_193 = arith.constant 0 : i32
      %dma_start3A_194 = tpu.memref_slice %arg6[%dma_start3A_192, %dma_start3A_193] : memref<56x2048xf32, #tpu.memory_space<vmem>> -> memref<8x2048xf32, #tpu.memory_space<vmem>>
      %dma_start3A_195 = arith.constant 0 : i32
      %dma_start3A_196 = tpu.memref_slice %arg4[%add3A_191, %dma_start3A_195] : memref<16384x2048xf32, #tpu.memory_space<hbm>> -> memref<8x2048xf32, #tpu.memory_space<hbm>>
      %dma_start3A_197 = arith.constant 0 : i32
      %dma_start3A_198 = tpu.memref_slice %arg4[%add3A_191, %dma_start3A_197] : memref<16384x2048xf32, #tpu.memory_space<hbm>> -> memref<8x2048xf32, #tpu.memory_space<hbm>>
      %dma_start3A_199 = arith.constant 0 : i32
      %dma_start3A_200 = arith.constant 0 : i32
      %dma_start3A_201 = tpu.memref_slice %arg6[%dma_start3A_199, %dma_start3A_200] : memref<56x2048xf32, #tpu.memory_space<vmem>> -> memref<8x2048xf32, #tpu.memory_space<vmem>>
      tpu.enqueue_dma source(%dma_start3A_201 : memref<8x2048xf32, #tpu.memory_space<vmem>>) target(%dma_start3A_198 : memref<8x2048xf32, #tpu.memory_space<hbm>>) target_semaphore(%arg14 : memref<!tpu.dma_semaphore, #tpu.memory_space<semaphore_mem>>)
      %sub3A = arith.constant 1 : i32
      %sub3A_202 = arith.subi %add3A_176, %sub3A : i32
      %ge3A = arith.constant 0 : i32
      %ge3A_203 = arith.cmpi sge, %sub3A_202, %ge3A : i32
      %add3A_204 = arith.constant 7 : i32
      %add3A_205 = arith.addi %sub3A_202, %add3A_204 : i32
      %lt3A = arith.constant 64 : i32
      %lt3A_206 = arith.cmpi slt, %add3A_205, %lt3A : i32
      %and3A = arith.andi %ge3A_203, %lt3A_206 : i1
      %convert_element_type3A = arith.extui %and3A : i1 to i32
      %cond3A = arith.constant 0 : i32
      %cond3A_207 = arith.cmpi ne, %convert_element_type3A, %cond3A : i32
      scf.if %cond3A_207 {
        %mul3A_455 = arith.constant 8 : i32
        %mul3A_456 = arith.muli %sub3A_202, %mul3A_455 : i32
        %add3A_457 = arith.addi %mul3A_2, %mul3A_456 : i32
        %dma_wait3A_458 = arith.constant 48 : i32
        %dma_wait3A_459 = arith.constant 0 : i32
        %dma_wait3A_460 = tpu.memref_slice %arg6[%dma_wait3A_458, %dma_wait3A_459] : memref<56x2048xf32, #tpu.memory_space<vmem>> -> memref<8x2048xf32, #tpu.memory_space<vmem>>
        %dma_wait3A_461 = arith.constant 0 : i32
        %dma_wait3A_462 = tpu.memref_slice %arg4[%add3A_457, %dma_wait3A_461] : memref<16384x2048xf32, #tpu.memory_space<hbm>> -> memref<8x2048xf32, #tpu.memory_space<hbm>>
        %dma_wait3A_463 = arith.constant 0 : i32
        %dma_wait3A_464 = tpu.memref_slice %arg4[%add3A_457, %dma_wait3A_463] : memref<16384x2048xf32, #tpu.memory_space<hbm>> -> memref<8x2048xf32, #tpu.memory_space<hbm>>
        %dma_wait3A_465 = arith.constant 48 : i32
        %dma_wait3A_466 = arith.constant 0 : i32
        %dma_wait3A_467 = tpu.memref_slice %arg6[%dma_wait3A_465, %dma_wait3A_466] : memref<56x2048xf32, #tpu.memory_space<vmem>> -> memref<8x2048xf32, #tpu.memory_space<vmem>>
        tpu.wait_dma2 semaphore(%arg20 : memref<!tpu.dma_semaphore, #tpu.memory_space<semaphore_mem>>) src(%dma_wait3A_467 : memref<8x2048xf32, #tpu.memory_space<vmem>>) dst(%dma_wait3A_464 : memref<8x2048xf32, #tpu.memory_space<hbm>>)
        %add3A_468 = arith.constant 7 : i32
        %add3A_469 = arith.addi %sub3A_202, %add3A_468 : i32
        %mul3A_470 = arith.constant 8 : i32
        %mul3A_471 = arith.muli %add3A_469, %mul3A_470 : i32
        %dma_start3A_472 = arith.constant 48 : i32
        %dma_start3A_473 = arith.constant 0 : i32
        %dma_start3A_474 = tpu.memref_slice %arg6[%dma_start3A_472, %dma_start3A_473] : memref<56x2048xf32, #tpu.memory_space<vmem>> -> memref<8x2048xf32, #tpu.memory_space<vmem>>
        %dma_start3A_475 = tpu.memref_slice %arg5[%mul3A_471] : memref<512xi32, #tpu.memory_space<vmem>> -> memref<8xi32, #tpu.memory_space<vmem>>
        %dma_start3A_476 = arith.constant 0 : i32
        %dma_start3A_477 = arith.constant 0 : i32
        %dma_start3A_478 = tpu.memref_slice %arg3[%dma_start3A_476, %dma_start3A_477] : memref<100000x2048xf32, #tpu.memory_space<hbm>> -> memref<100000x2048xf32, #tpu.memory_space<hbm>>
        tpu.enqueue_indirect_dma source(%dma_start3A_478 : memref<100000x2048xf32, #tpu.memory_space<hbm>>) target(%dma_start3A_474 : memref<8x2048xf32, #tpu.memory_space<vmem>>) offsets(%dma_start3A_475 : memref<8xi32, #tpu.memory_space<vmem>>) semaphore(%arg13 : memref<!tpu.dma_semaphore, #tpu.memory_space<semaphore_mem>>)
      } else {
      }
      %mul3A_208 = arith.constant 7 : i32
      %mul3A_209 = arith.muli %scan3A_171, %mul3A_208 : i32
      %add3A_210 = arith.constant 1 : i32
      %add3A_211 = arith.addi %mul3A_209, %add3A_210 : i32
      %mul3A_212 = arith.constant 8 : i32
      %mul3A_213 = arith.muli %add3A_211, %mul3A_212 : i32
      %dma_wait3A_214 = arith.constant 8 : i32
      %dma_wait3A_215 = arith.constant 0 : i32
      %dma_wait3A_216 = tpu.memref_slice %arg6[%dma_wait3A_214, %dma_wait3A_215] : memref<56x2048xf32, #tpu.memory_space<vmem>> -> memref<8x2048xf32, #tpu.memory_space<vmem>>
      %dma_wait3A_217 = tpu.memref_slice %arg5[%mul3A_213] : memref<512xi32, #tpu.memory_space<vmem>> -> memref<8xi32, #tpu.memory_space<vmem>>
      %dma_wait3A_218 = arith.constant 0 : i32
      %dma_wait3A_219 = arith.constant 0 : i32
      %dma_wait3A_220 = tpu.memref_slice %arg3[%dma_wait3A_218, %dma_wait3A_219] : memref<100000x2048xf32, #tpu.memory_space<hbm>> -> memref<100000x2048xf32, #tpu.memory_space<hbm>>
      tpu.wait_indirect_dma semaphore(%arg8 : memref<!tpu.dma_semaphore, #tpu.memory_space<semaphore_mem>>) src(%dma_wait3A_220 : memref<100000x2048xf32, #tpu.memory_space<hbm>>) dst(%dma_wait3A_216 : memref<8x2048xf32, #tpu.memory_space<vmem>>)
      %parallel_loop3A_221 = arith.constant 0 : i32
      %parallel_loop3A_222 = arith.constant 2048 : i32
      %parallel_loop3A_223 = arith.constant 16 : i32
      scf.for %parallel_loop3A_455 = %parallel_loop3A_221 to %parallel_loop3A_222 step %parallel_loop3A_223  : i32 {
        %parallel_loop3A_456 = arith.constant 8 : i32
        %parallel_loop3A_457 = arith.index_cast %parallel_loop3A_456 : i32 to index
        %parallel_loop3A_458 = arith.index_cast %parallel_loop3A_455 : i32 to index
        %parallel_loop3A_459 = tpu.vector_load %arg6[%parallel_loop3A_457, %parallel_loop3A_458] {strides = array<i32>} : memref<56x2048xf32, #tpu.memory_space<vmem>>, vector<1x16xf32>,
        %parallel_loop3A_460 = vector.shape_cast %parallel_loop3A_459 : vector<1x16xf32> to vector<16xf32>
        %parallel_loop3A_461 = vector.broadcast %scan3A : f32 to vector<16xf32>
        %parallel_loop3A_462 = arith.mulf %parallel_loop3A_460, %parallel_loop3A_461 : vector<16xf32>
        %parallel_loop3A_463 = arith.constant 8 : i32
        %parallel_loop3A_464 = arith.index_cast %parallel_loop3A_463 : i32 to index
        %parallel_loop3A_465 = arith.index_cast %parallel_loop3A_455 : i32 to index
        %parallel_loop3A_466 = tpu.vector_load %arg6[%parallel_loop3A_464, %parallel_loop3A_465] {strides = array<i32>} : memref<56x2048xf32, #tpu.memory_space<vmem>>, vector<1x16xf32>,
        %parallel_loop3A_467 = vector.shape_cast %parallel_loop3A_466 : vector<1x16xf32> to vector<16xf32>
        %parallel_loop3A_468 = vector.shape_cast %parallel_loop3A_462 : vector<16xf32> to vector<1x16xf32>
        tpu.vector_store %arg6[%parallel_loop3A_464, %parallel_loop3A_465], %parallel_loop3A_468 {strides = array<i32>} : memref<56x2048xf32, #tpu.memory_space<vmem>>, vector<1x16xf32>,
        %parallel_loop3A_469 = arith.constant 9 : i32
        %parallel_loop3A_470 = arith.index_cast %parallel_loop3A_469 : i32 to index
        %parallel_loop3A_471 = arith.index_cast %parallel_loop3A_455 : i32 to index
        %parallel_loop3A_472 = tpu.vector_load %arg6[%parallel_loop3A_470, %parallel_loop3A_471] {strides = array<i32>} : memref<56x2048xf32, #tpu.memory_space<vmem>>, vector<1x16xf32>,
        %parallel_loop3A_473 = vector.shape_cast %parallel_loop3A_472 : vector<1x16xf32> to vector<16xf32>
        %parallel_loop3A_474 = vector.broadcast %scan3A : f32 to vector<16xf32>
        %parallel_loop3A_475 = arith.mulf %parallel_loop3A_473, %parallel_loop3A_474 : vector<16xf32>
        %parallel_loop3A_476 = arith.constant 9 : i32
        %parallel_loop3A_477 = arith.index_cast %parallel_loop3A_476 : i32 to index
        %parallel_loop3A_478 = arith.index_cast %parallel_loop3A_455 : i32 to index
        %parallel_loop3A_479 = tpu.vector_load %arg6[%parallel_loop3A_477, %parallel_loop3A_478] {strides = array<i32>} : memref<56x2048xf32, #tpu.memory_space<vmem>>, vector<1x16xf32>,
        %parallel_loop3A_480 = vector.shape_cast %parallel_loop3A_479 : vector<1x16xf32> to vector<16xf32>
        %parallel_loop3A_481 = vector.shape_cast %parallel_loop3A_475 : vector<16xf32> to vector<1x16xf32>
        tpu.vector_store %arg6[%parallel_loop3A_477, %parallel_loop3A_478], %parallel_loop3A_481 {strides = array<i32>} : memref<56x2048xf32, #tpu.memory_space<vmem>>, vector<1x16xf32>,
        %parallel_loop3A_482 = arith.constant 10 : i32
        %parallel_loop3A_483 = arith.index_cast %parallel_loop3A_482 : i32 to index
        %parallel_loop3A_484 = arith.index_cast %parallel_loop3A_455 : i32 to index
        %parallel_loop3A_485 = tpu.vector_load %arg6[%parallel_loop3A_483, %parallel_loop3A_484] {strides = array<i32>} : memref<56x2048xf32, #tpu.memory_space<vmem>>, vector<1x16xf32>,
        %parallel_loop3A_486 = vector.shape_cast %parallel_loop3A_485 : vector<1x16xf32> to vector<16xf32>
        %parallel_loop3A_487 = vector.broadcast %scan3A : f32 to vector<16xf32>
        %parallel_loop3A_488 = arith.mulf %parallel_loop3A_486, %parallel_loop3A_487 : vector<16xf32>
        %parallel_loop3A_489 = arith.constant 10 : i32
        %parallel_loop3A_490 = arith.index_cast %parallel_loop3A_489 : i32 to index
        %parallel_loop3A_491 = arith.index_cast %parallel_loop3A_455 : i32 to index
        %parallel_loop3A_492 = tpu.vector_load %arg6[%parallel_loop3A_490, %parallel_loop3A_491] {strides = array<i32>} : memref<56x2048xf32, #tpu.memory_space<vmem>>, vector<1x16xf32>,
        %parallel_loop3A_493 = vector.shape_cast %parallel_loop3A_492 : vector<1x16xf32> to vector<16xf32>
        %parallel_loop3A_494 = vector.shape_cast %parallel_loop3A_488 : vector<16xf32> to vector<1x16xf32>
        tpu.vector_store %arg6[%parallel_loop3A_490, %parallel_loop3A_491], %parallel_loop3A_494 {strides = array<i32>} : memref<56x2048xf32, #tpu.memory_space<vmem>>, vector<1x16xf32>,
        %parallel_loop3A_495 = arith.constant 11 : i32
        %parallel_loop3A_496 = arith.index_cast %parallel_loop3A_495 : i32 to index
        %parallel_loop3A_497 = arith.index_cast %parallel_loop3A_455 : i32 to index
        %parallel_loop3A_498 = tpu.vector_load %arg6[%parallel_loop3A_496, %parallel_loop3A_497] {strides = array<i32>} : memref<56x2048xf32, #tpu.memory_space<vmem>>, vector<1x16xf32>,
        %parallel_loop3A_499 = vector.shape_cast %parallel_loop3A_498 : vector<1x16xf32> to vector<16xf32>
        %parallel_loop3A_500 = vector.broadcast %scan3A : f32 to vector<16xf32>
        %parallel_loop3A_501 = arith.mulf %parallel_loop3A_499, %parallel_loop3A_500 : vector<16xf32>
        %parallel_loop3A_502 = arith.constant 11 : i32
        %parallel_loop3A_503 = arith.index_cast %parallel_loop3A_502 : i32 to index
        %parallel_loop3A_504 = arith.index_cast %parallel_loop3A_455 : i32 to index
        %parallel_loop3A_505 = tpu.vector_load %arg6[%parallel_loop3A_503, %parallel_loop3A_504] {strides = array<i32>} : memref<56x2048xf32, #tpu.memory_space<vmem>>, vector<1x16xf32>,
        %parallel_loop3A_506 = vector.shape_cast %parallel_loop3A_505 : vector<1x16xf32> to vector<16xf32>
        %parallel_loop3A_507 = vector.shape_cast %parallel_loop3A_501 : vector<16xf32> to vector<1x16xf32>
        tpu.vector_store %arg6[%parallel_loop3A_503, %parallel_loop3A_504], %parallel_loop3A_507 {strides = array<i32>} : memref<56x2048xf32, #tpu.memory_space<vmem>>, vector<1x16xf32>,
        %parallel_loop3A_508 = arith.constant 12 : i32
        %parallel_loop3A_509 = arith.index_cast %parallel_loop3A_508 : i32 to index
        %parallel_loop3A_510 = arith.index_cast %parallel_loop3A_455 : i32 to index
        %parallel_loop3A_511 = tpu.vector_load %arg6[%parallel_loop3A_509, %parallel_loop3A_510] {strides = array<i32>} : memref<56x2048xf32, #tpu.memory_space<vmem>>, vector<1x16xf32>,
        %parallel_loop3A_512 = vector.shape_cast %parallel_loop3A_511 : vector<1x16xf32> to vector<16xf32>
        %parallel_loop3A_513 = vector.broadcast %scan3A : f32 to vector<16xf32>
        %parallel_loop3A_514 = arith.mulf %parallel_loop3A_512, %parallel_loop3A_513 : vector<16xf32>
        %parallel_loop3A_515 = arith.constant 12 : i32
        %parallel_loop3A_516 = arith.index_cast %parallel_loop3A_515 : i32 to index
        %parallel_loop3A_517 = arith.index_cast %parallel_loop3A_455 : i32 to index
        %parallel_loop3A_518 = tpu.vector_load %arg6[%parallel_loop3A_516, %parallel_loop3A_517] {strides = array<i32>} : memref<56x2048xf32, #tpu.memory_space<vmem>>, vector<1x16xf32>,
        %parallel_loop3A_519 = vector.shape_cast %parallel_loop3A_518 : vector<1x16xf32> to vector<16xf32>
        %parallel_loop3A_520 = vector.shape_cast %parallel_loop3A_514 : vector<16xf32> to vector<1x16xf32>
        tpu.vector_store %arg6[%parallel_loop3A_516, %parallel_loop3A_517], %parallel_loop3A_520 {strides = array<i32>} : memref<56x2048xf32, #tpu.memory_space<vmem>>, vector<1x16xf32>,
        %parallel_loop3A_521 = arith.constant 13 : i32
        %parallel_loop3A_522 = arith.index_cast %parallel_loop3A_521 : i32 to index
        %parallel_loop3A_523 = arith.index_cast %parallel_loop3A_455 : i32 to index
        %parallel_loop3A_524 = tpu.vector_load %arg6[%parallel_loop3A_522, %parallel_loop3A_523] {strides = array<i32>} : memref<56x2048xf32, #tpu.memory_space<vmem>>, vector<1x16xf32>,
        %parallel_loop3A_525 = vector.shape_cast %parallel_loop3A_524 : vector<1x16xf32> to vector<16xf32>
        %parallel_loop3A_526 = vector.broadcast %scan3A : f32 to vector<16xf32>
        %parallel_loop3A_527 = arith.mulf %parallel_loop3A_525, %parallel_loop3A_526 : vector<16xf32>
        %parallel_loop3A_528 = arith.constant 13 : i32
        %parallel_loop3A_529 = arith.index_cast %parallel_loop3A_528 : i32 to index
        %parallel_loop3A_530 = arith.index_cast %parallel_loop3A_455 : i32 to index
        %parallel_loop3A_531 = tpu.vector_load %arg6[%parallel_loop3A_529, %parallel_loop3A_530] {strides = array<i32>} : memref<56x2048xf32, #tpu.memory_space<vmem>>, vector<1x16xf32>,
        %parallel_loop3A_532 = vector.shape_cast %parallel_loop3A_531 : vector<1x16xf32> to vector<16xf32>
        %parallel_loop3A_533 = vector.shape_cast %parallel_loop3A_527 : vector<16xf32> to vector<1x16xf32>
        tpu.vector_store %arg6[%parallel_loop3A_529, %parallel_loop3A_530], %parallel_loop3A_533 {strides = array<i32>} : memref<56x2048xf32, #tpu.memory_space<vmem>>, vector<1x16xf32>,
        %parallel_loop3A_534 = arith.constant 14 : i32
        %parallel_loop3A_535 = arith.index_cast %parallel_loop3A_534 : i32 to index
        %parallel_loop3A_536 = arith.index_cast %parallel_loop3A_455 : i32 to index
        %parallel_loop3A_537 = tpu.vector_load %arg6[%parallel_loop3A_535, %parallel_loop3A_536] {strides = array<i32>} : memref<56x2048xf32, #tpu.memory_space<vmem>>, vector<1x16xf32>,
        %parallel_loop3A_538 = vector.shape_cast %parallel_loop3A_537 : vector<1x16xf32> to vector<16xf32>
        %parallel_loop3A_539 = vector.broadcast %scan3A : f32 to vector<16xf32>
        %parallel_loop3A_540 = arith.mulf %parallel_loop3A_538, %parallel_loop3A_539 : vector<16xf32>
        %parallel_loop3A_541 = arith.constant 14 : i32
        %parallel_loop3A_542 = arith.index_cast %parallel_loop3A_541 : i32 to index
        %parallel_loop3A_543 = arith.index_cast %parallel_loop3A_455 : i32 to index
        %parallel_loop3A_544 = tpu.vector_load %arg6[%parallel_loop3A_542, %parallel_loop3A_543] {strides = array<i32>} : memref<56x2048xf32, #tpu.memory_space<vmem>>, vector<1x16xf32>,
        %parallel_loop3A_545 = vector.shape_cast %parallel_loop3A_544 : vector<1x16xf32> to vector<16xf32>
        %parallel_loop3A_546 = vector.shape_cast %parallel_loop3A_540 : vector<16xf32> to vector<1x16xf32>
        tpu.vector_store %arg6[%parallel_loop3A_542, %parallel_loop3A_543], %parallel_loop3A_546 {strides = array<i32>} : memref<56x2048xf32, #tpu.memory_space<vmem>>, vector<1x16xf32>,
        %parallel_loop3A_547 = arith.constant 15 : i32
        %parallel_loop3A_548 = arith.index_cast %parallel_loop3A_547 : i32 to index
        %parallel_loop3A_549 = arith.index_cast %parallel_loop3A_455 : i32 to index
        %parallel_loop3A_550 = tpu.vector_load %arg6[%parallel_loop3A_548, %parallel_loop3A_549] {strides = array<i32>} : memref<56x2048xf32, #tpu.memory_space<vmem>>, vector<1x16xf32>,
        %parallel_loop3A_551 = vector.shape_cast %parallel_loop3A_550 : vector<1x16xf32> to vector<16xf32>
        %parallel_loop3A_552 = vector.broadcast %scan3A : f32 to vector<16xf32>
        %parallel_loop3A_553 = arith.mulf %parallel_loop3A_551, %parallel_loop3A_552 : vector<16xf32>
        %parallel_loop3A_554 = arith.constant 15 : i32
        %parallel_loop3A_555 = arith.index_cast %parallel_loop3A_554 : i32 to index
        %parallel_loop3A_556 = arith.index_cast %parallel_loop3A_455 : i32 to index
        %parallel_loop3A_557 = tpu.vector_load %arg6[%parallel_loop3A_555, %parallel_loop3A_556] {strides = array<i32>} : memref<56x2048xf32, #tpu.memory_space<vmem>>, vector<1x16xf32>,
        %parallel_loop3A_558 = vector.shape_cast %parallel_loop3A_557 : vector<1x16xf32> to vector<16xf32>
        %parallel_loop3A_559 = vector.shape_cast %parallel_loop3A_553 : vector<16xf32> to vector<1x16xf32>
        tpu.vector_store %arg6[%parallel_loop3A_555, %parallel_loop3A_556], %parallel_loop3A_559 {strides = array<i32>} : memref<56x2048xf32, #tpu.memory_space<vmem>>, vector<1x16xf32>,
      } {sc.loop_unroll_factor = 2 : i64, sc.parallel_access}
      %mul3A_224 = arith.constant 8 : i32
      %mul3A_225 = arith.muli %add3A_211, %mul3A_224 : i32
      %add3A_226 = arith.addi %mul3A_2, %mul3A_225 : i32
      %dma_start3A_227 = arith.constant 8 : i32
      %dma_start3A_228 = arith.constant 0 : i32
      %dma_start3A_229 = tpu.memref_slice %arg6[%dma_start3A_227, %dma_start3A_228] : memref<56x2048xf32, #tpu.memory_space<vmem>> -> memref<8x2048xf32, #tpu.memory_space<vmem>>
      %dma_start3A_230 = arith.constant 0 : i32
      %dma_start3A_231 = tpu.memref_slice %arg4[%add3A_226, %dma_start3A_230] : memref<16384x2048xf32, #tpu.memory_space<hbm>> -> memref<8x2048xf32, #tpu.memory_space<hbm>>
      %dma_start3A_232 = arith.constant 0 : i32
      %dma_start3A_233 = tpu.memref_slice %arg4[%add3A_226, %dma_start3A_232] : memref<16384x2048xf32, #tpu.memory_space<hbm>> -> memref<8x2048xf32, #tpu.memory_space<hbm>>
      %dma_start3A_234 = arith.constant 8 : i32
      %dma_start3A_235 = arith.constant 0 : i32
      %dma_start3A_236 = tpu.memref_slice %arg6[%dma_start3A_234, %dma_start3A_235] : memref<56x2048xf32, #tpu.memory_space<vmem>> -> memref<8x2048xf32, #tpu.memory_space<vmem>>
      tpu.enqueue_dma source(%dma_start3A_236 : memref<8x2048xf32, #tpu.memory_space<vmem>>) target(%dma_start3A_233 : memref<8x2048xf32, #tpu.memory_space<hbm>>) target_semaphore(%arg15 : memref<!tpu.dma_semaphore, #tpu.memory_space<semaphore_mem>>)
      %sub3A_237 = arith.constant 1 : i32
      %sub3A_238 = arith.subi %add3A_211, %sub3A_237 : i32
      %ge3A_239 = arith.constant 0 : i32
      %ge3A_240 = arith.cmpi sge, %sub3A_238, %ge3A_239 : i32
      %add3A_241 = arith.constant 7 : i32
      %add3A_242 = arith.addi %sub3A_238, %add3A_241 : i32
      %lt3A_243 = arith.constant 64 : i32
      %lt3A_244 = arith.cmpi slt, %add3A_242, %lt3A_243 : i32
      %and3A_245 = arith.andi %ge3A_240, %lt3A_244 : i1
      %convert_element_type3A_246 = arith.extui %and3A_245 : i1 to i32
      %cond3A_247 = arith.constant 0 : i32
      %cond3A_248 = arith.cmpi ne, %convert_element_type3A_246, %cond3A_247 : i32
      scf.if %cond3A_248 {
        %mul3A_455 = arith.constant 8 : i32
        %mul3A_456 = arith.muli %sub3A_238, %mul3A_455 : i32
        %add3A_457 = arith.addi %mul3A_2, %mul3A_456 : i32
        %dma_wait3A_458 = arith.constant 0 : i32
        %dma_wait3A_459 = arith.constant 0 : i32
        %dma_wait3A_460 = tpu.memref_slice %arg6[%dma_wait3A_458, %dma_wait3A_459] : memref<56x2048xf32, #tpu.memory_space<vmem>> -> memref<8x2048xf32, #tpu.memory_space<vmem>>
        %dma_wait3A_461 = arith.constant 0 : i32
        %dma_wait3A_462 = tpu.memref_slice %arg4[%add3A_457, %dma_wait3A_461] : memref<16384x2048xf32, #tpu.memory_space<hbm>> -> memref<8x2048xf32, #tpu.memory_space<hbm>>
        %dma_wait3A_463 = arith.constant 0 : i32
        %dma_wait3A_464 = tpu.memref_slice %arg4[%add3A_457, %dma_wait3A_463] : memref<16384x2048xf32, #tpu.memory_space<hbm>> -> memref<8x2048xf32, #tpu.memory_space<hbm>>
        %dma_wait3A_465 = arith.constant 0 : i32
        %dma_wait3A_466 = arith.constant 0 : i32
        %dma_wait3A_467 = tpu.memref_slice %arg6[%dma_wait3A_465, %dma_wait3A_466] : memref<56x2048xf32, #tpu.memory_space<vmem>> -> memref<8x2048xf32, #tpu.memory_space<vmem>>
        tpu.wait_dma2 semaphore(%arg14 : memref<!tpu.dma_semaphore, #tpu.memory_space<semaphore_mem>>) src(%dma_wait3A_467 : memref<8x2048xf32, #tpu.memory_space<vmem>>) dst(%dma_wait3A_464 : memref<8x2048xf32, #tpu.memory_space<hbm>>)
        %add3A_468 = arith.constant 7 : i32
        %add3A_469 = arith.addi %sub3A_238, %add3A_468 : i32
        %mul3A_470 = arith.constant 8 : i32
        %mul3A_471 = arith.muli %add3A_469, %mul3A_470 : i32
        %dma_start3A_472 = arith.constant 0 : i32
        %dma_start3A_473 = arith.constant 0 : i32
        %dma_start3A_474 = tpu.memref_slice %arg6[%dma_start3A_472, %dma_start3A_473] : memref<56x2048xf32, #tpu.memory_space<vmem>> -> memref<8x2048xf32, #tpu.memory_space<vmem>>
        %dma_start3A_475 = tpu.memref_slice %arg5[%mul3A_471] : memref<512xi32, #tpu.memory_space<vmem>> -> memref<8xi32, #tpu.memory_space<vmem>>
        %dma_start3A_476 = arith.constant 0 : i32
        %dma_start3A_477 = arith.constant 0 : i32
        %dma_start3A_478 = tpu.memref_slice %arg3[%dma_start3A_476, %dma_start3A_477] : memref<100000x2048xf32, #tpu.memory_space<hbm>> -> memref<100000x2048xf32, #tpu.memory_space<hbm>>
        tpu.enqueue_indirect_dma source(%dma_start3A_478 : memref<100000x2048xf32, #tpu.memory_space<hbm>>) target(%dma_start3A_474 : memref<8x2048xf32, #tpu.memory_space<vmem>>) offsets(%dma_start3A_475 : memref<8xi32, #tpu.memory_space<vmem>>) semaphore(%arg7 : memref<!tpu.dma_semaphore, #tpu.memory_space<semaphore_mem>>)
      } else {
      }
      %mul3A_249 = arith.constant 7 : i32
      %mul3A_250 = arith.muli %scan3A_171, %mul3A_249 : i32
      %add3A_251 = arith.constant 2 : i32
      %add3A_252 = arith.addi %mul3A_250, %add3A_251 : i32
      %mul3A_253 = arith.constant 8 : i32
      %mul3A_254 = arith.muli %add3A_252, %mul3A_253 : i32
      %dma_wait3A_255 = arith.constant 16 : i32
      %dma_wait3A_256 = arith.constant 0 : i32
      %dma_wait3A_257 = tpu.memref_slice %arg6[%dma_wait3A_255, %dma_wait3A_256] : memref<56x2048xf32, #tpu.memory_space<vmem>> -> memref<8x2048xf32, #tpu.memory_space<vmem>>
      %dma_wait3A_258 = tpu.memref_slice %arg5[%mul3A_254] : memref<512xi32, #tpu.memory_space<vmem>> -> memref<8xi32, #tpu.memory_space<vmem>>
      %dma_wait3A_259 = arith.constant 0 : i32
      %dma_wait3A_260 = arith.constant 0 : i32
      %dma_wait3A_261 = tpu.memref_slice %arg3[%dma_wait3A_259, %dma_wait3A_260] : memref<100000x2048xf32, #tpu.memory_space<hbm>> -> memref<100000x2048xf32, #tpu.memory_space<hbm>>
      tpu.wait_indirect_dma semaphore(%arg9 : memref<!tpu.dma_semaphore, #tpu.memory_space<semaphore_mem>>) src(%dma_wait3A_261 : memref<100000x2048xf32, #tpu.memory_space<hbm>>) dst(%dma_wait3A_257 : memref<8x2048xf32, #tpu.memory_space<vmem>>)
      %parallel_loop3A_262 = arith.constant 0 : i32
      %parallel_loop3A_263 = arith.constant 2048 : i32
      %parallel_loop3A_264 = arith.constant 16 : i32
      scf.for %parallel_loop3A_455 = %parallel_loop3A_262 to %parallel_loop3A_263 step %parallel_loop3A_264  : i32 {
        %parallel_loop3A_456 = arith.constant 16 : i32
        %parallel_loop3A_457 = arith.index_cast %parallel_loop3A_456 : i32 to index
        %parallel_loop3A_458 = arith.index_cast %parallel_loop3A_455 : i32 to index
        %parallel_loop3A_459 = tpu.vector_load %arg6[%parallel_loop3A_457, %parallel_loop3A_458] {strides = array<i32>} : memref<56x2048xf32, #tpu.memory_space<vmem>>, vector<1x16xf32>,
        %parallel_loop3A_460 = vector.shape_cast %parallel_loop3A_459 : vector<1x16xf32> to vector<16xf32>
        %parallel_loop3A_461 = vector.broadcast %scan3A : f32 to vector<16xf32>
        %parallel_loop3A_462 = arith.mulf %parallel_loop3A_460, %parallel_loop3A_461 : vector<16xf32>
        %parallel_loop3A_463 = arith.constant 16 : i32
        %parallel_loop3A_464 = arith.index_cast %parallel_loop3A_463 : i32 to index
        %parallel_loop3A_465 = arith.index_cast %parallel_loop3A_455 : i32 to index
        %parallel_loop3A_466 = tpu.vector_load %arg6[%parallel_loop3A_464, %parallel_loop3A_465] {strides = array<i32>} : memref<56x2048xf32, #tpu.memory_space<vmem>>, vector<1x16xf32>,
        %parallel_loop3A_467 = vector.shape_cast %parallel_loop3A_466 : vector<1x16xf32> to vector<16xf32>
        %parallel_loop3A_468 = vector.shape_cast %parallel_loop3A_462 : vector<16xf32> to vector<1x16xf32>
        tpu.vector_store %arg6[%parallel_loop3A_464, %parallel_loop3A_465], %parallel_loop3A_468 {strides = array<i32>} : memref<56x2048xf32, #tpu.memory_space<vmem>>, vector<1x16xf32>,
        %parallel_loop3A_469 = arith.constant 17 : i32
        %parallel_loop3A_470 = arith.index_cast %parallel_loop3A_469 : i32 to index
        %parallel_loop3A_471 = arith.index_cast %parallel_loop3A_455 : i32 to index
        %parallel_loop3A_472 = tpu.vector_load %arg6[%parallel_loop3A_470, %parallel_loop3A_471] {strides = array<i32>} : memref<56x2048xf32, #tpu.memory_space<vmem>>, vector<1x16xf32>,
        %parallel_loop3A_473 = vector.shape_cast %parallel_loop3A_472 : vector<1x16xf32> to vector<16xf32>
        %parallel_loop3A_474 = vector.broadcast %scan3A : f32 to vector<16xf32>
        %parallel_loop3A_475 = arith.mulf %parallel_loop3A_473, %parallel_loop3A_474 : vector<16xf32>
        %parallel_loop3A_476 = arith.constant 17 : i32
        %parallel_loop3A_477 = arith.index_cast %parallel_loop3A_476 : i32 to index
        %parallel_loop3A_478 = arith.index_cast %parallel_loop3A_455 : i32 to index
        %parallel_loop3A_479 = tpu.vector_load %arg6[%parallel_loop3A_477, %parallel_loop3A_478] {strides = array<i32>} : memref<56x2048xf32, #tpu.memory_space<vmem>>, vector<1x16xf32>,
        %parallel_loop3A_480 = vector.shape_cast %parallel_loop3A_479 : vector<1x16xf32> to vector<16xf32>
        %parallel_loop3A_481 = vector.shape_cast %parallel_loop3A_475 : vector<16xf32> to vector<1x16xf32>
        tpu.vector_store %arg6[%parallel_loop3A_477, %parallel_loop3A_478], %parallel_loop3A_481 {strides = array<i32>} : memref<56x2048xf32, #tpu.memory_space<vmem>>, vector<1x16xf32>,
        %parallel_loop3A_482 = arith.constant 18 : i32
        %parallel_loop3A_483 = arith.index_cast %parallel_loop3A_482 : i32 to index
        %parallel_loop3A_484 = arith.index_cast %parallel_loop3A_455 : i32 to index
        %parallel_loop3A_485 = tpu.vector_load %arg6[%parallel_loop3A_483, %parallel_loop3A_484] {strides = array<i32>} : memref<56x2048xf32, #tpu.memory_space<vmem>>, vector<1x16xf32>,
        %parallel_loop3A_486 = vector.shape_cast %parallel_loop3A_485 : vector<1x16xf32> to vector<16xf32>
        %parallel_loop3A_487 = vector.broadcast %scan3A : f32 to vector<16xf32>
        %parallel_loop3A_488 = arith.mulf %parallel_loop3A_486, %parallel_loop3A_487 : vector<16xf32>
        %parallel_loop3A_489 = arith.constant 18 : i32
        %parallel_loop3A_490 = arith.index_cast %parallel_loop3A_489 : i32 to index
        %parallel_loop3A_491 = arith.index_cast %parallel_loop3A_455 : i32 to index
        %parallel_loop3A_492 = tpu.vector_load %arg6[%parallel_loop3A_490, %parallel_loop3A_491] {strides = array<i32>} : memref<56x2048xf32, #tpu.memory_space<vmem>>, vector<1x16xf32>,
        %parallel_loop3A_493 = vector.shape_cast %parallel_loop3A_492 : vector<1x16xf32> to vector<16xf32>
        %parallel_loop3A_494 = vector.shape_cast %parallel_loop3A_488 : vector<16xf32> to vector<1x16xf32>
        tpu.vector_store %arg6[%parallel_loop3A_490, %parallel_loop3A_491], %parallel_loop3A_494 {strides = array<i32>} : memref<56x2048xf32, #tpu.memory_space<vmem>>, vector<1x16xf32>,
        %parallel_loop3A_495 = arith.constant 19 : i32
        %parallel_loop3A_496 = arith.index_cast %parallel_loop3A_495 : i32 to index
        %parallel_loop3A_497 = arith.index_cast %parallel_loop3A_455 : i32 to index
        %parallel_loop3A_498 = tpu.vector_load %arg6[%parallel_loop3A_496, %parallel_loop3A_497] {strides = array<i32>} : memref<56x2048xf32, #tpu.memory_space<vmem>>, vector<1x16xf32>,
        %parallel_loop3A_499 = vector.shape_cast %parallel_loop3A_498 : vector<1x16xf32> to vector<16xf32>
        %parallel_loop3A_500 = vector.broadcast %scan3A : f32 to vector<16xf32>
        %parallel_loop3A_501 = arith.mulf %parallel_loop3A_499, %parallel_loop3A_500 : vector<16xf32>
        %parallel_loop3A_502 = arith.constant 19 : i32
        %parallel_loop3A_503 = arith.index_cast %parallel_loop3A_502 : i32 to index
        %parallel_loop3A_504 = arith.index_cast %parallel_loop3A_455 : i32 to index
        %parallel_loop3A_505 = tpu.vector_load %arg6[%parallel_loop3A_503, %parallel_loop3A_504] {strides = array<i32>} : memref<56x2048xf32, #tpu.memory_space<vmem>>, vector<1x16xf32>,
        %parallel_loop3A_506 = vector.shape_cast %parallel_loop3A_505 : vector<1x16xf32> to vector<16xf32>
        %parallel_loop3A_507 = vector.shape_cast %parallel_loop3A_501 : vector<16xf32> to vector<1x16xf32>
        tpu.vector_store %arg6[%parallel_loop3A_503, %parallel_loop3A_504], %parallel_loop3A_507 {strides = array<i32>} : memref<56x2048xf32, #tpu.memory_space<vmem>>, vector<1x16xf32>,
        %parallel_loop3A_508 = arith.constant 20 : i32
        %parallel_loop3A_509 = arith.index_cast %parallel_loop3A_508 : i32 to index
        %parallel_loop3A_510 = arith.index_cast %parallel_loop3A_455 : i32 to index
        %parallel_loop3A_511 = tpu.vector_load %arg6[%parallel_loop3A_509, %parallel_loop3A_510] {strides = array<i32>} : memref<56x2048xf32, #tpu.memory_space<vmem>>, vector<1x16xf32>,
        %parallel_loop3A_512 = vector.shape_cast %parallel_loop3A_511 : vector<1x16xf32> to vector<16xf32>
        %parallel_loop3A_513 = vector.broadcast %scan3A : f32 to vector<16xf32>
        %parallel_loop3A_514 = arith.mulf %parallel_loop3A_512, %parallel_loop3A_513 : vector<16xf32>
        %parallel_loop3A_515 = arith.constant 20 : i32
        %parallel_loop3A_516 = arith.index_cast %parallel_loop3A_515 : i32 to index
        %parallel_loop3A_517 = arith.index_cast %parallel_loop3A_455 : i32 to index
        %parallel_loop3A_518 = tpu.vector_load %arg6[%parallel_loop3A_516, %parallel_loop3A_517] {strides = array<i32>} : memref<56x2048xf32, #tpu.memory_space<vmem>>, vector<1x16xf32>,
        %parallel_loop3A_519 = vector.shape_cast %parallel_loop3A_518 : vector<1x16xf32> to vector<16xf32>
        %parallel_loop3A_520 = vector.shape_cast %parallel_loop3A_514 : vector<16xf32> to vector<1x16xf32>
        tpu.vector_store %arg6[%parallel_loop3A_516, %parallel_loop3A_517], %parallel_loop3A_520 {strides = array<i32>} : memref<56x2048xf32, #tpu.memory_space<vmem>>, vector<1x16xf32>,
        %parallel_loop3A_521 = arith.constant 21 : i32
        %parallel_loop3A_522 = arith.index_cast %parallel_loop3A_521 : i32 to index
        %parallel_loop3A_523 = arith.index_cast %parallel_loop3A_455 : i32 to index
        %parallel_loop3A_524 = tpu.vector_load %arg6[%parallel_loop3A_522, %parallel_loop3A_523] {strides = array<i32>} : memref<56x2048xf32, #tpu.memory_space<vmem>>, vector<1x16xf32>,
        %parallel_loop3A_525 = vector.shape_cast %parallel_loop3A_524 : vector<1x16xf32> to vector<16xf32>
        %parallel_loop3A_526 = vector.broadcast %scan3A : f32 to vector<16xf32>
        %parallel_loop3A_527 = arith.mulf %parallel_loop3A_525, %parallel_loop3A_526 : vector<16xf32>
        %parallel_loop3A_528 = arith.constant 21 : i32
        %parallel_loop3A_529 = arith.index_cast %parallel_loop3A_528 : i32 to index
        %parallel_loop3A_530 = arith.index_cast %parallel_loop3A_455 : i32 to index
        %parallel_loop3A_531 = tpu.vector_load %arg6[%parallel_loop3A_529, %parallel_loop3A_530] {strides = array<i32>} : memref<56x2048xf32, #tpu.memory_space<vmem>>, vector<1x16xf32>,
        %parallel_loop3A_532 = vector.shape_cast %parallel_loop3A_531 : vector<1x16xf32> to vector<16xf32>
        %parallel_loop3A_533 = vector.shape_cast %parallel_loop3A_527 : vector<16xf32> to vector<1x16xf32>
        tpu.vector_store %arg6[%parallel_loop3A_529, %parallel_loop3A_530], %parallel_loop3A_533 {strides = array<i32>} : memref<56x2048xf32, #tpu.memory_space<vmem>>, vector<1x16xf32>,
        %parallel_loop3A_534 = arith.constant 22 : i32
        %parallel_loop3A_535 = arith.index_cast %parallel_loop3A_534 : i32 to index
        %parallel_loop3A_536 = arith.index_cast %parallel_loop3A_455 : i32 to index
        %parallel_loop3A_537 = tpu.vector_load %arg6[%parallel_loop3A_535, %parallel_loop3A_536] {strides = array<i32>} : memref<56x2048xf32, #tpu.memory_space<vmem>>, vector<1x16xf32>,
        %parallel_loop3A_538 = vector.shape_cast %parallel_loop3A_537 : vector<1x16xf32> to vector<16xf32>
        %parallel_loop3A_539 = vector.broadcast %scan3A : f32 to vector<16xf32>
        %parallel_loop3A_540 = arith.mulf %parallel_loop3A_538, %parallel_loop3A_539 : vector<16xf32>
        %parallel_loop3A_541 = arith.constant 22 : i32
        %parallel_loop3A_542 = arith.index_cast %parallel_loop3A_541 : i32 to index
        %parallel_loop3A_543 = arith.index_cast %parallel_loop3A_455 : i32 to index
        %parallel_loop3A_544 = tpu.vector_load %arg6[%parallel_loop3A_542, %parallel_loop3A_543] {strides = array<i32>} : memref<56x2048xf32, #tpu.memory_space<vmem>>, vector<1x16xf32>,
        %parallel_loop3A_545 = vector.shape_cast %parallel_loop3A_544 : vector<1x16xf32> to vector<16xf32>
        %parallel_loop3A_546 = vector.shape_cast %parallel_loop3A_540 : vector<16xf32> to vector<1x16xf32>
        tpu.vector_store %arg6[%parallel_loop3A_542, %parallel_loop3A_543], %parallel_loop3A_546 {strides = array<i32>} : memref<56x2048xf32, #tpu.memory_space<vmem>>, vector<1x16xf32>,
        %parallel_loop3A_547 = arith.constant 23 : i32
        %parallel_loop3A_548 = arith.index_cast %parallel_loop3A_547 : i32 to index
        %parallel_loop3A_549 = arith.index_cast %parallel_loop3A_455 : i32 to index
        %parallel_loop3A_550 = tpu.vector_load %arg6[%parallel_loop3A_548, %parallel_loop3A_549] {strides = array<i32>} : memref<56x2048xf32, #tpu.memory_space<vmem>>, vector<1x16xf32>,
        %parallel_loop3A_551 = vector.shape_cast %parallel_loop3A_550 : vector<1x16xf32> to vector<16xf32>
        %parallel_loop3A_552 = vector.broadcast %scan3A : f32 to vector<16xf32>
        %parallel_loop3A_553 = arith.mulf %parallel_loop3A_551, %parallel_loop3A_552 : vector<16xf32>
        %parallel_loop3A_554 = arith.constant 23 : i32
        %parallel_loop3A_555 = arith.index_cast %parallel_loop3A_554 : i32 to index
        %parallel_loop3A_556 = arith.index_cast %parallel_loop3A_455 : i32 to index
        %parallel_loop3A_557 = tpu.vector_load %arg6[%parallel_loop3A_555, %parallel_loop3A_556] {strides = array<i32>} : memref<56x2048xf32, #tpu.memory_space<vmem>>, vector<1x16xf32>,
        %parallel_loop3A_558 = vector.shape_cast %parallel_loop3A_557 : vector<1x16xf32> to vector<16xf32>
        %parallel_loop3A_559 = vector.shape_cast %parallel_loop3A_553 : vector<16xf32> to vector<1x16xf32>
        tpu.vector_store %arg6[%parallel_loop3A_555, %parallel_loop3A_556], %parallel_loop3A_559 {strides = array<i32>} : memref<56x2048xf32, #tpu.memory_space<vmem>>, vector<1x16xf32>,
      } {sc.loop_unroll_factor = 2 : i64, sc.parallel_access}
      %mul3A_265 = arith.constant 8 : i32
      %mul3A_266 = arith.muli %add3A_252, %mul3A_265 : i32
      %add3A_267 = arith.addi %mul3A_2, %mul3A_266 : i32
      %dma_start3A_268 = arith.constant 16 : i32
      %dma_start3A_269 = arith.constant 0 : i32
      %dma_start3A_270 = tpu.memref_slice %arg6[%dma_start3A_268, %dma_start3A_269] : memref<56x2048xf32, #tpu.memory_space<vmem>> -> memref<8x2048xf32, #tpu.memory_space<vmem>>
      %dma_start3A_271 = arith.constant 0 : i32
      %dma_start3A_272 = tpu.memref_slice %arg4[%add3A_267, %dma_start3A_271] : memref<16384x2048xf32, #tpu.memory_space<hbm>> -> memref<8x2048xf32, #tpu.memory_space<hbm>>
      %dma_start3A_273 = arith.constant 0 : i32
      %dma_start3A_274 = tpu.memref_slice %arg4[%add3A_267, %dma_start3A_273] : memref<16384x2048xf32, #tpu.memory_space<hbm>> -> memref<8x2048xf32, #tpu.memory_space<hbm>>
      %dma_start3A_275 = arith.constant 16 : i32
      %dma_start3A_276 = arith.constant 0 : i32
      %dma_start3A_277 = tpu.memref_slice %arg6[%dma_start3A_275, %dma_start3A_276] : memref<56x2048xf32, #tpu.memory_space<vmem>> -> memref<8x2048xf32, #tpu.memory_space<vmem>>
      tpu.enqueue_dma source(%dma_start3A_277 : memref<8x2048xf32, #tpu.memory_space<vmem>>) target(%dma_start3A_274 : memref<8x2048xf32, #tpu.memory_space<hbm>>) target_semaphore(%arg16 : memref<!tpu.dma_semaphore, #tpu.memory_space<semaphore_mem>>)
      %sub3A_278 = arith.constant 1 : i32
      %sub3A_279 = arith.subi %add3A_252, %sub3A_278 : i32
      %ge3A_280 = arith.constant 0 : i32
      %ge3A_281 = arith.cmpi sge, %sub3A_279, %ge3A_280 : i32
      %add3A_282 = arith.constant 7 : i32
      %add3A_283 = arith.addi %sub3A_279, %add3A_282 : i32
      %lt3A_284 = arith.constant 64 : i32
      %lt3A_285 = arith.cmpi slt, %add3A_283, %lt3A_284 : i32
      %and3A_286 = arith.andi %ge3A_281, %lt3A_285 : i1
      %convert_element_type3A_287 = arith.extui %and3A_286 : i1 to i32
      %cond3A_288 = arith.constant 0 : i32
      %cond3A_289 = arith.cmpi ne, %convert_element_type3A_287, %cond3A_288 : i32
      scf.if %cond3A_289 {
        %mul3A_455 = arith.constant 8 : i32
        %mul3A_456 = arith.muli %sub3A_279, %mul3A_455 : i32
        %add3A_457 = arith.addi %mul3A_2, %mul3A_456 : i32
        %dma_wait3A_458 = arith.constant 8 : i32
        %dma_wait3A_459 = arith.constant 0 : i32
        %dma_wait3A_460 = tpu.memref_slice %arg6[%dma_wait3A_458, %dma_wait3A_459] : memref<56x2048xf32, #tpu.memory_space<vmem>> -> memref<8x2048xf32, #tpu.memory_space<vmem>>
        %dma_wait3A_461 = arith.constant 0 : i32
        %dma_wait3A_462 = tpu.memref_slice %arg4[%add3A_457, %dma_wait3A_461] : memref<16384x2048xf32, #tpu.memory_space<hbm>> -> memref<8x2048xf32, #tpu.memory_space<hbm>>
        %dma_wait3A_463 = arith.constant 0 : i32
        %dma_wait3A_464 = tpu.memref_slice %arg4[%add3A_457, %dma_wait3A_463] : memref<16384x2048xf32, #tpu.memory_space<hbm>> -> memref<8x2048xf32, #tpu.memory_space<hbm>>
        %dma_wait3A_465 = arith.constant 8 : i32
        %dma_wait3A_466 = arith.constant 0 : i32
        %dma_wait3A_467 = tpu.memref_slice %arg6[%dma_wait3A_465, %dma_wait3A_466] : memref<56x2048xf32, #tpu.memory_space<vmem>> -> memref<8x2048xf32, #tpu.memory_space<vmem>>
        tpu.wait_dma2 semaphore(%arg15 : memref<!tpu.dma_semaphore, #tpu.memory_space<semaphore_mem>>) src(%dma_wait3A_467 : memref<8x2048xf32, #tpu.memory_space<vmem>>) dst(%dma_wait3A_464 : memref<8x2048xf32, #tpu.memory_space<hbm>>)
        %add3A_468 = arith.constant 7 : i32
        %add3A_469 = arith.addi %sub3A_279, %add3A_468 : i32
        %mul3A_470 = arith.constant 8 : i32
        %mul3A_471 = arith.muli %add3A_469, %mul3A_470 : i32
        %dma_start3A_472 = arith.constant 8 : i32
        %dma_start3A_473 = arith.constant 0 : i32
        %dma_start3A_474 = tpu.memref_slice %arg6[%dma_start3A_472, %dma_start3A_473] : memref<56x2048xf32, #tpu.memory_space<vmem>> -> memref<8x2048xf32, #tpu.memory_space<vmem>>
        %dma_start3A_475 = tpu.memref_slice %arg5[%mul3A_471] : memref<512xi32, #tpu.memory_space<vmem>> -> memref<8xi32, #tpu.memory_space<vmem>>
        %dma_start3A_476 = arith.constant 0 : i32
        %dma_start3A_477 = arith.constant 0 : i32
        %dma_start3A_478 = tpu.memref_slice %arg3[%dma_start3A_476, %dma_start3A_477] : memref<100000x2048xf32, #tpu.memory_space<hbm>> -> memref<100000x2048xf32, #tpu.memory_space<hbm>>
        tpu.enqueue_indirect_dma source(%dma_start3A_478 : memref<100000x2048xf32, #tpu.memory_space<hbm>>) target(%dma_start3A_474 : memref<8x2048xf32, #tpu.memory_space<vmem>>) offsets(%dma_start3A_475 : memref<8xi32, #tpu.memory_space<vmem>>) semaphore(%arg8 : memref<!tpu.dma_semaphore, #tpu.memory_space<semaphore_mem>>)
      } else {
      }
      %mul3A_290 = arith.constant 7 : i32
      %mul3A_291 = arith.muli %scan3A_171, %mul3A_290 : i32
      %add3A_292 = arith.constant 3 : i32
      %add3A_293 = arith.addi %mul3A_291, %add3A_292 : i32
      %mul3A_294 = arith.constant 8 : i32
      %mul3A_295 = arith.muli %add3A_293, %mul3A_294 : i32
      %dma_wait3A_296 = arith.constant 24 : i32
      %dma_wait3A_297 = arith.constant 0 : i32
      %dma_wait3A_298 = tpu.memref_slice %arg6[%dma_wait3A_296, %dma_wait3A_297] : memref<56x2048xf32, #tpu.memory_space<vmem>> -> memref<8x2048xf32, #tpu.memory_space<vmem>>
      %dma_wait3A_299 = tpu.memref_slice %arg5[%mul3A_295] : memref<512xi32, #tpu.memory_space<vmem>> -> memref<8xi32, #tpu.memory_space<vmem>>
      %dma_wait3A_300 = arith.constant 0 : i32
      %dma_wait3A_301 = arith.constant 0 : i32
      %dma_wait3A_302 = tpu.memref_slice %arg3[%dma_wait3A_300, %dma_wait3A_301] : memref<100000x2048xf32, #tpu.memory_space<hbm>> -> memref<100000x2048xf32, #tpu.memory_space<hbm>>
      tpu.wait_indirect_dma semaphore(%arg10 : memref<!tpu.dma_semaphore, #tpu.memory_space<semaphore_mem>>) src(%dma_wait3A_302 : memref<100000x2048xf32, #tpu.memory_space<hbm>>) dst(%dma_wait3A_298 : memref<8x2048xf32, #tpu.memory_space<vmem>>)
      %parallel_loop3A_303 = arith.constant 0 : i32
      %parallel_loop3A_304 = arith.constant 2048 : i32
      %parallel_loop3A_305 = arith.constant 16 : i32
      scf.for %parallel_loop3A_455 = %parallel_loop3A_303 to %parallel_loop3A_304 step %parallel_loop3A_305  : i32 {
        %parallel_loop3A_456 = arith.constant 24 : i32
        %parallel_loop3A_457 = arith.index_cast %parallel_loop3A_456 : i32 to index
        %parallel_loop3A_458 = arith.index_cast %parallel_loop3A_455 : i32 to index
        %parallel_loop3A_459 = tpu.vector_load %arg6[%parallel_loop3A_457, %parallel_loop3A_458] {strides = array<i32>} : memref<56x2048xf32, #tpu.memory_space<vmem>>, vector<1x16xf32>,
        %parallel_loop3A_460 = vector.shape_cast %parallel_loop3A_459 : vector<1x16xf32> to vector<16xf32>
        %parallel_loop3A_461 = vector.broadcast %scan3A : f32 to vector<16xf32>
        %parallel_loop3A_462 = arith.mulf %parallel_loop3A_460, %parallel_loop3A_461 : vector<16xf32>
        %parallel_loop3A_463 = arith.constant 24 : i32
        %parallel_loop3A_464 = arith.index_cast %parallel_loop3A_463 : i32 to index
        %parallel_loop3A_465 = arith.index_cast %parallel_loop3A_455 : i32 to index
        %parallel_loop3A_466 = tpu.vector_load %arg6[%parallel_loop3A_464, %parallel_loop3A_465] {strides = array<i32>} : memref<56x2048xf32, #tpu.memory_space<vmem>>, vector<1x16xf32>,
        %parallel_loop3A_467 = vector.shape_cast %parallel_loop3A_466 : vector<1x16xf32> to vector<16xf32>
        %parallel_loop3A_468 = vector.shape_cast %parallel_loop3A_462 : vector<16xf32> to vector<1x16xf32>
        tpu.vector_store %arg6[%parallel_loop3A_464, %parallel_loop3A_465], %parallel_loop3A_468 {strides = array<i32>} : memref<56x2048xf32, #tpu.memory_space<vmem>>, vector<1x16xf32>,
        %parallel_loop3A_469 = arith.constant 25 : i32
        %parallel_loop3A_470 = arith.index_cast %parallel_loop3A_469 : i32 to index
        %parallel_loop3A_471 = arith.index_cast %parallel_loop3A_455 : i32 to index
        %parallel_loop3A_472 = tpu.vector_load %arg6[%parallel_loop3A_470, %parallel_loop3A_471] {strides = array<i32>} : memref<56x2048xf32, #tpu.memory_space<vmem>>, vector<1x16xf32>,
        %parallel_loop3A_473 = vector.shape_cast %parallel_loop3A_472 : vector<1x16xf32> to vector<16xf32>
        %parallel_loop3A_474 = vector.broadcast %scan3A : f32 to vector<16xf32>
        %parallel_loop3A_475 = arith.mulf %parallel_loop3A_473, %parallel_loop3A_474 : vector<16xf32>
        %parallel_loop3A_476 = arith.constant 25 : i32
        %parallel_loop3A_477 = arith.index_cast %parallel_loop3A_476 : i32 to index
        %parallel_loop3A_478 = arith.index_cast %parallel_loop3A_455 : i32 to index
        %parallel_loop3A_479 = tpu.vector_load %arg6[%parallel_loop3A_477, %parallel_loop3A_478] {strides = array<i32>} : memref<56x2048xf32, #tpu.memory_space<vmem>>, vector<1x16xf32>,
        %parallel_loop3A_480 = vector.shape_cast %parallel_loop3A_479 : vector<1x16xf32> to vector<16xf32>
        %parallel_loop3A_481 = vector.shape_cast %parallel_loop3A_475 : vector<16xf32> to vector<1x16xf32>
        tpu.vector_store %arg6[%parallel_loop3A_477, %parallel_loop3A_478], %parallel_loop3A_481 {strides = array<i32>} : memref<56x2048xf32, #tpu.memory_space<vmem>>, vector<1x16xf32>,
        %parallel_loop3A_482 = arith.constant 26 : i32
        %parallel_loop3A_483 = arith.index_cast %parallel_loop3A_482 : i32 to index
        %parallel_loop3A_484 = arith.index_cast %parallel_loop3A_455 : i32 to index
        %parallel_loop3A_485 = tpu.vector_load %arg6[%parallel_loop3A_483, %parallel_loop3A_484] {strides = array<i32>} : memref<56x2048xf32, #tpu.memory_space<vmem>>, vector<1x16xf32>,
        %parallel_loop3A_486 = vector.shape_cast %parallel_loop3A_485 : vector<1x16xf32> to vector<16xf32>
        %parallel_loop3A_487 = vector.broadcast %scan3A : f32 to vector<16xf32>
        %parallel_loop3A_488 = arith.mulf %parallel_loop3A_486, %parallel_loop3A_487 : vector<16xf32>
        %parallel_loop3A_489 = arith.constant 26 : i32
        %parallel_loop3A_490 = arith.index_cast %parallel_loop3A_489 : i32 to index
        %parallel_loop3A_491 = arith.index_cast %parallel_loop3A_455 : i32 to index
        %parallel_loop3A_492 = tpu.vector_load %arg6[%parallel_loop3A_490, %parallel_loop3A_491] {strides = array<i32>} : memref<56x2048xf32, #tpu.memory_space<vmem>>, vector<1x16xf32>,
        %parallel_loop3A_493 = vector.shape_cast %parallel_loop3A_492 : vector<1x16xf32> to vector<16xf32>
        %parallel_loop3A_494 = vector.shape_cast %parallel_loop3A_488 : vector<16xf32> to vector<1x16xf32>
        tpu.vector_store %arg6[%parallel_loop3A_490, %parallel_loop3A_491], %parallel_loop3A_494 {strides = array<i32>} : memref<56x2048xf32, #tpu.memory_space<vmem>>, vector<1x16xf32>,
        %parallel_loop3A_495 = arith.constant 27 : i32
        %parallel_loop3A_496 = arith.index_cast %parallel_loop3A_495 : i32 to index
        %parallel_loop3A_497 = arith.index_cast %parallel_loop3A_455 : i32 to index
        %parallel_loop3A_498 = tpu.vector_load %arg6[%parallel_loop3A_496, %parallel_loop3A_497] {strides = array<i32>} : memref<56x2048xf32, #tpu.memory_space<vmem>>, vector<1x16xf32>,
        %parallel_loop3A_499 = vector.shape_cast %parallel_loop3A_498 : vector<1x16xf32> to vector<16xf32>
        %parallel_loop3A_500 = vector.broadcast %scan3A : f32 to vector<16xf32>
        %parallel_loop3A_501 = arith.mulf %parallel_loop3A_499, %parallel_loop3A_500 : vector<16xf32>
        %parallel_loop3A_502 = arith.constant 27 : i32
        %parallel_loop3A_503 = arith.index_cast %parallel_loop3A_502 : i32 to index
        %parallel_loop3A_504 = arith.index_cast %parallel_loop3A_455 : i32 to index
        %parallel_loop3A_505 = tpu.vector_load %arg6[%parallel_loop3A_503, %parallel_loop3A_504] {strides = array<i32>} : memref<56x2048xf32, #tpu.memory_space<vmem>>, vector<1x16xf32>,
        %parallel_loop3A_506 = vector.shape_cast %parallel_loop3A_505 : vector<1x16xf32> to vector<16xf32>
        %parallel_loop3A_507 = vector.shape_cast %parallel_loop3A_501 : vector<16xf32> to vector<1x16xf32>
        tpu.vector_store %arg6[%parallel_loop3A_503, %parallel_loop3A_504], %parallel_loop3A_507 {strides = array<i32>} : memref<56x2048xf32, #tpu.memory_space<vmem>>, vector<1x16xf32>,
        %parallel_loop3A_508 = arith.constant 28 : i32
        %parallel_loop3A_509 = arith.index_cast %parallel_loop3A_508 : i32 to index
        %parallel_loop3A_510 = arith.index_cast %parallel_loop3A_455 : i32 to index
        %parallel_loop3A_511 = tpu.vector_load %arg6[%parallel_loop3A_509, %parallel_loop3A_510] {strides = array<i32>} : memref<56x2048xf32, #tpu.memory_space<vmem>>, vector<1x16xf32>,
        %parallel_loop3A_512 = vector.shape_cast %parallel_loop3A_511 : vector<1x16xf32> to vector<16xf32>
        %parallel_loop3A_513 = vector.broadcast %scan3A : f32 to vector<16xf32>
        %parallel_loop3A_514 = arith.mulf %parallel_loop3A_512, %parallel_loop3A_513 : vector<16xf32>
        %parallel_loop3A_515 = arith.constant 28 : i32
        %parallel_loop3A_516 = arith.index_cast %parallel_loop3A_515 : i32 to index
        %parallel_loop3A_517 = arith.index_cast %parallel_loop3A_455 : i32 to index
        %parallel_loop3A_518 = tpu.vector_load %arg6[%parallel_loop3A_516, %parallel_loop3A_517] {strides = array<i32>} : memref<56x2048xf32, #tpu.memory_space<vmem>>, vector<1x16xf32>,
        %parallel_loop3A_519 = vector.shape_cast %parallel_loop3A_518 : vector<1x16xf32> to vector<16xf32>
        %parallel_loop3A_520 = vector.shape_cast %parallel_loop3A_514 : vector<16xf32> to vector<1x16xf32>
        tpu.vector_store %arg6[%parallel_loop3A_516, %parallel_loop3A_517], %parallel_loop3A_520 {strides = array<i32>} : memref<56x2048xf32, #tpu.memory_space<vmem>>, vector<1x16xf32>,
        %parallel_loop3A_521 = arith.constant 29 : i32
        %parallel_loop3A_522 = arith.index_cast %parallel_loop3A_521 : i32 to index
        %parallel_loop3A_523 = arith.index_cast %parallel_loop3A_455 : i32 to index
        %parallel_loop3A_524 = tpu.vector_load %arg6[%parallel_loop3A_522, %parallel_loop3A_523] {strides = array<i32>} : memref<56x2048xf32, #tpu.memory_space<vmem>>, vector<1x16xf32>,
        %parallel_loop3A_525 = vector.shape_cast %parallel_loop3A_524 : vector<1x16xf32> to vector<16xf32>
        %parallel_loop3A_526 = vector.broadcast %scan3A : f32 to vector<16xf32>
        %parallel_loop3A_527 = arith.mulf %parallel_loop3A_525, %parallel_loop3A_526 : vector<16xf32>
        %parallel_loop3A_528 = arith.constant 29 : i32
        %parallel_loop3A_529 = arith.index_cast %parallel_loop3A_528 : i32 to index
        %parallel_loop3A_530 = arith.index_cast %parallel_loop3A_455 : i32 to index
        %parallel_loop3A_531 = tpu.vector_load %arg6[%parallel_loop3A_529, %parallel_loop3A_530] {strides = array<i32>} : memref<56x2048xf32, #tpu.memory_space<vmem>>, vector<1x16xf32>,
        %parallel_loop3A_532 = vector.shape_cast %parallel_loop3A_531 : vector<1x16xf32> to vector<16xf32>
        %parallel_loop3A_533 = vector.shape_cast %parallel_loop3A_527 : vector<16xf32> to vector<1x16xf32>
        tpu.vector_store %arg6[%parallel_loop3A_529, %parallel_loop3A_530], %parallel_loop3A_533 {strides = array<i32>} : memref<56x2048xf32, #tpu.memory_space<vmem>>, vector<1x16xf32>,
        %parallel_loop3A_534 = arith.constant 30 : i32
        %parallel_loop3A_535 = arith.index_cast %parallel_loop3A_534 : i32 to index
        %parallel_loop3A_536 = arith.index_cast %parallel_loop3A_455 : i32 to index
        %parallel_loop3A_537 = tpu.vector_load %arg6[%parallel_loop3A_535, %parallel_loop3A_536] {strides = array<i32>} : memref<56x2048xf32, #tpu.memory_space<vmem>>, vector<1x16xf32>,
        %parallel_loop3A_538 = vector.shape_cast %parallel_loop3A_537 : vector<1x16xf32> to vector<16xf32>
        %parallel_loop3A_539 = vector.broadcast %scan3A : f32 to vector<16xf32>
        %parallel_loop3A_540 = arith.mulf %parallel_loop3A_538, %parallel_loop3A_539 : vector<16xf32>
        %parallel_loop3A_541 = arith.constant 30 : i32
        %parallel_loop3A_542 = arith.index_cast %parallel_loop3A_541 : i32 to index
        %parallel_loop3A_543 = arith.index_cast %parallel_loop3A_455 : i32 to index
        %parallel_loop3A_544 = tpu.vector_load %arg6[%parallel_loop3A_542, %parallel_loop3A_543] {strides = array<i32>} : memref<56x2048xf32, #tpu.memory_space<vmem>>, vector<1x16xf32>,
        %parallel_loop3A_545 = vector.shape_cast %parallel_loop3A_544 : vector<1x16xf32> to vector<16xf32>
        %parallel_loop3A_546 = vector.shape_cast %parallel_loop3A_540 : vector<16xf32> to vector<1x16xf32>
        tpu.vector_store %arg6[%parallel_loop3A_542, %parallel_loop3A_543], %parallel_loop3A_546 {strides = array<i32>} : memref<56x2048xf32, #tpu.memory_space<vmem>>, vector<1x16xf32>,
        %parallel_loop3A_547 = arith.constant 31 : i32
        %parallel_loop3A_548 = arith.index_cast %parallel_loop3A_547 : i32 to index
        %parallel_loop3A_549 = arith.index_cast %parallel_loop3A_455 : i32 to index
        %parallel_loop3A_550 = tpu.vector_load %arg6[%parallel_loop3A_548, %parallel_loop3A_549] {strides = array<i32>} : memref<56x2048xf32, #tpu.memory_space<vmem>>, vector<1x16xf32>,
        %parallel_loop3A_551 = vector.shape_cast %parallel_loop3A_550 : vector<1x16xf32> to vector<16xf32>
        %parallel_loop3A_552 = vector.broadcast %scan3A : f32 to vector<16xf32>
        %parallel_loop3A_553 = arith.mulf %parallel_loop3A_551, %parallel_loop3A_552 : vector<16xf32>
        %parallel_loop3A_554 = arith.constant 31 : i32
        %parallel_loop3A_555 = arith.index_cast %parallel_loop3A_554 : i32 to index
        %parallel_loop3A_556 = arith.index_cast %parallel_loop3A_455 : i32 to index
        %parallel_loop3A_557 = tpu.vector_load %arg6[%parallel_loop3A_555, %parallel_loop3A_556] {strides = array<i32>} : memref<56x2048xf32, #tpu.memory_space<vmem>>, vector<1x16xf32>,
        %parallel_loop3A_558 = vector.shape_cast %parallel_loop3A_557 : vector<1x16xf32> to vector<16xf32>
        %parallel_loop3A_559 = vector.shape_cast %parallel_loop3A_553 : vector<16xf32> to vector<1x16xf32>
        tpu.vector_store %arg6[%parallel_loop3A_555, %parallel_loop3A_556], %parallel_loop3A_559 {strides = array<i32>} : memref<56x2048xf32, #tpu.memory_space<vmem>>, vector<1x16xf32>,
      } {sc.loop_unroll_factor = 2 : i64, sc.parallel_access}
      %mul3A_306 = arith.constant 8 : i32
      %mul3A_307 = arith.muli %add3A_293, %mul3A_306 : i32
      %add3A_308 = arith.addi %mul3A_2, %mul3A_307 : i32
      %dma_start3A_309 = arith.constant 24 : i32
      %dma_start3A_310 = arith.constant 0 : i32
      %dma_start3A_311 = tpu.memref_slice %arg6[%dma_start3A_309, %dma_start3A_310] : memref<56x2048xf32, #tpu.memory_space<vmem>> -> memref<8x2048xf32, #tpu.memory_space<vmem>>
      %dma_start3A_312 = arith.constant 0 : i32
      %dma_start3A_313 = tpu.memref_slice %arg4[%add3A_308, %dma_start3A_312] : memref<16384x2048xf32, #tpu.memory_space<hbm>> -> memref<8x2048xf32, #tpu.memory_space<hbm>>
      %dma_start3A_314 = arith.constant 0 : i32
      %dma_start3A_315 = tpu.memref_slice %arg4[%add3A_308, %dma_start3A_314] : memref<16384x2048xf32, #tpu.memory_space<hbm>> -> memref<8x2048xf32, #tpu.memory_space<hbm>>
      %dma_start3A_316 = arith.constant 24 : i32
      %dma_start3A_317 = arith.constant 0 : i32
      %dma_start3A_318 = tpu.memref_slice %arg6[%dma_start3A_316, %dma_start3A_317] : memref<56x2048xf32, #tpu.memory_space<vmem>> -> memref<8x2048xf32, #tpu.memory_space<vmem>>
      tpu.enqueue_dma source(%dma_start3A_318 : memref<8x2048xf32, #tpu.memory_space<vmem>>) target(%dma_start3A_315 : memref<8x2048xf32, #tpu.memory_space<hbm>>) target_semaphore(%arg17 : memref<!tpu.dma_semaphore, #tpu.memory_space<semaphore_mem>>)
      %sub3A_319 = arith.constant 1 : i32
      %sub3A_320 = arith.subi %add3A_293, %sub3A_319 : i32
      %ge3A_321 = arith.constant 0 : i32
      %ge3A_322 = arith.cmpi sge, %sub3A_320, %ge3A_321 : i32
      %add3A_323 = arith.constant 7 : i32
      %add3A_324 = arith.addi %sub3A_320, %add3A_323 : i32
      %lt3A_325 = arith.constant 64 : i32
      %lt3A_326 = arith.cmpi slt, %add3A_324, %lt3A_325 : i32
      %and3A_327 = arith.andi %ge3A_322, %lt3A_326 : i1
      %convert_element_type3A_328 = arith.extui %and3A_327 : i1 to i32
      %cond3A_329 = arith.constant 0 : i32
      %cond3A_330 = arith.cmpi ne, %convert_element_type3A_328, %cond3A_329 : i32
      scf.if %cond3A_330 {
        %mul3A_455 = arith.constant 8 : i32
        %mul3A_456 = arith.muli %sub3A_320, %mul3A_455 : i32
        %add3A_457 = arith.addi %mul3A_2, %mul3A_456 : i32
        %dma_wait3A_458 = arith.constant 16 : i32
        %dma_wait3A_459 = arith.constant 0 : i32
        %dma_wait3A_460 = tpu.memref_slice %arg6[%dma_wait3A_458, %dma_wait3A_459] : memref<56x2048xf32, #tpu.memory_space<vmem>> -> memref<8x2048xf32, #tpu.memory_space<vmem>>
        %dma_wait3A_461 = arith.constant 0 : i32
        %dma_wait3A_462 = tpu.memref_slice %arg4[%add3A_457, %dma_wait3A_461] : memref<16384x2048xf32, #tpu.memory_space<hbm>> -> memref<8x2048xf32, #tpu.memory_space<hbm>>
        %dma_wait3A_463 = arith.constant 0 : i32
        %dma_wait3A_464 = tpu.memref_slice %arg4[%add3A_457, %dma_wait3A_463] : memref<16384x2048xf32, #tpu.memory_space<hbm>> -> memref<8x2048xf32, #tpu.memory_space<hbm>>
        %dma_wait3A_465 = arith.constant 16 : i32
        %dma_wait3A_466 = arith.constant 0 : i32
        %dma_wait3A_467 = tpu.memref_slice %arg6[%dma_wait3A_465, %dma_wait3A_466] : memref<56x2048xf32, #tpu.memory_space<vmem>> -> memref<8x2048xf32, #tpu.memory_space<vmem>>
        tpu.wait_dma2 semaphore(%arg16 : memref<!tpu.dma_semaphore, #tpu.memory_space<semaphore_mem>>) src(%dma_wait3A_467 : memref<8x2048xf32, #tpu.memory_space<vmem>>) dst(%dma_wait3A_464 : memref<8x2048xf32, #tpu.memory_space<hbm>>)
        %add3A_468 = arith.constant 7 : i32
        %add3A_469 = arith.addi %sub3A_320, %add3A_468 : i32
        %mul3A_470 = arith.constant 8 : i32
        %mul3A_471 = arith.muli %add3A_469, %mul3A_470 : i32
        %dma_start3A_472 = arith.constant 16 : i32
        %dma_start3A_473 = arith.constant 0 : i32
        %dma_start3A_474 = tpu.memref_slice %arg6[%dma_start3A_472, %dma_start3A_473] : memref<56x2048xf32, #tpu.memory_space<vmem>> -> memref<8x2048xf32, #tpu.memory_space<vmem>>
        %dma_start3A_475 = tpu.memref_slice %arg5[%mul3A_471] : memref<512xi32, #tpu.memory_space<vmem>> -> memref<8xi32, #tpu.memory_space<vmem>>
        %dma_start3A_476 = arith.constant 0 : i32
        %dma_start3A_477 = arith.constant 0 : i32
        %dma_start3A_478 = tpu.memref_slice %arg3[%dma_start3A_476, %dma_start3A_477] : memref<100000x2048xf32, #tpu.memory_space<hbm>> -> memref<100000x2048xf32, #tpu.memory_space<hbm>>
        tpu.enqueue_indirect_dma source(%dma_start3A_478 : memref<100000x2048xf32, #tpu.memory_space<hbm>>) target(%dma_start3A_474 : memref<8x2048xf32, #tpu.memory_space<vmem>>) offsets(%dma_start3A_475 : memref<8xi32, #tpu.memory_space<vmem>>) semaphore(%arg9 : memref<!tpu.dma_semaphore, #tpu.memory_space<semaphore_mem>>)
      } else {
      }
      %mul3A_331 = arith.constant 7 : i32
      %mul3A_332 = arith.muli %scan3A_171, %mul3A_331 : i32
      %add3A_333 = arith.constant 4 : i32
      %add3A_334 = arith.addi %mul3A_332, %add3A_333 : i32
      %mul3A_335 = arith.constant 8 : i32
      %mul3A_336 = arith.muli %add3A_334, %mul3A_335 : i32
      %dma_wait3A_337 = arith.constant 32 : i32
      %dma_wait3A_338 = arith.constant 0 : i32
      %dma_wait3A_339 = tpu.memref_slice %arg6[%dma_wait3A_337, %dma_wait3A_338] : memref<56x2048xf32, #tpu.memory_space<vmem>> -> memref<8x2048xf32, #tpu.memory_space<vmem>>
      %dma_wait3A_340 = tpu.memref_slice %arg5[%mul3A_336] : memref<512xi32, #tpu.memory_space<vmem>> -> memref<8xi32, #tpu.memory_space<vmem>>
      %dma_wait3A_341 = arith.constant 0 : i32
      %dma_wait3A_342 = arith.constant 0 : i32
      %dma_wait3A_343 = tpu.memref_slice %arg3[%dma_wait3A_341, %dma_wait3A_342] : memref<100000x2048xf32, #tpu.memory_space<hbm>> -> memref<100000x2048xf32, #tpu.memory_space<hbm>>
      tpu.wait_indirect_dma semaphore(%arg11 : memref<!tpu.dma_semaphore, #tpu.memory_space<semaphore_mem>>) src(%dma_wait3A_343 : memref<100000x2048xf32, #tpu.memory_space<hbm>>) dst(%dma_wait3A_339 : memref<8x2048xf32, #tpu.memory_space<vmem>>)
      %parallel_loop3A_344 = arith.constant 0 : i32
      %parallel_loop3A_345 = arith.constant 2048 : i32
      %parallel_loop3A_346 = arith.constant 16 : i32
      scf.for %parallel_loop3A_455 = %parallel_loop3A_344 to %parallel_loop3A_345 step %parallel_loop3A_346  : i32 {
        %parallel_loop3A_456 = arith.constant 32 : i32
        %parallel_loop3A_457 = arith.index_cast %parallel_loop3A_456 : i32 to index
        %parallel_loop3A_458 = arith.index_cast %parallel_loop3A_455 : i32 to index
        %parallel_loop3A_459 = tpu.vector_load %arg6[%parallel_loop3A_457, %parallel_loop3A_458] {strides = array<i32>} : memref<56x2048xf32, #tpu.memory_space<vmem>>, vector<1x16xf32>,
        %parallel_loop3A_460 = vector.shape_cast %parallel_loop3A_459 : vector<1x16xf32> to vector<16xf32>
        %parallel_loop3A_461 = vector.broadcast %scan3A : f32 to vector<16xf32>
        %parallel_loop3A_462 = arith.mulf %parallel_loop3A_460, %parallel_loop3A_461 : vector<16xf32>
        %parallel_loop3A_463 = arith.constant 32 : i32
        %parallel_loop3A_464 = arith.index_cast %parallel_loop3A_463 : i32 to index
        %parallel_loop3A_465 = arith.index_cast %parallel_loop3A_455 : i32 to index
        %parallel_loop3A_466 = tpu.vector_load %arg6[%parallel_loop3A_464, %parallel_loop3A_465] {strides = array<i32>} : memref<56x2048xf32, #tpu.memory_space<vmem>>, vector<1x16xf32>,
        %parallel_loop3A_467 = vector.shape_cast %parallel_loop3A_466 : vector<1x16xf32> to vector<16xf32>
        %parallel_loop3A_468 = vector.shape_cast %parallel_loop3A_462 : vector<16xf32> to vector<1x16xf32>
        tpu.vector_store %arg6[%parallel_loop3A_464, %parallel_loop3A_465], %parallel_loop3A_468 {strides = array<i32>} : memref<56x2048xf32, #tpu.memory_space<vmem>>, vector<1x16xf32>,
        %parallel_loop3A_469 = arith.constant 33 : i32
        %parallel_loop3A_470 = arith.index_cast %parallel_loop3A_469 : i32 to index
        %parallel_loop3A_471 = arith.index_cast %parallel_loop3A_455 : i32 to index
        %parallel_loop3A_472 = tpu.vector_load %arg6[%parallel_loop3A_470, %parallel_loop3A_471] {strides = array<i32>} : memref<56x2048xf32, #tpu.memory_space<vmem>>, vector<1x16xf32>,
        %parallel_loop3A_473 = vector.shape_cast %parallel_loop3A_472 : vector<1x16xf32> to vector<16xf32>
        %parallel_loop3A_474 = vector.broadcast %scan3A : f32 to vector<16xf32>
        %parallel_loop3A_475 = arith.mulf %parallel_loop3A_473, %parallel_loop3A_474 : vector<16xf32>
        %parallel_loop3A_476 = arith.constant 33 : i32
        %parallel_loop3A_477 = arith.index_cast %parallel_loop3A_476 : i32 to index
        %parallel_loop3A_478 = arith.index_cast %parallel_loop3A_455 : i32 to index
        %parallel_loop3A_479 = tpu.vector_load %arg6[%parallel_loop3A_477, %parallel_loop3A_478] {strides = array<i32>} : memref<56x2048xf32, #tpu.memory_space<vmem>>, vector<1x16xf32>,
        %parallel_loop3A_480 = vector.shape_cast %parallel_loop3A_479 : vector<1x16xf32> to vector<16xf32>
        %parallel_loop3A_481 = vector.shape_cast %parallel_loop3A_475 : vector<16xf32> to vector<1x16xf32>
        tpu.vector_store %arg6[%parallel_loop3A_477, %parallel_loop3A_478], %parallel_loop3A_481 {strides = array<i32>} : memref<56x2048xf32, #tpu.memory_space<vmem>>, vector<1x16xf32>,
        %parallel_loop3A_482 = arith.constant 34 : i32
        %parallel_loop3A_483 = arith.index_cast %parallel_loop3A_482 : i32 to index
        %parallel_loop3A_484 = arith.index_cast %parallel_loop3A_455 : i32 to index
        %parallel_loop3A_485 = tpu.vector_load %arg6[%parallel_loop3A_483, %parallel_loop3A_484] {strides = array<i32>} : memref<56x2048xf32, #tpu.memory_space<vmem>>, vector<1x16xf32>,
        %parallel_loop3A_486 = vector.shape_cast %parallel_loop3A_485 : vector<1x16xf32> to vector<16xf32>
        %parallel_loop3A_487 = vector.broadcast %scan3A : f32 to vector<16xf32>
        %parallel_loop3A_488 = arith.mulf %parallel_loop3A_486, %parallel_loop3A_487 : vector<16xf32>
        %parallel_loop3A_489 = arith.constant 34 : i32
        %parallel_loop3A_490 = arith.index_cast %parallel_loop3A_489 : i32 to index
        %parallel_loop3A_491 = arith.index_cast %parallel_loop3A_455 : i32 to index
        %parallel_loop3A_492 = tpu.vector_load %arg6[%parallel_loop3A_490, %parallel_loop3A_491] {strides = array<i32>} : memref<56x2048xf32, #tpu.memory_space<vmem>>, vector<1x16xf32>,
        %parallel_loop3A_493 = vector.shape_cast %parallel_loop3A_492 : vector<1x16xf32> to vector<16xf32>
        %parallel_loop3A_494 = vector.shape_cast %parallel_loop3A_488 : vector<16xf32> to vector<1x16xf32>
        tpu.vector_store %arg6[%parallel_loop3A_490, %parallel_loop3A_491], %parallel_loop3A_494 {strides = array<i32>} : memref<56x2048xf32, #tpu.memory_space<vmem>>, vector<1x16xf32>,
        %parallel_loop3A_495 = arith.constant 35 : i32
        %parallel_loop3A_496 = arith.index_cast %parallel_loop3A_495 : i32 to index
        %parallel_loop3A_497 = arith.index_cast %parallel_loop3A_455 : i32 to index
        %parallel_loop3A_498 = tpu.vector_load %arg6[%parallel_loop3A_496, %parallel_loop3A_497] {strides = array<i32>} : memref<56x2048xf32, #tpu.memory_space<vmem>>, vector<1x16xf32>,
        %parallel_loop3A_499 = vector.shape_cast %parallel_loop3A_498 : vector<1x16xf32> to vector<16xf32>
        %parallel_loop3A_500 = vector.broadcast %scan3A : f32 to vector<16xf32>
        %parallel_loop3A_501 = arith.mulf %parallel_loop3A_499, %parallel_loop3A_500 : vector<16xf32>
        %parallel_loop3A_502 = arith.constant 35 : i32
        %parallel_loop3A_503 = arith.index_cast %parallel_loop3A_502 : i32 to index
        %parallel_loop3A_504 = arith.index_cast %parallel_loop3A_455 : i32 to index
        %parallel_loop3A_505 = tpu.vector_load %arg6[%parallel_loop3A_503, %parallel_loop3A_504] {strides = array<i32>} : memref<56x2048xf32, #tpu.memory_space<vmem>>, vector<1x16xf32>,
        %parallel_loop3A_506 = vector.shape_cast %parallel_loop3A_505 : vector<1x16xf32> to vector<16xf32>
        %parallel_loop3A_507 = vector.shape_cast %parallel_loop3A_501 : vector<16xf32> to vector<1x16xf32>
        tpu.vector_store %arg6[%parallel_loop3A_503, %parallel_loop3A_504], %parallel_loop3A_507 {strides = array<i32>} : memref<56x2048xf32, #tpu.memory_space<vmem>>, vector<1x16xf32>,
        %parallel_loop3A_508 = arith.constant 36 : i32
        %parallel_loop3A_509 = arith.index_cast %parallel_loop3A_508 : i32 to index
        %parallel_loop3A_510 = arith.index_cast %parallel_loop3A_455 : i32 to index
        %parallel_loop3A_511 = tpu.vector_load %arg6[%parallel_loop3A_509, %parallel_loop3A_510] {strides = array<i32>} : memref<56x2048xf32, #tpu.memory_space<vmem>>, vector<1x16xf32>,
        %parallel_loop3A_512 = vector.shape_cast %parallel_loop3A_511 : vector<1x16xf32> to vector<16xf32>
        %parallel_loop3A_513 = vector.broadcast %scan3A : f32 to vector<16xf32>
        %parallel_loop3A_514 = arith.mulf %parallel_loop3A_512, %parallel_loop3A_513 : vector<16xf32>
        %parallel_loop3A_515 = arith.constant 36 : i32
        %parallel_loop3A_516 = arith.index_cast %parallel_loop3A_515 : i32 to index
        %parallel_loop3A_517 = arith.index_cast %parallel_loop3A_455 : i32 to index
        %parallel_loop3A_518 = tpu.vector_load %arg6[%parallel_loop3A_516, %parallel_loop3A_517] {strides = array<i32>} : memref<56x2048xf32, #tpu.memory_space<vmem>>, vector<1x16xf32>,
        %parallel_loop3A_519 = vector.shape_cast %parallel_loop3A_518 : vector<1x16xf32> to vector<16xf32>
        %parallel_loop3A_520 = vector.shape_cast %parallel_loop3A_514 : vector<16xf32> to vector<1x16xf32>
        tpu.vector_store %arg6[%parallel_loop3A_516, %parallel_loop3A_517], %parallel_loop3A_520 {strides = array<i32>} : memref<56x2048xf32, #tpu.memory_space<vmem>>, vector<1x16xf32>,
        %parallel_loop3A_521 = arith.constant 37 : i32
        %parallel_loop3A_522 = arith.index_cast %parallel_loop3A_521 : i32 to index
        %parallel_loop3A_523 = arith.index_cast %parallel_loop3A_455 : i32 to index
        %parallel_loop3A_524 = tpu.vector_load %arg6[%parallel_loop3A_522, %parallel_loop3A_523] {strides = array<i32>} : memref<56x2048xf32, #tpu.memory_space<vmem>>, vector<1x16xf32>,
        %parallel_loop3A_525 = vector.shape_cast %parallel_loop3A_524 : vector<1x16xf32> to vector<16xf32>
        %parallel_loop3A_526 = vector.broadcast %scan3A : f32 to vector<16xf32>
        %parallel_loop3A_527 = arith.mulf %parallel_loop3A_525, %parallel_loop3A_526 : vector<16xf32>
        %parallel_loop3A_528 = arith.constant 37 : i32
        %parallel_loop3A_529 = arith.index_cast %parallel_loop3A_528 : i32 to index
        %parallel_loop3A_530 = arith.index_cast %parallel_loop3A_455 : i32 to index
        %parallel_loop3A_531 = tpu.vector_load %arg6[%parallel_loop3A_529, %parallel_loop3A_530] {strides = array<i32>} : memref<56x2048xf32, #tpu.memory_space<vmem>>, vector<1x16xf32>,
        %parallel_loop3A_532 = vector.shape_cast %parallel_loop3A_531 : vector<1x16xf32> to vector<16xf32>
        %parallel_loop3A_533 = vector.shape_cast %parallel_loop3A_527 : vector<16xf32> to vector<1x16xf32>
        tpu.vector_store %arg6[%parallel_loop3A_529, %parallel_loop3A_530], %parallel_loop3A_533 {strides = array<i32>} : memref<56x2048xf32, #tpu.memory_space<vmem>>, vector<1x16xf32>,
        %parallel_loop3A_534 = arith.constant 38 : i32
        %parallel_loop3A_535 = arith.index_cast %parallel_loop3A_534 : i32 to index
        %parallel_loop3A_536 = arith.index_cast %parallel_loop3A_455 : i32 to index
        %parallel_loop3A_537 = tpu.vector_load %arg6[%parallel_loop3A_535, %parallel_loop3A_536] {strides = array<i32>} : memref<56x2048xf32, #tpu.memory_space<vmem>>, vector<1x16xf32>,
        %parallel_loop3A_538 = vector.shape_cast %parallel_loop3A_537 : vector<1x16xf32> to vector<16xf32>
        %parallel_loop3A_539 = vector.broadcast %scan3A : f32 to vector<16xf32>
        %parallel_loop3A_540 = arith.mulf %parallel_loop3A_538, %parallel_loop3A_539 : vector<16xf32>
        %parallel_loop3A_541 = arith.constant 38 : i32
        %parallel_loop3A_542 = arith.index_cast %parallel_loop3A_541 : i32 to index
        %parallel_loop3A_543 = arith.index_cast %parallel_loop3A_455 : i32 to index
        %parallel_loop3A_544 = tpu.vector_load %arg6[%parallel_loop3A_542, %parallel_loop3A_543] {strides = array<i32>} : memref<56x2048xf32, #tpu.memory_space<vmem>>, vector<1x16xf32>,
        %parallel_loop3A_545 = vector.shape_cast %parallel_loop3A_544 : vector<1x16xf32> to vector<16xf32>
        %parallel_loop3A_546 = vector.shape_cast %parallel_loop3A_540 : vector<16xf32> to vector<1x16xf32>
        tpu.vector_store %arg6[%parallel_loop3A_542, %parallel_loop3A_543], %parallel_loop3A_546 {strides = array<i32>} : memref<56x2048xf32, #tpu.memory_space<vmem>>, vector<1x16xf32>,
        %parallel_loop3A_547 = arith.constant 39 : i32
        %parallel_loop3A_548 = arith.index_cast %parallel_loop3A_547 : i32 to index
        %parallel_loop3A_549 = arith.index_cast %parallel_loop3A_455 : i32 to index
        %parallel_loop3A_550 = tpu.vector_load %arg6[%parallel_loop3A_548, %parallel_loop3A_549] {strides = array<i32>} : memref<56x2048xf32, #tpu.memory_space<vmem>>, vector<1x16xf32>,
        %parallel_loop3A_551 = vector.shape_cast %parallel_loop3A_550 : vector<1x16xf32> to vector<16xf32>
        %parallel_loop3A_552 = vector.broadcast %scan3A : f32 to vector<16xf32>
        %parallel_loop3A_553 = arith.mulf %parallel_loop3A_551, %parallel_loop3A_552 : vector<16xf32>
        %parallel_loop3A_554 = arith.constant 39 : i32
        %parallel_loop3A_555 = arith.index_cast %parallel_loop3A_554 : i32 to index
        %parallel_loop3A_556 = arith.index_cast %parallel_loop3A_455 : i32 to index
        %parallel_loop3A_557 = tpu.vector_load %arg6[%parallel_loop3A_555, %parallel_loop3A_556] {strides = array<i32>} : memref<56x2048xf32, #tpu.memory_space<vmem>>, vector<1x16xf32>,
        %parallel_loop3A_558 = vector.shape_cast %parallel_loop3A_557 : vector<1x16xf32> to vector<16xf32>
        %parallel_loop3A_559 = vector.shape_cast %parallel_loop3A_553 : vector<16xf32> to vector<1x16xf32>
        tpu.vector_store %arg6[%parallel_loop3A_555, %parallel_loop3A_556], %parallel_loop3A_559 {strides = array<i32>} : memref<56x2048xf32, #tpu.memory_space<vmem>>, vector<1x16xf32>,
      } {sc.loop_unroll_factor = 2 : i64, sc.parallel_access}
      %mul3A_347 = arith.constant 8 : i32
      %mul3A_348 = arith.muli %add3A_334, %mul3A_347 : i32
      %add3A_349 = arith.addi %mul3A_2, %mul3A_348 : i32
      %dma_start3A_350 = arith.constant 32 : i32
      %dma_start3A_351 = arith.constant 0 : i32
      %dma_start3A_352 = tpu.memref_slice %arg6[%dma_start3A_350, %dma_start3A_351] : memref<56x2048xf32, #tpu.memory_space<vmem>> -> memref<8x2048xf32, #tpu.memory_space<vmem>>
      %dma_start3A_353 = arith.constant 0 : i32
      %dma_start3A_354 = tpu.memref_slice %arg4[%add3A_349, %dma_start3A_353] : memref<16384x2048xf32, #tpu.memory_space<hbm>> -> memref<8x2048xf32, #tpu.memory_space<hbm>>
      %dma_start3A_355 = arith.constant 0 : i32
      %dma_start3A_356 = tpu.memref_slice %arg4[%add3A_349, %dma_start3A_355] : memref<16384x2048xf32, #tpu.memory_space<hbm>> -> memref<8x2048xf32, #tpu.memory_space<hbm>>
      %dma_start3A_357 = arith.constant 32 : i32
      %dma_start3A_358 = arith.constant 0 : i32
      %dma_start3A_359 = tpu.memref_slice %arg6[%dma_start3A_357, %dma_start3A_358] : memref<56x2048xf32, #tpu.memory_space<vmem>> -> memref<8x2048xf32, #tpu.memory_space<vmem>>
      tpu.enqueue_dma source(%dma_start3A_359 : memref<8x2048xf32, #tpu.memory_space<vmem>>) target(%dma_start3A_356 : memref<8x2048xf32, #tpu.memory_space<hbm>>) target_semaphore(%arg18 : memref<!tpu.dma_semaphore, #tpu.memory_space<semaphore_mem>>)
      %sub3A_360 = arith.constant 1 : i32
      %sub3A_361 = arith.subi %add3A_334, %sub3A_360 : i32
      %ge3A_362 = arith.constant 0 : i32
      %ge3A_363 = arith.cmpi sge, %sub3A_361, %ge3A_362 : i32
      %add3A_364 = arith.constant 7 : i32
      %add3A_365 = arith.addi %sub3A_361, %add3A_364 : i32
      %lt3A_366 = arith.constant 64 : i32
      %lt3A_367 = arith.cmpi slt, %add3A_365, %lt3A_366 : i32
      %and3A_368 = arith.andi %ge3A_363, %lt3A_367 : i1
      %convert_element_type3A_369 = arith.extui %and3A_368 : i1 to i32
      %cond3A_370 = arith.constant 0 : i32
      %cond3A_371 = arith.cmpi ne, %convert_element_type3A_369, %cond3A_370 : i32
      scf.if %cond3A_371 {
        %mul3A_455 = arith.constant 8 : i32
        %mul3A_456 = arith.muli %sub3A_361, %mul3A_455 : i32
        %add3A_457 = arith.addi %mul3A_2, %mul3A_456 : i32
        %dma_wait3A_458 = arith.constant 24 : i32
        %dma_wait3A_459 = arith.constant 0 : i32
        %dma_wait3A_460 = tpu.memref_slice %arg6[%dma_wait3A_458, %dma_wait3A_459] : memref<56x2048xf32, #tpu.memory_space<vmem>> -> memref<8x2048xf32, #tpu.memory_space<vmem>>
        %dma_wait3A_461 = arith.constant 0 : i32
        %dma_wait3A_462 = tpu.memref_slice %arg4[%add3A_457, %dma_wait3A_461] : memref<16384x2048xf32, #tpu.memory_space<hbm>> -> memref<8x2048xf32, #tpu.memory_space<hbm>>
        %dma_wait3A_463 = arith.constant 0 : i32
        %dma_wait3A_464 = tpu.memref_slice %arg4[%add3A_457, %dma_wait3A_463] : memref<16384x2048xf32, #tpu.memory_space<hbm>> -> memref<8x2048xf32, #tpu.memory_space<hbm>>
        %dma_wait3A_465 = arith.constant 24 : i32
        %dma_wait3A_466 = arith.constant 0 : i32
        %dma_wait3A_467 = tpu.memref_slice %arg6[%dma_wait3A_465, %dma_wait3A_466] : memref<56x2048xf32, #tpu.memory_space<vmem>> -> memref<8x2048xf32, #tpu.memory_space<vmem>>
        tpu.wait_dma2 semaphore(%arg17 : memref<!tpu.dma_semaphore, #tpu.memory_space<semaphore_mem>>) src(%dma_wait3A_467 : memref<8x2048xf32, #tpu.memory_space<vmem>>) dst(%dma_wait3A_464 : memref<8x2048xf32, #tpu.memory_space<hbm>>)
        %add3A_468 = arith.constant 7 : i32
        %add3A_469 = arith.addi %sub3A_361, %add3A_468 : i32
        %mul3A_470 = arith.constant 8 : i32
        %mul3A_471 = arith.muli %add3A_469, %mul3A_470 : i32
        %dma_start3A_472 = arith.constant 24 : i32
        %dma_start3A_473 = arith.constant 0 : i32
        %dma_start3A_474 = tpu.memref_slice %arg6[%dma_start3A_472, %dma_start3A_473] : memref<56x2048xf32, #tpu.memory_space<vmem>> -> memref<8x2048xf32, #tpu.memory_space<vmem>>
        %dma_start3A_475 = tpu.memref_slice %arg5[%mul3A_471] : memref<512xi32, #tpu.memory_space<vmem>> -> memref<8xi32, #tpu.memory_space<vmem>>
        %dma_start3A_476 = arith.constant 0 : i32
        %dma_start3A_477 = arith.constant 0 : i32
        %dma_start3A_478 = tpu.memref_slice %arg3[%dma_start3A_476, %dma_start3A_477] : memref<100000x2048xf32, #tpu.memory_space<hbm>> -> memref<100000x2048xf32, #tpu.memory_space<hbm>>
        tpu.enqueue_indirect_dma source(%dma_start3A_478 : memref<100000x2048xf32, #tpu.memory_space<hbm>>) target(%dma_start3A_474 : memref<8x2048xf32, #tpu.memory_space<vmem>>) offsets(%dma_start3A_475 : memref<8xi32, #tpu.memory_space<vmem>>) semaphore(%arg10 : memref<!tpu.dma_semaphore, #tpu.memory_space<semaphore_mem>>)
      } else {
      }
      %mul3A_372 = arith.constant 7 : i32
      %mul3A_373 = arith.muli %scan3A_171, %mul3A_372 : i32
      %add3A_374 = arith.constant 5 : i32
      %add3A_375 = arith.addi %mul3A_373, %add3A_374 : i32
      %mul3A_376 = arith.constant 8 : i32
      %mul3A_377 = arith.muli %add3A_375, %mul3A_376 : i32
      %dma_wait3A_378 = arith.constant 40 : i32
      %dma_wait3A_379 = arith.constant 0 : i32
      %dma_wait3A_380 = tpu.memref_slice %arg6[%dma_wait3A_378, %dma_wait3A_379] : memref<56x2048xf32, #tpu.memory_space<vmem>> -> memref<8x2048xf32, #tpu.memory_space<vmem>>
      %dma_wait3A_381 = tpu.memref_slice %arg5[%mul3A_377] : memref<512xi32, #tpu.memory_space<vmem>> -> memref<8xi32, #tpu.memory_space<vmem>>
      %dma_wait3A_382 = arith.constant 0 : i32
      %dma_wait3A_383 = arith.constant 0 : i32
      %dma_wait3A_384 = tpu.memref_slice %arg3[%dma_wait3A_382, %dma_wait3A_383] : memref<100000x2048xf32, #tpu.memory_space<hbm>> -> memref<100000x2048xf32, #tpu.memory_space<hbm>>
      tpu.wait_indirect_dma semaphore(%arg12 : memref<!tpu.dma_semaphore, #tpu.memory_space<semaphore_mem>>) src(%dma_wait3A_384 : memref<100000x2048xf32, #tpu.memory_space<hbm>>) dst(%dma_wait3A_380 : memref<8x2048xf32, #tpu.memory_space<vmem>>)
      %parallel_loop3A_385 = arith.constant 0 : i32
      %parallel_loop3A_386 = arith.constant 2048 : i32
      %parallel_loop3A_387 = arith.constant 16 : i32
      scf.for %parallel_loop3A_455 = %parallel_loop3A_385 to %parallel_loop3A_386 step %parallel_loop3A_387  : i32 {
        %parallel_loop3A_456 = arith.constant 40 : i32
        %parallel_loop3A_457 = arith.index_cast %parallel_loop3A_456 : i32 to index
        %parallel_loop3A_458 = arith.index_cast %parallel_loop3A_455 : i32 to index
        %parallel_loop3A_459 = tpu.vector_load %arg6[%parallel_loop3A_457, %parallel_loop3A_458] {strides = array<i32>} : memref<56x2048xf32, #tpu.memory_space<vmem>>, vector<1x16xf32>,
        %parallel_loop3A_460 = vector.shape_cast %parallel_loop3A_459 : vector<1x16xf32> to vector<16xf32>
        %parallel_loop3A_461 = vector.broadcast %scan3A : f32 to vector<16xf32>
        %parallel_loop3A_462 = arith.mulf %parallel_loop3A_460, %parallel_loop3A_461 : vector<16xf32>
        %parallel_loop3A_463 = arith.constant 40 : i32
        %parallel_loop3A_464 = arith.index_cast %parallel_loop3A_463 : i32 to index
        %parallel_loop3A_465 = arith.index_cast %parallel_loop3A_455 : i32 to index
        %parallel_loop3A_466 = tpu.vector_load %arg6[%parallel_loop3A_464, %parallel_loop3A_465] {strides = array<i32>} : memref<56x2048xf32, #tpu.memory_space<vmem>>, vector<1x16xf32>,
        %parallel_loop3A_467 = vector.shape_cast %parallel_loop3A_466 : vector<1x16xf32> to vector<16xf32>
        %parallel_loop3A_468 = vector.shape_cast %parallel_loop3A_462 : vector<16xf32> to vector<1x16xf32>
        tpu.vector_store %arg6[%parallel_loop3A_464, %parallel_loop3A_465], %parallel_loop3A_468 {strides = array<i32>} : memref<56x2048xf32, #tpu.memory_space<vmem>>, vector<1x16xf32>,
        %parallel_loop3A_469 = arith.constant 41 : i32
        %parallel_loop3A_470 = arith.index_cast %parallel_loop3A_469 : i32 to index
        %parallel_loop3A_471 = arith.index_cast %parallel_loop3A_455 : i32 to index
        %parallel_loop3A_472 = tpu.vector_load %arg6[%parallel_loop3A_470, %parallel_loop3A_471] {strides = array<i32>} : memref<56x2048xf32, #tpu.memory_space<vmem>>, vector<1x16xf32>,
        %parallel_loop3A_473 = vector.shape_cast %parallel_loop3A_472 : vector<1x16xf32> to vector<16xf32>
        %parallel_loop3A_474 = vector.broadcast %scan3A : f32 to vector<16xf32>
        %parallel_loop3A_475 = arith.mulf %parallel_loop3A_473, %parallel_loop3A_474 : vector<16xf32>
        %parallel_loop3A_476 = arith.constant 41 : i32
        %parallel_loop3A_477 = arith.index_cast %parallel_loop3A_476 : i32 to index
        %parallel_loop3A_478 = arith.index_cast %parallel_loop3A_455 : i32 to index
        %parallel_loop3A_479 = tpu.vector_load %arg6[%parallel_loop3A_477, %parallel_loop3A_478] {strides = array<i32>} : memref<56x2048xf32, #tpu.memory_space<vmem>>, vector<1x16xf32>,
        %parallel_loop3A_480 = vector.shape_cast %parallel_loop3A_479 : vector<1x16xf32> to vector<16xf32>
        %parallel_loop3A_481 = vector.shape_cast %parallel_loop3A_475 : vector<16xf32> to vector<1x16xf32>
        tpu.vector_store %arg6[%parallel_loop3A_477, %parallel_loop3A_478], %parallel_loop3A_481 {strides = array<i32>} : memref<56x2048xf32, #tpu.memory_space<vmem>>, vector<1x16xf32>,
        %parallel_loop3A_482 = arith.constant 42 : i32
        %parallel_loop3A_483 = arith.index_cast %parallel_loop3A_482 : i32 to index
        %parallel_loop3A_484 = arith.index_cast %parallel_loop3A_455 : i32 to index
        %parallel_loop3A_485 = tpu.vector_load %arg6[%parallel_loop3A_483, %parallel_loop3A_484] {strides = array<i32>} : memref<56x2048xf32, #tpu.memory_space<vmem>>, vector<1x16xf32>,
        %parallel_loop3A_486 = vector.shape_cast %parallel_loop3A_485 : vector<1x16xf32> to vector<16xf32>
        %parallel_loop3A_487 = vector.broadcast %scan3A : f32 to vector<16xf32>
        %parallel_loop3A_488 = arith.mulf %parallel_loop3A_486, %parallel_loop3A_487 : vector<16xf32>
        %parallel_loop3A_489 = arith.constant 42 : i32
        %parallel_loop3A_490 = arith.index_cast %parallel_loop3A_489 : i32 to index
        %parallel_loop3A_491 = arith.index_cast %parallel_loop3A_455 : i32 to index
        %parallel_loop3A_492 = tpu.vector_load %arg6[%parallel_loop3A_490, %parallel_loop3A_491] {strides = array<i32>} : memref<56x2048xf32, #tpu.memory_space<vmem>>, vector<1x16xf32>,
        %parallel_loop3A_493 = vector.shape_cast %parallel_loop3A_492 : vector<1x16xf32> to vector<16xf32>
        %parallel_loop3A_494 = vector.shape_cast %parallel_loop3A_488 : vector<16xf32> to vector<1x16xf32>
        tpu.vector_store %arg6[%parallel_loop3A_490, %parallel_loop3A_491], %parallel_loop3A_494 {strides = array<i32>} : memref<56x2048xf32, #tpu.memory_space<vmem>>, vector<1x16xf32>,
        %parallel_loop3A_495 = arith.constant 43 : i32
        %parallel_loop3A_496 = arith.index_cast %parallel_loop3A_495 : i32 to index
        %parallel_loop3A_497 = arith.index_cast %parallel_loop3A_455 : i32 to index
        %parallel_loop3A_498 = tpu.vector_load %arg6[%parallel_loop3A_496, %parallel_loop3A_497] {strides = array<i32>} : memref<56x2048xf32, #tpu.memory_space<vmem>>, vector<1x16xf32>,
        %parallel_loop3A_499 = vector.shape_cast %parallel_loop3A_498 : vector<1x16xf32> to vector<16xf32>
        %parallel_loop3A_500 = vector.broadcast %scan3A : f32 to vector<16xf32>
        %parallel_loop3A_501 = arith.mulf %parallel_loop3A_499, %parallel_loop3A_500 : vector<16xf32>
        %parallel_loop3A_502 = arith.constant 43 : i32
        %parallel_loop3A_503 = arith.index_cast %parallel_loop3A_502 : i32 to index
        %parallel_loop3A_504 = arith.index_cast %parallel_loop3A_455 : i32 to index
        %parallel_loop3A_505 = tpu.vector_load %arg6[%parallel_loop3A_503, %parallel_loop3A_504] {strides = array<i32>} : memref<56x2048xf32, #tpu.memory_space<vmem>>, vector<1x16xf32>,
        %parallel_loop3A_506 = vector.shape_cast %parallel_loop3A_505 : vector<1x16xf32> to vector<16xf32>
        %parallel_loop3A_507 = vector.shape_cast %parallel_loop3A_501 : vector<16xf32> to vector<1x16xf32>
        tpu.vector_store %arg6[%parallel_loop3A_503, %parallel_loop3A_504], %parallel_loop3A_507 {strides = array<i32>} : memref<56x2048xf32, #tpu.memory_space<vmem>>, vector<1x16xf32>,
        %parallel_loop3A_508 = arith.constant 44 : i32
        %parallel_loop3A_509 = arith.index_cast %parallel_loop3A_508 : i32 to index
        %parallel_loop3A_510 = arith.index_cast %parallel_loop3A_455 : i32 to index
        %parallel_loop3A_511 = tpu.vector_load %arg6[%parallel_loop3A_509, %parallel_loop3A_510] {strides = array<i32>} : memref<56x2048xf32, #tpu.memory_space<vmem>>, vector<1x16xf32>,
        %parallel_loop3A_512 = vector.shape_cast %parallel_loop3A_511 : vector<1x16xf32> to vector<16xf32>
        %parallel_loop3A_513 = vector.broadcast %scan3A : f32 to vector<16xf32>
        %parallel_loop3A_514 = arith.mulf %parallel_loop3A_512, %parallel_loop3A_513 : vector<16xf32>
        %parallel_loop3A_515 = arith.constant 44 : i32
        %parallel_loop3A_516 = arith.index_cast %parallel_loop3A_515 : i32 to index
        %parallel_loop3A_517 = arith.index_cast %parallel_loop3A_455 : i32 to index
        %parallel_loop3A_518 = tpu.vector_load %arg6[%parallel_loop3A_516, %parallel_loop3A_517] {strides = array<i32>} : memref<56x2048xf32, #tpu.memory_space<vmem>>, vector<1x16xf32>,
        %parallel_loop3A_519 = vector.shape_cast %parallel_loop3A_518 : vector<1x16xf32> to vector<16xf32>
        %parallel_loop3A_520 = vector.shape_cast %parallel_loop3A_514 : vector<16xf32> to vector<1x16xf32>
        tpu.vector_store %arg6[%parallel_loop3A_516, %parallel_loop3A_517], %parallel_loop3A_520 {strides = array<i32>} : memref<56x2048xf32, #tpu.memory_space<vmem>>, vector<1x16xf32>,
        %parallel_loop3A_521 = arith.constant 45 : i32
        %parallel_loop3A_522 = arith.index_cast %parallel_loop3A_521 : i32 to index
        %parallel_loop3A_523 = arith.index_cast %parallel_loop3A_455 : i32 to index
        %parallel_loop3A_524 = tpu.vector_load %arg6[%parallel_loop3A_522, %parallel_loop3A_523] {strides = array<i32>} : memref<56x2048xf32, #tpu.memory_space<vmem>>, vector<1x16xf32>,
        %parallel_loop3A_525 = vector.shape_cast %parallel_loop3A_524 : vector<1x16xf32> to vector<16xf32>
        %parallel_loop3A_526 = vector.broadcast %scan3A : f32 to vector<16xf32>
        %parallel_loop3A_527 = arith.mulf %parallel_loop3A_525, %parallel_loop3A_526 : vector<16xf32>
        %parallel_loop3A_528 = arith.constant 45 : i32
        %parallel_loop3A_529 = arith.index_cast %parallel_loop3A_528 : i32 to index
        %parallel_loop3A_530 = arith.index_cast %parallel_loop3A_455 : i32 to index
        %parallel_loop3A_531 = tpu.vector_load %arg6[%parallel_loop3A_529, %parallel_loop3A_530] {strides = array<i32>} : memref<56x2048xf32, #tpu.memory_space<vmem>>, vector<1x16xf32>,
        %parallel_loop3A_532 = vector.shape_cast %parallel_loop3A_531 : vector<1x16xf32> to vector<16xf32>
        %parallel_loop3A_533 = vector.shape_cast %parallel_loop3A_527 : vector<16xf32> to vector<1x16xf32>
        tpu.vector_store %arg6[%parallel_loop3A_529, %parallel_loop3A_530], %parallel_loop3A_533 {strides = array<i32>} : memref<56x2048xf32, #tpu.memory_space<vmem>>, vector<1x16xf32>,
        %parallel_loop3A_534 = arith.constant 46 : i32
        %parallel_loop3A_535 = arith.index_cast %parallel_loop3A_534 : i32 to index
        %parallel_loop3A_536 = arith.index_cast %parallel_loop3A_455 : i32 to index
        %parallel_loop3A_537 = tpu.vector_load %arg6[%parallel_loop3A_535, %parallel_loop3A_536] {strides = array<i32>} : memref<56x2048xf32, #tpu.memory_space<vmem>>, vector<1x16xf32>,
        %parallel_loop3A_538 = vector.shape_cast %parallel_loop3A_537 : vector<1x16xf32> to vector<16xf32>
        %parallel_loop3A_539 = vector.broadcast %scan3A : f32 to vector<16xf32>
        %parallel_loop3A_540 = arith.mulf %parallel_loop3A_538, %parallel_loop3A_539 : vector<16xf32>
        %parallel_loop3A_541 = arith.constant 46 : i32
        %parallel_loop3A_542 = arith.index_cast %parallel_loop3A_541 : i32 to index
        %parallel_loop3A_543 = arith.index_cast %parallel_loop3A_455 : i32 to index
        %parallel_loop3A_544 = tpu.vector_load %arg6[%parallel_loop3A_542, %parallel_loop3A_543] {strides = array<i32>} : memref<56x2048xf32, #tpu.memory_space<vmem>>, vector<1x16xf32>,
        %parallel_loop3A_545 = vector.shape_cast %parallel_loop3A_544 : vector<1x16xf32> to vector<16xf32>
        %parallel_loop3A_546 = vector.shape_cast %parallel_loop3A_540 : vector<16xf32> to vector<1x16xf32>
        tpu.vector_store %arg6[%parallel_loop3A_542, %parallel_loop3A_543], %parallel_loop3A_546 {strides = array<i32>} : memref<56x2048xf32, #tpu.memory_space<vmem>>, vector<1x16xf32>,
        %parallel_loop3A_547 = arith.constant 47 : i32
        %parallel_loop3A_548 = arith.index_cast %parallel_loop3A_547 : i32 to index
        %parallel_loop3A_549 = arith.index_cast %parallel_loop3A_455 : i32 to index
        %parallel_loop3A_550 = tpu.vector_load %arg6[%parallel_loop3A_548, %parallel_loop3A_549] {strides = array<i32>} : memref<56x2048xf32, #tpu.memory_space<vmem>>, vector<1x16xf32>,
        %parallel_loop3A_551 = vector.shape_cast %parallel_loop3A_550 : vector<1x16xf32> to vector<16xf32>
        %parallel_loop3A_552 = vector.broadcast %scan3A : f32 to vector<16xf32>
        %parallel_loop3A_553 = arith.mulf %parallel_loop3A_551, %parallel_loop3A_552 : vector<16xf32>
        %parallel_loop3A_554 = arith.constant 47 : i32
        %parallel_loop3A_555 = arith.index_cast %parallel_loop3A_554 : i32 to index
        %parallel_loop3A_556 = arith.index_cast %parallel_loop3A_455 : i32 to index
        %parallel_loop3A_557 = tpu.vector_load %arg6[%parallel_loop3A_555, %parallel_loop3A_556] {strides = array<i32>} : memref<56x2048xf32, #tpu.memory_space<vmem>>, vector<1x16xf32>,
        %parallel_loop3A_558 = vector.shape_cast %parallel_loop3A_557 : vector<1x16xf32> to vector<16xf32>
        %parallel_loop3A_559 = vector.shape_cast %parallel_loop3A_553 : vector<16xf32> to vector<1x16xf32>
        tpu.vector_store %arg6[%parallel_loop3A_555, %parallel_loop3A_556], %parallel_loop3A_559 {strides = array<i32>} : memref<56x2048xf32, #tpu.memory_space<vmem>>, vector<1x16xf32>,
      } {sc.loop_unroll_factor = 2 : i64, sc.parallel_access}
      %mul3A_388 = arith.constant 8 : i32
      %mul3A_389 = arith.muli %add3A_375, %mul3A_388 : i32
      %add3A_390 = arith.addi %mul3A_2, %mul3A_389 : i32
      %dma_start3A_391 = arith.constant 40 : i32
      %dma_start3A_392 = arith.constant 0 : i32
      %dma_start3A_393 = tpu.memref_slice %arg6[%dma_start3A_391, %dma_start3A_392] : memref<56x2048xf32, #tpu.memory_space<vmem>> -> memref<8x2048xf32, #tpu.memory_space<vmem>>
      %dma_start3A_394 = arith.constant 0 : i32
      %dma_start3A_395 = tpu.memref_slice %arg4[%add3A_390, %dma_start3A_394] : memref<16384x2048xf32, #tpu.memory_space<hbm>> -> memref<8x2048xf32, #tpu.memory_space<hbm>>
      %dma_start3A_396 = arith.constant 0 : i32
      %dma_start3A_397 = tpu.memref_slice %arg4[%add3A_390, %dma_start3A_396] : memref<16384x2048xf32, #tpu.memory_space<hbm>> -> memref<8x2048xf32, #tpu.memory_space<hbm>>
      %dma_start3A_398 = arith.constant 40 : i32
      %dma_start3A_399 = arith.constant 0 : i32
      %dma_start3A_400 = tpu.memref_slice %arg6[%dma_start3A_398, %dma_start3A_399] : memref<56x2048xf32, #tpu.memory_space<vmem>> -> memref<8x2048xf32, #tpu.memory_space<vmem>>
      tpu.enqueue_dma source(%dma_start3A_400 : memref<8x2048xf32, #tpu.memory_space<vmem>>) target(%dma_start3A_397 : memref<8x2048xf32, #tpu.memory_space<hbm>>) target_semaphore(%arg19 : memref<!tpu.dma_semaphore, #tpu.memory_space<semaphore_mem>>)
      %sub3A_401 = arith.constant 1 : i32
      %sub3A_402 = arith.subi %add3A_375, %sub3A_401 : i32
      %ge3A_403 = arith.constant 0 : i32
      %ge3A_404 = arith.cmpi sge, %sub3A_402, %ge3A_403 : i32
      %add3A_405 = arith.constant 7 : i32
      %add3A_406 = arith.addi %sub3A_402, %add3A_405 : i32
      %lt3A_407 = arith.constant 64 : i32
      %lt3A_408 = arith.cmpi slt, %add3A_406, %lt3A_407 : i32
      %and3A_409 = arith.andi %ge3A_404, %lt3A_408 : i1
      %convert_element_type3A_410 = arith.extui %and3A_409 : i1 to i32
      %cond3A_411 = arith.constant 0 : i32
      %cond3A_412 = arith.cmpi ne, %convert_element_type3A_410, %cond3A_411 : i32
      scf.if %cond3A_412 {
        %mul3A_455 = arith.constant 8 : i32
        %mul3A_456 = arith.muli %sub3A_402, %mul3A_455 : i32
        %add3A_457 = arith.addi %mul3A_2, %mul3A_456 : i32
        %dma_wait3A_458 = arith.constant 32 : i32
        %dma_wait3A_459 = arith.constant 0 : i32
        %dma_wait3A_460 = tpu.memref_slice %arg6[%dma_wait3A_458, %dma_wait3A_459] : memref<56x2048xf32, #tpu.memory_space<vmem>> -> memref<8x2048xf32, #tpu.memory_space<vmem>>
        %dma_wait3A_461 = arith.constant 0 : i32
        %dma_wait3A_462 = tpu.memref_slice %arg4[%add3A_457, %dma_wait3A_461] : memref<16384x2048xf32, #tpu.memory_space<hbm>> -> memref<8x2048xf32, #tpu.memory_space<hbm>>
        %dma_wait3A_463 = arith.constant 0 : i32
        %dma_wait3A_464 = tpu.memref_slice %arg4[%add3A_457, %dma_wait3A_463] : memref<16384x2048xf32, #tpu.memory_space<hbm>> -> memref<8x2048xf32, #tpu.memory_space<hbm>>
        %dma_wait3A_465 = arith.constant 32 : i32
        %dma_wait3A_466 = arith.constant 0 : i32
        %dma_wait3A_467 = tpu.memref_slice %arg6[%dma_wait3A_465, %dma_wait3A_466] : memref<56x2048xf32, #tpu.memory_space<vmem>> -> memref<8x2048xf32, #tpu.memory_space<vmem>>
        tpu.wait_dma2 semaphore(%arg18 : memref<!tpu.dma_semaphore, #tpu.memory_space<semaphore_mem>>) src(%dma_wait3A_467 : memref<8x2048xf32, #tpu.memory_space<vmem>>) dst(%dma_wait3A_464 : memref<8x2048xf32, #tpu.memory_space<hbm>>)
        %add3A_468 = arith.constant 7 : i32
        %add3A_469 = arith.addi %sub3A_402, %add3A_468 : i32
        %mul3A_470 = arith.constant 8 : i32
        %mul3A_471 = arith.muli %add3A_469, %mul3A_470 : i32
        %dma_start3A_472 = arith.constant 32 : i32
        %dma_start3A_473 = arith.constant 0 : i32
        %dma_start3A_474 = tpu.memref_slice %arg6[%dma_start3A_472, %dma_start3A_473] : memref<56x2048xf32, #tpu.memory_space<vmem>> -> memref<8x2048xf32, #tpu.memory_space<vmem>>
        %dma_start3A_475 = tpu.memref_slice %arg5[%mul3A_471] : memref<512xi32, #tpu.memory_space<vmem>> -> memref<8xi32, #tpu.memory_space<vmem>>
        %dma_start3A_476 = arith.constant 0 : i32
        %dma_start3A_477 = arith.constant 0 : i32
        %dma_start3A_478 = tpu.memref_slice %arg3[%dma_start3A_476, %dma_start3A_477] : memref<100000x2048xf32, #tpu.memory_space<hbm>> -> memref<100000x2048xf32, #tpu.memory_space<hbm>>
        tpu.enqueue_indirect_dma source(%dma_start3A_478 : memref<100000x2048xf32, #tpu.memory_space<hbm>>) target(%dma_start3A_474 : memref<8x2048xf32, #tpu.memory_space<vmem>>) offsets(%dma_start3A_475 : memref<8xi32, #tpu.memory_space<vmem>>) semaphore(%arg11 : memref<!tpu.dma_semaphore, #tpu.memory_space<semaphore_mem>>)
      } else {
      }
      %mul3A_413 = arith.constant 7 : i32
      %mul3A_414 = arith.muli %scan3A_171, %mul3A_413 : i32
      %add3A_415 = arith.constant 6 : i32
      %add3A_416 = arith.addi %mul3A_414, %add3A_415 : i32
      %mul3A_417 = arith.constant 8 : i32
      %mul3A_418 = arith.muli %add3A_416, %mul3A_417 : i32
      %dma_wait3A_419 = arith.constant 48 : i32
      %dma_wait3A_420 = arith.constant 0 : i32
      %dma_wait3A_421 = tpu.memref_slice %arg6[%dma_wait3A_419, %dma_wait3A_420] : memref<56x2048xf32, #tpu.memory_space<vmem>> -> memref<8x2048xf32, #tpu.memory_space<vmem>>
      %dma_wait3A_422 = tpu.memref_slice %arg5[%mul3A_418] : memref<512xi32, #tpu.memory_space<vmem>> -> memref<8xi32, #tpu.memory_space<vmem>>
      %dma_wait3A_423 = arith.constant 0 : i32
      %dma_wait3A_424 = arith.constant 0 : i32
      %dma_wait3A_425 = tpu.memref_slice %arg3[%dma_wait3A_423, %dma_wait3A_424] : memref<100000x2048xf32, #tpu.memory_space<hbm>> -> memref<100000x2048xf32, #tpu.memory_space<hbm>>
      tpu.wait_indirect_dma semaphore(%arg13 : memref<!tpu.dma_semaphore, #tpu.memory_space<semaphore_mem>>) src(%dma_wait3A_425 : memref<100000x2048xf32, #tpu.memory_space<hbm>>) dst(%dma_wait3A_421 : memref<8x2048xf32, #tpu.memory_space<vmem>>)
      %parallel_loop3A_426 = arith.constant 0 : i32
      %parallel_loop3A_427 = arith.constant 2048 : i32
      %parallel_loop3A_428 = arith.constant 16 : i32
      scf.for %parallel_loop3A_455 = %parallel_loop3A_426 to %parallel_loop3A_427 step %parallel_loop3A_428  : i32 {
        %parallel_loop3A_456 = arith.constant 48 : i32
        %parallel_loop3A_457 = arith.index_cast %parallel_loop3A_456 : i32 to index
        %parallel_loop3A_458 = arith.index_cast %parallel_loop3A_455 : i32 to index
        %parallel_loop3A_459 = tpu.vector_load %arg6[%parallel_loop3A_457, %parallel_loop3A_458] {strides = array<i32>} : memref<56x2048xf32, #tpu.memory_space<vmem>>, vector<1x16xf32>,
        %parallel_loop3A_460 = vector.shape_cast %parallel_loop3A_459 : vector<1x16xf32> to vector<16xf32>
        %parallel_loop3A_461 = vector.broadcast %scan3A : f32 to vector<16xf32>
        %parallel_loop3A_462 = arith.mulf %parallel_loop3A_460, %parallel_loop3A_461 : vector<16xf32>
        %parallel_loop3A_463 = arith.constant 48 : i32
        %parallel_loop3A_464 = arith.index_cast %parallel_loop3A_463 : i32 to index
        %parallel_loop3A_465 = arith.index_cast %parallel_loop3A_455 : i32 to index
        %parallel_loop3A_466 = tpu.vector_load %arg6[%parallel_loop3A_464, %parallel_loop3A_465] {strides = array<i32>} : memref<56x2048xf32, #tpu.memory_space<vmem>>, vector<1x16xf32>,
        %parallel_loop3A_467 = vector.shape_cast %parallel_loop3A_466 : vector<1x16xf32> to vector<16xf32>
        %parallel_loop3A_468 = vector.shape_cast %parallel_loop3A_462 : vector<16xf32> to vector<1x16xf32>
        tpu.vector_store %arg6[%parallel_loop3A_464, %parallel_loop3A_465], %parallel_loop3A_468 {strides = array<i32>} : memref<56x2048xf32, #tpu.memory_space<vmem>>, vector<1x16xf32>,
        %parallel_loop3A_469 = arith.constant 49 : i32
        %parallel_loop3A_470 = arith.index_cast %parallel_loop3A_469 : i32 to index
        %parallel_loop3A_471 = arith.index_cast %parallel_loop3A_455 : i32 to index
        %parallel_loop3A_472 = tpu.vector_load %arg6[%parallel_loop3A_470, %parallel_loop3A_471] {strides = array<i32>} : memref<56x2048xf32, #tpu.memory_space<vmem>>, vector<1x16xf32>,
        %parallel_loop3A_473 = vector.shape_cast %parallel_loop3A_472 : vector<1x16xf32> to vector<16xf32>
        %parallel_loop3A_474 = vector.broadcast %scan3A : f32 to vector<16xf32>
        %parallel_loop3A_475 = arith.mulf %parallel_loop3A_473, %parallel_loop3A_474 : vector<16xf32>
        %parallel_loop3A_476 = arith.constant 49 : i32
        %parallel_loop3A_477 = arith.index_cast %parallel_loop3A_476 : i32 to index
        %parallel_loop3A_478 = arith.index_cast %parallel_loop3A_455 : i32 to index
        %parallel_loop3A_479 = tpu.vector_load %arg6[%parallel_loop3A_477, %parallel_loop3A_478] {strides = array<i32>} : memref<56x2048xf32, #tpu.memory_space<vmem>>, vector<1x16xf32>,
        %parallel_loop3A_480 = vector.shape_cast %parallel_loop3A_479 : vector<1x16xf32> to vector<16xf32>
        %parallel_loop3A_481 = vector.shape_cast %parallel_loop3A_475 : vector<16xf32> to vector<1x16xf32>
        tpu.vector_store %arg6[%parallel_loop3A_477, %parallel_loop3A_478], %parallel_loop3A_481 {strides = array<i32>} : memref<56x2048xf32, #tpu.memory_space<vmem>>, vector<1x16xf32>,
        %parallel_loop3A_482 = arith.constant 50 : i32
        %parallel_loop3A_483 = arith.index_cast %parallel_loop3A_482 : i32 to index
        %parallel_loop3A_484 = arith.index_cast %parallel_loop3A_455 : i32 to index
        %parallel_loop3A_485 = tpu.vector_load %arg6[%parallel_loop3A_483, %parallel_loop3A_484] {strides = array<i32>} : memref<56x2048xf32, #tpu.memory_space<vmem>>, vector<1x16xf32>,
        %parallel_loop3A_486 = vector.shape_cast %parallel_loop3A_485 : vector<1x16xf32> to vector<16xf32>
        %parallel_loop3A_487 = vector.broadcast %scan3A : f32 to vector<16xf32>
        %parallel_loop3A_488 = arith.mulf %parallel_loop3A_486, %parallel_loop3A_487 : vector<16xf32>
        %parallel_loop3A_489 = arith.constant 50 : i32
        %parallel_loop3A_490 = arith.index_cast %parallel_loop3A_489 : i32 to index
        %parallel_loop3A_491 = arith.index_cast %parallel_loop3A_455 : i32 to index
        %parallel_loop3A_492 = tpu.vector_load %arg6[%parallel_loop3A_490, %parallel_loop3A_491] {strides = array<i32>} : memref<56x2048xf32, #tpu.memory_space<vmem>>, vector<1x16xf32>,
        %parallel_loop3A_493 = vector.shape_cast %parallel_loop3A_492 : vector<1x16xf32> to vector<16xf32>
        %parallel_loop3A_494 = vector.shape_cast %parallel_loop3A_488 : vector<16xf32> to vector<1x16xf32>
        tpu.vector_store %arg6[%parallel_loop3A_490, %parallel_loop3A_491], %parallel_loop3A_494 {strides = array<i32>} : memref<56x2048xf32, #tpu.memory_space<vmem>>, vector<1x16xf32>,
        %parallel_loop3A_495 = arith.constant 51 : i32
        %parallel_loop3A_496 = arith.index_cast %parallel_loop3A_495 : i32 to index
        %parallel_loop3A_497 = arith.index_cast %parallel_loop3A_455 : i32 to index
        %parallel_loop3A_498 = tpu.vector_load %arg6[%parallel_loop3A_496, %parallel_loop3A_497] {strides = array<i32>} : memref<56x2048xf32, #tpu.memory_space<vmem>>, vector<1x16xf32>,
        %parallel_loop3A_499 = vector.shape_cast %parallel_loop3A_498 : vector<1x16xf32> to vector<16xf32>
        %parallel_loop3A_500 = vector.broadcast %scan3A : f32 to vector<16xf32>
        %parallel_loop3A_501 = arith.mulf %parallel_loop3A_499, %parallel_loop3A_500 : vector<16xf32>
        %parallel_loop3A_502 = arith.constant 51 : i32
        %parallel_loop3A_503 = arith.index_cast %parallel_loop3A_502 : i32 to index
        %parallel_loop3A_504 = arith.index_cast %parallel_loop3A_455 : i32 to index
        %parallel_loop3A_505 = tpu.vector_load %arg6[%parallel_loop3A_503, %parallel_loop3A_504] {strides = array<i32>} : memref<56x2048xf32, #tpu.memory_space<vmem>>, vector<1x16xf32>,
        %parallel_loop3A_506 = vector.shape_cast %parallel_loop3A_505 : vector<1x16xf32> to vector<16xf32>
        %parallel_loop3A_507 = vector.shape_cast %parallel_loop3A_501 : vector<16xf32> to vector<1x16xf32>
        tpu.vector_store %arg6[%parallel_loop3A_503, %parallel_loop3A_504], %parallel_loop3A_507 {strides = array<i32>} : memref<56x2048xf32, #tpu.memory_space<vmem>>, vector<1x16xf32>,
        %parallel_loop3A_508 = arith.constant 52 : i32
        %parallel_loop3A_509 = arith.index_cast %parallel_loop3A_508 : i32 to index
        %parallel_loop3A_510 = arith.index_cast %parallel_loop3A_455 : i32 to index
        %parallel_loop3A_511 = tpu.vector_load %arg6[%parallel_loop3A_509, %parallel_loop3A_510] {strides = array<i32>} : memref<56x2048xf32, #tpu.memory_space<vmem>>, vector<1x16xf32>,
        %parallel_loop3A_512 = vector.shape_cast %parallel_loop3A_511 : vector<1x16xf32> to vector<16xf32>
        %parallel_loop3A_513 = vector.broadcast %scan3A : f32 to vector<16xf32>
        %parallel_loop3A_514 = arith.mulf %parallel_loop3A_512, %parallel_loop3A_513 : vector<16xf32>
        %parallel_loop3A_515 = arith.constant 52 : i32
        %parallel_loop3A_516 = arith.index_cast %parallel_loop3A_515 : i32 to index
        %parallel_loop3A_517 = arith.index_cast %parallel_loop3A_455 : i32 to index
        %parallel_loop3A_518 = tpu.vector_load %arg6[%parallel_loop3A_516, %parallel_loop3A_517] {strides = array<i32>} : memref<56x2048xf32, #tpu.memory_space<vmem>>, vector<1x16xf32>,
        %parallel_loop3A_519 = vector.shape_cast %parallel_loop3A_518 : vector<1x16xf32> to vector<16xf32>
        %parallel_loop3A_520 = vector.shape_cast %parallel_loop3A_514 : vector<16xf32> to vector<1x16xf32>
        tpu.vector_store %arg6[%parallel_loop3A_516, %parallel_loop3A_517], %parallel_loop3A_520 {strides = array<i32>} : memref<56x2048xf32, #tpu.memory_space<vmem>>, vector<1x16xf32>,
        %parallel_loop3A_521 = arith.constant 53 : i32
        %parallel_loop3A_522 = arith.index_cast %parallel_loop3A_521 : i32 to index
        %parallel_loop3A_523 = arith.index_cast %parallel_loop3A_455 : i32 to index
        %parallel_loop3A_524 = tpu.vector_load %arg6[%parallel_loop3A_522, %parallel_loop3A_523] {strides = array<i32>} : memref<56x2048xf32, #tpu.memory_space<vmem>>, vector<1x16xf32>,
        %parallel_loop3A_525 = vector.shape_cast %parallel_loop3A_524 : vector<1x16xf32> to vector<16xf32>
        %parallel_loop3A_526 = vector.broadcast %scan3A : f32 to vector<16xf32>
        %parallel_loop3A_527 = arith.mulf %parallel_loop3A_525, %parallel_loop3A_526 : vector<16xf32>
        %parallel_loop3A_528 = arith.constant 53 : i32
        %parallel_loop3A_529 = arith.index_cast %parallel_loop3A_528 : i32 to index
        %parallel_loop3A_530 = arith.index_cast %parallel_loop3A_455 : i32 to index
        %parallel_loop3A_531 = tpu.vector_load %arg6[%parallel_loop3A_529, %parallel_loop3A_530] {strides = array<i32>} : memref<56x2048xf32, #tpu.memory_space<vmem>>, vector<1x16xf32>,
        %parallel_loop3A_532 = vector.shape_cast %parallel_loop3A_531 : vector<1x16xf32> to vector<16xf32>
        %parallel_loop3A_533 = vector.shape_cast %parallel_loop3A_527 : vector<16xf32> to vector<1x16xf32>
        tpu.vector_store %arg6[%parallel_loop3A_529, %parallel_loop3A_530], %parallel_loop3A_533 {strides = array<i32>} : memref<56x2048xf32, #tpu.memory_space<vmem>>, vector<1x16xf32>,
        %parallel_loop3A_534 = arith.constant 54 : i32
        %parallel_loop3A_535 = arith.index_cast %parallel_loop3A_534 : i32 to index
        %parallel_loop3A_536 = arith.index_cast %parallel_loop3A_455 : i32 to index
        %parallel_loop3A_537 = tpu.vector_load %arg6[%parallel_loop3A_535, %parallel_loop3A_536] {strides = array<i32>} : memref<56x2048xf32, #tpu.memory_space<vmem>>, vector<1x16xf32>,
        %parallel_loop3A_538 = vector.shape_cast %parallel_loop3A_537 : vector<1x16xf32> to vector<16xf32>
        %parallel_loop3A_539 = vector.broadcast %scan3A : f32 to vector<16xf32>
        %parallel_loop3A_540 = arith.mulf %parallel_loop3A_538, %parallel_loop3A_539 : vector<16xf32>
        %parallel_loop3A_541 = arith.constant 54 : i32
        %parallel_loop3A_542 = arith.index_cast %parallel_loop3A_541 : i32 to index
        %parallel_loop3A_543 = arith.index_cast %parallel_loop3A_455 : i32 to index
        %parallel_loop3A_544 = tpu.vector_load %arg6[%parallel_loop3A_542, %parallel_loop3A_543] {strides = array<i32>} : memref<56x2048xf32, #tpu.memory_space<vmem>>, vector<1x16xf32>,
        %parallel_loop3A_545 = vector.shape_cast %parallel_loop3A_544 : vector<1x16xf32> to vector<16xf32>
        %parallel_loop3A_546 = vector.shape_cast %parallel_loop3A_540 : vector<16xf32> to vector<1x16xf32>
        tpu.vector_store %arg6[%parallel_loop3A_542, %parallel_loop3A_543], %parallel_loop3A_546 {strides = array<i32>} : memref<56x2048xf32, #tpu.memory_space<vmem>>, vector<1x16xf32>,
        %parallel_loop3A_547 = arith.constant 55 : i32
        %parallel_loop3A_548 = arith.index_cast %parallel_loop3A_547 : i32 to index
        %parallel_loop3A_549 = arith.index_cast %parallel_loop3A_455 : i32 to index
        %parallel_loop3A_550 = tpu.vector_load %arg6[%parallel_loop3A_548, %parallel_loop3A_549] {strides = array<i32>} : memref<56x2048xf32, #tpu.memory_space<vmem>>, vector<1x16xf32>,
        %parallel_loop3A_551 = vector.shape_cast %parallel_loop3A_550 : vector<1x16xf32> to vector<16xf32>
        %parallel_loop3A_552 = vector.broadcast %scan3A : f32 to vector<16xf32>
        %parallel_loop3A_553 = arith.mulf %parallel_loop3A_551, %parallel_loop3A_552 : vector<16xf32>
        %parallel_loop3A_554 = arith.constant 55 : i32
        %parallel_loop3A_555 = arith.index_cast %parallel_loop3A_554 : i32 to index
        %parallel_loop3A_556 = arith.index_cast %parallel_loop3A_455 : i32 to index
        %parallel_loop3A_557 = tpu.vector_load %arg6[%parallel_loop3A_555, %parallel_loop3A_556] {strides = array<i32>} : memref<56x2048xf32, #tpu.memory_space<vmem>>, vector<1x16xf32>,
        %parallel_loop3A_558 = vector.shape_cast %parallel_loop3A_557 : vector<1x16xf32> to vector<16xf32>
        %parallel_loop3A_559 = vector.shape_cast %parallel_loop3A_553 : vector<16xf32> to vector<1x16xf32>
        tpu.vector_store %arg6[%parallel_loop3A_555, %parallel_loop3A_556], %parallel_loop3A_559 {strides = array<i32>} : memref<56x2048xf32, #tpu.memory_space<vmem>>, vector<1x16xf32>,
      } {sc.loop_unroll_factor = 2 : i64, sc.parallel_access}
      %mul3A_429 = arith.constant 8 : i32
      %mul3A_430 = arith.muli %add3A_416, %mul3A_429 : i32
      %add3A_431 = arith.addi %mul3A_2, %mul3A_430 : i32
      %dma_start3A_432 = arith.constant 48 : i32
      %dma_start3A_433 = arith.constant 0 : i32
      %dma_start3A_434 = tpu.memref_slice %arg6[%dma_start3A_432, %dma_start3A_433] : memref<56x2048xf32, #tpu.memory_space<vmem>> -> memref<8x2048xf32, #tpu.memory_space<vmem>>
      %dma_start3A_435 = arith.constant 0 : i32
      %dma_start3A_436 = tpu.memref_slice %arg4[%add3A_431, %dma_start3A_435] : memref<16384x2048xf32, #tpu.memory_space<hbm>> -> memref<8x2048xf32, #tpu.memory_space<hbm>>
      %dma_start3A_437 = arith.constant 0 : i32
      %dma_start3A_438 = tpu.memref_slice %arg4[%add3A_431, %dma_start3A_437] : memref<16384x2048xf32, #tpu.memory_space<hbm>> -> memref<8x2048xf32, #tpu.memory_space<hbm>>
      %dma_start3A_439 = arith.constant 48 : i32
      %dma_start3A_440 = arith.constant 0 : i32
      %dma_start3A_441 = tpu.memref_slice %arg6[%dma_start3A_439, %dma_start3A_440] : memref<56x2048xf32, #tpu.memory_space<vmem>> -> memref<8x2048xf32, #tpu.memory_space<vmem>>
      tpu.enqueue_dma source(%dma_start3A_441 : memref<8x2048xf32, #tpu.memory_space<vmem>>) target(%dma_start3A_438 : memref<8x2048xf32, #tpu.memory_space<hbm>>) target_semaphore(%arg20 : memref<!tpu.dma_semaphore, #tpu.memory_space<semaphore_mem>>)
      %sub3A_442 = arith.constant 1 : i32
      %sub3A_443 = arith.subi %add3A_416, %sub3A_442 : i32
      %ge3A_444 = arith.constant 0 : i32
      %ge3A_445 = arith.cmpi sge, %sub3A_443, %ge3A_444 : i32
      %add3A_446 = arith.constant 7 : i32
      %add3A_447 = arith.addi %sub3A_443, %add3A_446 : i32
      %lt3A_448 = arith.constant 64 : i32
      %lt3A_449 = arith.cmpi slt, %add3A_447, %lt3A_448 : i32
      %and3A_450 = arith.andi %ge3A_445, %lt3A_449 : i1
      %convert_element_type3A_451 = arith.extui %and3A_450 : i1 to i32
      %cond3A_452 = arith.constant 0 : i32
      %cond3A_453 = arith.cmpi ne, %convert_element_type3A_451, %cond3A_452 : i32
      scf.if %cond3A_453 {
        %mul3A_455 = arith.constant 8 : i32
        %mul3A_456 = arith.muli %sub3A_443, %mul3A_455 : i32
        %add3A_457 = arith.addi %mul3A_2, %mul3A_456 : i32
        %dma_wait3A_458 = arith.constant 40 : i32
        %dma_wait3A_459 = arith.constant 0 : i32
        %dma_wait3A_460 = tpu.memref_slice %arg6[%dma_wait3A_458, %dma_wait3A_459] : memref<56x2048xf32, #tpu.memory_space<vmem>> -> memref<8x2048xf32, #tpu.memory_space<vmem>>
        %dma_wait3A_461 = arith.constant 0 : i32
        %dma_wait3A_462 = tpu.memref_slice %arg4[%add3A_457, %dma_wait3A_461] : memref<16384x2048xf32, #tpu.memory_space<hbm>> -> memref<8x2048xf32, #tpu.memory_space<hbm>>
        %dma_wait3A_463 = arith.constant 0 : i32
        %dma_wait3A_464 = tpu.memref_slice %arg4[%add3A_457, %dma_wait3A_463] : memref<16384x2048xf32, #tpu.memory_space<hbm>> -> memref<8x2048xf32, #tpu.memory_space<hbm>>
        %dma_wait3A_465 = arith.constant 40 : i32
        %dma_wait3A_466 = arith.constant 0 : i32
        %dma_wait3A_467 = tpu.memref_slice %arg6[%dma_wait3A_465, %dma_wait3A_466] : memref<56x2048xf32, #tpu.memory_space<vmem>> -> memref<8x2048xf32, #tpu.memory_space<vmem>>
        tpu.wait_dma2 semaphore(%arg19 : memref<!tpu.dma_semaphore, #tpu.memory_space<semaphore_mem>>) src(%dma_wait3A_467 : memref<8x2048xf32, #tpu.memory_space<vmem>>) dst(%dma_wait3A_464 : memref<8x2048xf32, #tpu.memory_space<hbm>>)
        %add3A_468 = arith.constant 7 : i32
        %add3A_469 = arith.addi %sub3A_443, %add3A_468 : i32
        %mul3A_470 = arith.constant 8 : i32
        %mul3A_471 = arith.muli %add3A_469, %mul3A_470 : i32
        %dma_start3A_472 = arith.constant 40 : i32
        %dma_start3A_473 = arith.constant 0 : i32
        %dma_start3A_474 = tpu.memref_slice %arg6[%dma_start3A_472, %dma_start3A_473] : memref<56x2048xf32, #tpu.memory_space<vmem>> -> memref<8x2048xf32, #tpu.memory_space<vmem>>
        %dma_start3A_475 = tpu.memref_slice %arg5[%mul3A_471] : memref<512xi32, #tpu.memory_space<vmem>> -> memref<8xi32, #tpu.memory_space<vmem>>
        %dma_start3A_476 = arith.constant 0 : i32
        %dma_start3A_477 = arith.constant 0 : i32
        %dma_start3A_478 = tpu.memref_slice %arg3[%dma_start3A_476, %dma_start3A_477] : memref<100000x2048xf32, #tpu.memory_space<hbm>> -> memref<100000x2048xf32, #tpu.memory_space<hbm>>
        tpu.enqueue_indirect_dma source(%dma_start3A_478 : memref<100000x2048xf32, #tpu.memory_space<hbm>>) target(%dma_start3A_474 : memref<8x2048xf32, #tpu.memory_space<vmem>>) offsets(%dma_start3A_475 : memref<8xi32, #tpu.memory_space<vmem>>) semaphore(%arg12 : memref<!tpu.dma_semaphore, #tpu.memory_space<semaphore_mem>>)
      } else {
      }
      %scan3A_454 = arith.constant 0 : i32
      scf.yield %scan3A_454 : i32
    }
    %scan3A_64 = arith.constant 9 : i32
    %dma_wait3A = arith.constant 0 : i32
    %dma_wait3A_65 = arith.constant 0 : i32
    %dma_wait3A_66 = tpu.memref_slice %arg6[%dma_wait3A, %dma_wait3A_65] : memref<56x2048xf32, #tpu.memory_space<vmem>> -> memref<8x2048xf32, #tpu.memory_space<vmem>>
    %dma_wait3A_67 = arith.constant 504 : i32
    %dma_wait3A_68 = tpu.memref_slice %arg5[%dma_wait3A_67] : memref<512xi32, #tpu.memory_space<vmem>> -> memref<8xi32, #tpu.memory_space<vmem>>
    %dma_wait3A_69 = arith.constant 0 : i32
    %dma_wait3A_70 = arith.constant 0 : i32
    %dma_wait3A_71 = tpu.memref_slice %arg3[%dma_wait3A_69, %dma_wait3A_70] : memref<100000x2048xf32, #tpu.memory_space<hbm>> -> memref<100000x2048xf32, #tpu.memory_space<hbm>>
    tpu.wait_indirect_dma semaphore(%arg7 : memref<!tpu.dma_semaphore, #tpu.memory_space<semaphore_mem>>) src(%dma_wait3A_71 : memref<100000x2048xf32, #tpu.memory_space<hbm>>) dst(%dma_wait3A_66 : memref<8x2048xf32, #tpu.memory_space<vmem>>)
    %parallel_loop3A = arith.constant 0 : i32
    %parallel_loop3A_72 = arith.constant 2048 : i32
    %parallel_loop3A_73 = arith.constant 16 : i32
    %parallel_loop3A_74 = arith.constant 45.2548332 : f32
    scf.for %parallel_loop3A_171 = %parallel_loop3A to %parallel_loop3A_72 step %parallel_loop3A_73  : i32 {
      %parallel_loop3A_172 = arith.constant 0 : i32
      %parallel_loop3A_173 = arith.index_cast %parallel_loop3A_172 : i32 to index
      %parallel_loop3A_174 = arith.index_cast %parallel_loop3A_171 : i32 to index
      %parallel_loop3A_175 = tpu.vector_load %arg6[%parallel_loop3A_173, %parallel_loop3A_174] {strides = array<i32>} : memref<56x2048xf32, #tpu.memory_space<vmem>>, vector<1x16xf32>,
      %parallel_loop3A_176 = vector.shape_cast %parallel_loop3A_175 : vector<1x16xf32> to vector<16xf32>
      %parallel_loop3A_177 = vector.broadcast %parallel_loop3A_74 : f32 to vector<16xf32>
      %parallel_loop3A_178 = arith.mulf %parallel_loop3A_176, %parallel_loop3A_177 : vector<16xf32>
      %parallel_loop3A_179 = arith.constant 0 : i32
      %parallel_loop3A_180 = arith.index_cast %parallel_loop3A_179 : i32 to index
      %parallel_loop3A_181 = arith.index_cast %parallel_loop3A_171 : i32 to index
      %parallel_loop3A_182 = tpu.vector_load %arg6[%parallel_loop3A_180, %parallel_loop3A_181] {strides = array<i32>} : memref<56x2048xf32, #tpu.memory_space<vmem>>, vector<1x16xf32>,
      %parallel_loop3A_183 = vector.shape_cast %parallel_loop3A_182 : vector<1x16xf32> to vector<16xf32>
      %parallel_loop3A_184 = vector.shape_cast %parallel_loop3A_178 : vector<16xf32> to vector<1x16xf32>
      tpu.vector_store %arg6[%parallel_loop3A_180, %parallel_loop3A_181], %parallel_loop3A_184 {strides = array<i32>} : memref<56x2048xf32, #tpu.memory_space<vmem>>, vector<1x16xf32>,
      %parallel_loop3A_185 = arith.constant 1 : i32
      %parallel_loop3A_186 = arith.index_cast %parallel_loop3A_185 : i32 to index
      %parallel_loop3A_187 = arith.index_cast %parallel_loop3A_171 : i32 to index
      %parallel_loop3A_188 = tpu.vector_load %arg6[%parallel_loop3A_186, %parallel_loop3A_187] {strides = array<i32>} : memref<56x2048xf32, #tpu.memory_space<vmem>>, vector<1x16xf32>,
      %parallel_loop3A_189 = vector.shape_cast %parallel_loop3A_188 : vector<1x16xf32> to vector<16xf32>
      %parallel_loop3A_190 = vector.broadcast %parallel_loop3A_74 : f32 to vector<16xf32>
      %parallel_loop3A_191 = arith.mulf %parallel_loop3A_189, %parallel_loop3A_190 : vector<16xf32>
      %parallel_loop3A_192 = arith.constant 1 : i32
      %parallel_loop3A_193 = arith.index_cast %parallel_loop3A_192 : i32 to index
      %parallel_loop3A_194 = arith.index_cast %parallel_loop3A_171 : i32 to index
      %parallel_loop3A_195 = tpu.vector_load %arg6[%parallel_loop3A_193, %parallel_loop3A_194] {strides = array<i32>} : memref<56x2048xf32, #tpu.memory_space<vmem>>, vector<1x16xf32>,
      %parallel_loop3A_196 = vector.shape_cast %parallel_loop3A_195 : vector<1x16xf32> to vector<16xf32>
      %parallel_loop3A_197 = vector.shape_cast %parallel_loop3A_191 : vector<16xf32> to vector<1x16xf32>
      tpu.vector_store %arg6[%parallel_loop3A_193, %parallel_loop3A_194], %parallel_loop3A_197 {strides = array<i32>} : memref<56x2048xf32, #tpu.memory_space<vmem>>, vector<1x16xf32>,
      %parallel_loop3A_198 = arith.constant 2 : i32
      %parallel_loop3A_199 = arith.index_cast %parallel_loop3A_198 : i32 to index
      %parallel_loop3A_200 = arith.index_cast %parallel_loop3A_171 : i32 to index
      %parallel_loop3A_201 = tpu.vector_load %arg6[%parallel_loop3A_199, %parallel_loop3A_200] {strides = array<i32>} : memref<56x2048xf32, #tpu.memory_space<vmem>>, vector<1x16xf32>,
      %parallel_loop3A_202 = vector.shape_cast %parallel_loop3A_201 : vector<1x16xf32> to vector<16xf32>
      %parallel_loop3A_203 = vector.broadcast %parallel_loop3A_74 : f32 to vector<16xf32>
      %parallel_loop3A_204 = arith.mulf %parallel_loop3A_202, %parallel_loop3A_203 : vector<16xf32>
      %parallel_loop3A_205 = arith.constant 2 : i32
      %parallel_loop3A_206 = arith.index_cast %parallel_loop3A_205 : i32 to index
      %parallel_loop3A_207 = arith.index_cast %parallel_loop3A_171 : i32 to index
      %parallel_loop3A_208 = tpu.vector_load %arg6[%parallel_loop3A_206, %parallel_loop3A_207] {strides = array<i32>} : memref<56x2048xf32, #tpu.memory_space<vmem>>, vector<1x16xf32>,
      %parallel_loop3A_209 = vector.shape_cast %parallel_loop3A_208 : vector<1x16xf32> to vector<16xf32>
      %parallel_loop3A_210 = vector.shape_cast %parallel_loop3A_204 : vector<16xf32> to vector<1x16xf32>
      tpu.vector_store %arg6[%parallel_loop3A_206, %parallel_loop3A_207], %parallel_loop3A_210 {strides = array<i32>} : memref<56x2048xf32, #tpu.memory_space<vmem>>, vector<1x16xf32>,
      %parallel_loop3A_211 = arith.constant 3 : i32
      %parallel_loop3A_212 = arith.index_cast %parallel_loop3A_211 : i32 to index
      %parallel_loop3A_213 = arith.index_cast %parallel_loop3A_171 : i32 to index
      %parallel_loop3A_214 = tpu.vector_load %arg6[%parallel_loop3A_212, %parallel_loop3A_213] {strides = array<i32>} : memref<56x2048xf32, #tpu.memory_space<vmem>>, vector<1x16xf32>,
      %parallel_loop3A_215 = vector.shape_cast %parallel_loop3A_214 : vector<1x16xf32> to vector<16xf32>
      %parallel_loop3A_216 = vector.broadcast %parallel_loop3A_74 : f32 to vector<16xf32>
      %parallel_loop3A_217 = arith.mulf %parallel_loop3A_215, %parallel_loop3A_216 : vector<16xf32>
      %parallel_loop3A_218 = arith.constant 3 : i32
      %parallel_loop3A_219 = arith.index_cast %parallel_loop3A_218 : i32 to index
      %parallel_loop3A_220 = arith.index_cast %parallel_loop3A_171 : i32 to index
      %parallel_loop3A_221 = tpu.vector_load %arg6[%parallel_loop3A_219, %parallel_loop3A_220] {strides = array<i32>} : memref<56x2048xf32, #tpu.memory_space<vmem>>, vector<1x16xf32>,
      %parallel_loop3A_222 = vector.shape_cast %parallel_loop3A_221 : vector<1x16xf32> to vector<16xf32>
      %parallel_loop3A_223 = vector.shape_cast %parallel_loop3A_217 : vector<16xf32> to vector<1x16xf32>
      tpu.vector_store %arg6[%parallel_loop3A_219, %parallel_loop3A_220], %parallel_loop3A_223 {strides = array<i32>} : memref<56x2048xf32, #tpu.memory_space<vmem>>, vector<1x16xf32>,
      %parallel_loop3A_224 = arith.constant 4 : i32
      %parallel_loop3A_225 = arith.index_cast %parallel_loop3A_224 : i32 to index
      %parallel_loop3A_226 = arith.index_cast %parallel_loop3A_171 : i32 to index
      %parallel_loop3A_227 = tpu.vector_load %arg6[%parallel_loop3A_225, %parallel_loop3A_226] {strides = array<i32>} : memref<56x2048xf32, #tpu.memory_space<vmem>>, vector<1x16xf32>,
      %parallel_loop3A_228 = vector.shape_cast %parallel_loop3A_227 : vector<1x16xf32> to vector<16xf32>
      %parallel_loop3A_229 = vector.broadcast %parallel_loop3A_74 : f32 to vector<16xf32>
      %parallel_loop3A_230 = arith.mulf %parallel_loop3A_228, %parallel_loop3A_229 : vector<16xf32>
      %parallel_loop3A_231 = arith.constant 4 : i32
      %parallel_loop3A_232 = arith.index_cast %parallel_loop3A_231 : i32 to index
      %parallel_loop3A_233 = arith.index_cast %parallel_loop3A_171 : i32 to index
      %parallel_loop3A_234 = tpu.vector_load %arg6[%parallel_loop3A_232, %parallel_loop3A_233] {strides = array<i32>} : memref<56x2048xf32, #tpu.memory_space<vmem>>, vector<1x16xf32>,
      %parallel_loop3A_235 = vector.shape_cast %parallel_loop3A_234 : vector<1x16xf32> to vector<16xf32>
      %parallel_loop3A_236 = vector.shape_cast %parallel_loop3A_230 : vector<16xf32> to vector<1x16xf32>
      tpu.vector_store %arg6[%parallel_loop3A_232, %parallel_loop3A_233], %parallel_loop3A_236 {strides = array<i32>} : memref<56x2048xf32, #tpu.memory_space<vmem>>, vector<1x16xf32>,
      %parallel_loop3A_237 = arith.constant 5 : i32
      %parallel_loop3A_238 = arith.index_cast %parallel_loop3A_237 : i32 to index
      %parallel_loop3A_239 = arith.index_cast %parallel_loop3A_171 : i32 to index
      %parallel_loop3A_240 = tpu.vector_load %arg6[%parallel_loop3A_238, %parallel_loop3A_239] {strides = array<i32>} : memref<56x2048xf32, #tpu.memory_space<vmem>>, vector<1x16xf32>,
      %parallel_loop3A_241 = vector.shape_cast %parallel_loop3A_240 : vector<1x16xf32> to vector<16xf32>
      %parallel_loop3A_242 = vector.broadcast %parallel_loop3A_74 : f32 to vector<16xf32>
      %parallel_loop3A_243 = arith.mulf %parallel_loop3A_241, %parallel_loop3A_242 : vector<16xf32>
      %parallel_loop3A_244 = arith.constant 5 : i32
      %parallel_loop3A_245 = arith.index_cast %parallel_loop3A_244 : i32 to index
      %parallel_loop3A_246 = arith.index_cast %parallel_loop3A_171 : i32 to index
      %parallel_loop3A_247 = tpu.vector_load %arg6[%parallel_loop3A_245, %parallel_loop3A_246] {strides = array<i32>} : memref<56x2048xf32, #tpu.memory_space<vmem>>, vector<1x16xf32>,
      %parallel_loop3A_248 = vector.shape_cast %parallel_loop3A_247 : vector<1x16xf32> to vector<16xf32>
      %parallel_loop3A_249 = vector.shape_cast %parallel_loop3A_243 : vector<16xf32> to vector<1x16xf32>
      tpu.vector_store %arg6[%parallel_loop3A_245, %parallel_loop3A_246], %parallel_loop3A_249 {strides = array<i32>} : memref<56x2048xf32, #tpu.memory_space<vmem>>, vector<1x16xf32>,
      %parallel_loop3A_250 = arith.constant 6 : i32
      %parallel_loop3A_251 = arith.index_cast %parallel_loop3A_250 : i32 to index
      %parallel_loop3A_252 = arith.index_cast %parallel_loop3A_171 : i32 to index
      %parallel_loop3A_253 = tpu.vector_load %arg6[%parallel_loop3A_251, %parallel_loop3A_252] {strides = array<i32>} : memref<56x2048xf32, #tpu.memory_space<vmem>>, vector<1x16xf32>,
      %parallel_loop3A_254 = vector.shape_cast %parallel_loop3A_253 : vector<1x16xf32> to vector<16xf32>
      %parallel_loop3A_255 = vector.broadcast %parallel_loop3A_74 : f32 to vector<16xf32>
      %parallel_loop3A_256 = arith.mulf %parallel_loop3A_254, %parallel_loop3A_255 : vector<16xf32>
      %parallel_loop3A_257 = arith.constant 6 : i32
      %parallel_loop3A_258 = arith.index_cast %parallel_loop3A_257 : i32 to index
      %parallel_loop3A_259 = arith.index_cast %parallel_loop3A_171 : i32 to index
      %parallel_loop3A_260 = tpu.vector_load %arg6[%parallel_loop3A_258, %parallel_loop3A_259] {strides = array<i32>} : memref<56x2048xf32, #tpu.memory_space<vmem>>, vector<1x16xf32>,
      %parallel_loop3A_261 = vector.shape_cast %parallel_loop3A_260 : vector<1x16xf32> to vector<16xf32>
      %parallel_loop3A_262 = vector.shape_cast %parallel_loop3A_256 : vector<16xf32> to vector<1x16xf32>
      tpu.vector_store %arg6[%parallel_loop3A_258, %parallel_loop3A_259], %parallel_loop3A_262 {strides = array<i32>} : memref<56x2048xf32, #tpu.memory_space<vmem>>, vector<1x16xf32>,
      %parallel_loop3A_263 = arith.constant 7 : i32
      %parallel_loop3A_264 = arith.index_cast %parallel_loop3A_263 : i32 to index
      %parallel_loop3A_265 = arith.index_cast %parallel_loop3A_171 : i32 to index
      %parallel_loop3A_266 = tpu.vector_load %arg6[%parallel_loop3A_264, %parallel_loop3A_265] {strides = array<i32>} : memref<56x2048xf32, #tpu.memory_space<vmem>>, vector<1x16xf32>,
      %parallel_loop3A_267 = vector.shape_cast %parallel_loop3A_266 : vector<1x16xf32> to vector<16xf32>
      %parallel_loop3A_268 = vector.broadcast %parallel_loop3A_74 : f32 to vector<16xf32>
      %parallel_loop3A_269 = arith.mulf %parallel_loop3A_267, %parallel_loop3A_268 : vector<16xf32>
      %parallel_loop3A_270 = arith.constant 7 : i32
      %parallel_loop3A_271 = arith.index_cast %parallel_loop3A_270 : i32 to index
      %parallel_loop3A_272 = arith.index_cast %parallel_loop3A_171 : i32 to index
      %parallel_loop3A_273 = tpu.vector_load %arg6[%parallel_loop3A_271, %parallel_loop3A_272] {strides = array<i32>} : memref<56x2048xf32, #tpu.memory_space<vmem>>, vector<1x16xf32>,
      %parallel_loop3A_274 = vector.shape_cast %parallel_loop3A_273 : vector<1x16xf32> to vector<16xf32>
      %parallel_loop3A_275 = vector.shape_cast %parallel_loop3A_269 : vector<16xf32> to vector<1x16xf32>
      tpu.vector_store %arg6[%parallel_loop3A_271, %parallel_loop3A_272], %parallel_loop3A_275 {strides = array<i32>} : memref<56x2048xf32, #tpu.memory_space<vmem>>, vector<1x16xf32>,
    } {sc.loop_unroll_factor = 2 : i64, sc.parallel_access}
    %add3A_75 = arith.constant 504 : i32
    %add3A_76 = arith.addi %mul3A_2, %add3A_75 : i32
    %dma_start3A_77 = arith.constant 0 : i32
    %dma_start3A_78 = arith.constant 0 : i32
    %dma_start3A_79 = tpu.memref_slice %arg6[%dma_start3A_77, %dma_start3A_78] : memref<56x2048xf32, #tpu.memory_space<vmem>> -> memref<8x2048xf32, #tpu.memory_space<vmem>>
    %dma_start3A_80 = arith.constant 0 : i32
    %dma_start3A_81 = tpu.memref_slice %arg4[%add3A_76, %dma_start3A_80] : memref<16384x2048xf32, #tpu.memory_space<hbm>> -> memref<8x2048xf32, #tpu.memory_space<hbm>>
    %dma_start3A_82 = arith.constant 0 : i32
    %dma_start3A_83 = tpu.memref_slice %arg4[%add3A_76, %dma_start3A_82] : memref<16384x2048xf32, #tpu.memory_space<hbm>> -> memref<8x2048xf32, #tpu.memory_space<hbm>>
    %dma_start3A_84 = arith.constant 0 : i32
    %dma_start3A_85 = arith.constant 0 : i32
    %dma_start3A_86 = tpu.memref_slice %arg6[%dma_start3A_84, %dma_start3A_85] : memref<56x2048xf32, #tpu.memory_space<vmem>> -> memref<8x2048xf32, #tpu.memory_space<vmem>>
    tpu.enqueue_dma source(%dma_start3A_86 : memref<8x2048xf32, #tpu.memory_space<vmem>>) target(%dma_start3A_83 : memref<8x2048xf32, #tpu.memory_space<hbm>>) target_semaphore(%arg14 : memref<!tpu.dma_semaphore, #tpu.memory_space<semaphore_mem>>)
    %add3A_87 = arith.constant 456 : i32
    %add3A_88 = arith.addi %mul3A_2, %add3A_87 : i32
    %dma_wait3A_89 = arith.constant 8 : i32
    %dma_wait3A_90 = arith.constant 0 : i32
    %dma_wait3A_91 = tpu.memref_slice %arg6[%dma_wait3A_89, %dma_wait3A_90] : memref<56x2048xf32, #tpu.memory_space<vmem>> -> memref<8x2048xf32, #tpu.memory_space<vmem>>
    %dma_wait3A_92 = arith.constant 0 : i32
    %dma_wait3A_93 = tpu.memref_slice %arg4[%add3A_88, %dma_wait3A_92] : memref<16384x2048xf32, #tpu.memory_space<hbm>> -> memref<8x2048xf32, #tpu.memory_space<hbm>>
    %dma_wait3A_94 = arith.constant 0 : i32
    %dma_wait3A_95 = tpu.memref_slice %arg4[%add3A_88, %dma_wait3A_94] : memref<16384x2048xf32, #tpu.memory_space<hbm>> -> memref<8x2048xf32, #tpu.memory_space<hbm>>
    %dma_wait3A_96 = arith.constant 8 : i32
    %dma_wait3A_97 = arith.constant 0 : i32
    %dma_wait3A_98 = tpu.memref_slice %arg6[%dma_wait3A_96, %dma_wait3A_97] : memref<56x2048xf32, #tpu.memory_space<vmem>> -> memref<8x2048xf32, #tpu.memory_space<vmem>>
    tpu.wait_dma2 semaphore(%arg15 : memref<!tpu.dma_semaphore, #tpu.memory_space<semaphore_mem>>) src(%dma_wait3A_98 : memref<8x2048xf32, #tpu.memory_space<vmem>>) dst(%dma_wait3A_95 : memref<8x2048xf32, #tpu.memory_space<hbm>>)
    %add3A_99 = arith.constant 464 : i32
    %add3A_100 = arith.addi %mul3A_2, %add3A_99 : i32
    %dma_wait3A_101 = arith.constant 16 : i32
    %dma_wait3A_102 = arith.constant 0 : i32
    %dma_wait3A_103 = tpu.memref_slice %arg6[%dma_wait3A_101, %dma_wait3A_102] : memref<56x2048xf32, #tpu.memory_space<vmem>> -> memref<8x2048xf32, #tpu.memory_space<vmem>>
    %dma_wait3A_104 = arith.constant 0 : i32
    %dma_wait3A_105 = tpu.memref_slice %arg4[%add3A_100, %dma_wait3A_104] : memref<16384x2048xf32, #tpu.memory_space<hbm>> -> memref<8x2048xf32, #tpu.memory_space<hbm>>
    %dma_wait3A_106 = arith.constant 0 : i32
    %dma_wait3A_107 = tpu.memref_slice %arg4[%add3A_100, %dma_wait3A_106] : memref<16384x2048xf32, #tpu.memory_space<hbm>> -> memref<8x2048xf32, #tpu.memory_space<hbm>>
    %dma_wait3A_108 = arith.constant 16 : i32
    %dma_wait3A_109 = arith.constant 0 : i32
    %dma_wait3A_110 = tpu.memref_slice %arg6[%dma_wait3A_108, %dma_wait3A_109] : memref<56x2048xf32, #tpu.memory_space<vmem>> -> memref<8x2048xf32, #tpu.memory_space<vmem>>
    tpu.wait_dma2 semaphore(%arg16 : memref<!tpu.dma_semaphore, #tpu.memory_space<semaphore_mem>>) src(%dma_wait3A_110 : memref<8x2048xf32, #tpu.memory_space<vmem>>) dst(%dma_wait3A_107 : memref<8x2048xf32, #tpu.memory_space<hbm>>)
    %add3A_111 = arith.constant 472 : i32
    %add3A_112 = arith.addi %mul3A_2, %add3A_111 : i32
    %dma_wait3A_113 = arith.constant 24 : i32
    %dma_wait3A_114 = arith.constant 0 : i32
    %dma_wait3A_115 = tpu.memref_slice %arg6[%dma_wait3A_113, %dma_wait3A_114] : memref<56x2048xf32, #tpu.memory_space<vmem>> -> memref<8x2048xf32, #tpu.memory_space<vmem>>
    %dma_wait3A_116 = arith.constant 0 : i32
    %dma_wait3A_117 = tpu.memref_slice %arg4[%add3A_112, %dma_wait3A_116] : memref<16384x2048xf32, #tpu.memory_space<hbm>> -> memref<8x2048xf32, #tpu.memory_space<hbm>>
    %dma_wait3A_118 = arith.constant 0 : i32
    %dma_wait3A_119 = tpu.memref_slice %arg4[%add3A_112, %dma_wait3A_118] : memref<16384x2048xf32, #tpu.memory_space<hbm>> -> memref<8x2048xf32, #tpu.memory_space<hbm>>
    %dma_wait3A_120 = arith.constant 24 : i32
    %dma_wait3A_121 = arith.constant 0 : i32
    %dma_wait3A_122 = tpu.memref_slice %arg6[%dma_wait3A_120, %dma_wait3A_121] : memref<56x2048xf32, #tpu.memory_space<vmem>> -> memref<8x2048xf32, #tpu.memory_space<vmem>>
    tpu.wait_dma2 semaphore(%arg17 : memref<!tpu.dma_semaphore, #tpu.memory_space<semaphore_mem>>) src(%dma_wait3A_122 : memref<8x2048xf32, #tpu.memory_space<vmem>>) dst(%dma_wait3A_119 : memref<8x2048xf32, #tpu.memory_space<hbm>>)
    %add3A_123 = arith.constant 480 : i32
    %add3A_124 = arith.addi %mul3A_2, %add3A_123 : i32
    %dma_wait3A_125 = arith.constant 32 : i32
    %dma_wait3A_126 = arith.constant 0 : i32
    %dma_wait3A_127 = tpu.memref_slice %arg6[%dma_wait3A_125, %dma_wait3A_126] : memref<56x2048xf32, #tpu.memory_space<vmem>> -> memref<8x2048xf32, #tpu.memory_space<vmem>>
    %dma_wait3A_128 = arith.constant 0 : i32
    %dma_wait3A_129 = tpu.memref_slice %arg4[%add3A_124, %dma_wait3A_128] : memref<16384x2048xf32, #tpu.memory_space<hbm>> -> memref<8x2048xf32, #tpu.memory_space<hbm>>
    %dma_wait3A_130 = arith.constant 0 : i32
    %dma_wait3A_131 = tpu.memref_slice %arg4[%add3A_124, %dma_wait3A_130] : memref<16384x2048xf32, #tpu.memory_space<hbm>> -> memref<8x2048xf32, #tpu.memory_space<hbm>>
    %dma_wait3A_132 = arith.constant 32 : i32
    %dma_wait3A_133 = arith.constant 0 : i32
    %dma_wait3A_134 = tpu.memref_slice %arg6[%dma_wait3A_132, %dma_wait3A_133] : memref<56x2048xf32, #tpu.memory_space<vmem>> -> memref<8x2048xf32, #tpu.memory_space<vmem>>
    tpu.wait_dma2 semaphore(%arg18 : memref<!tpu.dma_semaphore, #tpu.memory_space<semaphore_mem>>) src(%dma_wait3A_134 : memref<8x2048xf32, #tpu.memory_space<vmem>>) dst(%dma_wait3A_131 : memref<8x2048xf32, #tpu.memory_space<hbm>>)
    %add3A_135 = arith.constant 488 : i32
    %add3A_136 = arith.addi %mul3A_2, %add3A_135 : i32
    %dma_wait3A_137 = arith.constant 40 : i32
    %dma_wait3A_138 = arith.constant 0 : i32
    %dma_wait3A_139 = tpu.memref_slice %arg6[%dma_wait3A_137, %dma_wait3A_138] : memref<56x2048xf32, #tpu.memory_space<vmem>> -> memref<8x2048xf32, #tpu.memory_space<vmem>>
    %dma_wait3A_140 = arith.constant 0 : i32
    %dma_wait3A_141 = tpu.memref_slice %arg4[%add3A_136, %dma_wait3A_140] : memref<16384x2048xf32, #tpu.memory_space<hbm>> -> memref<8x2048xf32, #tpu.memory_space<hbm>>
    %dma_wait3A_142 = arith.constant 0 : i32
    %dma_wait3A_143 = tpu.memref_slice %arg4[%add3A_136, %dma_wait3A_142] : memref<16384x2048xf32, #tpu.memory_space<hbm>> -> memref<8x2048xf32, #tpu.memory_space<hbm>>
    %dma_wait3A_144 = arith.constant 40 : i32
    %dma_wait3A_145 = arith.constant 0 : i32
    %dma_wait3A_146 = tpu.memref_slice %arg6[%dma_wait3A_144, %dma_wait3A_145] : memref<56x2048xf32, #tpu.memory_space<vmem>> -> memref<8x2048xf32, #tpu.memory_space<vmem>>
    tpu.wait_dma2 semaphore(%arg19 : memref<!tpu.dma_semaphore, #tpu.memory_space<semaphore_mem>>) src(%dma_wait3A_146 : memref<8x2048xf32, #tpu.memory_space<vmem>>) dst(%dma_wait3A_143 : memref<8x2048xf32, #tpu.memory_space<hbm>>)
    %add3A_147 = arith.constant 496 : i32
    %add3A_148 = arith.addi %mul3A_2, %add3A_147 : i32
    %dma_wait3A_149 = arith.constant 48 : i32
    %dma_wait3A_150 = arith.constant 0 : i32
    %dma_wait3A_151 = tpu.memref_slice %arg6[%dma_wait3A_149, %dma_wait3A_150] : memref<56x2048xf32, #tpu.memory_space<vmem>> -> memref<8x2048xf32, #tpu.memory_space<vmem>>
    %dma_wait3A_152 = arith.constant 0 : i32
    %dma_wait3A_153 = tpu.memref_slice %arg4[%add3A_148, %dma_wait3A_152] : memref<16384x2048xf32, #tpu.memory_space<hbm>> -> memref<8x2048xf32, #tpu.memory_space<hbm>>
    %dma_wait3A_154 = arith.constant 0 : i32
    %dma_wait3A_155 = tpu.memref_slice %arg4[%add3A_148, %dma_wait3A_154] : memref<16384x2048xf32, #tpu.memory_space<hbm>> -> memref<8x2048xf32, #tpu.memory_space<hbm>>
    %dma_wait3A_156 = arith.constant 48 : i32
    %dma_wait3A_157 = arith.constant 0 : i32
    %dma_wait3A_158 = tpu.memref_slice %arg6[%dma_wait3A_156, %dma_wait3A_157] : memref<56x2048xf32, #tpu.memory_space<vmem>> -> memref<8x2048xf32, #tpu.memory_space<vmem>>
    tpu.wait_dma2 semaphore(%arg20 : memref<!tpu.dma_semaphore, #tpu.memory_space<semaphore_mem>>) src(%dma_wait3A_158 : memref<8x2048xf32, #tpu.memory_space<vmem>>) dst(%dma_wait3A_155 : memref<8x2048xf32, #tpu.memory_space<hbm>>)
    %add3A_159 = arith.constant 504 : i32
    %add3A_160 = arith.addi %mul3A_2, %add3A_159 : i32
    %dma_wait3A_161 = arith.constant 0 : i32
    %dma_wait3A_162 = arith.constant 0 : i32
    %dma_wait3A_163 = tpu.memref_slice %arg6[%dma_wait3A_161, %dma_wait3A_162] : memref<56x2048xf32, #tpu.memory_space<vmem>> -> memref<8x2048xf32, #tpu.memory_space<vmem>>
    %dma_wait3A_164 = arith.constant 0 : i32
    %dma_wait3A_165 = tpu.memref_slice %arg4[%add3A_160, %dma_wait3A_164] : memref<16384x2048xf32, #tpu.memory_space<hbm>> -> memref<8x2048xf32, #tpu.memory_space<hbm>>
    %dma_wait3A_166 = arith.constant 0 : i32
    %dma_wait3A_167 = tpu.memref_slice %arg4[%add3A_160, %dma_wait3A_166] : memref<16384x2048xf32, #tpu.memory_space<hbm>> -> memref<8x2048xf32, #tpu.memory_space<hbm>>
    %dma_wait3A_168 = arith.constant 0 : i32
    %dma_wait3A_169 = arith.constant 0 : i32
    %dma_wait3A_170 = tpu.memref_slice %arg6[%dma_wait3A_168, %dma_wait3A_169] : memref<56x2048xf32, #tpu.memory_space<vmem>> -> memref<8x2048xf32, #tpu.memory_space<vmem>>
    tpu.wait_dma2 semaphore(%arg14 : memref<!tpu.dma_semaphore, #tpu.memory_space<semaphore_mem>>) src(%dma_wait3A_170 : memref<8x2048xf32, #tpu.memory_space<vmem>>) dst(%dma_wait3A_167 : memref<8x2048xf32, #tpu.memory_space<hbm>>)
    return
  }
}

</mosaic_0001>

<sc_bundles>
// kernel: kernel.3.cloned.1.call-start
scs
__scs_entry_jumppad:
0x0: {  	(pc) =	sbr.rel $0x88, $3  }
0x1: {  	(tag) =	ssettag $0x0;
	lr =	simm.s32 $0x1  }
0x2: {  	[smem:$0x3F9F] =	sst lr;
	_ =	strace $0xD0000000  }
0x3: {  	_ = 	snop  }
0x4: {  	_ = 	snop  }
0x5: {  	_ = 	snop  }
0x6: {  	_ = 	snop  }
0x7: {  	_ = 	snop  }
__scs_overlays_trampoline_lowered:
0x8: {  	[smem:$0x3FAE] =	sst s0  }
0x9: {  	[smem:$0x3FAF] =	sst s1  }
0xa: {  	[smem:$0x3FB0] =	sst s2  }
0xb: {  	[smem:$0x3FB1] =	sst s3  }
0xc: {  	[smem:$0x3FB2] =	sst s4  }
0xd: {  	[smem:$0x3FB3] =	sst s5  }
0xe: {  	[smem:$0x3FB4] =	sst s6  }
0xf: {  	[smem:$0x3FB5] =	sst s7  }
0x10: {  	[smem:$0x3FB6] =	sst s8  }
0x11: {  	[smem:$0x3FB7] =	sst s9;
	s0 =	simm.s32 @!p0 $0x0  }
0x12: {  	s1 =	sld [smem:$0x3F9D];
	s0 =	simm.s32 @p0 $0x1  }
0x13: {  	[smem:$0x3FB8] =	sst s0;
	s0 =	simm.s32 @!p1 $0x0  }
0x14: {  	s2 =	sld [smem:$0x3F9C];
	s0 =	simm.s32 @p1 $0x1  }
0x15: {  	[smem:$0x3FB9] =	sst s0;
	s0 =	simm.s32 @!p2 $0x0  }
0x16: {  	s3 =	sld [smem:$0x3FDB];
	s0 =	simm.s32 @p2 $0x1  }
0x17: {  	s4 =	simm.s32 $0x1BF5;
	[smem:$0x3FBB] =	sst s0  }
0x18: {  	s0 =	sld [smem:$0x3F9E];
	_ =	swait.ge [sflag:s4], $0x0  }
0x19: {  	s7 =	sld [smem:$0x3F9F]  }
0x1a: {  	s8 =	sadd.s32 $0xFFFFE003, lr  }
0x1b: {  	s9 =	sadd.s32 $0xFFFFFEF7, lr;
	s5 =	simm.s32 $0xFFFFFFFF;
	p2 =	slt.u32 s8, $0xFFFFF086  }
0x1c: {  	p1 =	slt.u32 s9, $0xF7A;
	s5 =	simm.s32 @!p2 $0x0  }
0x1d: {  	s5 =	simm.s32 @p1 $0x1;
	p0 =	seq.s32 s7, s2  }
0x1e: {  	s7 =	smul.u32 @!p0 $0xF7A, s2;
	p2 =	seq.s32 @!p0 s5, $0x0  }
0x1f: {  	s9 =	smul.u32 $0xF7A, s1;
	s8 =	simm.s32 @!p0 $0x1BF5;
	p2 =	por !p2, p0  }
0x20: {  	[sflag:s8] =	ssyncset.s32 @!p0 $0xFFFFF086;
	s6 =	sadd.s32 @!p0 s3, s7;
	s7 =	simm.s32 @!p0 $0x108  }
0x21: {  	s3 =	sadd.s32 s3, s9;
	s6 =	sadd.s32 @!p0 $0x88, s6;
	s7 =	simm.s32 @p2 $0x1082  }
0x22: {  	[simem:s7], [sflag:s8] =	dma.local @!p0 [hbm:s6], $0xF7A  }
0x23: {  	s9 =	sor.u32 $0xD0000000, s2;
	s6 =	simm.s32 $0x108;
	_ =	swait.ge @!p0 [sflag:s8], $0x0  }
0x24: {  	s3 =	sadd.s32 $0x88, s3;
	s6 =	simm.s32 @!p1 $0x1082;
	[sflag:s4] =	ssyncset.s32 $0xFFFFF086  }
0x25: {  	[simem:s6], [sflag:s4] =	dma.local [hbm:s3], $0xF7A  }
0x26: {  	[smem:$0x3F9F] =	sst s1;
	(tag) =	ssettag s2;
	_ =	strace s9  }
0x27: {  	s1 =	sld [smem:$0x3FAF]  }
0x28: {  	s2 =	sld [smem:$0x3FB0]  }
0x29: {  	s4 =	sld [smem:$0x3FB2]  }
0x2a: {  	p0 =	seq.s32 s5, $0x0;
	s5 =	sld [smem:$0x3FB3]  }
0x2b: {  	s6 =	sld [smem:$0x3FB4]  }
0x2c: {  	s7 =	sld [smem:$0x3FB5]  }
0x2d: {  	s3 =	simm.s32 $0x108;
	s8 =	sld [smem:$0x3FB6]  }
0x2e: {  	s3 =	simm.s32 @!p0 $0x1082;
	s9 =	sld [smem:$0x3FB7]  }
0x2f: {  	lr =	sadd.s32 s0, s3;
	s0 =	sld [smem:$0x3FAE]  }
0x30: {  	s3 =	sld [smem:$0x3FB1]  }
0x31: {  	[smem:$0x3FBA] =	sst s10  }
0x32: {  	s10 =	sld [smem:$0x3FB8];
	_ =	sdelay $0x3  }
0x33: {  	p0 =	seq.s32 s10, $0x1;
	s10 =	sld [smem:$0x3FBA];
	_ =	sdelay $0x3  }
0x34: {  	[smem:$0x3FBA] =	sst s10  }
0x35: {  	s10 =	sld [smem:$0x3FB9];
	_ =	sdelay $0x3  }
0x36: {  	p1 =	seq.s32 s10, $0x1;
	s10 =	sld [smem:$0x3FBA];
	_ =	sdelay $0x3  }
0x37: {  	[smem:$0x3FBA] =	sst s10  }
0x38: {  	s10 =	sld [smem:$0x3FBB]  }
0x39: {  	_ = 	snop;
	(pc) =	sbr.ind lr, $3  }
0x3a: {  	_ = 	snop  }
0x3b: {  	_ = 	snop  }
0x3c: {  	p2 =	seq.s32 s10, $0x1;
	s10 =	sld [smem:$0x3FBA]  }
0x3d: {  	_ =	shalt  }
0x3e: {  	_ =	shalt  }
0x3f: {  	_ =	shalt  }
0x40: {  	_ =	shalt  }
0x41: {  	_ =	shalt  }
0x42: {  	_ =	shalt  }
0x43: {  	_ =	shalt  }
0x44: {  	_ =	shalt  }
0x45: {  	_ =	shalt  }
0x46: {  	_ =	shalt  }
0x47: {  	_ =	shalt  }
0x48: {  	_ =	shalt  }
0x49: {  	_ =	shalt  }
0x4a: {  	_ =	shalt  }
0x4b: {  	_ =	shalt  }
0x4c: {  	_ =	shalt  }
0x4d: {  	_ =	shalt  }
0x4e: {  	_ =	shalt  }
0x4f: {  	_ =	shalt  }
0x50: {  	_ =	shalt  }
0x51: {  	_ =	shalt  }
0x52: {  	_ =	shalt  }
0x53: {  	_ =	shalt  }
0x54: {  	_ =	shalt  }
0x55: {  	_ =	shalt  }
0x56: {  	_ =	shalt  }
0x57: {  	_ =	shalt  }
0x58: {  	_ =	shalt  }
0x59: {  	_ =	shalt  }
0x5a: {  	_ =	shalt  }
0x5b: {  	_ =	shalt  }
0x5c: {  	_ =	shalt  }
0x5d: {  	_ =	shalt  }
0x5e: {  	_ =	shalt  }
0x5f: {  	_ =	shalt  }
0x60: {  	_ =	shalt  }
0x61: {  	_ =	shalt  }
0x62: {  	_ =	shalt  }
0x63: {  	_ =	shalt  }
0x64: {  	_ =	shalt  }
0x65: {  	_ =	shalt  }
0x66: {  	_ =	shalt  }
0x67: {  	_ =	shalt  }
0x68: {  	_ =	shalt  }
0x69: {  	_ =	shalt  }
0x6a: {  	_ =	shalt  }
0x6b: {  	_ =	shalt  }
0x6c: {  	_ =	shalt  }
0x6d: {  	_ =	shalt  }
0x6e: {  	_ =	shalt  }
0x6f: {  	_ =	shalt  }
0x70: {  	_ =	shalt  }
0x71: {  	_ =	shalt  }
0x72: {  	_ =	shalt  }
0x73: {  	_ =	shalt  }
0x74: {  	_ =	shalt  }
0x75: {  	_ =	shalt  }
0x76: {  	_ =	shalt  }
0x77: {  	_ =	shalt  }
0x78: {  	_ =	shalt  }
0x79: {  	_ =	shalt  }
0x7a: {  	_ =	shalt  }
0x7b: {  	_ =	shalt  }
0x7c: {  	_ =	shalt  }
0x7d: {  	_ =	shalt  }
0x7e: {  	_ =	shalt  }
0x7f: {  	_ =	shalt  }
0x80: {  	_ =	shalt  }
0x81: {  	_ =	shalt  }
0x82: {  	_ =	shalt  }
0x83: {  	_ =	shalt  }
0x84: {  	_ =	shalt  }
0x85: {  	_ =	shalt  }
0x86: {  	_ =	shalt  }
0x87: {  	_ =	shalt  }
.Lfunc_end0:
.L_simem_size_0:
called_computation_lowered:
.L_overlay_start_0:
0x88: {  	s2 =	sld [smem:$0x3FD9]  }
0x89: {  	s3 =	sld [smem:$0x3FFE];
	_ =	sdelay $0x1  }
0x8a: {  	s1 =	srdreg.scid  }
0x8b: {  	s0 =	sand.u32 $0x1, s1  }
0x8c: {  	s17 =	sshll.u32 s0, $0xA;
	s2 =	sadd.s32 s3, s2  }
0x8d: {  	s2 =	sadd.s32 s2, s17  }
0x8e: {  	[smem:$0x3FC6] =	sst s2  }
0x8f: {  	_ = 	snop  }
0x90: {  	s2 =	sld [smem:$0x3FC8]  }
0x91: {  	s18 =	sld [smem:$0x3FD0];
	(tm) =	ssettm $0x1  }
0x92: {  	s4 =	sld [smem:$0x3FFB];
	_ =	sdelay $0x3  }
0x93: {  	_ =	strace s4  }
0x94: {  	s4 =	sld [smem:$0x3FFC];
	_ =	sdelay $0x3  }
0x95: {  	_ =	strace s4  }
0x96: {  	s4 =	sld [smem:$0x3FFD];
	_ =	sdelay $0x3  }
0x97: {  	_ =	strace s4  }
0x98: {  	_ =	strace $0x8FFFFFFF  }
0x99: {  	s19 =	sld [smem:$0x3FDB];
	_ =	sdelay $0x1  }
0x9a: {  	s5 =	simm.s32 $_scs_section_size  }
0x9b: {  	s6 =	simm.s32 $_size__tile_overlayer_lowered;
	s7 =	simm.s32 $_tile_overlayer_lowered  }
0x9c: {  	s22 =	simm.s32 $0x1BFF;
	s21 =	sshll.u32 s7, $0x1;
	s4 =	sadd.s32 s5, s19  }
0x9d: {  	s8 =	simm.s32 $0x0;
	s20 =	sshll.u32 s6, $0x1;
	s6 =	sadd.s32 s21, s4  }
0x9e: {  	[timem:s8], [sflag:s22] =	dma.local [hbm:s6], s20  }
0x9f: {  	_ =	swait.ge [sflag:s22], s20  }
0xa0: {  	s5 =	ssub.s32 $0x0, s20;
	[sflag:s22] =	ssyncset.done $0x0  }
0xa1: {  	[sflag:s22] =	ssyncadd.s32 s5;
	_ =	sdelay $0x1  }
0xa2: {  	s23 =	simm.s32 $0x1B8B  }
0xa3: {  	_ =	swait.ge [sflag:s23], $0x1  }
0xa4: {  	[sflag:s23] =	ssyncset.done $0x0  }
0xa5: {  	s25 =	simm.s32 $0x1B8E;
	s24 =	sld [smem:$0x3FFE];
	[sflag:s23] =	ssyncadd.s32 $0xFFFFFFFF  }
0xa6: {  	s26 =	simm.s32 $execute0_lowered;
	[smem:$0x3FD2] =	sst s25  }
0xa7: {  	s6 =	sshll.u32 s26, $0x1;
	_ =	strace $0x80000046;
	[dreg:$0x1] =	wrdreg $0xFFFFFFFF  }
0xa8: {  	s28 =	simm.s32 $_size_execute0_lowered;
	s4 =	sadd.s32 s4, s6;
	[dreg:$0x0] =	wrdreg $0x0  }
0xa9: {  	s6 =	sshll.u32 s28, $0x1;
	[dreg:$0x2] =	wrdreg s4  }
0xaa: {  	[dreg:$0x3] =	wrdreg s6  }
0xab: {  	[dreg:$0x4] =	wrdreg $0xC0  }
0xac: {  	_ =	task [dreg:s8], $0x5FFFF  }
0xad: {  	[dreg:$0x1] =	wrdreg $0xFFFFFFFF  }
0xae: {  	[dreg:$0x0] =	wrdreg $0x60  }
0xaf: {  	[dreg:$0x2] =	wrdreg s24  }
0xb0: {  	[dreg:$0x3] =	wrdreg s2  }
0xb1: {  	[dreg:$0x4] =	wrdreg s18  }
0xb2: {  	[dreg:$0x5] =	wrdreg $0x9  }
0xb3: {  	_ =	task.clear_ibuf [dreg:s8], $0x6FFFF;
	_ =	strace $0x90000046  }
0xb4: {  	s29 =	simm.s32 $0x9;
	_ =	strace $0x80000048  }
0xb5: {  	_ =	swait.ge [sflag:s29], $0x1  }
0xb6: {  	[sflag:s29] =	ssyncadd.s32 $0xFFFFFFFF  }
0xb7: {  	_ =	strace $0x90000048  }
0xb8: {  	_ =	sfence  }
0xb9: {  	s30 =	sld [smem:$0x0];
	_ =	sdelay $0x2  }
0xba: {  	s31 =	sshll.u32 s1, $0xD;
	s1 =	sshrl.u32 s1, $0x2  }
0xbb: {  	s3 =	sand.u32 $0x4000, s31;
	s1 =	sadd.s32 s1, s30  }
0xbc: {  	s0 =	sor.u32 s3, s0;
	s1 =	sshll.u32 s1, $0x11  }
0xbd: {  	s0 =	sor.u32 s1, s0  }
0xbe: {  	s0 =	sadd.s32 $0x8F2B, s0  }
0xbf: {  	[sflag:s0] =	ssyncadd.remote.s32 $0x1  }
0xc0: {  	_ =	sfence.sel $0xFFFF  }
0xc1: {  	[dreg:$0x0] =	wrdreg $0xFFFFFFFF;
	(pc) =	sbr.abs _section_cstart, $3  }
0xc2: {  	[dreg:$0x1] =	wrdreg $0xFFFFFFFF  }
0xc3: {  	_ =	task.clear_ibuf [dreg:s8], $0x2FFFF;
	_ =	strace $0x9FFFFFFF  }
0xc4: {  	(tm) =	ssettm $0x7FFFFFFF  }
0xc5: {  	_ =	shalt  }
tec
execute0_lowered:
.L_overlay_start_1:
0x0: {  	(tag) =	ssettag $0x1  }
0x1: {  	s0 =	rddreg [dreg:$0x0]  }
0x2: {  	s4 =	rddreg [dreg:$0x1]  }
0x3: {  	s5 =	rddreg [dreg:$0x2];
	s14 =	simm.s32 $0x0  }
0x4: {  	[smem:$0x7FF] =	sst s14;
	s17 =	sadd.s32 $0x100, s4  }
0x5: {  	s18 =	sadd.s32 $0x200, s4;
	_ =	strace $0x80000047;
	[dreg:$0x7] =	wrdreg s17  }
0x6: {  	s1 =	srdreg.scid;
	s19 =	sadd.s32 $0x300, s4;
	[dreg:$0x8] =	wrdreg s18  }
0x7: {  	s2 =	stileid.u32;
	s20 =	sadd.s32 $0x400, s4;
	[dreg:$0x9] =	wrdreg s19  }
0x8: {  	s1 =	sand.u32 $0x1, s1;
	s21 =	sadd.s32 $0x500, s4;
	[dreg:$0xa] =	wrdreg s20  }
0x9: {  	s2 =	sshll.u32 s2, $0xA;
	s22 =	sadd.s32 $0x600, s4;
	[dreg:$0xb] =	wrdreg s21  }
0xa: {  	s23 =	sadd.s32 $0x700, s4;
	s3 =	sshll.u32 s1, $0x9;
	[dreg:$0xc] =	wrdreg s22  }
0xb: {  	[dreg:$0xd] =	wrdreg s23;
	s3 =	sor.u32 s3, s2  }
0xc: {  	s6 =	sshrl.u32 s3, $0x3;
	[dreg:$0x4] =	wrdreg s3  }
0xd: {  	s24 =	sor.u32 $0x1, s6;
	[dreg:$0x5] =	wrdreg s6  }
0xe: {  	s1 =	ssub.s32 $0x2, s1;
	s25 =	sor.u32 $0x2, s6;
	[dreg:$0xe] =	wrdreg s24  }
0xf: {  	s16 =	sshrl.u32 s1, $0x1;
	s28 =	sor.u32 $0x3, s6;
	[dreg:$0xf] =	wrdreg s25  }
0x10: {  	s1 =	ssub.s32 s1, s16;
	s29 =	sor.u32 $0x4, s6;
	[dreg:$0x10] =	wrdreg s28  }
0x11: {  	s0 =	sadd.s32 s6, s0;
	s30 =	sor.u32 $0x5, s6;
	[dreg:$0x11] =	wrdreg s29  }
0x12: {  	s26 =	sshll.u32 s3, $0x8;
	s0 =	sadd.s32 $0x400, s0;
	[dreg:$0x12] =	wrdreg s30  }
0x13: {  	v0 =	vlaneseq.u32;
	s31 =	smax.u32 s1, $0x1;
	[dreg:$0x6] =	wrdreg s0;
	s0 =	sadd.s32 s26, s5  }
0x14: {  	v1 =	vshrl.u32 v0, $0x3;
	[dreg:$0x14] =	wrdreg s31;
	s0 =	sadd.s32 $0x1F800, s0  }
0x15: {  	vm0 =	vmmov $0xffff;
	v0 =	vand.u32 $0x7, v0;
	s17 =	simm.s32 $0x200;
	v1 =	vmul.u32 $0x8, v1;
	s2 =	simm.s32 $0x0;
	[dreg:$0x13] =	wrdreg s0  }
.LBB2_1:
0x16: {  	[dreg:$0x15] =	wrdreg s2  }
0x17: {  	s0 =	rddreg [dreg:$0x6];
	s20 =	simm.s32 $0xF  }
0x18: {  	[tilespmem:s14], [sflag:$0xF] =	stream.linear.gather [hbm4b:s0+s14], $0x200, $0x38;
	[tilespmem:$0x1C200] =	vst v63  }
0x19: {  	_ =	swait.ge [sflag:s20], $0x200  }
0x1a: {  	[sflag:s20] =	ssyncset.done $0x0  }
0x1b: {  	[sflag:s20] =	ssyncadd.s32 $0xFFFFFE00  }
0x1c: {  	v2 =	vld.msk [tilespmem:$0x0], $0xff;
	_ =	sdelay $0x4  }
0x1d: {  	v3 =	vshll.u32 v2, $0x4  }
0x1e: {  	v2 =	vand.u32 $0x7, v2;
	v3 =	vand.u32 $0xFFFFFF80, v3  }
0x1f: {  	v2 =	vor.u32 v2, v3  }
0x20: {  	v2 =	vperm.xlane v2, v0;
	_ =	sdelay $0x1  }
0x21: {  	v2 =	vadd.s32 v1, v2;
	_ =	sdelay $0x3  }
0x22: {  	s0 =	rddreg [dreg:$0x1]  }
0x23: {  	[tilespmem:s17], [sflag:$0x1] =	stream.indirect_vreg.gather [hbm4b:s0+s14], $0x80, v2, vm0, $0xb8;
	[tilespmem:$0x1C200] =	vst v63  }
0x24: {  	s21 =	simm.s32 $0xA00;
	s1 =	rddreg [dreg:$0x7]  }
0x25: {  	[tilespmem:s21], [sflag:$0x1] =	stream.indirect_vreg.gather [hbm4b:s1+s14], $0x80, v2, vm0, $0xb8;
	[tilespmem:$0x1C200] =	vst v63  }
0x26: {  	s3 =	simm.s32 $0x1200;
	s2 =	rddreg [dreg:$0x8]  }
0x27: {  	[tilespmem:s3], [sflag:$0x1] =	stream.indirect_vreg.gather [hbm4b:s2+s14], $0x80, v2, vm0, $0xb8;
	[tilespmem:$0x1C200] =	vst v63  }
0x28: {  	s4 =	simm.s32 $0x1A00;
	s3 =	rddreg [dreg:$0x9]  }
0x29: {  	[tilespmem:s4], [sflag:$0x1] =	stream.indirect_vreg.gather [hbm4b:s3+s14], $0x80, v2, vm0, $0xb8;
	[tilespmem:$0x1C200] =	vst v63  }
0x2a: {  	s5 =	simm.s32 $0x2200;
	s4 =	rddreg [dreg:$0xa]  }
0x2b: {  	[tilespmem:s5], [sflag:$0x1] =	stream.indirect_vreg.gather [hbm4b:s4+s14], $0x80, v2, vm0, $0xb8;
	[tilespmem:$0x1C200] =	vst v63  }
0x2c: {  	s6 =	simm.s32 $0x2A00;
	s5 =	rddreg [dreg:$0xb]  }
0x2d: {  	[tilespmem:s6], [sflag:$0x1] =	stream.indirect_vreg.gather [hbm4b:s5+s14], $0x80, v2, vm0, $0xb8;
	[tilespmem:$0x1C200] =	vst v63  }
0x2e: {  	s7 =	simm.s32 $0x3200;
	s6 =	rddreg [dreg:$0xc]  }
0x2f: {  	[tilespmem:s7], [sflag:$0x1] =	stream.indirect_vreg.gather [hbm4b:s6+s14], $0x80, v2, vm0, $0xb8;
	[tilespmem:$0x1C200] =	vst v63  }
0x30: {  	s8 =	simm.s32 $0x3A00;
	s7 =	rddreg [dreg:$0xd]  }
0x31: {  	[tilespmem:s8], [sflag:$0x1] =	stream.indirect_vreg.gather [hbm4b:s7+s14], $0x80, v2, vm0, $0xb8;
	[tilespmem:$0x1C200] =	vst v63  }
0x32: {  	v2 =	vld.msk [tilespmem:$0x8], $0xff;
	_ =	sdelay $0x4  }
0x33: {  	v3 =	vshll.u32 v2, $0x4  }
0x34: {  	v2 =	vand.u32 $0x7, v2;
	v3 =	vand.u32 $0xFFFFFF80, v3  }
0x35: {  	v2 =	vor.u32 v2, v3  }
0x36: {  	v2 =	vperm.xlane v2, v0;
	_ =	sdelay $0x1  }
0x37: {  	v2 =	vadd.s32 v1, v2;
	_ =	sdelay $0x3  }
0x38: {  	s22 =	simm.s32 $0x4200  }
0x39: {  	[tilespmem:s22], [sflag:$0x2] =	stream.indirect_vreg.gather [hbm4b:s0+s14], $0x80, v2, vm0, $0xb8;
	[tilespmem:$0x1C200] =	vst v63  }
0x3a: {  	s23 =	simm.s32 $0x4A00  }
0x3b: {  	[tilespmem:s23], [sflag:$0x2] =	stream.indirect_vreg.gather [hbm4b:s1+s14], $0x80, v2, vm0, $0xb8;
	[tilespmem:$0x1C200] =	vst v63  }
0x3c: {  	s24 =	simm.s32 $0x5200  }
0x3d: {  	[tilespmem:s24], [sflag:$0x2] =	stream.indirect_vreg.gather [hbm4b:s2+s14], $0x80, v2, vm0, $0xb8;
	[tilespmem:$0x1C200] =	vst v63  }
0x3e: {  	s25 =	simm.s32 $0x5A00  }
0x3f: {  	[tilespmem:s25], [sflag:$0x2] =	stream.indirect_vreg.gather [hbm4b:s3+s14], $0x80, v2, vm0, $0xb8;
	[tilespmem:$0x1C200] =	vst v63  }
0x40: {  	s26 =	simm.s32 $0x6200  }
0x41: {  	[tilespmem:s26], [sflag:$0x2] =	stream.indirect_vreg.gather [hbm4b:s4+s14], $0x80, v2, vm0, $0xb8;
	[tilespmem:$0x1C200] =	vst v63  }
0x42: {  	s28 =	simm.s32 $0x6A00  }
0x43: {  	[tilespmem:s28], [sflag:$0x2] =	stream.indirect_vreg.gather [hbm4b:s5+s14], $0x80, v2, vm0, $0xb8;
	[tilespmem:$0x1C200] =	vst v63  }
0x44: {  	s29 =	simm.s32 $0x7200  }
0x45: {  	[tilespmem:s29], [sflag:$0x2] =	stream.indirect_vreg.gather [hbm4b:s6+s14], $0x80, v2, vm0, $0xb8;
	[tilespmem:$0x1C200] =	vst v63  }
0x46: {  	s30 =	simm.s32 $0x7A00  }
0x47: {  	[tilespmem:s30], [sflag:$0x2] =	stream.indirect_vreg.gather [hbm4b:s7+s14], $0x80, v2, vm0, $0xb8;
	[tilespmem:$0x1C200] =	vst v63  }
0x48: {  	v2 =	vld.msk [tilespmem:$0x10], $0xff;
	_ =	sdelay $0x4  }
0x49: {  	v3 =	vshll.u32 v2, $0x4  }
0x4a: {  	v2 =	vand.u32 $0x7, v2;
	v3 =	vand.u32 $0xFFFFFF80, v3  }
0x4b: {  	v2 =	vor.u32 v2, v3  }
0x4c: {  	v2 =	vperm.xlane v2, v0;
	_ =	sdelay $0x1  }
0x4d: {  	v2 =	vadd.s32 v1, v2;
	_ =	sdelay $0x3  }
0x4e: {  	s31 =	simm.s32 $0x8200  }
0x4f: {  	[tilespmem:s31], [sflag:$0x3] =	stream.indirect_vreg.gather [hbm4b:s0+s14], $0x80, v2, vm0, $0xb8;
	[tilespmem:$0x1C200] =	vst v63  }
0x50: {  	s9 =	simm.s32 $0x8A00  }
0x51: {  	[tilespmem:s9], [sflag:$0x3] =	stream.indirect_vreg.gather [hbm4b:s1+s14], $0x80, v2, vm0, $0xb8;
	[tilespmem:$0x1C200] =	vst v63  }
0x52: {  	s10 =	simm.s32 $0x9200  }
0x53: {  	[tilespmem:s10], [sflag:$0x3] =	stream.indirect_vreg.gather [hbm4b:s2+s14], $0x80, v2, vm0, $0xb8;
	[tilespmem:$0x1C200] =	vst v63  }
0x54: {  	s11 =	simm.s32 $0x9A00  }
0x55: {  	[tilespmem:s11], [sflag:$0x3] =	stream.indirect_vreg.gather [hbm4b:s3+s14], $0x80, v2, vm0, $0xb8;
	[tilespmem:$0x1C200] =	vst v63  }
0x56: {  	s12 =	simm.s32 $0xA200  }
0x57: {  	[tilespmem:s12], [sflag:$0x3] =	stream.indirect_vreg.gather [hbm4b:s4+s14], $0x80, v2, vm0, $0xb8;
	[tilespmem:$0x1C200] =	vst v63  }
0x58: {  	s13 =	simm.s32 $0xAA00  }
0x59: {  	[tilespmem:s13], [sflag:$0x3] =	stream.indirect_vreg.gather [hbm4b:s5+s14], $0x80, v2, vm0, $0xb8;
	[tilespmem:$0x1C200] =	vst v63  }
0x5a: {  	s15 =	simm.s32 $0xB200  }
0x5b: {  	[tilespmem:s15], [sflag:$0x3] =	stream.indirect_vreg.gather [hbm4b:s6+s14], $0x80, v2, vm0, $0xb8;
	[tilespmem:$0x1C200] =	vst v63  }
0x5c: {  	s16 =	simm.s32 $0xBA00  }
0x5d: {  	[tilespmem:s16], [sflag:$0x3] =	stream.indirect_vreg.gather [hbm4b:s7+s14], $0x80, v2, vm0, $0xb8;
	[tilespmem:$0x1C200] =	vst v63  }
0x5e: {  	v2 =	vld.msk [tilespmem:$0x18], $0xff;
	_ =	sdelay $0x4  }
0x5f: {  	v3 =	vshll.u32 v2, $0x4  }
0x60: {  	v2 =	vand.u32 $0x7, v2;
	v3 =	vand.u32 $0xFFFFFF80, v3  }
0x61: {  	v2 =	vor.u32 v2, v3  }
0x62: {  	v2 =	vperm.xlane v2, v0;
	_ =	sdelay $0x1  }
0x63: {  	v2 =	vadd.s32 v1, v2;
	_ =	sdelay $0x3  }
0x64: {  	s18 =	simm.s32 $0xC200  }
0x65: {  	[tilespmem:s18], [sflag:$0x4] =	stream.indirect_vreg.gather [hbm4b:s0+s14], $0x80, v2, vm0, $0xb8;
	[tilespmem:$0x1C200] =	vst v63  }
0x66: {  	s19 =	simm.s32 $0xCA00  }
0x67: {  	[tilespmem:s19], [sflag:$0x4] =	stream.indirect_vreg.gather [hbm4b:s1+s14], $0x80, v2, vm0, $0xb8;
	[tilespmem:$0x1C200] =	vst v63  }
0x68: {  	s20 =	simm.s32 $0xD200  }
0x69: {  	[tilespmem:s20], [sflag:$0x4] =	stream.indirect_vreg.gather [hbm4b:s2+s14], $0x80, v2, vm0, $0xb8;
	[tilespmem:$0x1C200] =	vst v63  }
0x6a: {  	s21 =	simm.s32 $0xDA00  }
0x6b: {  	[tilespmem:s21], [sflag:$0x4] =	stream.indirect_vreg.gather [hbm4b:s3+s14], $0x80, v2, vm0, $0xb8;
	[tilespmem:$0x1C200] =	vst v63  }
0x6c: {  	s22 =	simm.s32 $0xE200  }
0x6d: {  	[tilespmem:s22], [sflag:$0x4] =	stream.indirect_vreg.gather [hbm4b:s4+s14], $0x80, v2, vm0, $0xb8;
	[tilespmem:$0x1C200] =	vst v63  }
0x6e: {  	s23 =	simm.s32 $0xEA00  }
0x6f: {  	[tilespmem:s23], [sflag:$0x4] =	stream.indirect_vreg.gather [hbm4b:s5+s14], $0x80, v2, vm0, $0xb8;
	[tilespmem:$0x1C200] =	vst v63  }
0x70: {  	s24 =	simm.s32 $0xF200  }
0x71: {  	[tilespmem:s24], [sflag:$0x4] =	stream.indirect_vreg.gather [hbm4b:s6+s14], $0x80, v2, vm0, $0xb8;
	[tilespmem:$0x1C200] =	vst v63  }
0x72: {  	s25 =	simm.s32 $0xFA00  }
0x73: {  	[tilespmem:s25], [sflag:$0x4] =	stream.indirect_vreg.gather [hbm4b:s7+s14], $0x80, v2, vm0, $0xb8;
	[tilespmem:$0x1C200] =	vst v63  }
0x74: {  	v2 =	vld.msk [tilespmem:$0x20], $0xff;
	_ =	sdelay $0x4  }
0x75: {  	v3 =	vshll.u32 v2, $0x4  }
0x76: {  	v2 =	vand.u32 $0x7, v2;
	v3 =	vand.u32 $0xFFFFFF80, v3  }
0x77: {  	v2 =	vor.u32 v2, v3  }
0x78: {  	v2 =	vperm.xlane v2, v0;
	_ =	sdelay $0x1  }
0x79: {  	v2 =	vadd.s32 v1, v2;
	_ =	sdelay $0x3  }
0x7a: {  	s26 =	simm.s32 $0x10200  }
0x7b: {  	[tilespmem:s26], [sflag:$0x5] =	stream.indirect_vreg.gather [hbm4b:s0+s14], $0x80, v2, vm0, $0xb8;
	[tilespmem:$0x1C200] =	vst v63  }
0x7c: {  	s28 =	simm.s32 $0x10A00  }
0x7d: {  	[tilespmem:s28], [sflag:$0x5] =	stream.indirect_vreg.gather [hbm4b:s1+s14], $0x80, v2, vm0, $0xb8;
	[tilespmem:$0x1C200] =	vst v63  }
0x7e: {  	s29 =	simm.s32 $0x11200  }
0x7f: {  	[tilespmem:s29], [sflag:$0x5] =	stream.indirect_vreg.gather [hbm4b:s2+s14], $0x80, v2, vm0, $0xb8;
	[tilespmem:$0x1C200] =	vst v63  }
0x80: {  	s30 =	simm.s32 $0x11A00  }
0x81: {  	[tilespmem:s30], [sflag:$0x5] =	stream.indirect_vreg.gather [hbm4b:s3+s14], $0x80, v2, vm0, $0xb8;
	[tilespmem:$0x1C200] =	vst v63  }
0x82: {  	s31 =	simm.s32 $0x12200  }
0x83: {  	[tilespmem:s31], [sflag:$0x5] =	stream.indirect_vreg.gather [hbm4b:s4+s14], $0x80, v2, vm0, $0xb8;
	[tilespmem:$0x1C200] =	vst v63  }
0x84: {  	s9 =	simm.s32 $0x12A00  }
0x85: {  	[tilespmem:s9], [sflag:$0x5] =	stream.indirect_vreg.gather [hbm4b:s5+s14], $0x80, v2, vm0, $0xb8;
	[tilespmem:$0x1C200] =	vst v63  }
0x86: {  	s10 =	simm.s32 $0x13200  }
0x87: {  	[tilespmem:s10], [sflag:$0x5] =	stream.indirect_vreg.gather [hbm4b:s6+s14], $0x80, v2, vm0, $0xb8;
	[tilespmem:$0x1C200] =	vst v63  }
0x88: {  	s11 =	simm.s32 $0x13A00  }
0x89: {  	[tilespmem:s11], [sflag:$0x5] =	stream.indirect_vreg.gather [hbm4b:s7+s14], $0x80, v2, vm0, $0xb8;
	[tilespmem:$0x1C200] =	vst v63  }
0x8a: {  	v2 =	vld.msk [tilespmem:$0x28], $0xff;
	_ =	sdelay $0x4  }
0x8b: {  	v3 =	vshll.u32 v2, $0x4  }
0x8c: {  	v2 =	vand.u32 $0x7, v2;
	v3 =	vand.u32 $0xFFFFFF80, v3  }
0x8d: {  	v2 =	vor.u32 v2, v3  }
0x8e: {  	v2 =	vperm.xlane v2, v0;
	_ =	sdelay $0x1  }
0x8f: {  	v2 =	vadd.s32 v1, v2;
	_ =	sdelay $0x3  }
0x90: {  	s12 =	simm.s32 $0x14200  }
0x91: {  	[tilespmem:s12], [sflag:$0x6] =	stream.indirect_vreg.gather [hbm4b:s0+s14], $0x80, v2, vm0, $0xb8;
	[tilespmem:$0x1C200] =	vst v63  }
0x92: {  	s13 =	simm.s32 $0x14A00  }
0x93: {  	[tilespmem:s13], [sflag:$0x6] =	stream.indirect_vreg.gather [hbm4b:s1+s14], $0x80, v2, vm0, $0xb8;
	[tilespmem:$0x1C200] =	vst v63  }
0x94: {  	s15 =	simm.s32 $0x15200  }
0x95: {  	[tilespmem:s15], [sflag:$0x6] =	stream.indirect_vreg.gather [hbm4b:s2+s14], $0x80, v2, vm0, $0xb8;
	[tilespmem:$0x1C200] =	vst v63  }
0x96: {  	s16 =	simm.s32 $0x15A00  }
0x97: {  	[tilespmem:s16], [sflag:$0x6] =	stream.indirect_vreg.gather [hbm4b:s3+s14], $0x80, v2, vm0, $0xb8;
	[tilespmem:$0x1C200] =	vst v63  }
0x98: {  	s18 =	simm.s32 $0x16200  }
0x99: {  	[tilespmem:s18], [sflag:$0x6] =	stream.indirect_vreg.gather [hbm4b:s4+s14], $0x80, v2, vm0, $0xb8;
	[tilespmem:$0x1C200] =	vst v63  }
0x9a: {  	s19 =	simm.s32 $0x16A00  }
0x9b: {  	[tilespmem:s19], [sflag:$0x6] =	stream.indirect_vreg.gather [hbm4b:s5+s14], $0x80, v2, vm0, $0xb8;
	[tilespmem:$0x1C200] =	vst v63  }
0x9c: {  	s20 =	simm.s32 $0x17200  }
0x9d: {  	[tilespmem:s20], [sflag:$0x6] =	stream.indirect_vreg.gather [hbm4b:s6+s14], $0x80, v2, vm0, $0xb8;
	[tilespmem:$0x1C200] =	vst v63  }
0x9e: {  	s21 =	simm.s32 $0x17A00  }
0x9f: {  	[tilespmem:s21], [sflag:$0x6] =	stream.indirect_vreg.gather [hbm4b:s7+s14], $0x80, v2, vm0, $0xb8;
	[tilespmem:$0x1C200] =	vst v63  }
0xa0: {  	v2 =	vld.msk [tilespmem:$0x30], $0xff;
	_ =	sdelay $0x4  }
0xa1: {  	v3 =	vshll.u32 v2, $0x4  }
0xa2: {  	v2 =	vand.u32 $0x7, v2;
	v3 =	vand.u32 $0xFFFFFF80, v3  }
0xa3: {  	v2 =	vor.u32 v2, v3  }
0xa4: {  	v2 =	vperm.xlane v2, v0;
	_ =	sdelay $0x1  }
0xa5: {  	v2 =	vadd.s32 v1, v2;
	_ =	sdelay $0x3  }
0xa6: {  	s22 =	simm.s32 $0x18200  }
0xa7: {  	[tilespmem:s22], [sflag:$0x7] =	stream.indirect_vreg.gather [hbm4b:s0+s14], $0x80, v2, vm0, $0xb8;
	[tilespmem:$0x1C200] =	vst v63  }
0xa8: {  	s23 =	simm.s32 $0x18A00  }
0xa9: {  	[tilespmem:s23], [sflag:$0x7] =	stream.indirect_vreg.gather [hbm4b:s1+s14], $0x80, v2, vm0, $0xb8;
	[tilespmem:$0x1C200] =	vst v63  }
0xaa: {  	s24 =	simm.s32 $0x19200  }
0xab: {  	[tilespmem:s24], [sflag:$0x7] =	stream.indirect_vreg.gather [hbm4b:s2+s14], $0x80, v2, vm0, $0xb8;
	[tilespmem:$0x1C200] =	vst v63  }
0xac: {  	s25 =	simm.s32 $0x19A00  }
0xad: {  	[tilespmem:s25], [sflag:$0x7] =	stream.indirect_vreg.gather [hbm4b:s3+s14], $0x80, v2, vm0, $0xb8;
	[tilespmem:$0x1C200] =	vst v63  }
0xae: {  	s26 =	simm.s32 $0x1A200  }
0xaf: {  	[tilespmem:s26], [sflag:$0x7] =	stream.indirect_vreg.gather [hbm4b:s4+s14], $0x80, v2, vm0, $0xb8;
	[tilespmem:$0x1C200] =	vst v63  }
0xb0: {  	s28 =	simm.s32 $0x1AA00  }
0xb1: {  	[tilespmem:s28], [sflag:$0x7] =	stream.indirect_vreg.gather [hbm4b:s5+s14], $0x80, v2, vm0, $0xb8;
	[tilespmem:$0x1C200] =	vst v63  }
0xb2: {  	s29 =	simm.s32 $0x1B200;
	s31 =	simm.s32 $0x0  }
0xb3: {  	[tilespmem:s29], [sflag:$0x7] =	stream.indirect_vreg.gather [hbm4b:s6+s14], $0x80, v2, vm0, $0xb8;
	[tilespmem:$0x1C200] =	vst v63  }
0xb4: {  	s30 =	simm.s32 $0x1BA00;
	[dreg:$0x16] =	wrdreg s31  }
0xb5: {  	[tilespmem:s30], [sflag:$0x7] =	stream.indirect_vreg.gather [hbm4b:s7+s14], $0x80, v2, vm0, $0xb8;
	[tilespmem:$0x1C200] =	vst v63  }
.LBB2_2:
0xb6: {  	s3 =	simm.s32 $0x1  }
0xb7: {  	s0 =	simm.s32 $0x0;
	s1 =	simm.s32 $0x0;
	_ =	swait.ge [sflag:s3], $0x4000  }
0xb8: {  	s1 =	sand.u32 $0x60, s1;
	s2 =	sand.u32 $0x3C00, s0;
	[sflag:s3] =	ssyncset.done $0x0  }
0xb9: {  	s1 =	sor.u32 s1, s2;
	[sflag:s3] =	ssyncadd.s32 $0xFFFFC000  }
0xba: {  	v2 =	vld [tilespmem:s1+$0x210]  }
0xbb: {  	v3 =	vld [tilespmem:s1+$0x290]  }
0xbc: {  	v4 =	vld [tilespmem:s1+$0x310]  }
0xbd: {  	v5 =	vld [tilespmem:s1+$0x390]  }
0xbe: {  	v6 =	vld [tilespmem:s1+$0x410]  }
0xbf: {  	v7 =	vld [tilespmem:s1+$0x490];
	v2 =	vmul.f32 $4.525483320e+01, v2  }
0xc0: {  	v3 =	vmul.f32 $4.525483320e+01, v3  }
0xc1: {  	[tilespmem:s1+$0x210] =	vst v2;
	v2 =	vmul.f32 $4.525483320e+01, v4  }
0xc2: {  	s0 =	sand.u32 $0x3, s0;
	v4 =	vld [tilespmem:s1+$0x200];
	[tilespmem:s1+$0x290] =	vst v3;
	v3 =	vmul.f32 $4.525483320e+01, v5  }
0xc3: {  	s0 =	sshll.u32 s0, $0x5;
	v5 =	vld [tilespmem:s1+$0x280];
	[tilespmem:s1+$0x310] =	vst v2;
	v2 =	vmul.f32 $4.525483320e+01, v6  }
0xc4: {  	s24 =	sadd.s32 $0x0, s0;
	v6 =	vld [tilespmem:s1+$0x300];
	[tilespmem:s1+$0x390] =	vst v3;
	v3 =	vmul.f32 $4.525483320e+01, v7  }
0xc5: {  	s0 =	sadd.s32 $0x10, s24;
	v7 =	vld [tilespmem:s1+$0x380];
	[tilespmem:s1+$0x410] =	vst v2  }
0xc6: {  	s25 =	simm.s32 $0x20;
	s6 =	simm.s32 $0x100;
	s5 =	sor.u32 $0x300, s0;
	v2 =	vld [tilespmem:s1+$0x400];
	[tilespmem:s1+$0x490] =	vst v3  }
0xc7: {  	s6 =	sand.u32 $0x3C00, s6;
	s3 =	sand.u32 $0x60, s25;
	v3 =	vmul.f32 $4.525483320e+01, v4;
	v4 =	vld [tilespmem:s5+$0x200]  }
0xc8: {  	v8 =	vld [tilespmem:s1+$0x480];
	s3 =	sor.u32 s3, s6;
	v5 =	vmul.f32 $4.525483320e+01, v5  }
0xc9: {  	[tilespmem:s1+$0x200] =	vst v3;
	v3 =	vmul.f32 $4.525483320e+01, v6;
	v6 =	vld [tilespmem:s3+$0x210]  }
0xca: {  	[tilespmem:s1+$0x280] =	vst v5;
	v5 =	vmul.f32 $4.525483320e+01, v7;
	v7 =	vld [tilespmem:s3+$0x290]  }
0xcb: {  	[tilespmem:s1+$0x300] =	vst v3;
	v2 =	vmul.f32 $4.525483320e+01, v2;
	v3 =	vld [tilespmem:s3+$0x310]  }
0xcc: {  	[tilespmem:s1+$0x380] =	vst v5;
	v5 =	vld [tilespmem:s3+$0x390];
	v4 =	vmul.f32 $4.525483320e+01, v4  }
0xcd: {  	v8 =	vmul.f32 $4.525483320e+01, v8;
	[tilespmem:s1+$0x400] =	vst v2;
	v2 =	vld [tilespmem:s3+$0x410]  }
0xce: {  	v9 =	vld [tilespmem:s3+$0x490];
	s0 =	sor.u32 $0x380, s0;
	v6 =	vmul.f32 $4.525483320e+01, v6;
	[tilespmem:s5+$0x200] =	vst v4  }
0xcf: {  	[tilespmem:s1+$0x480] =	vst v8;
	v4 =	vmul.f32 $4.525483320e+01, v7;
	v7 =	vld [tilespmem:s0+$0x200]  }
0xd0: {  	s26 =	simm.s32 $0x1;
	v8 =	vld [tilespmem:s3+$0x200];
	[tilespmem:s3+$0x210] =	vst v6;
	v3 =	vmul.f32 $4.525483320e+01, v3  }
0xd1: {  	s1 =	sand.u32 $0x3, s26;
	v6 =	vld [tilespmem:s3+$0x280];
	[tilespmem:s3+$0x290] =	vst v4;
	v4 =	vmul.f32 $4.525483320e+01, v5  }
0xd2: {  	s1 =	sshll.u32 s1, $0x5;
	v5 =	vld [tilespmem:s3+$0x300];
	[tilespmem:s3+$0x310] =	vst v3;
	v2 =	vmul.f32 $4.525483320e+01, v2  }
0xd3: {  	s8 =	sadd.s32 $0x100, s1;
	v3 =	vld [tilespmem:s3+$0x380];
	[tilespmem:s3+$0x390] =	vst v4;
	v4 =	vmul.f32 $4.525483320e+01, v9  }
0xd4: {  	s28 =	sadd.s32 $0x10, s8;
	v9 =	vld [tilespmem:s3+$0x400];
	[tilespmem:s3+$0x410] =	vst v2;
	v2 =	vmul.f32 $4.525483320e+01, v7  }
0xd5: {  	s5 =	simm.s32 $0x200;
	s1 =	simm.s32 $0x40;
	s9 =	sor.u32 $0x300, s28;
	v7 =	vmul.f32 $4.525483320e+01, v8;
	v8 =	vld [tilespmem:s3+$0x480];
	[tilespmem:s3+$0x490] =	vst v4  }
0xd6: {  	s10 =	sor.u32 $0x300, s24;
	s11 =	sand.u32 $0x3C00, s5;
	s29 =	sand.u32 $0x60, s1;
	v4 =	vmul.f32 $4.525483320e+01, v6;
	[tilespmem:s0+$0x200] =	vst v2;
	v2 =	vld [tilespmem:s9+$0x200]  }
0xd7: {  	v6 =	vld [tilespmem:s10+$0x200];
	v5 =	vmul.f32 $4.525483320e+01, v5;
	[tilespmem:s3+$0x200] =	vst v7;
	s0 =	sor.u32 s29, s11  }
0xd8: {  	[tilespmem:s3+$0x280] =	vst v4;
	v3 =	vmul.f32 $4.525483320e+01, v3;
	v4 =	vld [tilespmem:s0+$0x210]  }
0xd9: {  	[tilespmem:s3+$0x300] =	vst v5;
	v5 =	vmul.f32 $4.525483320e+01, v9;
	v7 =	vld [tilespmem:s0+$0x290]  }
0xda: {  	[tilespmem:s3+$0x380] =	vst v3;
	v3 =	vmul.f32 $4.525483320e+01, v8;
	v8 =	vld [tilespmem:s0+$0x310]  }
0xdb: {  	[tilespmem:s3+$0x400] =	vst v5;
	v5 =	vld [tilespmem:s0+$0x390];
	v2 =	vmul.f32 $4.525483320e+01, v2  }
0xdc: {  	v9 =	vld [tilespmem:s0+$0x410];
	v6 =	vmul.f32 $4.525483320e+01, v6;
	[tilespmem:s3+$0x480] =	vst v3  }
0xdd: {  	s16 =	sor.u32 $0x380, s28;
	v10 =	vld [tilespmem:s0+$0x490];
	v3 =	vmul.f32 $4.525483320e+01, v4;
	[tilespmem:s9+$0x200] =	vst v2  }
0xde: {  	[tilespmem:s10+$0x200] =	vst v6;
	v4 =	vmul.f32 $4.525483320e+01, v7;
	v7 =	vld [tilespmem:s16+$0x200]  }
0xdf: {  	v11 =	vld [tilespmem:s0+$0x200];
	[tilespmem:s0+$0x210] =	vst v3;
	v6 =	vmul.f32 $4.525483320e+01, v8  }
0xe0: {  	s3 =	simm.s32 $0x2;
	v2 =	vld [tilespmem:s0+$0x280];
	[tilespmem:s0+$0x290] =	vst v4;
	v5 =	vmul.f32 $4.525483320e+01, v5  }
0xe1: {  	s30 =	sand.u32 $0x3, s3;
	v3 =	vld [tilespmem:s0+$0x300];
	v8 =	vmul.f32 $4.525483320e+01, v9;
	[tilespmem:s0+$0x310] =	vst v6  }
0xe2: {  	s2 =	sor.u32 $0x300, s8;
	s9 =	sshll.u32 s30, $0x5;
	v4 =	vld [tilespmem:s0+$0x380];
	v9 =	vmul.f32 $4.525483320e+01, v10;
	[tilespmem:s0+$0x390] =	vst v5  }
0xe3: {  	s6 =	sor.u32 $0x380, s24;
	s15 =	sor.u32 $0x380, s8;
	s31 =	sadd.s32 $0x200, s9;
	v6 =	vld [tilespmem:s0+$0x400];
	[tilespmem:s0+$0x410] =	vst v8;
	v5 =	vmul.f32 $4.525483320e+01, v7  }
0xe4: {  	s9 =	sor.u32 $0x300, s31;
	s8 =	sor.u32 $0x380, s31;
	s10 =	sadd.s32 $0x10, s31;
	v8 =	vmul.f32 $4.525483320e+01, v11;
	[tilespmem:s0+$0x490] =	vst v9;
	v7 =	vld [tilespmem:s0+$0x480]  }
.LBB2_3:
0xe5: {  	s1 =	sadd.s32 $0x20, s1;
	v2 =	vmul.f32 $4.525483320e+01, v2;
	s11 =	sor.u32 $0x300, s10;
	s5 =	sadd.s32 $0x100, s5;
	v9 =	vld [tilespmem:s2+$0x200];
	[tilespmem:s16+$0x200] =	vst v5  }
0xe6: {  	s12 =	sand.u32 $0x60, s1;
	s13 =	sand.u32 $0x3C00, s5;
	[tilespmem:s0+$0x200] =	vst v8;
	v3 =	vmul.f32 $4.525483320e+01, v3;
	v5 =	vld [tilespmem:s11+$0x200]  }
0xe7: {  	s12 =	sor.u32 s12, s13;
	[tilespmem:s0+$0x280] =	vst v2;
	v2 =	vmul.f32 $4.525483320e+01, v4;
	v4 =	vld [tilespmem:s6+$0x200]  }
0xe8: {  	v8 =	vld [tilespmem:s12+$0x210];
	[tilespmem:s0+$0x300] =	vst v3;
	v3 =	vmul.f32 $4.525483320e+01, v6  }
0xe9: {  	v6 =	vld [tilespmem:s12+$0x290];
	[tilespmem:s0+$0x380] =	vst v2;
	v2 =	vmul.f32 $4.525483320e+01, v7  }
0xea: {  	v7 =	vld [tilespmem:s12+$0x310];
	[tilespmem:s0+$0x400] =	vst v3;
	v3 =	vmul.f32 $4.525483320e+01, v9  }
0xeb: {  	p0 =	slt.u32 s1, $0x7E0;
	v9 =	vld [tilespmem:s12+$0x390];
	[tilespmem:s0+$0x480] =	vst v2;
	v2 =	vmul.f32 $4.525483320e+01, v5;
	s0 =	smov.u32 s12  }
0xec: {  	v5 =	vld [tilespmem:s0+$0x410];
	[tilespmem:s2+$0x200] =	vst v3;
	v3 =	vmul.f32 $4.525483320e+01, v4;
	s2 =	smov.u32 s9  }
0xed: {  	s16 =	sor.u32 $0x380, s10;
	v4 =	vmul.f32 $4.525483320e+01, v8;
	v8 =	vld [tilespmem:s0+$0x490];
	[tilespmem:s11+$0x200] =	vst v2  }
0xee: {  	v6 =	vmul.f32 $4.525483320e+01, v6;
	v10 =	vld [tilespmem:s16+$0x200];
	[tilespmem:s6+$0x200] =	vst v3;
	s6 =	smov.u32 s15;
	s15 =	smov.u32 s8  }
0xef: {  	v11 =	vld [tilespmem:s0+$0x200];
	[tilespmem:s0+$0x210] =	vst v4;
	v4 =	vmul.f32 $4.525483320e+01, v7  }
.Ltmp0:
0xf0: {  	s3 =	sadd.s32 $0x1, s3;
	v2 =	vld [tilespmem:s0+$0x280];
	[tilespmem:s0+$0x290] =	vst v6;
	v6 =	vmul.f32 $4.525483320e+01, v9;
	(pc) =	sbr.rel @p0 .LBB2_3-.Ltmp0, $4  }
0xf1: {  	s8 =	sand.u32 $0x3, s3;
	v3 =	vld [tilespmem:s0+$0x300];
	[tilespmem:s0+$0x310] =	vst v4;
	v5 =	vmul.f32 $4.525483320e+01, v5  }
0xf2: {  	s8 =	sshll.u32 s8, $0x5;
	v4 =	vld [tilespmem:s0+$0x380];
	[tilespmem:s0+$0x390] =	vst v6;
	v9 =	vmul.f32 $4.525483320e+01, v8  }
0xf3: {  	s10 =	sadd.s32 s8, s5;
	v6 =	vld [tilespmem:s0+$0x400];
	[tilespmem:s0+$0x410] =	vst v5;
	v5 =	vmul.f32 $4.525483320e+01, v10  }
0xf4: {  	s9 =	sor.u32 $0x300, s10;
	s8 =	sor.u32 $0x380, s10;
	s10 =	sadd.s32 $0x10, s10;
	v8 =	vmul.f32 $4.525483320e+01, v11;
	v7 =	vld [tilespmem:s0+$0x480];
	[tilespmem:s0+$0x490] =	vst v9  }
0xf5: {  	v2 =	vmul.f32 $4.525483320e+01, v2  }
0xf6: {  	v3 =	vmul.f32 $4.525483320e+01, v3  }
0xf7: {  	[tilespmem:s0+$0x280] =	vst v2;
	v2 =	vmul.f32 $4.525483320e+01, v4  }
0xf8: {  	s1 =	sor.u32 $0x300, s10;
	[tilespmem:s0+$0x300] =	vst v3;
	v3 =	vmul.f32 $4.525483320e+01, v6  }
0xf9: {  	v4 =	vld [tilespmem:s1+$0x200];
	[tilespmem:s0+$0x380] =	vst v2  }
0xfa: {  	v2 =	vmul.f32 $4.525483320e+01, v7;
	[tilespmem:s0+$0x400] =	vst v3;
	v3 =	vld [tilespmem:s2+$0x200]  }
0xfb: {  	[tilespmem:s0+$0x200] =	vst v8  }
0xfc: {  	[tilespmem:s0+$0x480] =	vst v2  }
0xfd: {  	v2 =	vld [tilespmem:s9+$0x200]  }
0xfe: {  	v4 =	vmul.f32 $4.525483320e+01, v4  }
0xff: {  	v3 =	vmul.f32 $4.525483320e+01, v3  }
0x100: {  	s7 =	sor.u32 $0x380, s10;
	v6 =	vld [tilespmem:s6+$0x200];
	[tilespmem:s1+$0x200] =	vst v4  }
0x101: {  	[tilespmem:s2+$0x200] =	vst v3;
	v3 =	vld [tilespmem:s7+$0x200]  }
0x102: {  	v2 =	vmul.f32 $4.525483320e+01, v2;
	_ =	sdelay $0x1  }
0x103: {  	v4 =	vld [tilespmem:s15+$0x200];
	[tilespmem:s9+$0x200] =	vst v2  }
0x104: {  	v6 =	vmul.f32 $4.525483320e+01, v6;
	v2 =	vld [tilespmem:s8+$0x200]  }
0x105: {  	[tilespmem:s16+$0x200] =	vst v5;
	v3 =	vmul.f32 $4.525483320e+01, v3  }
0x106: {  	s2 =	rddreg [dreg:$0x16];
	[tilespmem:s6+$0x200] =	vst v6  }
0x107: {  	s9 =	smul.u32 $0x38, s2;
	[tilespmem:s7+$0x200] =	vst v3  }
0x108: {  	v4 =	vmul.f32 $4.525483320e+01, v4;
	s0 =	rddreg [dreg:$0x4]  }
0x109: {  	v2 =	vmul.f32 $4.525483320e+01, v2;
	s0 =	sadd.s32 s0, s9  }
0x10a: {  	s10 =	rddreg [dreg:$0x2];
	[tilespmem:s15+$0x200] =	vst v4;
	s0 =	sshll.u32 s0, $0x8  }
0x10b: {  	s11 =	smul.u32 $0x7, s2;
	p0 =	seq.s32 s2, $0x0;
	[tilespmem:s8+$0x200] =	vst v2;
	s0 =	sadd.s32 s10, s0  }
0x10c: {  	[hbm4b:s0+s14] =	stream.linear.scatter [tilespmem:s17], [sflag:$0x8], $0x4000, $0x38;
	[tilespmem:$0x1C200] =	vst v63  }
0x10d: {  	[dreg:$0x19] =	wrdreg s11;
	s0 =	simm.s32 @!p0 $0xE  }
0x10e: {  	s1 =	sadd.s32 $0x6, s11;
	_ =	swait.ge @!p0 [sflag:s0], $0x4000  }
0x10f: {  	[dreg:$0x17] =	wrdreg s1;
	s1 =	sshll.u32 @!p0 s1, $0x3;
	[sflag:s0] =	ssyncset.done @!p0 $0x0  }
0x110: {  	[sflag:s0] =	ssyncadd.s32 @!p0 $0xFFFFC000;
	s0 =	sand.u32 @!p0 $0x3FFFFFF8, s1  }
0x111: {  	v2 =	vld.msk @!p0 [tilespmem:s0+$0x0], $0xff;
	_ =	sdelay $0x4  }
0x112: {  	v3 =	vshll.u32 @!p0 v2, $0x4  }
0x113: {  	v4 =	vlaneseq.u32 @!p0;
	v2 =	vand.u32 @!p0 $0x7, v2;
	v3 =	vand.u32 @!p0 $0xFFFFFF80, v3  }
0x114: {  	v2 =	vor.u32 @!p0 v2, v3;
	v3 =	vand.u32 @!p0 $0x7, v4;
	v4 =	vshrl.u32 @!p0 v4, $0x3  }
0x115: {  	v2 =	vperm.xlane @!p0 v2, v3;
	v3 =	vmul.u32 @!p0 $0x8, v4;
	_ =	sdelay $0x1  }
0x116: {  	v2 =	vadd.s32 @!p0 v3, v2;
	_ =	sdelay $0x3  }
0x117: {  	vm1 =	vmmov @!p0 $0xffff;
	s1 =	simm.s32 @!p0 $0x18200;
	s0 =	simm.s32 @!p0 $0x0;
	s2 =	rddreg [dreg:$0x1]  }
0x118: {  	[tilespmem:s1], [sflag:$0x7] =	stream.indirect_vreg.gather @!p0 [hbm4b:s2+s0], $0x80, v2, vm1, $0xb8;
	[tilespmem:$0x1C200] =	vst v63  }
0x119: {  	s1 =	simm.s32 @!p0 $0x18A00;
	s2 =	rddreg [dreg:$0x7]  }
0x11a: {  	[tilespmem:s1], [sflag:$0x7] =	stream.indirect_vreg.gather @!p0 [hbm4b:s2+s0], $0x80, v2, vm1, $0xb8;
	[tilespmem:$0x1C200] =	vst v63  }
0x11b: {  	s1 =	simm.s32 @!p0 $0x19200;
	s2 =	rddreg [dreg:$0x8]  }
0x11c: {  	[tilespmem:s1], [sflag:$0x7] =	stream.indirect_vreg.gather @!p0 [hbm4b:s2+s0], $0x80, v2, vm1, $0xb8;
	[tilespmem:$0x1C200] =	vst v63  }
0x11d: {  	s1 =	simm.s32 @!p0 $0x19A00;
	s2 =	rddreg [dreg:$0x9]  }
0x11e: {  	[tilespmem:s1], [sflag:$0x7] =	stream.indirect_vreg.gather @!p0 [hbm4b:s2+s0], $0x80, v2, vm1, $0xb8;
	[tilespmem:$0x1C200] =	vst v63  }
0x11f: {  	s1 =	simm.s32 @!p0 $0x1A200;
	s2 =	rddreg [dreg:$0xa]  }
0x120: {  	[tilespmem:s1], [sflag:$0x7] =	stream.indirect_vreg.gather @!p0 [hbm4b:s2+s0], $0x80, v2, vm1, $0xb8;
	[tilespmem:$0x1C200] =	vst v63  }
0x121: {  	s12 =	simm.s32 $0x0;
	s1 =	simm.s32 @!p0 $0x1AA00;
	s2 =	rddreg [dreg:$0xb]  }
0x122: {  	[tilespmem:s1], [sflag:$0x7] =	stream.indirect_vreg.gather @!p0 [hbm4b:s2+s0], $0x80, v2, vm1, $0xb8;
	[tilespmem:$0x1C200] =	vst v63  }
0x123: {  	s13 =	simm.s32 $0x0;
	s1 =	simm.s32 @!p0 $0x1B200;
	s2 =	rddreg [dreg:$0xc]  }
0x124: {  	[tilespmem:s1], [sflag:$0x7] =	stream.indirect_vreg.gather @!p0 [hbm4b:s2+s0], $0x80, v2, vm1, $0xb8;
	[tilespmem:$0x1C200] =	vst v63  }
0x125: {  	s3 =	simm.s32 $0x2;
	s1 =	simm.s32 @!p0 $0x1BA00;
	s2 =	rddreg [dreg:$0xd]  }
0x126: {  	[tilespmem:s1], [sflag:$0x7] =	stream.indirect_vreg.gather @!p0 [hbm4b:s2+s0], $0x80, v2, vm1, $0xb8;
	[tilespmem:$0x1C200] =	vst v63  }
0x127: {  	s1 =	sand.u32 $0x60, s13;
	s0 =	sand.u32 $0x3C00, s12;
	_ =	swait.ge [sflag:s3], $0x4000  }
0x128: {  	s14 =	sor.u32 $0x4200, s0;
	s29 =	sor.u32 $0x10, s1;
	[sflag:s3] =	ssyncset.done $0x0  }
0x129: {  	s15 =	sor.u32 s29, s14;
	[sflag:s3] =	ssyncadd.s32 $0xFFFFC000  }
0x12a: {  	v2 =	vld [tilespmem:s15+$0x0];
	_ =	sdelay $0x2  }
0x12b: {  	s2 =	sor.u32 s1, s14  }
0x12c: {  	v3 =	vld [tilespmem:s2+$0x0]  }
0x12d: {  	v2 =	vmul.f32 $4.525483320e+01, v2  }
0x12e: {  	s16 =	sor.u32 $0x4280, s0  }
0x12f: {  	s17 =	sor.u32 s29, s16;
	[tilespmem:s15+$0x0] =	vst v2  }
0x130: {  	v2 =	vld [tilespmem:s17+$0x0]  }
0x131: {  	v3 =	vmul.f32 $4.525483320e+01, v3;
	_ =	sdelay $0x1  }
0x132: {  	s18 =	simm.s32 $0x20;
	s19 =	simm.s32 $0x100;
	s6 =	sor.u32 s1, s16;
	[tilespmem:s2+$0x0] =	vst v3  }
0x133: {  	s22 =	sand.u32 $0x60, s18;
	s15 =	sand.u32 $0x3C00, s19;
	v3 =	vld [tilespmem:s6+$0x0]  }
0x134: {  	s18 =	sor.u32 $0x10, s22;
	s20 =	sor.u32 $0x4200, s15;
	v2 =	vmul.f32 $4.525483320e+01, v2  }
0x135: {  	s23 =	sor.u32 $0x4300, s0;
	s21 =	sor.u32 s18, s20  }
0x136: {  	s24 =	sor.u32 s29, s23;
	[tilespmem:s17+$0x0] =	vst v2;
	v2 =	vld [tilespmem:s21+$0x0]  }
0x137: {  	v4 =	vld [tilespmem:s24+$0x0]  }
0x138: {  	v3 =	vmul.f32 $4.525483320e+01, v3  }
0x139: {  	s2 =	sor.u32 s22, s20  }
0x13a: {  	s9 =	sor.u32 s1, s23;
	[tilespmem:s6+$0x0] =	vst v3;
	v3 =	vld [tilespmem:s2+$0x0]  }
0x13b: {  	v5 =	vld [tilespmem:s9+$0x0];
	v2 =	vmul.f32 $4.525483320e+01, v2  }
0x13c: {  	s25 =	sor.u32 $0x4280, s15;
	v4 =	vmul.f32 $4.525483320e+01, v4  }
0x13d: {  	s4 =	sor.u32 $0x4380, s0;
	s26 =	sor.u32 s18, s25;
	[tilespmem:s21+$0x0] =	vst v2  }
0x13e: {  	s5 =	sor.u32 s29, s4;
	v2 =	vld [tilespmem:s26+$0x0];
	[tilespmem:s24+$0x0] =	vst v4  }
0x13f: {  	v3 =	vmul.f32 $4.525483320e+01, v3;
	v4 =	vld [tilespmem:s5+$0x0]  }
0x140: {  	v5 =	vmul.f32 $4.525483320e+01, v5  }
0x141: {  	s7 =	simm.s32 $0x40;
	s11 =	simm.s32 $0x200;
	s6 =	sor.u32 s22, s25;
	[tilespmem:s2+$0x0] =	vst v3  }
0x142: {  	s10 =	sor.u32 s1, s4;
	s16 =	sand.u32 $0x60, s7;
	s19 =	sand.u32 $0x3C00, s11;
	v3 =	vld [tilespmem:s6+$0x0];
	[tilespmem:s9+$0x0] =	vst v5  }
0x143: {  	s11 =	sor.u32 $0x4200, s19;
	s17 =	sor.u32 $0x10, s16;
	v5 =	vld [tilespmem:s10+$0x0];
	v2 =	vmul.f32 $4.525483320e+01, v2  }
0x144: {  	s14 =	sor.u32 $0x4300, s15;
	s13 =	sor.u32 s17, s11;
	v4 =	vmul.f32 $4.525483320e+01, v4  }
0x145: {  	s12 =	sadd.s32 $0x4400, s0;
	s20 =	sor.u32 s18, s14;
	[tilespmem:s26+$0x0] =	vst v2;
	v2 =	vld [tilespmem:s13+$0x0]  }
0x146: {  	s21 =	sor.u32 s29, s12;
	[tilespmem:s5+$0x0] =	vst v4;
	v4 =	vld [tilespmem:s20+$0x0]  }
0x147: {  	v3 =	vmul.f32 $4.525483320e+01, v3;
	v6 =	vld [tilespmem:s21+$0x0]  }
0x148: {  	s2 =	sor.u32 s16, s11;
	v5 =	vmul.f32 $4.525483320e+01, v5  }
0x149: {  	s11 =	sor.u32 s22, s14;
	[tilespmem:s6+$0x0] =	vst v3;
	v3 =	vld [tilespmem:s2+$0x0]  }
0x14a: {  	s12 =	sor.u32 s1, s12;
	[tilespmem:s10+$0x0] =	vst v5;
	v5 =	vld [tilespmem:s11+$0x0];
	v2 =	vmul.f32 $4.525483320e+01, v2  }
0x14b: {  	s23 =	sor.u32 $0x4280, s19;
	v7 =	vld [tilespmem:s12+$0x0];
	v4 =	vmul.f32 $4.525483320e+01, v4  }
0x14c: {  	s25 =	sor.u32 $0x4380, s15;
	s24 =	sor.u32 s17, s23;
	[tilespmem:s13+$0x0] =	vst v2;
	v2 =	vmul.f32 $4.525483320e+01, v6  }
0x14d: {  	s26 =	sor.u32 s18, s25;
	s13 =	sadd.s32 $0x4480, s0;
	v6 =	vld [tilespmem:s24+$0x0];
	[tilespmem:s20+$0x0] =	vst v4  }
0x14e: {  	v3 =	vmul.f32 $4.525483320e+01, v3;
	s14 =	sor.u32 s29, s13;
	v4 =	vld [tilespmem:s26+$0x0];
	[tilespmem:s21+$0x0] =	vst v2  }
0x14f: {  	v2 =	vmul.f32 $4.525483320e+01, v5;
	v5 =	vld [tilespmem:s14+$0x0]  }
0x150: {  	s30 =	simm.s32 $0x60;
	s31 =	simm.s32 $0x300;
	[tilespmem:s2+$0x0] =	vst v3;
	v3 =	vmul.f32 $4.525483320e+01, v7;
	s20 =	sor.u32 s16, s23  }
0x151: {  	s6 =	sand.u32 $0x60, s30;
	s2 =	sor.u32 s22, s25;
	v7 =	vld [tilespmem:s20+$0x0];
	s21 =	sand.u32 $0x3C00, s31;
	[tilespmem:s11+$0x0] =	vst v2  }
0x152: {  	s10 =	sor.u32 s1, s13;
	s23 =	sor.u32 $0x10, s6;
	[tilespmem:s12+$0x0] =	vst v3;
	s4 =	sor.u32 $0x4200, s21;
	v2 =	vmul.f32 $4.525483320e+01, v6;
	v6 =	vld [tilespmem:s2+$0x0]  }
0x153: {  	s5 =	sor.u32 $0x4300, s19;
	s12 =	sor.u32 s23, s4;
	v3 =	vmul.f32 $4.525483320e+01, v4;
	v4 =	vld [tilespmem:s10+$0x0]  }
0x154: {  	s7 =	sor.u32 s17, s5;
	[tilespmem:s24+$0x0] =	vst v2;
	v2 =	vmul.f32 $4.525483320e+01, v5;
	v5 =	vld [tilespmem:s12+$0x0];
	s24 =	sadd.s32 $0x4400, s15  }
0x155: {  	s25 =	sadd.s32 $0x4500, s0;
	[tilespmem:s26+$0x0] =	vst v3;
	v3 =	vld [tilespmem:s7+$0x0];
	s26 =	sor.u32 s18, s24  }
0x156: {  	[tilespmem:s14+$0x0] =	vst v2;
	v2 =	vmul.f32 $4.525483320e+01, v7;
	v7 =	vld [tilespmem:s26+$0x0];
	s14 =	sor.u32 s29, s25  }
0x157: {  	s11 =	sor.u32 s6, s4;
	v6 =	vmul.f32 $4.525483320e+01, v6;
	v8 =	vld [tilespmem:s14+$0x0]  }
0x158: {  	s3 =	sor.u32 s16, s5;
	[tilespmem:s20+$0x0] =	vst v2;
	v2 =	vmul.f32 $4.525483320e+01, v4;
	v4 =	vld [tilespmem:s11+$0x0]  }
0x159: {  	s24 =	sor.u32 s22, s24;
	[tilespmem:s2+$0x0] =	vst v6;
	v5 =	vmul.f32 $4.525483320e+01, v5;
	v9 =	vld [tilespmem:s3+$0x0]  }
0x15a: {  	s28 =	sor.u32 s1, s25;
	s4 =	sor.u32 $0x4280, s21;
	[tilespmem:s10+$0x0] =	vst v2;
	v2 =	vmul.f32 $4.525483320e+01, v3;
	v10 =	vld [tilespmem:s24+$0x0]  }
0x15b: {  	s5 =	sor.u32 $0x4380, s19;
	s10 =	sor.u32 s23, s4;
	[tilespmem:s12+$0x0] =	vst v5;
	v5 =	vmul.f32 $4.525483320e+01, v7;
	v3 =	vld [tilespmem:s28+$0x0]  }
0x15c: {  	s2 =	sor.u32 s17, s5;
	v6 =	vld [tilespmem:s10+$0x0];
	[tilespmem:s7+$0x0] =	vst v2;
	v2 =	vmul.f32 $4.525483320e+01, v8;
	s7 =	sadd.s32 $0x4480, s15  }
0x15d: {  	s0 =	sadd.s32 $0x4580, s0;
	[tilespmem:s26+$0x0] =	vst v5;
	v7 =	vmul.f32 $4.525483320e+01, v4;
	v5 =	vld [tilespmem:s2+$0x0];
	s26 =	sor.u32 s18, s7  }
0x15e: {  	s25 =	sor.u32 s1, s0;
	s29 =	sor.u32 s29, s0;
	[tilespmem:s14+$0x0] =	vst v2;
	v4 =	vld [tilespmem:s26+$0x0];
	v8 =	vmul.f32 $4.525483320e+01, v9  }
0x15f: {  	s1 =	sor.u32 s16, s5;
	s20 =	sor.u32 s6, s4;
	s0 =	sor.u32 s22, s7;
	[tilespmem:s11+$0x0] =	vst v7;
	v7 =	vmul.f32 $4.525483320e+01, v10;
	v2 =	vld [tilespmem:s29+$0x0]  }
.LBB2_5:
0x160: {  	s30 =	sadd.s32 $0x20, s30;
	v9 =	vld [tilespmem:s20+$0x0];
	s31 =	sadd.s32 $0x100, s31;
	[tilespmem:s3+$0x0] =	vst v8;
	v3 =	vmul.f32 $4.525483320e+01, v3;
	s8 =	smov.u32 s19  }
0x161: {  	s19 =	smov.u32 s21;
	s9 =	sand.u32 $0x60, s30;
	v6 =	vmul.f32 $4.525483320e+01, v6;
	v8 =	vld [tilespmem:s1+$0x0];
	[tilespmem:s24+$0x0] =	vst v7;
	s21 =	sand.u32 $0x3C00, s31  }
0x162: {  	s12 =	smov.u32 s18;
	s3 =	sor.u32 $0x4200, s21;
	s13 =	sor.u32 $0x10, s9;
	v5 =	vmul.f32 $4.525483320e+01, v5;
	v7 =	vld [tilespmem:s0+$0x0];
	[tilespmem:s28+$0x0] =	vst v3  }
0x163: {  	s18 =	sor.u32 $0x4300, s19;
	s11 =	sor.u32 s9, s3;
	s14 =	sor.u32 s13, s3;
	[tilespmem:s10+$0x0] =	vst v6;
	v3 =	vmul.f32 $4.525483320e+01, v4;
	v4 =	vld [tilespmem:s25+$0x0]  }
0x164: {  	s4 =	sor.u32 s23, s18;
	s3 =	sor.u32 s6, s18;
	s10 =	sadd.s32 $0x4400, s8;
	v6 =	vld [tilespmem:s14+$0x0];
	[tilespmem:s2+$0x0] =	vst v5;
	v2 =	vmul.f32 $4.525483320e+01, v2  }
0x165: {  	s24 =	sor.u32 s16, s10;
	s7 =	sor.u32 s17, s10;
	s2 =	sadd.s32 $0x4500, s15;
	v5 =	vmul.f32 $4.525483320e+01, v9;
	v9 =	vld [tilespmem:s4+$0x0];
	[tilespmem:s26+$0x0] =	vst v3  }
0x166: {  	p0 =	slt.u32 s30, $0x7E0;
	s28 =	sor.u32 s22, s2;
	s5 =	sor.u32 s12, s2;
	v3 =	vmul.f32 $4.525483320e+01, v8;
	v8 =	vld [tilespmem:s7+$0x0];
	[tilespmem:s29+$0x0] =	vst v2  }
0x167: {  	s18 =	smov.u32 s17;
	s17 =	smov.u32 s23;
	s23 =	smov.u32 s13;
	[tilespmem:s20+$0x0] =	vst v5;
	v2 =	vmul.f32 $4.525483320e+01, v7;
	v5 =	vld [tilespmem:s5+$0x0]  }
0x168: {  	v7 =	vld [tilespmem:s11+$0x0];
	[tilespmem:s1+$0x0] =	vst v3;
	v3 =	vmul.f32 $4.525483320e+01, v4  }
0x169: {  	v4 =	vmul.f32 $4.525483320e+01, v6;
	v10 =	vld [tilespmem:s3+$0x0];
	[tilespmem:s0+$0x0] =	vst v2;
	s0 =	sor.u32 $0x4280, s21  }
0x16a: {  	v2 =	vmul.f32 $4.525483320e+01, v9;
	v9 =	vld [tilespmem:s24+$0x0];
	[tilespmem:s25+$0x0] =	vst v3;
	s20 =	sor.u32 s9, s0  }
.Ltmp1:
0x16b: {  	s10 =	sor.u32 s23, s0;
	s0 =	sor.u32 $0x4380, s19;
	[tilespmem:s14+$0x0] =	vst v4;
	v4 =	vmul.f32 $4.525483320e+01, v8;
	v3 =	vld [tilespmem:s28+$0x0];
	(pc) =	sbr.rel @p0 .LBB2_5-.Ltmp1, $4  }
0x16c: {  	s1 =	sor.u32 s6, s0;
	s2 =	sor.u32 s17, s0;
	v6 =	vld [tilespmem:s10+$0x0];
	[tilespmem:s4+$0x0] =	vst v2;
	s4 =	sadd.s32 $0x4480, s8;
	v2 =	vmul.f32 $4.525483320e+01, v5  }
0x16d: {  	v7 =	vmul.f32 $4.525483320e+01, v7;
	v5 =	vld [tilespmem:s2+$0x0];
	s0 =	sor.u32 s16, s4;
	[tilespmem:s7+$0x0] =	vst v4;
	s26 =	sor.u32 s18, s4;
	s4 =	sadd.s32 $0x4580, s15  }
0x16e: {  	v8 =	vmul.f32 $4.525483320e+01, v10;
	v4 =	vld [tilespmem:s26+$0x0];
	s25 =	sor.u32 s22, s4;
	[tilespmem:s5+$0x0] =	vst v2;
	s29 =	sor.u32 s12, s4;
	s22 =	smov.u32 s16  }
0x16f: {  	s15 =	smov.u32 s8;
	s16 =	smov.u32 s6;
	s6 =	smov.u32 s9;
	[tilespmem:s11+$0x0] =	vst v7;
	v7 =	vmul.f32 $4.525483320e+01, v9;
	v2 =	vld [tilespmem:s29+$0x0]  }
0x170: {  	v9 =	vld [tilespmem:s20+$0x0]  }
0x171: {  	v6 =	vmul.f32 $4.525483320e+01, v6  }
0x172: {  	s4 =	sor.u32 $0x4300, s21  }
0x173: {  	s5 =	sor.u32 s23, s4;
	[tilespmem:s10+$0x0] =	vst v6  }
0x174: {  	v6 =	vld [tilespmem:s5+$0x0]  }
0x175: {  	v9 =	vmul.f32 $4.525483320e+01, v9;
	_ =	sdelay $0x1  }
0x176: {  	s4 =	sor.u32 s6, s4;
	[tilespmem:s20+$0x0] =	vst v9  }
0x177: {  	v9 =	vld [tilespmem:s4+$0x0]  }
0x178: {  	v6 =	vmul.f32 $4.525483320e+01, v6  }
0x179: {  	s12 =	sor.u32 $0x4380, s21  }
0x17a: {  	s13 =	sor.u32 s23, s12;
	[tilespmem:s5+$0x0] =	vst v6  }
0x17b: {  	[tilespmem:s3+$0x0] =	vst v8;
	v6 =	vld [tilespmem:s13+$0x0]  }
0x17c: {  	v8 =	vmul.f32 $4.525483320e+01, v9;
	v9 =	vld [tilespmem:s1+$0x0];
	_ =	sdelay $0x1  }
0x17d: {  	s3 =	sor.u32 s6, s12;
	v5 =	vmul.f32 $4.525483320e+01, v5;
	[tilespmem:s4+$0x0] =	vst v8  }
0x17e: {  	s14 =	sadd.s32 $0x4400, s19;
	v8 =	vld [tilespmem:s3+$0x0]  }
0x17f: {  	[tilespmem:s2+$0x0] =	vst v5;
	s20 =	sor.u32 s17, s14  }
0x180: {  	v5 =	vmul.f32 $4.525483320e+01, v6;
	v6 =	vld [tilespmem:s20+$0x0];
	v9 =	vmul.f32 $4.525483320e+01, v9;
	_ =	sdelay $0x1  }
0x181: {  	s7 =	sadd.s32 $0x4400, s21;
	s4 =	sor.u32 s16, s14;
	[tilespmem:s1+$0x0] =	vst v9  }
0x182: {  	s8 =	sor.u32 s23, s7;
	[tilespmem:s13+$0x0] =	vst v5;
	v8 =	vmul.f32 $4.525483320e+01, v8;
	v9 =	vld [tilespmem:s4+$0x0]  }
0x183: {  	v5 =	vld [tilespmem:s8+$0x0]  }
0x184: {  	s1 =	sor.u32 s6, s7;
	v6 =	vmul.f32 $4.525483320e+01, v6;
	[tilespmem:s3+$0x0] =	vst v8  }
0x185: {  	s9 =	sadd.s32 $0x4480, s19;
	v8 =	vld [tilespmem:s1+$0x0]  }
0x186: {  	s10 =	sor.u32 s17, s9;
	[tilespmem:s20+$0x0] =	vst v6  }
0x187: {  	[tilespmem:s24+$0x0] =	vst v7;
	v6 =	vld [tilespmem:s10+$0x0];
	v7 =	vmul.f32 $4.525483320e+01, v9  }
0x188: {  	v5 =	vmul.f32 $4.525483320e+01, v5;
	v9 =	vld [tilespmem:s0+$0x0]  }
0x189: {  	s11 =	sadd.s32 $0x4480, s21;
	v4 =	vmul.f32 $4.525483320e+01, v4;
	s3 =	sor.u32 s16, s9;
	[tilespmem:s4+$0x0] =	vst v7  }
0x18a: {  	s12 =	sor.u32 s23, s11;
	s13 =	sadd.s32 $0x4500, s15;
	[tilespmem:s8+$0x0] =	vst v5;
	v7 =	vmul.f32 $4.525483320e+01, v8;
	v8 =	vld [tilespmem:s3+$0x0]  }
0x18b: {  	[tilespmem:s26+$0x0] =	vst v4;
	s7 =	sor.u32 s18, s13;
	v5 =	vld [tilespmem:s12+$0x0]  }
0x18c: {  	s4 =	sor.u32 s6, s11;
	v4 =	vmul.f32 $4.525483320e+01, v6;
	v6 =	vld [tilespmem:s7+$0x0];
	[tilespmem:s1+$0x0] =	vst v7  }
0x18d: {  	v9 =	vmul.f32 $4.525483320e+01, v9;
	v7 =	vld [tilespmem:s4+$0x0];
	_ =	sdelay $0x1  }
0x18e: {  	s14 =	sadd.s32 $0x4500, s19;
	s1 =	sor.u32 s22, s13;
	[tilespmem:s0+$0x0] =	vst v9;
	v8 =	vmul.f32 $4.525483320e+01, v8  }
0x18f: {  	s20 =	sor.u32 s17, s14;
	[tilespmem:s10+$0x0] =	vst v4;
	v4 =	vmul.f32 $4.525483320e+01, v5;
	v9 =	vld [tilespmem:s1+$0x0]  }
0x190: {  	s24 =	sadd.s32 $0x4500, s21;
	s0 =	sor.u32 s16, s14;
	v5 =	vld [tilespmem:s20+$0x0];
	v6 =	vmul.f32 $4.525483320e+01, v6;
	[tilespmem:s3+$0x0] =	vst v8  }
0x191: {  	s26 =	sor.u32 s23, s24;
	s8 =	sadd.s32 $0x4580, s15;
	[tilespmem:s12+$0x0] =	vst v4;
	v7 =	vmul.f32 $4.525483320e+01, v7;
	v8 =	vld [tilespmem:s0+$0x0]  }
0x192: {  	v3 =	vmul.f32 $4.525483320e+01, v3;
	s9 =	sor.u32 s18, s8;
	v4 =	vld [tilespmem:s26+$0x0];
	[tilespmem:s7+$0x0] =	vst v6  }
0x193: {  	s3 =	sor.u32 s6, s24;
	v6 =	vld [tilespmem:s9+$0x0];
	[tilespmem:s4+$0x0] =	vst v7  }
0x194: {  	[tilespmem:s28+$0x0] =	vst v3;
	v3 =	vmul.f32 $4.525483320e+01, v9;
	v7 =	vld [tilespmem:s3+$0x0]  }
0x195: {  	v5 =	vmul.f32 $4.525483320e+01, v5;
	v9 =	vld [tilespmem:s25+$0x0]  }
0x196: {  	s10 =	sadd.s32 $0x4580, s19;
	s4 =	sor.u32 s22, s8;
	[tilespmem:s1+$0x0] =	vst v3;
	v3 =	vmul.f32 $4.525483320e+01, v8  }
0x197: {  	v2 =	vmul.f32 $4.525483320e+01, v2;
	s11 =	sor.u32 s17, s10;
	[tilespmem:s20+$0x0] =	vst v5;
	v8 =	vld [tilespmem:s4+$0x0]  }
0x198: {  	v4 =	vmul.f32 $4.525483320e+01, v4;
	s1 =	sor.u32 s16, s10;
	v5 =	vld [tilespmem:s11+$0x0];
	[tilespmem:s0+$0x0] =	vst v3  }
0x199: {  	[tilespmem:s29+$0x0] =	vst v2;
	v2 =	vmul.f32 $4.525483320e+01, v6;
	v3 =	vmul.f32 $4.525483320e+01, v7;
	v7 =	vld [tilespmem:s1+$0x0]  }
0x19a: {  	[tilespmem:s26+$0x0] =	vst v4;
	v4 =	vmul.f32 $4.525483320e+01, v9  }
0x19b: {  	s12 =	sadd.s32 $0x4580, s21;
	[tilespmem:s9+$0x0] =	vst v2  }
0x19c: {  	s13 =	sor.u32 s23, s12;
	[tilespmem:s25+$0x0] =	vst v4;
	v4 =	vmul.f32 $4.525483320e+01, v8  }
0x19d: {  	s0 =	sor.u32 s6, s12;
	v9 =	vld [tilespmem:s13+$0x0];
	v2 =	vmul.f32 $4.525483320e+01, v5;
	[tilespmem:s3+$0x0] =	vst v3  }
0x19e: {  	v3 =	vld [tilespmem:s0+$0x0];
	[tilespmem:s4+$0x0] =	vst v4;
	v4 =	vmul.f32 $4.525483320e+01, v7  }
0x19f: {  	[tilespmem:s11+$0x0] =	vst v2  }
0x1a0: {  	[tilespmem:s1+$0x0] =	vst v4  }
0x1a1: {  	s1 =	rddreg [dreg:$0xe]  }
0x1a2: {  	v2 =	vmul.f32 $4.525483320e+01, v9;
	s2 =	rddreg [dreg:$0x19]  }
0x1a3: {  	v3 =	vmul.f32 $4.525483320e+01, v3;
	s1 =	sadd.s32 s2, s1  }
0x1a4: {  	s15 =	simm.s32 $0x0;
	s14 =	rddreg [dreg:$0x2];
	[tilespmem:s13+$0x0] =	vst v2;
	s1 =	sshll.u32 s1, $0xB  }
0x1a5: {  	s17 =	simm.s32 $0x8;
	s16 =	simm.s32 $0x4200;
	[tilespmem:s0+$0x0] =	vst v3;
	s0 =	sadd.s32 s14, s1  }
0x1a6: {  	[hbm4b:s0+s15] =	stream.linear.scatter [tilespmem:s16], [sflag:$0x9], $0x4000, $0x38;
	[tilespmem:$0x1C200] =	vst v63  }
0x1a7: {  	_ =	swait.ge [sflag:s17], $0x4000  }
0x1a8: {  	s18 =	rddreg [dreg:$0x16]  }
0x1a9: {  	s0 =	smul.u32 $0xE0, s18  }
0x1aa: {  	[sflag:s17] =	ssyncset.done $0x0  }
0x1ab: {  	[sflag:s17] =	ssyncadd.s32 $0xFFFFC000;
	s0 =	sshra.s32 s0, $0x2  }
0x1ac: {  	v2 =	vld.msk [tilespmem:s0+$0x38], $0xff;
	_ =	sdelay $0x4  }
0x1ad: {  	v3 =	vshll.u32 v2, $0x4  }
0x1ae: {  	v2 =	vand.u32 $0x7, v2;
	v3 =	vand.u32 $0xFFFFFF80, v3  }
0x1af: {  	v2 =	vor.u32 v2, v3  }
0x1b0: {  	v2 =	vperm.xlane v2, v0;
	_ =	sdelay $0x1  }
0x1b1: {  	v2 =	vadd.s32 v1, v2;
	_ =	sdelay $0x2  }
0x1b2: {  	s21 =	rddreg [dreg:$0x7]  }
0x1b3: {  	s20 =	simm.s32 $0x200;
	s19 =	rddreg [dreg:$0x1]  }
0x1b4: {  	[tilespmem:s20], [sflag:$0x1] =	stream.indirect_vreg.gather [hbm4b:s19+s15], $0x80, v2, vm0, $0xb8;
	[tilespmem:$0x1C200] =	vst v63  }
0x1b5: {  	s22 =	simm.s32 $0xA00;
	s23 =	rddreg [dreg:$0x8]  }
0x1b6: {  	[tilespmem:s22], [sflag:$0x1] =	stream.indirect_vreg.gather [hbm4b:s21+s15], $0x80, v2, vm0, $0xb8;
	[tilespmem:$0x1C200] =	vst v63  }
0x1b7: {  	s24 =	simm.s32 $0x1200;
	s25 =	rddreg [dreg:$0x9]  }
0x1b8: {  	[tilespmem:s24], [sflag:$0x1] =	stream.indirect_vreg.gather [hbm4b:s23+s15], $0x80, v2, vm0, $0xb8;
	[tilespmem:$0x1C200] =	vst v63  }
0x1b9: {  	s26 =	simm.s32 $0x1A00;
	s2 =	rddreg [dreg:$0xa]  }
0x1ba: {  	[tilespmem:s26], [sflag:$0x1] =	stream.indirect_vreg.gather [hbm4b:s25+s15], $0x80, v2, vm0, $0xb8;
	[tilespmem:$0x1C200] =	vst v63  }
0x1bb: {  	s3 =	simm.s32 $0x2200;
	s4 =	rddreg [dreg:$0xb]  }
0x1bc: {  	[tilespmem:s3], [sflag:$0x1] =	stream.indirect_vreg.gather [hbm4b:s2+s15], $0x80, v2, vm0, $0xb8;
	[tilespmem:$0x1C200] =	vst v63  }
0x1bd: {  	s5 =	simm.s32 $0x2A00;
	s6 =	rddreg [dreg:$0xc]  }
0x1be: {  	[tilespmem:s5], [sflag:$0x1] =	stream.indirect_vreg.gather [hbm4b:s4+s15], $0x80, v2, vm0, $0xb8;
	[tilespmem:$0x1C200] =	vst v63  }
0x1bf: {  	s7 =	simm.s32 $0x3200;
	s10 =	simm.s32 $0x0;
	s8 =	rddreg [dreg:$0xd]  }
0x1c0: {  	[tilespmem:s7], [sflag:$0x1] =	stream.indirect_vreg.gather [hbm4b:s6+s15], $0x80, v2, vm0, $0xb8;
	[tilespmem:$0x1C200] =	vst v63  }
0x1c1: {  	s9 =	simm.s32 $0x3A00;
	s11 =	simm.s32 $0x3;
	[dreg:$0x18] =	wrdreg s0  }
0x1c2: {  	[tilespmem:s9], [sflag:$0x1] =	stream.indirect_vreg.gather [hbm4b:s8+s15], $0x80, v2, vm0, $0xb8;
	[tilespmem:$0x1C200] =	vst v63  }
0x1c3: {  	s30 =	sand.u32 $0x3C00, s15;
	s28 =	sand.u32 $0x60, s10;
	_ =	swait.ge [sflag:s11], $0x4000  }
0x1c4: {  	s1 =	sor.u32 $0x8200, s30;
	s0 =	sor.u32 $0x10, s28;
	[sflag:s11] =	ssyncset.done $0x0  }
0x1c5: {  	s12 =	sor.u32 s0, s1;
	[sflag:s11] =	ssyncadd.s32 $0xFFFFC000  }
0x1c6: {  	v2 =	vld [tilespmem:s12+$0x0];
	_ =	sdelay $0x2  }
0x1c7: {  	s1 =	sor.u32 s28, s1  }
0x1c8: {  	v3 =	vld [tilespmem:s1+$0x0]  }
0x1c9: {  	v2 =	vmul.f32 $4.525483320e+01, v2  }
0x1ca: {  	s13 =	sor.u32 $0x8280, s30  }
0x1cb: {  	s14 =	sor.u32 s0, s13;
	[tilespmem:s12+$0x0] =	vst v2  }
0x1cc: {  	v2 =	vld [tilespmem:s14+$0x0]  }
0x1cd: {  	v3 =	vmul.f32 $4.525483320e+01, v3;
	_ =	sdelay $0x1  }
0x1ce: {  	s16 =	simm.s32 $0x20;
	s17 =	simm.s32 $0x100;
	s3 =	sor.u32 s28, s13;
	[tilespmem:s1+$0x0] =	vst v3  }
0x1cf: {  	s15 =	sand.u32 $0x60, s16;
	s16 =	sand.u32 $0x3C00, s17;
	v3 =	vld [tilespmem:s3+$0x0]  }
0x1d0: {  	s18 =	sor.u32 $0x8200, s16;
	s19 =	sor.u32 $0x10, s15;
	v2 =	vmul.f32 $4.525483320e+01, v2  }
0x1d1: {  	s21 =	sor.u32 $0x8300, s30;
	s20 =	sor.u32 s19, s18  }
0x1d2: {  	s22 =	sor.u32 s0, s21;
	[tilespmem:s14+$0x0] =	vst v2;
	v2 =	vld [tilespmem:s20+$0x0]  }
0x1d3: {  	v4 =	vld [tilespmem:s22+$0x0]  }
0x1d4: {  	v3 =	vmul.f32 $4.525483320e+01, v3  }
0x1d5: {  	s1 =	sor.u32 s15, s18  }
0x1d6: {  	s5 =	sor.u32 s28, s21;
	[tilespmem:s3+$0x0] =	vst v3;
	v3 =	vld [tilespmem:s1+$0x0]  }
0x1d7: {  	v5 =	vld [tilespmem:s5+$0x0];
	v2 =	vmul.f32 $4.525483320e+01, v2  }
0x1d8: {  	s23 =	sor.u32 $0x8280, s16;
	v4 =	vmul.f32 $4.525483320e+01, v4  }
0x1d9: {  	s25 =	sor.u32 $0x8380, s30;
	s24 =	sor.u32 s19, s23;
	[tilespmem:s20+$0x0] =	vst v2  }
0x1da: {  	s26 =	sor.u32 s0, s25;
	v2 =	vld [tilespmem:s24+$0x0];
	[tilespmem:s22+$0x0] =	vst v4  }
0x1db: {  	v3 =	vmul.f32 $4.525483320e+01, v3;
	v4 =	vld [tilespmem:s26+$0x0]  }
0x1dc: {  	v5 =	vmul.f32 $4.525483320e+01, v5  }
0x1dd: {  	s7 =	simm.s32 $0x40;
	s9 =	simm.s32 $0x200;
	s3 =	sor.u32 s15, s23;
	[tilespmem:s1+$0x0] =	vst v3  }
0x1de: {  	s8 =	sor.u32 s28, s25;
	s17 =	sand.u32 $0x60, s7;
	s6 =	sand.u32 $0x3C00, s9;
	v3 =	vld [tilespmem:s3+$0x0];
	[tilespmem:s5+$0x0] =	vst v5  }
0x1df: {  	s10 =	sor.u32 $0x8200, s6;
	s18 =	sor.u32 $0x10, s17;
	v5 =	vld [tilespmem:s8+$0x0];
	v2 =	vmul.f32 $4.525483320e+01, v2  }
0x1e0: {  	s12 =	sor.u32 $0x8300, s16;
	s11 =	sor.u32 s18, s10;
	v4 =	vmul.f32 $4.525483320e+01, v4  }
0x1e1: {  	s9 =	sadd.s32 $0x8400, s30;
	s13 =	sor.u32 s19, s12;
	[tilespmem:s24+$0x0] =	vst v2;
	v2 =	vld [tilespmem:s11+$0x0]  }
0x1e2: {  	s14 =	sor.u32 s0, s9;
	[tilespmem:s26+$0x0] =	vst v4;
	v4 =	vld [tilespmem:s13+$0x0]  }
0x1e3: {  	v3 =	vmul.f32 $4.525483320e+01, v3;
	v6 =	vld [tilespmem:s14+$0x0]  }
0x1e4: {  	s1 =	sor.u32 s17, s10;
	v5 =	vmul.f32 $4.525483320e+01, v5  }
0x1e5: {  	s7 =	sor.u32 s15, s12;
	[tilespmem:s3+$0x0] =	vst v3;
	v3 =	vld [tilespmem:s1+$0x0]  }
0x1e6: {  	s20 =	sor.u32 s28, s9;
	[tilespmem:s8+$0x0] =	vst v5;
	v5 =	vld [tilespmem:s7+$0x0];
	v2 =	vmul.f32 $4.525483320e+01, v2  }
0x1e7: {  	s25 =	sor.u32 $0x8280, s6;
	v7 =	vld [tilespmem:s20+$0x0];
	v4 =	vmul.f32 $4.525483320e+01, v4  }
0x1e8: {  	s12 =	sor.u32 $0x8380, s16;
	s26 =	sor.u32 s18, s25;
	[tilespmem:s11+$0x0] =	vst v2;
	v2 =	vmul.f32 $4.525483320e+01, v6  }
0x1e9: {  	s22 =	sadd.s32 $0x8480, s30;
	v6 =	vld [tilespmem:s26+$0x0];
	[tilespmem:s13+$0x0] =	vst v4;
	s13 =	sor.u32 s19, s12  }
0x1ea: {  	s24 =	sor.u32 s0, s22;
	v3 =	vmul.f32 $4.525483320e+01, v3;
	v4 =	vld [tilespmem:s13+$0x0];
	[tilespmem:s14+$0x0] =	vst v2  }
0x1eb: {  	v2 =	vmul.f32 $4.525483320e+01, v5;
	v5 =	vld [tilespmem:s24+$0x0]  }
0x1ec: {  	s31 =	simm.s32 $0x60;
	s8 =	sor.u32 s17, s25;
	[tilespmem:s1+$0x0] =	vst v3;
	v3 =	vmul.f32 $4.525483320e+01, v7;
	s1 =	simm.s32 $0x300  }
0x1ed: {  	s21 =	sand.u32 $0x60, s31;
	s9 =	sor.u32 s15, s12;
	v7 =	vld [tilespmem:s8+$0x0];
	s23 =	sand.u32 $0x3C00, s1;
	[tilespmem:s7+$0x0] =	vst v2  }
0x1ee: {  	s10 =	sor.u32 s28, s22;
	s25 =	sor.u32 $0x10, s21;
	[tilespmem:s20+$0x0] =	vst v3;
	s14 =	sor.u32 $0x8200, s23;
	v2 =	vmul.f32 $4.525483320e+01, v6;
	v6 =	vld [tilespmem:s9+$0x0]  }
0x1ef: {  	s11 =	sor.u32 $0x8300, s6;
	s20 =	sor.u32 s25, s14;
	v3 =	vmul.f32 $4.525483320e+01, v4;
	v4 =	vld [tilespmem:s10+$0x0]  }
0x1f0: {  	s22 =	sor.u32 s18, s11;
	s12 =	sadd.s32 $0x8400, s16;
	[tilespmem:s26+$0x0] =	vst v2;
	v2 =	vmul.f32 $4.525483320e+01, v5;
	v5 =	vld [tilespmem:s20+$0x0]  }
0x1f1: {  	s26 =	sor.u32 s19, s12;
	[tilespmem:s13+$0x0] =	vst v3;
	v3 =	vld [tilespmem:s22+$0x0];
	s13 =	sadd.s32 $0x8500, s30  }
0x1f2: {  	v7 =	vmul.f32 $4.525483320e+01, v7;
	[tilespmem:s24+$0x0] =	vst v2;
	v2 =	vld [tilespmem:s26+$0x0];
	s2 =	sor.u32 s0, s13  }
0x1f3: {  	s14 =	sor.u32 s21, s14;
	v6 =	vmul.f32 $4.525483320e+01, v6;
	v8 =	vld [tilespmem:s2+$0x0]  }
0x1f4: {  	s3 =	sor.u32 s17, s11;
	[tilespmem:s8+$0x0] =	vst v7;
	v7 =	vld [tilespmem:s14+$0x0];
	v4 =	vmul.f32 $4.525483320e+01, v4  }
0x1f5: {  	v9 =	vld [tilespmem:s3+$0x0];
	s24 =	sor.u32 s15, s12;
	[tilespmem:s9+$0x0] =	vst v6;
	v5 =	vmul.f32 $4.525483320e+01, v5  }
0x1f6: {  	s29 =	sor.u32 s28, s13;
	s9 =	sor.u32 $0x8280, s23;
	[tilespmem:s10+$0x0] =	vst v4;
	v4 =	vmul.f32 $4.525483320e+01, v3;
	v10 =	vld [tilespmem:s24+$0x0]  }
0x1f7: {  	s12 =	sor.u32 $0x8380, s6;
	s11 =	sor.u32 s25, s9;
	[tilespmem:s20+$0x0] =	vst v5;
	v2 =	vmul.f32 $4.525483320e+01, v2;
	v3 =	vld [tilespmem:s29+$0x0]  }
0x1f8: {  	s13 =	sadd.s32 $0x8480, s16;
	s20 =	sor.u32 s18, s12;
	v6 =	vld [tilespmem:s11+$0x0];
	[tilespmem:s22+$0x0] =	vst v4;
	v4 =	vmul.f32 $4.525483320e+01, v8  }
0x1f9: {  	v7 =	vmul.f32 $4.525483320e+01, v7;
	s22 =	sadd.s32 $0x8580, s30;
	v5 =	vld [tilespmem:s20+$0x0];
	[tilespmem:s26+$0x0] =	vst v2;
	s26 =	sor.u32 s19, s13  }
0x1fa: {  	s8 =	sor.u32 s21, s9;
	v8 =	vmul.f32 $4.525483320e+01, v9;
	s30 =	sor.u32 s0, s22;
	[tilespmem:s2+$0x0] =	vst v4;
	v4 =	vld [tilespmem:s26+$0x0]  }
0x1fb: {  	[tilespmem:s14+$0x0] =	vst v7;
	s28 =	sor.u32 s28, s22;
	s0 =	sor.u32 s15, s13;
	s2 =	sor.u32 s17, s12;
	v7 =	vmul.f32 $4.525483320e+01, v10;
	v2 =	vld [tilespmem:s30+$0x0]  }
.LBB2_7:
0x1fc: {  	s31 =	sadd.s32 $0x20, s31;
	v9 =	vld [tilespmem:s8+$0x0];
	s1 =	sadd.s32 $0x100, s1;
	[tilespmem:s3+$0x0] =	vst v8;
	v3 =	vmul.f32 $4.525483320e+01, v3;
	s9 =	smov.u32 s6  }
0x1fd: {  	s6 =	smov.u32 s23;
	s10 =	sand.u32 $0x60, s31;
	v6 =	vmul.f32 $4.525483320e+01, v6;
	v8 =	vld [tilespmem:s2+$0x0];
	[tilespmem:s24+$0x0] =	vst v7;
	s23 =	sand.u32 $0x3C00, s1  }
0x1fe: {  	s13 =	smov.u32 s19;
	s3 =	sor.u32 $0x8200, s23;
	s4 =	sor.u32 $0x10, s10;
	v5 =	vmul.f32 $4.525483320e+01, v5;
	v7 =	vld [tilespmem:s0+$0x0];
	[tilespmem:s29+$0x0] =	vst v3  }
0x1ff: {  	s7 =	sor.u32 $0x8300, s6;
	s12 =	sor.u32 s10, s3;
	s5 =	sor.u32 s4, s3;
	[tilespmem:s11+$0x0] =	vst v6;
	v3 =	vmul.f32 $4.525483320e+01, v4;
	v4 =	vld [tilespmem:s28+$0x0]  }
0x200: {  	s3 =	sor.u32 s21, s7;
	s7 =	sor.u32 s25, s7;
	s11 =	sadd.s32 $0x8400, s9;
	v6 =	vld [tilespmem:s5+$0x0];
	[tilespmem:s20+$0x0] =	vst v5;
	v2 =	vmul.f32 $4.525483320e+01, v2  }
0x201: {  	s24 =	sor.u32 s17, s11;
	s14 =	sor.u32 s18, s11;
	s11 =	sadd.s32 $0x8500, s16;
	v5 =	vmul.f32 $4.525483320e+01, v9;
	v9 =	vld [tilespmem:s7+$0x0];
	[tilespmem:s26+$0x0] =	vst v3  }
0x202: {  	p0 =	slt.u32 s31, $0x7E0;
	s29 =	sor.u32 s15, s11;
	s22 =	sor.u32 s13, s11;
	v3 =	vmul.f32 $4.525483320e+01, v8;
	v8 =	vld [tilespmem:s14+$0x0];
	[tilespmem:s30+$0x0] =	vst v2  }
0x203: {  	s19 =	smov.u32 s18;
	s18 =	smov.u32 s25;
	s25 =	smov.u32 s4;
	[tilespmem:s8+$0x0] =	vst v5;
	v2 =	vmul.f32 $4.525483320e+01, v7;
	v5 =	vld [tilespmem:s22+$0x0]  }
0x204: {  	v7 =	vld [tilespmem:s12+$0x0];
	[tilespmem:s2+$0x0] =	vst v3;
	v3 =	vmul.f32 $4.525483320e+01, v4  }
0x205: {  	v4 =	vmul.f32 $4.525483320e+01, v6;
	v10 =	vld [tilespmem:s3+$0x0];
	[tilespmem:s0+$0x0] =	vst v2;
	s0 =	sor.u32 $0x8280, s23  }
0x206: {  	v2 =	vmul.f32 $4.525483320e+01, v9;
	v9 =	vld [tilespmem:s24+$0x0];
	[tilespmem:s28+$0x0] =	vst v3;
	s8 =	sor.u32 s10, s0  }
.Ltmp2:
0x207: {  	s11 =	sor.u32 s25, s0;
	s0 =	sor.u32 $0x8380, s6;
	[tilespmem:s5+$0x0] =	vst v4;
	v4 =	vmul.f32 $4.525483320e+01, v8;
	v3 =	vld [tilespmem:s29+$0x0];
	(pc) =	sbr.rel @p0 .LBB2_7-.Ltmp2, $4  }
0x208: {  	s4 =	sadd.s32 $0x8480, s9;
	s2 =	sor.u32 s21, s0;
	s20 =	sor.u32 s18, s0;
	v6 =	vld [tilespmem:s11+$0x0];
	[tilespmem:s7+$0x0] =	vst v2;
	v2 =	vmul.f32 $4.525483320e+01, v5  }
0x209: {  	s26 =	sor.u32 s19, s4;
	s0 =	sor.u32 s17, s4;
	s4 =	sadd.s32 $0x8580, s16;
	v7 =	vmul.f32 $4.525483320e+01, v7;
	v5 =	vld [tilespmem:s20+$0x0];
	[tilespmem:s14+$0x0] =	vst v4  }
0x20a: {  	s28 =	sor.u32 s15, s4;
	s30 =	sor.u32 s13, s4;
	s15 =	smov.u32 s17;
	v8 =	vmul.f32 $4.525483320e+01, v10;
	v4 =	vld [tilespmem:s26+$0x0];
	[tilespmem:s22+$0x0] =	vst v2  }
0x20b: {  	s16 =	smov.u32 s9;
	s17 =	smov.u32 s21;
	s21 =	smov.u32 s10;
	[tilespmem:s12+$0x0] =	vst v7;
	v7 =	vmul.f32 $4.525483320e+01, v9;
	v2 =	vld [tilespmem:s30+$0x0]  }
0x20c: {  	v9 =	vld [tilespmem:s8+$0x0];
	_ =	sdelay $0x2  }
0x20d: {  	v6 =	vmul.f32 $4.525483320e+01, v6  }
0x20e: {  	s1 =	sor.u32 $0x8300, s23  }
0x20f: {  	s4 =	sor.u32 s25, s1;
	[tilespmem:s11+$0x0] =	vst v6;
	v9 =	vmul.f32 $4.525483320e+01, v9  }
0x210: {  	v6 =	vld [tilespmem:s4+$0x0]  }
0x211: {  	s1 =	sor.u32 s21, s1;
	[tilespmem:s8+$0x0] =	vst v9  }
0x212: {  	v9 =	vld [tilespmem:s1+$0x0];
	_ =	sdelay $0x2  }
0x213: {  	v6 =	vmul.f32 $4.525483320e+01, v6  }
0x214: {  	[tilespmem:s3+$0x0] =	vst v8;
	s11 =	sor.u32 $0x8380, s23  }
0x215: {  	s12 =	sor.u32 s25, s11;
	[tilespmem:s4+$0x0] =	vst v6;
	v8 =	vmul.f32 $4.525483320e+01, v9;
	v9 =	vld [tilespmem:s2+$0x0]  }
0x216: {  	v6 =	vld [tilespmem:s12+$0x0]  }
0x217: {  	s3 =	sor.u32 s21, s11;
	[tilespmem:s1+$0x0] =	vst v8  }
0x218: {  	v8 =	vld [tilespmem:s3+$0x0]  }
0x219: {  	v5 =	vmul.f32 $4.525483320e+01, v5  }
0x21a: {  	s13 =	sadd.s32 $0x8400, s6;
	v9 =	vmul.f32 $4.525483320e+01, v9  }
0x21b: {  	s5 =	sor.u32 s18, s13;
	[tilespmem:s20+$0x0] =	vst v5;
	v5 =	vmul.f32 $4.525483320e+01, v6  }
0x21c: {  	s14 =	sadd.s32 $0x8400, s23;
	s1 =	sor.u32 s17, s13;
	v6 =	vld [tilespmem:s5+$0x0];
	[tilespmem:s2+$0x0] =	vst v9  }
0x21d: {  	s20 =	sor.u32 s25, s14;
	[tilespmem:s12+$0x0] =	vst v5;
	v8 =	vmul.f32 $4.525483320e+01, v8;
	v9 =	vld [tilespmem:s1+$0x0]  }
0x21e: {  	v5 =	vld [tilespmem:s20+$0x0]  }
0x21f: {  	s2 =	sor.u32 s21, s14;
	[tilespmem:s3+$0x0] =	vst v8  }
0x220: {  	v8 =	vld [tilespmem:s2+$0x0]  }
0x221: {  	[tilespmem:s24+$0x0] =	vst v7;
	v6 =	vmul.f32 $4.525483320e+01, v6  }
0x222: {  	s22 =	sadd.s32 $0x8480, s6;
	v7 =	vmul.f32 $4.525483320e+01, v9;
	v9 =	vld [tilespmem:s0+$0x0]  }
0x223: {  	s24 =	sor.u32 s18, s22;
	[tilespmem:s5+$0x0] =	vst v6;
	v5 =	vmul.f32 $4.525483320e+01, v5  }
0x224: {  	s8 =	sadd.s32 $0x8480, s23;
	s3 =	sor.u32 s17, s22;
	v6 =	vld [tilespmem:s24+$0x0];
	[tilespmem:s1+$0x0] =	vst v7  }
0x225: {  	s9 =	sor.u32 s25, s8;
	[tilespmem:s20+$0x0] =	vst v5;
	v7 =	vmul.f32 $4.525483320e+01, v8;
	v8 =	vld [tilespmem:s3+$0x0]  }
0x226: {  	v4 =	vmul.f32 $4.525483320e+01, v4;
	v5 =	vld [tilespmem:s9+$0x0]  }
0x227: {  	s10 =	sadd.s32 $0x8500, s16;
	s1 =	sor.u32 s21, s8;
	[tilespmem:s2+$0x0] =	vst v7;
	v9 =	vmul.f32 $4.525483320e+01, v9  }
0x228: {  	s7 =	sor.u32 s19, s10;
	[tilespmem:s26+$0x0] =	vst v4;
	v7 =	vld [tilespmem:s1+$0x0]  }
0x229: {  	v4 =	vmul.f32 $4.525483320e+01, v6;
	v6 =	vld [tilespmem:s7+$0x0];
	s2 =	sor.u32 s15, s10;
	[tilespmem:s0+$0x0] =	vst v9  }
0x22a: {  	s11 =	sadd.s32 $0x8500, s6;
	v8 =	vmul.f32 $4.525483320e+01, v8;
	v9 =	vld [tilespmem:s2+$0x0]  }
0x22b: {  	s12 =	sor.u32 s18, s11;
	[tilespmem:s24+$0x0] =	vst v4;
	v4 =	vmul.f32 $4.525483320e+01, v5  }
0x22c: {  	v3 =	vmul.f32 $4.525483320e+01, v3;
	s13 =	sadd.s32 $0x8500, s23;
	s0 =	sor.u32 s17, s11;
	v5 =	vld [tilespmem:s12+$0x0];
	[tilespmem:s3+$0x0] =	vst v8  }
0x22d: {  	s14 =	sor.u32 s25, s13;
	[tilespmem:s9+$0x0] =	vst v4;
	v7 =	vmul.f32 $4.525483320e+01, v7;
	v8 =	vld [tilespmem:s0+$0x0]  }
0x22e: {  	[tilespmem:s29+$0x0] =	vst v3;
	v4 =	vld [tilespmem:s14+$0x0]  }
0x22f: {  	v6 =	vmul.f32 $4.525483320e+01, v6;
	s3 =	sor.u32 s21, s13;
	[tilespmem:s1+$0x0] =	vst v7;
	v3 =	vmul.f32 $4.525483320e+01, v9;
	v9 =	vld [tilespmem:s28+$0x0]  }
0x230: {  	s16 =	sadd.s32 $0x8580, s16;
	v7 =	vld [tilespmem:s3+$0x0]  }
0x231: {  	s20 =	sor.u32 s19, s16;
	[tilespmem:s7+$0x0] =	vst v6;
	v5 =	vmul.f32 $4.525483320e+01, v5  }
0x232: {  	s22 =	sadd.s32 $0x8580, s6;
	v6 =	vld [tilespmem:s20+$0x0];
	s1 =	sor.u32 s15, s16;
	[tilespmem:s2+$0x0] =	vst v3;
	v3 =	vmul.f32 $4.525483320e+01, v8  }
0x233: {  	s24 =	sor.u32 s18, s22;
	[tilespmem:s12+$0x0] =	vst v5;
	v4 =	vmul.f32 $4.525483320e+01, v4;
	v8 =	vld [tilespmem:s1+$0x0]  }
0x234: {  	v2 =	vmul.f32 $4.525483320e+01, v2;
	s2 =	sor.u32 s17, s22;
	v5 =	vld [tilespmem:s24+$0x0];
	[tilespmem:s0+$0x0] =	vst v3  }
0x235: {  	[tilespmem:s14+$0x0] =	vst v4;
	v4 =	vmul.f32 $4.525483320e+01, v9;
	v3 =	vmul.f32 $4.525483320e+01, v7;
	v7 =	vld [tilespmem:s2+$0x0]  }
0x236: {  	s26 =	sadd.s32 $0x8580, s23;
	[tilespmem:s30+$0x0] =	vst v2  }
0x237: {  	s6 =	sor.u32 s25, s26;
	v2 =	vmul.f32 $4.525483320e+01, v6;
	[tilespmem:s28+$0x0] =	vst v4  }
0x238: {  	s0 =	sor.u32 s21, s26;
	v9 =	vld [tilespmem:s6+$0x0];
	[tilespmem:s3+$0x0] =	vst v3;
	v4 =	vmul.f32 $4.525483320e+01, v8  }
0x239: {  	[tilespmem:s20+$0x0] =	vst v2;
	v2 =	vmul.f32 $4.525483320e+01, v5;
	v3 =	vld [tilespmem:s0+$0x0]  }
0x23a: {  	[tilespmem:s1+$0x0] =	vst v4;
	v4 =	vmul.f32 $4.525483320e+01, v7  }
0x23b: {  	[tilespmem:s24+$0x0] =	vst v2  }
0x23c: {  	[tilespmem:s2+$0x0] =	vst v4  }
0x23d: {  	v2 =	vmul.f32 $4.525483320e+01, v9;
	s1 =	rddreg [dreg:$0xf]  }
0x23e: {  	v3 =	vmul.f32 $4.525483320e+01, v3;
	s2 =	rddreg [dreg:$0x19]  }
0x23f: {  	[tilespmem:s6+$0x0] =	vst v2;
	s1 =	sadd.s32 s2, s1  }
0x240: {  	s8 =	rddreg [dreg:$0x2];
	s10 =	simm.s32 $0x8200;
	s1 =	sshll.u32 s1, $0xB;
	[tilespmem:s0+$0x0] =	vst v3  }
0x241: {  	s9 =	simm.s32 $0x0;
	s0 =	sadd.s32 s8, s1;
	s11 =	rddreg [dreg:$0x16]  }
0x242: {  	[hbm4b:s0+s9] =	stream.linear.scatter [tilespmem:s10], [sflag:$0xA], $0x4000, $0x38;
	[tilespmem:$0x1C200] =	vst v63  }
0x243: {  	p0 =	seq.s32 s11, $0x8  }
0x244: {  	s0 =	simm.s32 @!p0 $0x9  }
0x245: {  	_ =	swait.ge @!p0 [sflag:s0], $0x4000  }
0x246: {  	[sflag:s0] =	ssyncset.done @!p0 $0x0  }
0x247: {  	[sflag:s0] =	ssyncadd.s32 @!p0 $0xFFFFC000;
	s0 =	rddreg [dreg:$0x18]  }
0x248: {  	v2 =	vld.msk @!p0 [tilespmem:s0+$0x40], $0xff;
	_ =	sdelay $0x4  }
0x249: {  	v3 =	vshll.u32 @!p0 v2, $0x4  }
0x24a: {  	v4 =	vlaneseq.u32 @!p0;
	v2 =	vand.u32 @!p0 $0x7, v2;
	v3 =	vand.u32 @!p0 $0xFFFFFF80, v3  }
0x24b: {  	v2 =	vor.u32 @!p0 v2, v3;
	v3 =	vand.u32 @!p0 $0x7, v4;
	v4 =	vshrl.u32 @!p0 v4, $0x3  }
0x24c: {  	v2 =	vperm.xlane @!p0 v2, v3;
	v3 =	vmul.u32 @!p0 $0x8, v4;
	_ =	sdelay $0x1  }
0x24d: {  	v2 =	vadd.s32 @!p0 v3, v2;
	_ =	sdelay $0x3  }
0x24e: {  	vm1 =	vmmov @!p0 $0xffff;
	s1 =	simm.s32 @!p0 $0x4200;
	s0 =	simm.s32 @!p0 $0x0;
	s2 =	rddreg [dreg:$0x1]  }
0x24f: {  	[tilespmem:s1], [sflag:$0x2] =	stream.indirect_vreg.gather @!p0 [hbm4b:s2+s0], $0x80, v2, vm1, $0xb8;
	[tilespmem:$0x1C200] =	vst v63  }
0x250: {  	s1 =	simm.s32 @!p0 $0x4A00;
	s2 =	rddreg [dreg:$0x7]  }
0x251: {  	[tilespmem:s1], [sflag:$0x2] =	stream.indirect_vreg.gather @!p0 [hbm4b:s2+s0], $0x80, v2, vm1, $0xb8;
	[tilespmem:$0x1C200] =	vst v63  }
0x252: {  	s1 =	simm.s32 @!p0 $0x5200;
	s2 =	rddreg [dreg:$0x8]  }
0x253: {  	[tilespmem:s1], [sflag:$0x2] =	stream.indirect_vreg.gather @!p0 [hbm4b:s2+s0], $0x80, v2, vm1, $0xb8;
	[tilespmem:$0x1C200] =	vst v63  }
0x254: {  	s1 =	simm.s32 @!p0 $0x5A00;
	s2 =	rddreg [dreg:$0x9]  }
0x255: {  	[tilespmem:s1], [sflag:$0x2] =	stream.indirect_vreg.gather @!p0 [hbm4b:s2+s0], $0x80, v2, vm1, $0xb8;
	[tilespmem:$0x1C200] =	vst v63  }
0x256: {  	s1 =	simm.s32 @!p0 $0x6200;
	s2 =	rddreg [dreg:$0xa]  }
0x257: {  	[tilespmem:s1], [sflag:$0x2] =	stream.indirect_vreg.gather @!p0 [hbm4b:s2+s0], $0x80, v2, vm1, $0xb8;
	[tilespmem:$0x1C200] =	vst v63  }
0x258: {  	s13 =	simm.s32 $0x0;
	s1 =	simm.s32 @!p0 $0x6A00;
	s2 =	rddreg [dreg:$0xb]  }
0x259: {  	[tilespmem:s1], [sflag:$0x2] =	stream.indirect_vreg.gather @!p0 [hbm4b:s2+s0], $0x80, v2, vm1, $0xb8;
	[tilespmem:$0x1C200] =	vst v63  }
0x25a: {  	s12 =	simm.s32 $0x0;
	s1 =	simm.s32 @!p0 $0x7200;
	s2 =	rddreg [dreg:$0xc]  }
0x25b: {  	[tilespmem:s1], [sflag:$0x2] =	stream.indirect_vreg.gather @!p0 [hbm4b:s2+s0], $0x80, v2, vm1, $0xb8;
	[tilespmem:$0x1C200] =	vst v63  }
0x25c: {  	s14 =	simm.s32 $0x4;
	s1 =	simm.s32 @!p0 $0x7A00;
	s2 =	rddreg [dreg:$0xd]  }
0x25d: {  	[tilespmem:s1], [sflag:$0x2] =	stream.indirect_vreg.gather @!p0 [hbm4b:s2+s0], $0x80, v2, vm1, $0xb8;
	[tilespmem:$0x1C200] =	vst v63  }
0x25e: {  	s28 =	sand.u32 $0x60, s13;
	s0 =	sand.u32 $0x3C00, s12;
	_ =	swait.ge [sflag:s14], $0x4000  }
0x25f: {  	s30 =	sor.u32 $0x10, s28;
	s15 =	sor.u32 $0xC200, s0;
	[sflag:s14] =	ssyncset.done $0x0  }
0x260: {  	s16 =	sor.u32 s30, s15;
	[sflag:s14] =	ssyncadd.s32 $0xFFFFC000  }
0x261: {  	v2 =	vld [tilespmem:s16+$0x0];
	_ =	sdelay $0x2  }
0x262: {  	s1 =	sor.u32 s28, s15  }
0x263: {  	v3 =	vld [tilespmem:s1+$0x0]  }
0x264: {  	v2 =	vmul.f32 $4.525483320e+01, v2  }
0x265: {  	s17 =	sor.u32 $0xC280, s0  }
0x266: {  	s18 =	sor.u32 s30, s17;
	[tilespmem:s16+$0x0] =	vst v2  }
0x267: {  	v2 =	vld [tilespmem:s18+$0x0]  }
0x268: {  	v3 =	vmul.f32 $4.525483320e+01, v3;
	_ =	sdelay $0x1  }
0x269: {  	s19 =	simm.s32 $0x20;
	s20 =	simm.s32 $0x100;
	s3 =	sor.u32 s28, s17;
	[tilespmem:s1+$0x0] =	vst v3  }
0x26a: {  	s15 =	sand.u32 $0x60, s19;
	s16 =	sand.u32 $0x3C00, s20;
	v3 =	vld [tilespmem:s3+$0x0]  }
0x26b: {  	s19 =	sor.u32 $0x10, s15;
	s21 =	sor.u32 $0xC200, s16;
	v2 =	vmul.f32 $4.525483320e+01, v2  }
0x26c: {  	s23 =	sor.u32 $0xC300, s0;
	s22 =	sor.u32 s19, s21  }
0x26d: {  	s24 =	sor.u32 s30, s23;
	[tilespmem:s18+$0x0] =	vst v2;
	v2 =	vld [tilespmem:s22+$0x0]  }
0x26e: {  	v4 =	vld [tilespmem:s24+$0x0]  }
0x26f: {  	v3 =	vmul.f32 $4.525483320e+01, v3  }
0x270: {  	s1 =	sor.u32 s15, s21  }
0x271: {  	s5 =	sor.u32 s28, s23;
	[tilespmem:s3+$0x0] =	vst v3;
	v3 =	vld [tilespmem:s1+$0x0]  }
0x272: {  	v5 =	vld [tilespmem:s5+$0x0];
	v2 =	vmul.f32 $4.525483320e+01, v2  }
0x273: {  	s25 =	sor.u32 $0xC280, s16;
	v4 =	vmul.f32 $4.525483320e+01, v4  }
0x274: {  	s7 =	sor.u32 $0xC380, s0;
	s26 =	sor.u32 s19, s25;
	[tilespmem:s22+$0x0] =	vst v2  }
0x275: {  	s8 =	sor.u32 s30, s7;
	v2 =	vld [tilespmem:s26+$0x0];
	[tilespmem:s24+$0x0] =	vst v4  }
0x276: {  	v3 =	vmul.f32 $4.525483320e+01, v3;
	v4 =	vld [tilespmem:s8+$0x0]  }
0x277: {  	v5 =	vmul.f32 $4.525483320e+01, v5  }
0x278: {  	s9 =	simm.s32 $0x40;
	s10 =	simm.s32 $0x200;
	s3 =	sor.u32 s15, s25;
	[tilespmem:s1+$0x0] =	vst v3  }
0x279: {  	s6 =	sand.u32 $0x3C00, s10;
	s11 =	sor.u32 s28, s7;
	s17 =	sand.u32 $0x60, s9;
	v3 =	vld [tilespmem:s3+$0x0];
	[tilespmem:s5+$0x0] =	vst v5  }
0x27a: {  	s12 =	sor.u32 $0xC200, s6;
	s18 =	sor.u32 $0x10, s17;
	v5 =	vld [tilespmem:s11+$0x0];
	v2 =	vmul.f32 $4.525483320e+01, v2  }
0x27b: {  	s14 =	sor.u32 $0xC300, s16;
	s13 =	sor.u32 s18, s12;
	v4 =	vmul.f32 $4.525483320e+01, v4  }
0x27c: {  	s9 =	sadd.s32 $0xC400, s0;
	s20 =	sor.u32 s19, s14;
	[tilespmem:s26+$0x0] =	vst v2;
	v2 =	vld [tilespmem:s13+$0x0]  }
0x27d: {  	s21 =	sor.u32 s30, s9;
	[tilespmem:s8+$0x0] =	vst v4;
	v4 =	vld [tilespmem:s20+$0x0]  }
0x27e: {  	v3 =	vmul.f32 $4.525483320e+01, v3;
	v6 =	vld [tilespmem:s21+$0x0]  }
0x27f: {  	s1 =	sor.u32 s17, s12;
	v5 =	vmul.f32 $4.525483320e+01, v5  }
0x280: {  	s7 =	sor.u32 s15, s14;
	[tilespmem:s3+$0x0] =	vst v3;
	v3 =	vld [tilespmem:s1+$0x0]  }
0x281: {  	s22 =	sor.u32 s28, s9;
	[tilespmem:s11+$0x0] =	vst v5;
	v5 =	vld [tilespmem:s7+$0x0];
	v2 =	vmul.f32 $4.525483320e+01, v2  }
0x282: {  	s23 =	sor.u32 $0xC280, s6;
	v7 =	vld [tilespmem:s22+$0x0];
	v4 =	vmul.f32 $4.525483320e+01, v4  }
0x283: {  	s25 =	sor.u32 $0xC380, s16;
	s24 =	sor.u32 s18, s23;
	[tilespmem:s13+$0x0] =	vst v2;
	v2 =	vmul.f32 $4.525483320e+01, v6  }
0x284: {  	s10 =	sadd.s32 $0xC480, s0;
	s26 =	sor.u32 s19, s25;
	v6 =	vld [tilespmem:s24+$0x0];
	[tilespmem:s20+$0x0] =	vst v4  }
0x285: {  	s11 =	sor.u32 s30, s10;
	v3 =	vmul.f32 $4.525483320e+01, v3;
	v4 =	vld [tilespmem:s26+$0x0];
	[tilespmem:s21+$0x0] =	vst v2  }
0x286: {  	v2 =	vmul.f32 $4.525483320e+01, v5;
	v5 =	vld [tilespmem:s11+$0x0]  }
0x287: {  	s31 =	simm.s32 $0x60;
	s8 =	sor.u32 s17, s23;
	[tilespmem:s1+$0x0] =	vst v3;
	v3 =	vmul.f32 $4.525483320e+01, v7;
	s1 =	simm.s32 $0x300  }
0x288: {  	s9 =	sor.u32 s15, s25;
	v7 =	vld [tilespmem:s8+$0x0];
	s23 =	sand.u32 $0x3C00, s1;
	s21 =	sand.u32 $0x60, s31;
	[tilespmem:s7+$0x0] =	vst v2  }
0x289: {  	[tilespmem:s22+$0x0] =	vst v3;
	s14 =	sor.u32 $0xC200, s23;
	s25 =	sor.u32 $0x10, s21;
	s7 =	sor.u32 s28, s10;
	v2 =	vmul.f32 $4.525483320e+01, v6;
	v6 =	vld [tilespmem:s9+$0x0]  }
0x28a: {  	s20 =	sor.u32 $0xC300, s6;
	s10 =	sor.u32 s25, s14;
	v3 =	vmul.f32 $4.525483320e+01, v4;
	v4 =	vld [tilespmem:s7+$0x0]  }
0x28b: {  	s12 =	sadd.s32 $0xC400, s16;
	s22 =	sor.u32 s18, s20;
	[tilespmem:s24+$0x0] =	vst v2;
	v2 =	vmul.f32 $4.525483320e+01, v5;
	v5 =	vld [tilespmem:s10+$0x0]  }
0x28c: {  	s13 =	sadd.s32 $0xC500, s0;
	[tilespmem:s26+$0x0] =	vst v3;
	v3 =	vld [tilespmem:s22+$0x0];
	s26 =	sor.u32 s19, s12  }
0x28d: {  	s2 =	sor.u32 s30, s13;
	v7 =	vmul.f32 $4.525483320e+01, v7;
	[tilespmem:s11+$0x0] =	vst v2;
	v2 =	vld [tilespmem:s26+$0x0]  }
0x28e: {  	s14 =	sor.u32 s21, s14;
	v6 =	vmul.f32 $4.525483320e+01, v6;
	v8 =	vld [tilespmem:s2+$0x0]  }
0x28f: {  	s3 =	sor.u32 s17, s20;
	[tilespmem:s8+$0x0] =	vst v7;
	v7 =	vld [tilespmem:s14+$0x0];
	v4 =	vmul.f32 $4.525483320e+01, v4  }
0x290: {  	s24 =	sor.u32 s15, s12;
	v9 =	vld [tilespmem:s3+$0x0];
	[tilespmem:s9+$0x0] =	vst v6;
	v5 =	vmul.f32 $4.525483320e+01, v5  }
0x291: {  	s29 =	sor.u32 s28, s13;
	s12 =	sor.u32 $0xC280, s23;
	[tilespmem:s7+$0x0] =	vst v4;
	v4 =	vmul.f32 $4.525483320e+01, v3;
	v10 =	vld [tilespmem:s24+$0x0]  }
0x292: {  	s13 =	sor.u32 $0xC380, s6;
	s11 =	sor.u32 s25, s12;
	[tilespmem:s10+$0x0] =	vst v5;
	v2 =	vmul.f32 $4.525483320e+01, v2;
	v3 =	vld [tilespmem:s29+$0x0]  }
0x293: {  	s20 =	sor.u32 s18, s13;
	v6 =	vld [tilespmem:s11+$0x0];
	[tilespmem:s22+$0x0] =	vst v4;
	s22 =	sadd.s32 $0xC480, s16;
	v4 =	vmul.f32 $4.525483320e+01, v8  }
0x294: {  	s0 =	sadd.s32 $0xC580, s0;
	v7 =	vmul.f32 $4.525483320e+01, v7;
	v5 =	vld [tilespmem:s20+$0x0];
	[tilespmem:s26+$0x0] =	vst v2;
	s26 =	sor.u32 s19, s22  }
0x295: {  	s30 =	sor.u32 s30, s0;
	s28 =	sor.u32 s28, s0;
	v8 =	vmul.f32 $4.525483320e+01, v9;
	[tilespmem:s2+$0x0] =	vst v4;
	v4 =	vld [tilespmem:s26+$0x0]  }
0x296: {  	s8 =	sor.u32 s21, s12;
	[tilespmem:s14+$0x0] =	vst v7;
	s0 =	sor.u32 s15, s22;
	s2 =	sor.u32 s17, s13;
	v7 =	vmul.f32 $4.525483320e+01, v10;
	v2 =	vld [tilespmem:s30+$0x0]  }
.LBB2_9:
0x297: {  	s31 =	sadd.s32 $0x20, s31;
	v9 =	vld [tilespmem:s8+$0x0];
	s1 =	sadd.s32 $0x100, s1;
	[tilespmem:s3+$0x0] =	vst v8;
	v3 =	vmul.f32 $4.525483320e+01, v3;
	s9 =	smov.u32 s6  }
0x298: {  	s6 =	smov.u32 s23;
	s10 =	sand.u32 $0x60, s31;
	v6 =	vmul.f32 $4.525483320e+01, v6;
	v8 =	vld [tilespmem:s2+$0x0];
	[tilespmem:s24+$0x0] =	vst v7;
	s23 =	sand.u32 $0x3C00, s1  }
0x299: {  	s13 =	smov.u32 s19;
	s3 =	sor.u32 $0xC200, s23;
	s4 =	sor.u32 $0x10, s10;
	v5 =	vmul.f32 $4.525483320e+01, v5;
	v7 =	vld [tilespmem:s0+$0x0];
	[tilespmem:s29+$0x0] =	vst v3  }
0x29a: {  	s7 =	sor.u32 $0xC300, s6;
	s12 =	sor.u32 s10, s3;
	s5 =	sor.u32 s4, s3;
	[tilespmem:s11+$0x0] =	vst v6;
	v3 =	vmul.f32 $4.525483320e+01, v4;
	v4 =	vld [tilespmem:s28+$0x0]  }
0x29b: {  	s3 =	sor.u32 s21, s7;
	s7 =	sor.u32 s25, s7;
	s11 =	sadd.s32 $0xC400, s9;
	v6 =	vld [tilespmem:s5+$0x0];
	[tilespmem:s20+$0x0] =	vst v5;
	v2 =	vmul.f32 $4.525483320e+01, v2  }
0x29c: {  	s24 =	sor.u32 s17, s11;
	s14 =	sor.u32 s18, s11;
	s11 =	sadd.s32 $0xC500, s16;
	v5 =	vmul.f32 $4.525483320e+01, v9;
	v9 =	vld [tilespmem:s7+$0x0];
	[tilespmem:s26+$0x0] =	vst v3  }
0x29d: {  	p1 =	slt.u32 s31, $0x7E0;
	s29 =	sor.u32 s15, s11;
	s22 =	sor.u32 s13, s11;
	v3 =	vmul.f32 $4.525483320e+01, v8;
	v8 =	vld [tilespmem:s14+$0x0];
	[tilespmem:s30+$0x0] =	vst v2  }
0x29e: {  	s19 =	smov.u32 s18;
	s18 =	smov.u32 s25;
	s25 =	smov.u32 s4;
	[tilespmem:s8+$0x0] =	vst v5;
	v2 =	vmul.f32 $4.525483320e+01, v7;
	v5 =	vld [tilespmem:s22+$0x0]  }
0x29f: {  	v7 =	vld [tilespmem:s12+$0x0];
	[tilespmem:s2+$0x0] =	vst v3;
	v3 =	vmul.f32 $4.525483320e+01, v4  }
0x2a0: {  	v4 =	vmul.f32 $4.525483320e+01, v6;
	v10 =	vld [tilespmem:s3+$0x0];
	[tilespmem:s0+$0x0] =	vst v2;
	s0 =	sor.u32 $0xC280, s23  }
0x2a1: {  	v2 =	vmul.f32 $4.525483320e+01, v9;
	v9 =	vld [tilespmem:s24+$0x0];
	[tilespmem:s28+$0x0] =	vst v3;
	s8 =	sor.u32 s10, s0  }
.Ltmp3:
0x2a2: {  	s11 =	sor.u32 s25, s0;
	s0 =	sor.u32 $0xC380, s6;
	[tilespmem:s5+$0x0] =	vst v4;
	v4 =	vmul.f32 $4.525483320e+01, v8;
	v3 =	vld [tilespmem:s29+$0x0];
	(pc) =	sbr.rel @p1 .LBB2_9-.Ltmp3, $4  }
0x2a3: {  	s4 =	sadd.s32 $0xC480, s9;
	s2 =	sor.u32 s21, s0;
	s20 =	sor.u32 s18, s0;
	v6 =	vld [tilespmem:s11+$0x0];
	[tilespmem:s7+$0x0] =	vst v2;
	v2 =	vmul.f32 $4.525483320e+01, v5  }
0x2a4: {  	s26 =	sor.u32 s19, s4;
	s0 =	sor.u32 s17, s4;
	s4 =	sadd.s32 $0xC580, s16;
	v7 =	vmul.f32 $4.525483320e+01, v7;
	v5 =	vld [tilespmem:s20+$0x0];
	[tilespmem:s14+$0x0] =	vst v4  }
0x2a5: {  	s28 =	sor.u32 s15, s4;
	s30 =	sor.u32 s13, s4;
	s15 =	smov.u32 s17;
	v8 =	vmul.f32 $4.525483320e+01, v10;
	v4 =	vld [tilespmem:s26+$0x0];
	[tilespmem:s22+$0x0] =	vst v2  }
0x2a6: {  	s16 =	smov.u32 s9;
	s17 =	smov.u32 s21;
	s21 =	smov.u32 s10;
	[tilespmem:s12+$0x0] =	vst v7;
	v7 =	vmul.f32 $4.525483320e+01, v9;
	v2 =	vld [tilespmem:s30+$0x0]  }
0x2a7: {  	v9 =	vld [tilespmem:s8+$0x0]  }
0x2a8: {  	v6 =	vmul.f32 $4.525483320e+01, v6  }
0x2a9: {  	s1 =	sor.u32 $0xC300, s23  }
0x2aa: {  	s4 =	sor.u32 s25, s1;
	[tilespmem:s11+$0x0] =	vst v6  }
0x2ab: {  	v6 =	vld [tilespmem:s4+$0x0]  }
0x2ac: {  	v9 =	vmul.f32 $4.525483320e+01, v9;
	_ =	sdelay $0x1  }
0x2ad: {  	s1 =	sor.u32 s21, s1;
	[tilespmem:s8+$0x0] =	vst v9  }
0x2ae: {  	v9 =	vld [tilespmem:s1+$0x0]  }
0x2af: {  	v6 =	vmul.f32 $4.525483320e+01, v6  }
0x2b0: {  	s11 =	sor.u32 $0xC380, s23  }
0x2b1: {  	s12 =	sor.u32 s25, s11;
	[tilespmem:s4+$0x0] =	vst v6  }
0x2b2: {  	[tilespmem:s3+$0x0] =	vst v8;
	v6 =	vld [tilespmem:s12+$0x0]  }
0x2b3: {  	v8 =	vmul.f32 $4.525483320e+01, v9;
	v9 =	vld [tilespmem:s2+$0x0];
	_ =	sdelay $0x1  }
0x2b4: {  	v5 =	vmul.f32 $4.525483320e+01, v5;
	s3 =	sor.u32 s21, s11;
	[tilespmem:s1+$0x0] =	vst v8  }
0x2b5: {  	s13 =	sadd.s32 $0xC400, s6;
	v8 =	vld [tilespmem:s3+$0x0]  }
0x2b6: {  	s5 =	sor.u32 s18, s13;
	[tilespmem:s20+$0x0] =	vst v5  }
0x2b7: {  	v5 =	vmul.f32 $4.525483320e+01, v6;
	v6 =	vld [tilespmem:s5+$0x0];
	v9 =	vmul.f32 $4.525483320e+01, v9;
	_ =	sdelay $0x1  }
0x2b8: {  	s14 =	sadd.s32 $0xC400, s23;
	s1 =	sor.u32 s17, s13;
	[tilespmem:s2+$0x0] =	vst v9  }
0x2b9: {  	s20 =	sor.u32 s25, s14;
	[tilespmem:s12+$0x0] =	vst v5;
	v8 =	vmul.f32 $4.525483320e+01, v8;
	v9 =	vld [tilespmem:s1+$0x0]  }
0x2ba: {  	v5 =	vld [tilespmem:s20+$0x0]  }
0x2bb: {  	s2 =	sor.u32 s21, s14;
	v6 =	vmul.f32 $4.525483320e+01, v6;
	[tilespmem:s3+$0x0] =	vst v8  }
0x2bc: {  	s22 =	sadd.s32 $0xC480, s6;
	[tilespmem:s24+$0x0] =	vst v7;
	v8 =	vld [tilespmem:s2+$0x0]  }
0x2bd: {  	s24 =	sor.u32 s18, s22;
	[tilespmem:s5+$0x0] =	vst v6  }
0x2be: {  	v6 =	vld [tilespmem:s24+$0x0];
	v7 =	vmul.f32 $4.525483320e+01, v9  }
0x2bf: {  	v5 =	vmul.f32 $4.525483320e+01, v5;
	v9 =	vld [tilespmem:s0+$0x0]  }
0x2c0: {  	v4 =	vmul.f32 $4.525483320e+01, v4;
	s8 =	sadd.s32 $0xC480, s23;
	s3 =	sor.u32 s17, s22;
	[tilespmem:s1+$0x0] =	vst v7  }
0x2c1: {  	s10 =	sadd.s32 $0xC500, s16;
	s9 =	sor.u32 s25, s8;
	[tilespmem:s20+$0x0] =	vst v5;
	v7 =	vmul.f32 $4.525483320e+01, v8;
	v8 =	vld [tilespmem:s3+$0x0]  }
0x2c2: {  	s7 =	sor.u32 s19, s10;
	[tilespmem:s26+$0x0] =	vst v4;
	v5 =	vld [tilespmem:s9+$0x0]  }
0x2c3: {  	s1 =	sor.u32 s21, s8;
	v4 =	vmul.f32 $4.525483320e+01, v6;
	v6 =	vld [tilespmem:s7+$0x0];
	[tilespmem:s2+$0x0] =	vst v7  }
0x2c4: {  	v9 =	vmul.f32 $4.525483320e+01, v9;
	v7 =	vld [tilespmem:s1+$0x0];
	_ =	sdelay $0x1  }
0x2c5: {  	s11 =	sadd.s32 $0xC500, s6;
	s2 =	sor.u32 s15, s10;
	[tilespmem:s0+$0x0] =	vst v9;
	v8 =	vmul.f32 $4.525483320e+01, v8  }
0x2c6: {  	s12 =	sor.u32 s18, s11;
	[tilespmem:s24+$0x0] =	vst v4;
	v4 =	vmul.f32 $4.525483320e+01, v5;
	v9 =	vld [tilespmem:s2+$0x0]  }
0x2c7: {  	s13 =	sadd.s32 $0xC500, s23;
	s0 =	sor.u32 s17, s11;
	v5 =	vld [tilespmem:s12+$0x0];
	v6 =	vmul.f32 $4.525483320e+01, v6;
	[tilespmem:s3+$0x0] =	vst v8  }
0x2c8: {  	s14 =	sor.u32 s25, s13;
	s20 =	sadd.s32 $0xC580, s16;
	[tilespmem:s9+$0x0] =	vst v4;
	v7 =	vmul.f32 $4.525483320e+01, v7;
	v8 =	vld [tilespmem:s0+$0x0]  }
0x2c9: {  	v3 =	vmul.f32 $4.525483320e+01, v3;
	s22 =	sor.u32 s19, s20;
	v4 =	vld [tilespmem:s14+$0x0];
	[tilespmem:s7+$0x0] =	vst v6  }
0x2ca: {  	s3 =	sor.u32 s21, s13;
	v6 =	vld [tilespmem:s22+$0x0];
	[tilespmem:s1+$0x0] =	vst v7  }
0x2cb: {  	[tilespmem:s29+$0x0] =	vst v3;
	v3 =	vmul.f32 $4.525483320e+01, v9;
	v7 =	vld [tilespmem:s3+$0x0]  }
0x2cc: {  	v5 =	vmul.f32 $4.525483320e+01, v5;
	v9 =	vld [tilespmem:s28+$0x0]  }
0x2cd: {  	s24 =	sadd.s32 $0xC580, s6;
	s1 =	sor.u32 s15, s20;
	[tilespmem:s2+$0x0] =	vst v3;
	v3 =	vmul.f32 $4.525483320e+01, v8  }
0x2ce: {  	v2 =	vmul.f32 $4.525483320e+01, v2;
	s26 =	sor.u32 s18, s24;
	[tilespmem:s12+$0x0] =	vst v5;
	v8 =	vld [tilespmem:s1+$0x0]  }
0x2cf: {  	v4 =	vmul.f32 $4.525483320e+01, v4;
	s2 =	sor.u32 s17, s24;
	v5 =	vld [tilespmem:s26+$0x0];
	[tilespmem:s0+$0x0] =	vst v3  }
0x2d0: {  	[tilespmem:s30+$0x0] =	vst v2;
	v2 =	vmul.f32 $4.525483320e+01, v6;
	v3 =	vmul.f32 $4.525483320e+01, v7;
	v7 =	vld [tilespmem:s2+$0x0]  }
0x2d1: {  	[tilespmem:s14+$0x0] =	vst v4;
	v4 =	vmul.f32 $4.525483320e+01, v9  }
0x2d2: {  	s6 =	sadd.s32 $0xC580, s23;
	[tilespmem:s22+$0x0] =	vst v2  }
0x2d3: {  	s8 =	sor.u32 s25, s6;
	[tilespmem:s28+$0x0] =	vst v4;
	v4 =	vmul.f32 $4.525483320e+01, v8  }
0x2d4: {  	s0 =	sor.u32 s21, s6;
	v9 =	vld [tilespmem:s8+$0x0];
	v2 =	vmul.f32 $4.525483320e+01, v5;
	[tilespmem:s3+$0x0] =	vst v3  }
0x2d5: {  	v3 =	vld [tilespmem:s0+$0x0];
	[tilespmem:s1+$0x0] =	vst v4;
	v4 =	vmul.f32 $4.525483320e+01, v7  }
0x2d6: {  	[tilespmem:s26+$0x0] =	vst v2  }
0x2d7: {  	[tilespmem:s2+$0x0] =	vst v4  }
0x2d8: {  	s1 =	rddreg [dreg:$0x10]  }
0x2d9: {  	v2 =	vmul.f32 $4.525483320e+01, v9;
	s2 =	rddreg [dreg:$0x19]  }
0x2da: {  	v3 =	vmul.f32 $4.525483320e+01, v3;
	s1 =	sadd.s32 s2, s1  }
0x2db: {  	s9 =	rddreg [dreg:$0x2];
	[tilespmem:s8+$0x0] =	vst v2;
	s1 =	sshll.u32 s1, $0xB  }
0x2dc: {  	s10 =	simm.s32 $0x0;
	s11 =	simm.s32 $0xC200;
	[tilespmem:s0+$0x0] =	vst v3;
	s0 =	sadd.s32 s9, s1  }
0x2dd: {  	[hbm4b:s0+s10] =	stream.linear.scatter [tilespmem:s11], [sflag:$0xB], $0x4000, $0x38;
	[tilespmem:$0x1C200] =	vst v63  }
0x2de: {  	s0 =	simm.s32 @!p0 $0xA  }
0x2df: {  	_ =	swait.ge @!p0 [sflag:s0], $0x4000  }
0x2e0: {  	[sflag:s0] =	ssyncset.done @!p0 $0x0  }
0x2e1: {  	[sflag:s0] =	ssyncadd.s32 @!p0 $0xFFFFC000;
	s0 =	rddreg [dreg:$0x18]  }
0x2e2: {  	v2 =	vld.msk @!p0 [tilespmem:s0+$0x48], $0xff;
	_ =	sdelay $0x4  }
0x2e3: {  	v3 =	vshll.u32 @!p0 v2, $0x4  }
0x2e4: {  	v4 =	vlaneseq.u32 @!p0;
	v2 =	vand.u32 @!p0 $0x7, v2;
	v3 =	vand.u32 @!p0 $0xFFFFFF80, v3  }
0x2e5: {  	v2 =	vor.u32 @!p0 v2, v3;
	v3 =	vand.u32 @!p0 $0x7, v4;
	v4 =	vshrl.u32 @!p0 v4, $0x3  }
0x2e6: {  	v2 =	vperm.xlane @!p0 v2, v3;
	v3 =	vmul.u32 @!p0 $0x8, v4;
	_ =	sdelay $0x1  }
0x2e7: {  	v2 =	vadd.s32 @!p0 v3, v2;
	_ =	sdelay $0x3  }
0x2e8: {  	s1 =	simm.s32 @!p0 $0x8200;
	s0 =	simm.s32 @!p0 $0x0;
	s2 =	rddreg [dreg:$0x1]  }
0x2e9: {  	[tilespmem:s1], [sflag:$0x3] =	stream.indirect_vreg.gather @!p0 [hbm4b:s2+s0], $0x80, v2, vm1, $0xb8;
	[tilespmem:$0x1C200] =	vst v63  }
0x2ea: {  	s1 =	simm.s32 @!p0 $0x8A00;
	s2 =	rddreg [dreg:$0x7]  }
0x2eb: {  	[tilespmem:s1], [sflag:$0x3] =	stream.indirect_vreg.gather @!p0 [hbm4b:s2+s0], $0x80, v2, vm1, $0xb8;
	[tilespmem:$0x1C200] =	vst v63  }
0x2ec: {  	s1 =	simm.s32 @!p0 $0x9200;
	s2 =	rddreg [dreg:$0x8]  }
0x2ed: {  	[tilespmem:s1], [sflag:$0x3] =	stream.indirect_vreg.gather @!p0 [hbm4b:s2+s0], $0x80, v2, vm1, $0xb8;
	[tilespmem:$0x1C200] =	vst v63  }
0x2ee: {  	s1 =	simm.s32 @!p0 $0x9A00;
	s2 =	rddreg [dreg:$0x9]  }
0x2ef: {  	[tilespmem:s1], [sflag:$0x3] =	stream.indirect_vreg.gather @!p0 [hbm4b:s2+s0], $0x80, v2, vm1, $0xb8;
	[tilespmem:$0x1C200] =	vst v63  }
0x2f0: {  	s1 =	simm.s32 @!p0 $0xA200;
	s2 =	rddreg [dreg:$0xa]  }
0x2f1: {  	[tilespmem:s1], [sflag:$0x3] =	stream.indirect_vreg.gather @!p0 [hbm4b:s2+s0], $0x80, v2, vm1, $0xb8;
	[tilespmem:$0x1C200] =	vst v63  }
0x2f2: {  	s13 =	simm.s32 $0x0;
	s1 =	simm.s32 @!p0 $0xAA00;
	s2 =	rddreg [dreg:$0xb]  }
0x2f3: {  	[tilespmem:s1], [sflag:$0x3] =	stream.indirect_vreg.gather @!p0 [hbm4b:s2+s0], $0x80, v2, vm1, $0xb8;
	[tilespmem:$0x1C200] =	vst v63  }
0x2f4: {  	s12 =	simm.s32 $0x0;
	s1 =	simm.s32 @!p0 $0xB200;
	s2 =	rddreg [dreg:$0xc]  }
0x2f5: {  	[tilespmem:s1], [sflag:$0x3] =	stream.indirect_vreg.gather @!p0 [hbm4b:s2+s0], $0x80, v2, vm1, $0xb8;
	[tilespmem:$0x1C200] =	vst v63  }
0x2f6: {  	s14 =	simm.s32 $0x5;
	s1 =	simm.s32 @!p0 $0xBA00;
	s2 =	rddreg [dreg:$0xd]  }
0x2f7: {  	[tilespmem:s1], [sflag:$0x3] =	stream.indirect_vreg.gather @!p0 [hbm4b:s2+s0], $0x80, v2, vm1, $0xb8;
	[tilespmem:$0x1C200] =	vst v63  }
0x2f8: {  	s28 =	sand.u32 $0x60, s13;
	s0 =	sand.u32 $0x3C00, s12;
	_ =	swait.ge [sflag:s14], $0x4000  }
0x2f9: {  	s30 =	sor.u32 $0x10, s28;
	s15 =	sor.u32 $0x10200, s0;
	[sflag:s14] =	ssyncset.done $0x0  }
0x2fa: {  	s16 =	sor.u32 s30, s15;
	[sflag:s14] =	ssyncadd.s32 $0xFFFFC000  }
0x2fb: {  	v2 =	vld [tilespmem:s16+$0x0];
	_ =	sdelay $0x2  }
0x2fc: {  	s1 =	sor.u32 s28, s15  }
0x2fd: {  	v3 =	vld [tilespmem:s1+$0x0]  }
0x2fe: {  	v2 =	vmul.f32 $4.525483320e+01, v2  }
0x2ff: {  	s17 =	sor.u32 $0x10280, s0  }
0x300: {  	s18 =	sor.u32 s30, s17;
	[tilespmem:s16+$0x0] =	vst v2  }
0x301: {  	v2 =	vld [tilespmem:s18+$0x0]  }
0x302: {  	v3 =	vmul.f32 $4.525483320e+01, v3;
	_ =	sdelay $0x1  }
0x303: {  	s19 =	simm.s32 $0x20;
	s20 =	simm.s32 $0x100;
	s3 =	sor.u32 s28, s17;
	[tilespmem:s1+$0x0] =	vst v3  }
0x304: {  	s15 =	sand.u32 $0x60, s19;
	s16 =	sand.u32 $0x3C00, s20;
	v3 =	vld [tilespmem:s3+$0x0]  }
0x305: {  	s19 =	sor.u32 $0x10, s15;
	s21 =	sor.u32 $0x10200, s16;
	v2 =	vmul.f32 $4.525483320e+01, v2  }
0x306: {  	s23 =	sor.u32 $0x10300, s0;
	s22 =	sor.u32 s19, s21  }
0x307: {  	s24 =	sor.u32 s30, s23;
	[tilespmem:s18+$0x0] =	vst v2;
	v2 =	vld [tilespmem:s22+$0x0]  }
0x308: {  	v4 =	vld [tilespmem:s24+$0x0]  }
0x309: {  	v3 =	vmul.f32 $4.525483320e+01, v3  }
0x30a: {  	s1 =	sor.u32 s15, s21  }
0x30b: {  	s5 =	sor.u32 s28, s23;
	[tilespmem:s3+$0x0] =	vst v3;
	v3 =	vld [tilespmem:s1+$0x0]  }
0x30c: {  	v5 =	vld [tilespmem:s5+$0x0];
	v2 =	vmul.f32 $4.525483320e+01, v2  }
0x30d: {  	s25 =	sor.u32 $0x10280, s16;
	v4 =	vmul.f32 $4.525483320e+01, v4  }
0x30e: {  	s7 =	sor.u32 $0x10380, s0;
	s26 =	sor.u32 s19, s25;
	[tilespmem:s22+$0x0] =	vst v2  }
0x30f: {  	s8 =	sor.u32 s30, s7;
	v2 =	vld [tilespmem:s26+$0x0];
	[tilespmem:s24+$0x0] =	vst v4  }
0x310: {  	v3 =	vmul.f32 $4.525483320e+01, v3;
	v4 =	vld [tilespmem:s8+$0x0]  }
0x311: {  	v5 =	vmul.f32 $4.525483320e+01, v5  }
0x312: {  	s9 =	simm.s32 $0x40;
	s10 =	simm.s32 $0x200;
	s3 =	sor.u32 s15, s25;
	[tilespmem:s1+$0x0] =	vst v3  }
0x313: {  	s6 =	sand.u32 $0x3C00, s10;
	s11 =	sor.u32 s28, s7;
	s17 =	sand.u32 $0x60, s9;
	v3 =	vld [tilespmem:s3+$0x0];
	[tilespmem:s5+$0x0] =	vst v5  }
0x314: {  	s12 =	sor.u32 $0x10200, s6;
	s18 =	sor.u32 $0x10, s17;
	v5 =	vld [tilespmem:s11+$0x0];
	v2 =	vmul.f32 $4.525483320e+01, v2  }
0x315: {  	s14 =	sor.u32 $0x10300, s16;
	s13 =	sor.u32 s18, s12;
	v4 =	vmul.f32 $4.525483320e+01, v4  }
0x316: {  	s9 =	sadd.s32 $0x10400, s0;
	s20 =	sor.u32 s19, s14;
	[tilespmem:s26+$0x0] =	vst v2;
	v2 =	vld [tilespmem:s13+$0x0]  }
0x317: {  	s21 =	sor.u32 s30, s9;
	[tilespmem:s8+$0x0] =	vst v4;
	v4 =	vld [tilespmem:s20+$0x0]  }
0x318: {  	v3 =	vmul.f32 $4.525483320e+01, v3;
	v6 =	vld [tilespmem:s21+$0x0]  }
0x319: {  	s1 =	sor.u32 s17, s12;
	v5 =	vmul.f32 $4.525483320e+01, v5  }
0x31a: {  	s7 =	sor.u32 s15, s14;
	[tilespmem:s3+$0x0] =	vst v3;
	v3 =	vld [tilespmem:s1+$0x0]  }
0x31b: {  	s22 =	sor.u32 s28, s9;
	[tilespmem:s11+$0x0] =	vst v5;
	v5 =	vld [tilespmem:s7+$0x0];
	v2 =	vmul.f32 $4.525483320e+01, v2  }
0x31c: {  	s23 =	sor.u32 $0x10280, s6;
	v7 =	vld [tilespmem:s22+$0x0];
	v4 =	vmul.f32 $4.525483320e+01, v4  }
0x31d: {  	s25 =	sor.u32 $0x10380, s16;
	s24 =	sor.u32 s18, s23;
	[tilespmem:s13+$0x0] =	vst v2;
	v2 =	vmul.f32 $4.525483320e+01, v6  }
0x31e: {  	s10 =	sadd.s32 $0x10480, s0;
	s26 =	sor.u32 s19, s25;
	v6 =	vld [tilespmem:s24+$0x0];
	[tilespmem:s20+$0x0] =	vst v4  }
0x31f: {  	s11 =	sor.u32 s30, s10;
	v3 =	vmul.f32 $4.525483320e+01, v3;
	v4 =	vld [tilespmem:s26+$0x0];
	[tilespmem:s21+$0x0] =	vst v2  }
0x320: {  	v2 =	vmul.f32 $4.525483320e+01, v5;
	v5 =	vld [tilespmem:s11+$0x0]  }
0x321: {  	s31 =	simm.s32 $0x60;
	s8 =	sor.u32 s17, s23;
	[tilespmem:s1+$0x0] =	vst v3;
	v3 =	vmul.f32 $4.525483320e+01, v7;
	s1 =	simm.s32 $0x300  }
0x322: {  	s9 =	sor.u32 s15, s25;
	v7 =	vld [tilespmem:s8+$0x0];
	s23 =	sand.u32 $0x3C00, s1;
	s21 =	sand.u32 $0x60, s31;
	[tilespmem:s7+$0x0] =	vst v2  }
0x323: {  	[tilespmem:s22+$0x0] =	vst v3;
	s14 =	sor.u32 $0x10200, s23;
	s25 =	sor.u32 $0x10, s21;
	s7 =	sor.u32 s28, s10;
	v2 =	vmul.f32 $4.525483320e+01, v6;
	v6 =	vld [tilespmem:s9+$0x0]  }
0x324: {  	s20 =	sor.u32 $0x10300, s6;
	s10 =	sor.u32 s25, s14;
	v3 =	vmul.f32 $4.525483320e+01, v4;
	v4 =	vld [tilespmem:s7+$0x0]  }
0x325: {  	s12 =	sadd.s32 $0x10400, s16;
	s22 =	sor.u32 s18, s20;
	[tilespmem:s24+$0x0] =	vst v2;
	v2 =	vmul.f32 $4.525483320e+01, v5;
	v5 =	vld [tilespmem:s10+$0x0]  }
0x326: {  	s13 =	sadd.s32 $0x10500, s0;
	[tilespmem:s26+$0x0] =	vst v3;
	v3 =	vld [tilespmem:s22+$0x0];
	s26 =	sor.u32 s19, s12  }
0x327: {  	s2 =	sor.u32 s30, s13;
	v7 =	vmul.f32 $4.525483320e+01, v7;
	[tilespmem:s11+$0x0] =	vst v2;
	v2 =	vld [tilespmem:s26+$0x0]  }
0x328: {  	s14 =	sor.u32 s21, s14;
	v6 =	vmul.f32 $4.525483320e+01, v6;
	v8 =	vld [tilespmem:s2+$0x0]  }
0x329: {  	s3 =	sor.u32 s17, s20;
	[tilespmem:s8+$0x0] =	vst v7;
	v7 =	vld [tilespmem:s14+$0x0];
	v4 =	vmul.f32 $4.525483320e+01, v4  }
0x32a: {  	s24 =	sor.u32 s15, s12;
	v9 =	vld [tilespmem:s3+$0x0];
	[tilespmem:s9+$0x0] =	vst v6;
	v5 =	vmul.f32 $4.525483320e+01, v5  }
0x32b: {  	s29 =	sor.u32 s28, s13;
	s12 =	sor.u32 $0x10280, s23;
	[tilespmem:s7+$0x0] =	vst v4;
	v4 =	vmul.f32 $4.525483320e+01, v3;
	v10 =	vld [tilespmem:s24+$0x0]  }
0x32c: {  	s13 =	sor.u32 $0x10380, s6;
	s11 =	sor.u32 s25, s12;
	[tilespmem:s10+$0x0] =	vst v5;
	v2 =	vmul.f32 $4.525483320e+01, v2;
	v3 =	vld [tilespmem:s29+$0x0]  }
0x32d: {  	s20 =	sor.u32 s18, s13;
	v6 =	vld [tilespmem:s11+$0x0];
	[tilespmem:s22+$0x0] =	vst v4;
	s22 =	sadd.s32 $0x10480, s16;
	v4 =	vmul.f32 $4.525483320e+01, v8  }
0x32e: {  	s0 =	sadd.s32 $0x10580, s0;
	v7 =	vmul.f32 $4.525483320e+01, v7;
	v5 =	vld [tilespmem:s20+$0x0];
	[tilespmem:s26+$0x0] =	vst v2;
	s26 =	sor.u32 s19, s22  }
0x32f: {  	s30 =	sor.u32 s30, s0;
	s28 =	sor.u32 s28, s0;
	v8 =	vmul.f32 $4.525483320e+01, v9;
	[tilespmem:s2+$0x0] =	vst v4;
	v4 =	vld [tilespmem:s26+$0x0]  }
0x330: {  	s8 =	sor.u32 s21, s12;
	[tilespmem:s14+$0x0] =	vst v7;
	s0 =	sor.u32 s15, s22;
	s2 =	sor.u32 s17, s13;
	v7 =	vmul.f32 $4.525483320e+01, v10;
	v2 =	vld [tilespmem:s30+$0x0]  }
.LBB2_11:
0x331: {  	s31 =	sadd.s32 $0x20, s31;
	v9 =	vld [tilespmem:s8+$0x0];
	s1 =	sadd.s32 $0x100, s1;
	[tilespmem:s3+$0x0] =	vst v8;
	v3 =	vmul.f32 $4.525483320e+01, v3;
	s9 =	smov.u32 s6  }
0x332: {  	s6 =	smov.u32 s23;
	s10 =	sand.u32 $0x60, s31;
	v6 =	vmul.f32 $4.525483320e+01, v6;
	v8 =	vld [tilespmem:s2+$0x0];
	[tilespmem:s24+$0x0] =	vst v7;
	s23 =	sand.u32 $0x3C00, s1  }
0x333: {  	s13 =	smov.u32 s19;
	s3 =	sor.u32 $0x10200, s23;
	s4 =	sor.u32 $0x10, s10;
	v5 =	vmul.f32 $4.525483320e+01, v5;
	v7 =	vld [tilespmem:s0+$0x0];
	[tilespmem:s29+$0x0] =	vst v3  }
0x334: {  	s7 =	sor.u32 $0x10300, s6;
	s12 =	sor.u32 s10, s3;
	s5 =	sor.u32 s4, s3;
	[tilespmem:s11+$0x0] =	vst v6;
	v3 =	vmul.f32 $4.525483320e+01, v4;
	v4 =	vld [tilespmem:s28+$0x0]  }
0x335: {  	s3 =	sor.u32 s21, s7;
	s7 =	sor.u32 s25, s7;
	s11 =	sadd.s32 $0x10400, s9;
	v6 =	vld [tilespmem:s5+$0x0];
	[tilespmem:s20+$0x0] =	vst v5;
	v2 =	vmul.f32 $4.525483320e+01, v2  }
0x336: {  	s24 =	sor.u32 s17, s11;
	s14 =	sor.u32 s18, s11;
	s11 =	sadd.s32 $0x10500, s16;
	v5 =	vmul.f32 $4.525483320e+01, v9;
	v9 =	vld [tilespmem:s7+$0x0];
	[tilespmem:s26+$0x0] =	vst v3  }
0x337: {  	p1 =	slt.u32 s31, $0x7E0;
	s29 =	sor.u32 s15, s11;
	s22 =	sor.u32 s13, s11;
	v3 =	vmul.f32 $4.525483320e+01, v8;
	v8 =	vld [tilespmem:s14+$0x0];
	[tilespmem:s30+$0x0] =	vst v2  }
0x338: {  	s19 =	smov.u32 s18;
	s18 =	smov.u32 s25;
	s25 =	smov.u32 s4;
	[tilespmem:s8+$0x0] =	vst v5;
	v2 =	vmul.f32 $4.525483320e+01, v7;
	v5 =	vld [tilespmem:s22+$0x0]  }
0x339: {  	v7 =	vld [tilespmem:s12+$0x0];
	[tilespmem:s2+$0x0] =	vst v3;
	v3 =	vmul.f32 $4.525483320e+01, v4  }
0x33a: {  	v4 =	vmul.f32 $4.525483320e+01, v6;
	v10 =	vld [tilespmem:s3+$0x0];
	[tilespmem:s0+$0x0] =	vst v2;
	s0 =	sor.u32 $0x10280, s23  }
0x33b: {  	v2 =	vmul.f32 $4.525483320e+01, v9;
	v9 =	vld [tilespmem:s24+$0x0];
	[tilespmem:s28+$0x0] =	vst v3;
	s8 =	sor.u32 s10, s0  }
.Ltmp4:
0x33c: {  	s11 =	sor.u32 s25, s0;
	s0 =	sor.u32 $0x10380, s6;
	[tilespmem:s5+$0x0] =	vst v4;
	v4 =	vmul.f32 $4.525483320e+01, v8;
	v3 =	vld [tilespmem:s29+$0x0];
	(pc) =	sbr.rel @p1 .LBB2_11-.Ltmp4, $4  }
0x33d: {  	s4 =	sadd.s32 $0x10480, s9;
	s2 =	sor.u32 s21, s0;
	s20 =	sor.u32 s18, s0;
	v6 =	vld [tilespmem:s11+$0x0];
	[tilespmem:s7+$0x0] =	vst v2;
	v2 =	vmul.f32 $4.525483320e+01, v5  }
0x33e: {  	s26 =	sor.u32 s19, s4;
	s0 =	sor.u32 s17, s4;
	s4 =	sadd.s32 $0x10580, s16;
	v7 =	vmul.f32 $4.525483320e+01, v7;
	v5 =	vld [tilespmem:s20+$0x0];
	[tilespmem:s14+$0x0] =	vst v4  }
0x33f: {  	s28 =	sor.u32 s15, s4;
	s30 =	sor.u32 s13, s4;
	s15 =	smov.u32 s17;
	v8 =	vmul.f32 $4.525483320e+01, v10;
	v4 =	vld [tilespmem:s26+$0x0];
	[tilespmem:s22+$0x0] =	vst v2  }
0x340: {  	s16 =	smov.u32 s9;
	s17 =	smov.u32 s21;
	s21 =	smov.u32 s10;
	[tilespmem:s12+$0x0] =	vst v7;
	v7 =	vmul.f32 $4.525483320e+01, v9;
	v2 =	vld [tilespmem:s30+$0x0]  }
0x341: {  	v9 =	vld [tilespmem:s8+$0x0]  }
0x342: {  	v6 =	vmul.f32 $4.525483320e+01, v6  }
0x343: {  	s1 =	sor.u32 $0x10300, s23  }
0x344: {  	s4 =	sor.u32 s25, s1;
	[tilespmem:s11+$0x0] =	vst v6  }
0x345: {  	v6 =	vld [tilespmem:s4+$0x0]  }
0x346: {  	v9 =	vmul.f32 $4.525483320e+01, v9;
	_ =	sdelay $0x1  }
0x347: {  	s1 =	sor.u32 s21, s1;
	[tilespmem:s8+$0x0] =	vst v9  }
0x348: {  	v9 =	vld [tilespmem:s1+$0x0]  }
0x349: {  	v6 =	vmul.f32 $4.525483320e+01, v6  }
0x34a: {  	s11 =	sor.u32 $0x10380, s23  }
0x34b: {  	s12 =	sor.u32 s25, s11;
	[tilespmem:s4+$0x0] =	vst v6  }
0x34c: {  	[tilespmem:s3+$0x0] =	vst v8;
	v6 =	vld [tilespmem:s12+$0x0]  }
0x34d: {  	v8 =	vmul.f32 $4.525483320e+01, v9;
	v9 =	vld [tilespmem:s2+$0x0];
	_ =	sdelay $0x1  }
0x34e: {  	v5 =	vmul.f32 $4.525483320e+01, v5;
	s3 =	sor.u32 s21, s11;
	[tilespmem:s1+$0x0] =	vst v8  }
0x34f: {  	s13 =	sadd.s32 $0x10400, s6;
	v8 =	vld [tilespmem:s3+$0x0]  }
0x350: {  	s5 =	sor.u32 s18, s13;
	[tilespmem:s20+$0x0] =	vst v5  }
0x351: {  	v5 =	vmul.f32 $4.525483320e+01, v6;
	v6 =	vld [tilespmem:s5+$0x0];
	v9 =	vmul.f32 $4.525483320e+01, v9;
	_ =	sdelay $0x1  }
0x352: {  	s14 =	sadd.s32 $0x10400, s23;
	s1 =	sor.u32 s17, s13;
	[tilespmem:s2+$0x0] =	vst v9  }
0x353: {  	s20 =	sor.u32 s25, s14;
	[tilespmem:s12+$0x0] =	vst v5;
	v8 =	vmul.f32 $4.525483320e+01, v8;
	v9 =	vld [tilespmem:s1+$0x0]  }
0x354: {  	v5 =	vld [tilespmem:s20+$0x0]  }
0x355: {  	s2 =	sor.u32 s21, s14;
	v6 =	vmul.f32 $4.525483320e+01, v6;
	[tilespmem:s3+$0x0] =	vst v8  }
0x356: {  	s22 =	sadd.s32 $0x10480, s6;
	[tilespmem:s24+$0x0] =	vst v7;
	v8 =	vld [tilespmem:s2+$0x0]  }
0x357: {  	s24 =	sor.u32 s18, s22;
	[tilespmem:s5+$0x0] =	vst v6  }
0x358: {  	v6 =	vld [tilespmem:s24+$0x0];
	v7 =	vmul.f32 $4.525483320e+01, v9  }
0x359: {  	v5 =	vmul.f32 $4.525483320e+01, v5;
	v9 =	vld [tilespmem:s0+$0x0]  }
0x35a: {  	v4 =	vmul.f32 $4.525483320e+01, v4;
	s8 =	sadd.s32 $0x10480, s23;
	s3 =	sor.u32 s17, s22;
	[tilespmem:s1+$0x0] =	vst v7  }
0x35b: {  	s10 =	sadd.s32 $0x10500, s16;
	s9 =	sor.u32 s25, s8;
	[tilespmem:s20+$0x0] =	vst v5;
	v7 =	vmul.f32 $4.525483320e+01, v8;
	v8 =	vld [tilespmem:s3+$0x0]  }
0x35c: {  	s7 =	sor.u32 s19, s10;
	[tilespmem:s26+$0x0] =	vst v4;
	v5 =	vld [tilespmem:s9+$0x0]  }
0x35d: {  	s1 =	sor.u32 s21, s8;
	v4 =	vmul.f32 $4.525483320e+01, v6;
	v6 =	vld [tilespmem:s7+$0x0];
	[tilespmem:s2+$0x0] =	vst v7  }
0x35e: {  	v9 =	vmul.f32 $4.525483320e+01, v9;
	v7 =	vld [tilespmem:s1+$0x0];
	_ =	sdelay $0x1  }
0x35f: {  	s11 =	sadd.s32 $0x10500, s6;
	s2 =	sor.u32 s15, s10;
	[tilespmem:s0+$0x0] =	vst v9;
	v8 =	vmul.f32 $4.525483320e+01, v8  }
0x360: {  	s12 =	sor.u32 s18, s11;
	[tilespmem:s24+$0x0] =	vst v4;
	v4 =	vmul.f32 $4.525483320e+01, v5;
	v9 =	vld [tilespmem:s2+$0x0]  }
0x361: {  	s13 =	sadd.s32 $0x10500, s23;
	s0 =	sor.u32 s17, s11;
	v5 =	vld [tilespmem:s12+$0x0];
	v6 =	vmul.f32 $4.525483320e+01, v6;
	[tilespmem:s3+$0x0] =	vst v8  }
0x362: {  	s14 =	sor.u32 s25, s13;
	s20 =	sadd.s32 $0x10580, s16;
	[tilespmem:s9+$0x0] =	vst v4;
	v7 =	vmul.f32 $4.525483320e+01, v7;
	v8 =	vld [tilespmem:s0+$0x0]  }
0x363: {  	v3 =	vmul.f32 $4.525483320e+01, v3;
	s22 =	sor.u32 s19, s20;
	v4 =	vld [tilespmem:s14+$0x0];
	[tilespmem:s7+$0x0] =	vst v6  }
0x364: {  	s3 =	sor.u32 s21, s13;
	v6 =	vld [tilespmem:s22+$0x0];
	[tilespmem:s1+$0x0] =	vst v7  }
0x365: {  	[tilespmem:s29+$0x0] =	vst v3;
	v3 =	vmul.f32 $4.525483320e+01, v9;
	v7 =	vld [tilespmem:s3+$0x0]  }
0x366: {  	v5 =	vmul.f32 $4.525483320e+01, v5;
	v9 =	vld [tilespmem:s28+$0x0]  }
0x367: {  	s24 =	sadd.s32 $0x10580, s6;
	s1 =	sor.u32 s15, s20;
	[tilespmem:s2+$0x0] =	vst v3;
	v3 =	vmul.f32 $4.525483320e+01, v8  }
0x368: {  	v2 =	vmul.f32 $4.525483320e+01, v2;
	s26 =	sor.u32 s18, s24;
	[tilespmem:s12+$0x0] =	vst v5;
	v8 =	vld [tilespmem:s1+$0x0]  }
0x369: {  	v4 =	vmul.f32 $4.525483320e+01, v4;
	s2 =	sor.u32 s17, s24;
	v5 =	vld [tilespmem:s26+$0x0];
	[tilespmem:s0+$0x0] =	vst v3  }
0x36a: {  	[tilespmem:s30+$0x0] =	vst v2;
	v2 =	vmul.f32 $4.525483320e+01, v6;
	v3 =	vmul.f32 $4.525483320e+01, v7;
	v7 =	vld [tilespmem:s2+$0x0]  }
0x36b: {  	[tilespmem:s14+$0x0] =	vst v4;
	v4 =	vmul.f32 $4.525483320e+01, v9  }
0x36c: {  	s6 =	sadd.s32 $0x10580, s23;
	[tilespmem:s22+$0x0] =	vst v2  }
0x36d: {  	s8 =	sor.u32 s25, s6;
	[tilespmem:s28+$0x0] =	vst v4;
	v4 =	vmul.f32 $4.525483320e+01, v8  }
0x36e: {  	s0 =	sor.u32 s21, s6;
	v9 =	vld [tilespmem:s8+$0x0];
	v2 =	vmul.f32 $4.525483320e+01, v5;
	[tilespmem:s3+$0x0] =	vst v3  }
0x36f: {  	v3 =	vld [tilespmem:s0+$0x0];
	[tilespmem:s1+$0x0] =	vst v4;
	v4 =	vmul.f32 $4.525483320e+01, v7  }
0x370: {  	[tilespmem:s26+$0x0] =	vst v2  }
0x371: {  	[tilespmem:s2+$0x0] =	vst v4  }
0x372: {  	s1 =	rddreg [dreg:$0x11]  }
0x373: {  	v2 =	vmul.f32 $4.525483320e+01, v9;
	s2 =	rddreg [dreg:$0x19]  }
0x374: {  	v3 =	vmul.f32 $4.525483320e+01, v3;
	s1 =	sadd.s32 s2, s1  }
0x375: {  	s9 =	rddreg [dreg:$0x2];
	[tilespmem:s8+$0x0] =	vst v2;
	s1 =	sshll.u32 s1, $0xB  }
0x376: {  	s10 =	simm.s32 $0x0;
	s11 =	simm.s32 $0x10200;
	[tilespmem:s0+$0x0] =	vst v3;
	s0 =	sadd.s32 s9, s1  }
0x377: {  	[hbm4b:s0+s10] =	stream.linear.scatter [tilespmem:s11], [sflag:$0xC], $0x4000, $0x38;
	[tilespmem:$0x1C200] =	vst v63  }
0x378: {  	s0 =	simm.s32 @!p0 $0xB  }
0x379: {  	_ =	swait.ge @!p0 [sflag:s0], $0x4000  }
0x37a: {  	[sflag:s0] =	ssyncset.done @!p0 $0x0  }
0x37b: {  	[sflag:s0] =	ssyncadd.s32 @!p0 $0xFFFFC000;
	s0 =	rddreg [dreg:$0x18]  }
0x37c: {  	v2 =	vld.msk @!p0 [tilespmem:s0+$0x50], $0xff;
	_ =	sdelay $0x4  }
0x37d: {  	v3 =	vshll.u32 @!p0 v2, $0x4  }
0x37e: {  	v4 =	vlaneseq.u32 @!p0;
	v2 =	vand.u32 @!p0 $0x7, v2;
	v3 =	vand.u32 @!p0 $0xFFFFFF80, v3  }
0x37f: {  	v2 =	vor.u32 @!p0 v2, v3;
	v3 =	vand.u32 @!p0 $0x7, v4;
	v4 =	vshrl.u32 @!p0 v4, $0x3  }
0x380: {  	v2 =	vperm.xlane @!p0 v2, v3;
	v3 =	vmul.u32 @!p0 $0x8, v4;
	_ =	sdelay $0x1  }
0x381: {  	v2 =	vadd.s32 @!p0 v3, v2;
	_ =	sdelay $0x3  }
0x382: {  	s1 =	simm.s32 @!p0 $0xC200;
	s0 =	simm.s32 @!p0 $0x0;
	s2 =	rddreg [dreg:$0x1]  }
0x383: {  	[tilespmem:s1], [sflag:$0x4] =	stream.indirect_vreg.gather @!p0 [hbm4b:s2+s0], $0x80, v2, vm1, $0xb8;
	[tilespmem:$0x1C200] =	vst v63  }
0x384: {  	s1 =	simm.s32 @!p0 $0xCA00;
	s2 =	rddreg [dreg:$0x7]  }
0x385: {  	[tilespmem:s1], [sflag:$0x4] =	stream.indirect_vreg.gather @!p0 [hbm4b:s2+s0], $0x80, v2, vm1, $0xb8;
	[tilespmem:$0x1C200] =	vst v63  }
0x386: {  	s1 =	simm.s32 @!p0 $0xD200;
	s2 =	rddreg [dreg:$0x8]  }
0x387: {  	[tilespmem:s1], [sflag:$0x4] =	stream.indirect_vreg.gather @!p0 [hbm4b:s2+s0], $0x80, v2, vm1, $0xb8;
	[tilespmem:$0x1C200] =	vst v63  }
0x388: {  	s1 =	simm.s32 @!p0 $0xDA00;
	s2 =	rddreg [dreg:$0x9]  }
0x389: {  	[tilespmem:s1], [sflag:$0x4] =	stream.indirect_vreg.gather @!p0 [hbm4b:s2+s0], $0x80, v2, vm1, $0xb8;
	[tilespmem:$0x1C200] =	vst v63  }
0x38a: {  	s1 =	simm.s32 @!p0 $0xE200;
	s2 =	rddreg [dreg:$0xa]  }
0x38b: {  	[tilespmem:s1], [sflag:$0x4] =	stream.indirect_vreg.gather @!p0 [hbm4b:s2+s0], $0x80, v2, vm1, $0xb8;
	[tilespmem:$0x1C200] =	vst v63  }
0x38c: {  	s13 =	simm.s32 $0x0;
	s1 =	simm.s32 @!p0 $0xEA00;
	s2 =	rddreg [dreg:$0xb]  }
0x38d: {  	[tilespmem:s1], [sflag:$0x4] =	stream.indirect_vreg.gather @!p0 [hbm4b:s2+s0], $0x80, v2, vm1, $0xb8;
	[tilespmem:$0x1C200] =	vst v63  }
0x38e: {  	s12 =	simm.s32 $0x0;
	s1 =	simm.s32 @!p0 $0xF200;
	s2 =	rddreg [dreg:$0xc]  }
0x38f: {  	[tilespmem:s1], [sflag:$0x4] =	stream.indirect_vreg.gather @!p0 [hbm4b:s2+s0], $0x80, v2, vm1, $0xb8;
	[tilespmem:$0x1C200] =	vst v63  }
0x390: {  	s14 =	simm.s32 $0x6;
	s1 =	simm.s32 @!p0 $0xFA00;
	s2 =	rddreg [dreg:$0xd]  }
0x391: {  	[tilespmem:s1], [sflag:$0x4] =	stream.indirect_vreg.gather @!p0 [hbm4b:s2+s0], $0x80, v2, vm1, $0xb8;
	[tilespmem:$0x1C200] =	vst v63  }
0x392: {  	s28 =	sand.u32 $0x60, s13;
	s0 =	sand.u32 $0x3C00, s12;
	_ =	swait.ge [sflag:s14], $0x4000  }
0x393: {  	s30 =	sor.u32 $0x10, s28;
	s15 =	sor.u32 $0x14200, s0;
	[sflag:s14] =	ssyncset.done $0x0  }
0x394: {  	s16 =	sor.u32 s30, s15;
	[sflag:s14] =	ssyncadd.s32 $0xFFFFC000  }
0x395: {  	v2 =	vld [tilespmem:s16+$0x0];
	_ =	sdelay $0x2  }
0x396: {  	s1 =	sor.u32 s28, s15  }
0x397: {  	v3 =	vld [tilespmem:s1+$0x0]  }
0x398: {  	v2 =	vmul.f32 $4.525483320e+01, v2  }
0x399: {  	s17 =	sor.u32 $0x14280, s0  }
0x39a: {  	s18 =	sor.u32 s30, s17;
	[tilespmem:s16+$0x0] =	vst v2  }
0x39b: {  	v2 =	vld [tilespmem:s18+$0x0]  }
0x39c: {  	v3 =	vmul.f32 $4.525483320e+01, v3;
	_ =	sdelay $0x1  }
0x39d: {  	s19 =	simm.s32 $0x20;
	s20 =	simm.s32 $0x100;
	s3 =	sor.u32 s28, s17;
	[tilespmem:s1+$0x0] =	vst v3  }
0x39e: {  	s15 =	sand.u32 $0x60, s19;
	s16 =	sand.u32 $0x3C00, s20;
	v3 =	vld [tilespmem:s3+$0x0]  }
0x39f: {  	s19 =	sor.u32 $0x10, s15;
	s21 =	sor.u32 $0x14200, s16;
	v2 =	vmul.f32 $4.525483320e+01, v2  }
0x3a0: {  	s23 =	sor.u32 $0x14300, s0;
	s22 =	sor.u32 s19, s21  }
0x3a1: {  	s24 =	sor.u32 s30, s23;
	[tilespmem:s18+$0x0] =	vst v2;
	v2 =	vld [tilespmem:s22+$0x0]  }
0x3a2: {  	v4 =	vld [tilespmem:s24+$0x0]  }
0x3a3: {  	v3 =	vmul.f32 $4.525483320e+01, v3  }
0x3a4: {  	s1 =	sor.u32 s15, s21  }
0x3a5: {  	s5 =	sor.u32 s28, s23;
	[tilespmem:s3+$0x0] =	vst v3;
	v3 =	vld [tilespmem:s1+$0x0]  }
0x3a6: {  	v5 =	vld [tilespmem:s5+$0x0];
	v2 =	vmul.f32 $4.525483320e+01, v2  }
0x3a7: {  	s25 =	sor.u32 $0x14280, s16;
	v4 =	vmul.f32 $4.525483320e+01, v4  }
0x3a8: {  	s7 =	sor.u32 $0x14380, s0;
	s26 =	sor.u32 s19, s25;
	[tilespmem:s22+$0x0] =	vst v2  }
0x3a9: {  	s8 =	sor.u32 s30, s7;
	v2 =	vld [tilespmem:s26+$0x0];
	[tilespmem:s24+$0x0] =	vst v4  }
0x3aa: {  	v3 =	vmul.f32 $4.525483320e+01, v3;
	v4 =	vld [tilespmem:s8+$0x0]  }
0x3ab: {  	v5 =	vmul.f32 $4.525483320e+01, v5  }
0x3ac: {  	s9 =	simm.s32 $0x40;
	s10 =	simm.s32 $0x200;
	s3 =	sor.u32 s15, s25;
	[tilespmem:s1+$0x0] =	vst v3  }
0x3ad: {  	s6 =	sand.u32 $0x3C00, s10;
	s11 =	sor.u32 s28, s7;
	s17 =	sand.u32 $0x60, s9;
	v3 =	vld [tilespmem:s3+$0x0];
	[tilespmem:s5+$0x0] =	vst v5  }
0x3ae: {  	s12 =	sor.u32 $0x14200, s6;
	s18 =	sor.u32 $0x10, s17;
	v5 =	vld [tilespmem:s11+$0x0];
	v2 =	vmul.f32 $4.525483320e+01, v2  }
0x3af: {  	s14 =	sor.u32 $0x14300, s16;
	s13 =	sor.u32 s18, s12;
	v4 =	vmul.f32 $4.525483320e+01, v4  }
0x3b0: {  	s9 =	sadd.s32 $0x14400, s0;
	s20 =	sor.u32 s19, s14;
	[tilespmem:s26+$0x0] =	vst v2;
	v2 =	vld [tilespmem:s13+$0x0]  }
0x3b1: {  	s21 =	sor.u32 s30, s9;
	[tilespmem:s8+$0x0] =	vst v4;
	v4 =	vld [tilespmem:s20+$0x0]  }
0x3b2: {  	v3 =	vmul.f32 $4.525483320e+01, v3;
	v6 =	vld [tilespmem:s21+$0x0]  }
0x3b3: {  	s1 =	sor.u32 s17, s12;
	v5 =	vmul.f32 $4.525483320e+01, v5  }
0x3b4: {  	s7 =	sor.u32 s15, s14;
	[tilespmem:s3+$0x0] =	vst v3;
	v3 =	vld [tilespmem:s1+$0x0]  }
0x3b5: {  	s22 =	sor.u32 s28, s9;
	[tilespmem:s11+$0x0] =	vst v5;
	v5 =	vld [tilespmem:s7+$0x0];
	v2 =	vmul.f32 $4.525483320e+01, v2  }
0x3b6: {  	s23 =	sor.u32 $0x14280, s6;
	v7 =	vld [tilespmem:s22+$0x0];
	v4 =	vmul.f32 $4.525483320e+01, v4  }
0x3b7: {  	s25 =	sor.u32 $0x14380, s16;
	s24 =	sor.u32 s18, s23;
	[tilespmem:s13+$0x0] =	vst v2;
	v2 =	vmul.f32 $4.525483320e+01, v6  }
0x3b8: {  	s10 =	sadd.s32 $0x14480, s0;
	s26 =	sor.u32 s19, s25;
	v6 =	vld [tilespmem:s24+$0x0];
	[tilespmem:s20+$0x0] =	vst v4  }
0x3b9: {  	s11 =	sor.u32 s30, s10;
	v3 =	vmul.f32 $4.525483320e+01, v3;
	v4 =	vld [tilespmem:s26+$0x0];
	[tilespmem:s21+$0x0] =	vst v2  }
0x3ba: {  	v2 =	vmul.f32 $4.525483320e+01, v5;
	v5 =	vld [tilespmem:s11+$0x0]  }
0x3bb: {  	s31 =	simm.s32 $0x60;
	s8 =	sor.u32 s17, s23;
	[tilespmem:s1+$0x0] =	vst v3;
	v3 =	vmul.f32 $4.525483320e+01, v7;
	s1 =	simm.s32 $0x300  }
0x3bc: {  	s9 =	sor.u32 s15, s25;
	v7 =	vld [tilespmem:s8+$0x0];
	s23 =	sand.u32 $0x3C00, s1;
	s21 =	sand.u32 $0x60, s31;
	[tilespmem:s7+$0x0] =	vst v2  }
0x3bd: {  	[tilespmem:s22+$0x0] =	vst v3;
	s14 =	sor.u32 $0x14200, s23;
	s25 =	sor.u32 $0x10, s21;
	s7 =	sor.u32 s28, s10;
	v2 =	vmul.f32 $4.525483320e+01, v6;
	v6 =	vld [tilespmem:s9+$0x0]  }
0x3be: {  	s20 =	sor.u32 $0x14300, s6;
	s10 =	sor.u32 s25, s14;
	v3 =	vmul.f32 $4.525483320e+01, v4;
	v4 =	vld [tilespmem:s7+$0x0]  }
0x3bf: {  	s12 =	sadd.s32 $0x14400, s16;
	s22 =	sor.u32 s18, s20;
	[tilespmem:s24+$0x0] =	vst v2;
	v2 =	vmul.f32 $4.525483320e+01, v5;
	v5 =	vld [tilespmem:s10+$0x0]  }
0x3c0: {  	s13 =	sadd.s32 $0x14500, s0;
	[tilespmem:s26+$0x0] =	vst v3;
	v3 =	vld [tilespmem:s22+$0x0];
	s26 =	sor.u32 s19, s12  }
0x3c1: {  	s2 =	sor.u32 s30, s13;
	v7 =	vmul.f32 $4.525483320e+01, v7;
	[tilespmem:s11+$0x0] =	vst v2;
	v2 =	vld [tilespmem:s26+$0x0]  }
0x3c2: {  	s14 =	sor.u32 s21, s14;
	v6 =	vmul.f32 $4.525483320e+01, v6;
	v8 =	vld [tilespmem:s2+$0x0]  }
0x3c3: {  	s3 =	sor.u32 s17, s20;
	[tilespmem:s8+$0x0] =	vst v7;
	v7 =	vld [tilespmem:s14+$0x0];
	v4 =	vmul.f32 $4.525483320e+01, v4  }
0x3c4: {  	s24 =	sor.u32 s15, s12;
	v9 =	vld [tilespmem:s3+$0x0];
	[tilespmem:s9+$0x0] =	vst v6;
	v5 =	vmul.f32 $4.525483320e+01, v5  }
0x3c5: {  	s29 =	sor.u32 s28, s13;
	s12 =	sor.u32 $0x14280, s23;
	[tilespmem:s7+$0x0] =	vst v4;
	v4 =	vmul.f32 $4.525483320e+01, v3;
	v10 =	vld [tilespmem:s24+$0x0]  }
0x3c6: {  	s13 =	sor.u32 $0x14380, s6;
	s11 =	sor.u32 s25, s12;
	[tilespmem:s10+$0x0] =	vst v5;
	v2 =	vmul.f32 $4.525483320e+01, v2;
	v3 =	vld [tilespmem:s29+$0x0]  }
0x3c7: {  	s20 =	sor.u32 s18, s13;
	v6 =	vld [tilespmem:s11+$0x0];
	[tilespmem:s22+$0x0] =	vst v4;
	s22 =	sadd.s32 $0x14480, s16;
	v4 =	vmul.f32 $4.525483320e+01, v8  }
0x3c8: {  	s0 =	sadd.s32 $0x14580, s0;
	v7 =	vmul.f32 $4.525483320e+01, v7;
	v5 =	vld [tilespmem:s20+$0x0];
	[tilespmem:s26+$0x0] =	vst v2;
	s26 =	sor.u32 s19, s22  }
0x3c9: {  	s30 =	sor.u32 s30, s0;
	s28 =	sor.u32 s28, s0;
	v8 =	vmul.f32 $4.525483320e+01, v9;
	[tilespmem:s2+$0x0] =	vst v4;
	v4 =	vld [tilespmem:s26+$0x0]  }
0x3ca: {  	s8 =	sor.u32 s21, s12;
	[tilespmem:s14+$0x0] =	vst v7;
	s0 =	sor.u32 s15, s22;
	s2 =	sor.u32 s17, s13;
	v7 =	vmul.f32 $4.525483320e+01, v10;
	v2 =	vld [tilespmem:s30+$0x0]  }
.LBB2_13:
0x3cb: {  	s31 =	sadd.s32 $0x20, s31;
	v9 =	vld [tilespmem:s8+$0x0];
	s1 =	sadd.s32 $0x100, s1;
	[tilespmem:s3+$0x0] =	vst v8;
	v3 =	vmul.f32 $4.525483320e+01, v3;
	s9 =	smov.u32 s6  }
0x3cc: {  	s6 =	smov.u32 s23;
	s10 =	sand.u32 $0x60, s31;
	v6 =	vmul.f32 $4.525483320e+01, v6;
	v8 =	vld [tilespmem:s2+$0x0];
	[tilespmem:s24+$0x0] =	vst v7;
	s23 =	sand.u32 $0x3C00, s1  }
0x3cd: {  	s13 =	smov.u32 s19;
	s3 =	sor.u32 $0x14200, s23;
	s4 =	sor.u32 $0x10, s10;
	v5 =	vmul.f32 $4.525483320e+01, v5;
	v7 =	vld [tilespmem:s0+$0x0];
	[tilespmem:s29+$0x0] =	vst v3  }
0x3ce: {  	s7 =	sor.u32 $0x14300, s6;
	s12 =	sor.u32 s10, s3;
	s5 =	sor.u32 s4, s3;
	[tilespmem:s11+$0x0] =	vst v6;
	v3 =	vmul.f32 $4.525483320e+01, v4;
	v4 =	vld [tilespmem:s28+$0x0]  }
0x3cf: {  	s3 =	sor.u32 s21, s7;
	s7 =	sor.u32 s25, s7;
	s11 =	sadd.s32 $0x14400, s9;
	v6 =	vld [tilespmem:s5+$0x0];
	[tilespmem:s20+$0x0] =	vst v5;
	v2 =	vmul.f32 $4.525483320e+01, v2  }
0x3d0: {  	s24 =	sor.u32 s17, s11;
	s14 =	sor.u32 s18, s11;
	s11 =	sadd.s32 $0x14500, s16;
	v5 =	vmul.f32 $4.525483320e+01, v9;
	v9 =	vld [tilespmem:s7+$0x0];
	[tilespmem:s26+$0x0] =	vst v3  }
0x3d1: {  	p1 =	slt.u32 s31, $0x7E0;
	s29 =	sor.u32 s15, s11;
	s22 =	sor.u32 s13, s11;
	v3 =	vmul.f32 $4.525483320e+01, v8;
	v8 =	vld [tilespmem:s14+$0x0];
	[tilespmem:s30+$0x0] =	vst v2  }
0x3d2: {  	s19 =	smov.u32 s18;
	s18 =	smov.u32 s25;
	s25 =	smov.u32 s4;
	[tilespmem:s8+$0x0] =	vst v5;
	v2 =	vmul.f32 $4.525483320e+01, v7;
	v5 =	vld [tilespmem:s22+$0x0]  }
0x3d3: {  	v7 =	vld [tilespmem:s12+$0x0];
	[tilespmem:s2+$0x0] =	vst v3;
	v3 =	vmul.f32 $4.525483320e+01, v4  }
0x3d4: {  	v4 =	vmul.f32 $4.525483320e+01, v6;
	v10 =	vld [tilespmem:s3+$0x0];
	[tilespmem:s0+$0x0] =	vst v2;
	s0 =	sor.u32 $0x14280, s23  }
0x3d5: {  	v2 =	vmul.f32 $4.525483320e+01, v9;
	v9 =	vld [tilespmem:s24+$0x0];
	[tilespmem:s28+$0x0] =	vst v3;
	s8 =	sor.u32 s10, s0  }
.Ltmp5:
0x3d6: {  	s11 =	sor.u32 s25, s0;
	s0 =	sor.u32 $0x14380, s6;
	[tilespmem:s5+$0x0] =	vst v4;
	v4 =	vmul.f32 $4.525483320e+01, v8;
	v3 =	vld [tilespmem:s29+$0x0];
	(pc) =	sbr.rel @p1 .LBB2_13-.Ltmp5, $4  }
0x3d7: {  	s4 =	sadd.s32 $0x14480, s9;
	s2 =	sor.u32 s21, s0;
	s20 =	sor.u32 s18, s0;
	v6 =	vld [tilespmem:s11+$0x0];
	[tilespmem:s7+$0x0] =	vst v2;
	v2 =	vmul.f32 $4.525483320e+01, v5  }
0x3d8: {  	s26 =	sor.u32 s19, s4;
	s0 =	sor.u32 s17, s4;
	s4 =	sadd.s32 $0x14580, s16;
	v7 =	vmul.f32 $4.525483320e+01, v7;
	v5 =	vld [tilespmem:s20+$0x0];
	[tilespmem:s14+$0x0] =	vst v4  }
0x3d9: {  	s28 =	sor.u32 s15, s4;
	s30 =	sor.u32 s13, s4;
	s15 =	smov.u32 s17;
	v8 =	vmul.f32 $4.525483320e+01, v10;
	v4 =	vld [tilespmem:s26+$0x0];
	[tilespmem:s22+$0x0] =	vst v2  }
0x3da: {  	s16 =	smov.u32 s9;
	s17 =	smov.u32 s21;
	s21 =	smov.u32 s10;
	[tilespmem:s12+$0x0] =	vst v7;
	v7 =	vmul.f32 $4.525483320e+01, v9;
	v2 =	vld [tilespmem:s30+$0x0]  }
0x3db: {  	v9 =	vld [tilespmem:s8+$0x0]  }
0x3dc: {  	v6 =	vmul.f32 $4.525483320e+01, v6  }
0x3dd: {  	s1 =	sor.u32 $0x14300, s23  }
0x3de: {  	s4 =	sor.u32 s25, s1;
	[tilespmem:s11+$0x0] =	vst v6  }
0x3df: {  	v6 =	vld [tilespmem:s4+$0x0]  }
0x3e0: {  	v9 =	vmul.f32 $4.525483320e+01, v9;
	_ =	sdelay $0x1  }
0x3e1: {  	s1 =	sor.u32 s21, s1;
	[tilespmem:s8+$0x0] =	vst v9  }
0x3e2: {  	v9 =	vld [tilespmem:s1+$0x0]  }
0x3e3: {  	v6 =	vmul.f32 $4.525483320e+01, v6  }
0x3e4: {  	s8 =	sor.u32 $0x14380, s23  }
0x3e5: {  	s9 =	sor.u32 s25, s8;
	[tilespmem:s4+$0x0] =	vst v6  }
0x3e6: {  	[tilespmem:s3+$0x0] =	vst v8;
	v6 =	vld [tilespmem:s9+$0x0]  }
0x3e7: {  	v8 =	vmul.f32 $4.525483320e+01, v9;
	v9 =	vld [tilespmem:s2+$0x0];
	_ =	sdelay $0x1  }
0x3e8: {  	v5 =	vmul.f32 $4.525483320e+01, v5;
	s3 =	sor.u32 s21, s8;
	[tilespmem:s1+$0x0] =	vst v8  }
0x3e9: {  	s10 =	sadd.s32 $0x14400, s6;
	v8 =	vld [tilespmem:s3+$0x0]  }
0x3ea: {  	s5 =	sor.u32 s18, s10;
	[tilespmem:s20+$0x0] =	vst v5  }
0x3eb: {  	v5 =	vmul.f32 $4.525483320e+01, v6;
	v6 =	vld [tilespmem:s5+$0x0];
	v9 =	vmul.f32 $4.525483320e+01, v9;
	_ =	sdelay $0x1  }
0x3ec: {  	s11 =	sadd.s32 $0x14400, s23;
	s1 =	sor.u32 s17, s10;
	[tilespmem:s2+$0x0] =	vst v9  }
0x3ed: {  	s12 =	sor.u32 s25, s11;
	[tilespmem:s9+$0x0] =	vst v5;
	v8 =	vmul.f32 $4.525483320e+01, v8;
	v9 =	vld [tilespmem:s1+$0x0]  }
0x3ee: {  	v5 =	vld [tilespmem:s12+$0x0]  }
0x3ef: {  	s2 =	sor.u32 s21, s11;
	v6 =	vmul.f32 $4.525483320e+01, v6;
	[tilespmem:s3+$0x0] =	vst v8  }
0x3f0: {  	s13 =	sadd.s32 $0x14480, s6;
	v8 =	vld [tilespmem:s2+$0x0]  }
0x3f1: {  	s14 =	sor.u32 s18, s13;
	[tilespmem:s5+$0x0] =	vst v6  }
0x3f2: {  	[tilespmem:s24+$0x0] =	vst v7;
	v6 =	vld [tilespmem:s14+$0x0];
	v7 =	vmul.f32 $4.525483320e+01, v9  }
0x3f3: {  	v5 =	vmul.f32 $4.525483320e+01, v5;
	v9 =	vld [tilespmem:s0+$0x0]  }
0x3f4: {  	v4 =	vmul.f32 $4.525483320e+01, v4;
	s20 =	sadd.s32 $0x14480, s23;
	s3 =	sor.u32 s17, s13;
	[tilespmem:s1+$0x0] =	vst v7  }
0x3f5: {  	s24 =	sadd.s32 $0x14500, s16;
	s22 =	sor.u32 s25, s20;
	[tilespmem:s12+$0x0] =	vst v5;
	v7 =	vmul.f32 $4.525483320e+01, v8;
	v8 =	vld [tilespmem:s3+$0x0]  }
0x3f6: {  	s7 =	sor.u32 s19, s24;
	[tilespmem:s26+$0x0] =	vst v4;
	v5 =	vld [tilespmem:s22+$0x0]  }
0x3f7: {  	s1 =	sor.u32 s21, s20;
	v4 =	vmul.f32 $4.525483320e+01, v6;
	v6 =	vld [tilespmem:s7+$0x0];
	[tilespmem:s2+$0x0] =	vst v7  }
0x3f8: {  	v9 =	vmul.f32 $4.525483320e+01, v9;
	v7 =	vld [tilespmem:s1+$0x0];
	_ =	sdelay $0x1  }
0x3f9: {  	s31 =	sadd.s32 $0x14500, s6;
	s2 =	sor.u32 s15, s24;
	[tilespmem:s0+$0x0] =	vst v9;
	v8 =	vmul.f32 $4.525483320e+01, v8  }
0x3fa: {  	s8 =	sor.u32 s18, s31;
	[tilespmem:s14+$0x0] =	vst v4;
	v4 =	vmul.f32 $4.525483320e+01, v5;
	v9 =	vld [tilespmem:s2+$0x0]  }
0x3fb: {  	s9 =	sadd.s32 $0x14500, s23;
	s0 =	sor.u32 s17, s31;
	v5 =	vld [tilespmem:s8+$0x0];
	v6 =	vmul.f32 $4.525483320e+01, v6;
	[tilespmem:s3+$0x0] =	vst v8  }
0x3fc: {  	s10 =	sor.u32 s25, s9;
	s11 =	sadd.s32 $0x14580, s16;
	[tilespmem:s22+$0x0] =	vst v4;
	v7 =	vmul.f32 $4.525483320e+01, v7;
	v8 =	vld [tilespmem:s0+$0x0]  }
0x3fd: {  	v3 =	vmul.f32 $4.525483320e+01, v3;
	s12 =	sor.u32 s19, s11;
	v4 =	vld [tilespmem:s10+$0x0];
	[tilespmem:s7+$0x0] =	vst v6  }
0x3fe: {  	s3 =	sor.u32 s21, s9;
	v6 =	vld [tilespmem:s12+$0x0];
	[tilespmem:s1+$0x0] =	vst v7  }
0x3ff: {  	[tilespmem:s29+$0x0] =	vst v3;
	v3 =	vmul.f32 $4.525483320e+01, v9;
	v7 =	vld [tilespmem:s3+$0x0]  }
0x400: {  	v5 =	vmul.f32 $4.525483320e+01, v5;
	v9 =	vld [tilespmem:s28+$0x0]  }
0x401: {  	s13 =	sadd.s32 $0x14580, s6;
	s1 =	sor.u32 s15, s11;
	[tilespmem:s2+$0x0] =	vst v3;
	v3 =	vmul.f32 $4.525483320e+01, v8  }
0x402: {  	v2 =	vmul.f32 $4.525483320e+01, v2;
	s14 =	sor.u32 s18, s13;
	[tilespmem:s8+$0x0] =	vst v5;
	v8 =	vld [tilespmem:s1+$0x0]  }
0x403: {  	v4 =	vmul.f32 $4.525483320e+01, v4;
	s2 =	sor.u32 s17, s13;
	v5 =	vld [tilespmem:s14+$0x0];
	[tilespmem:s0+$0x0] =	vst v3  }
0x404: {  	[tilespmem:s30+$0x0] =	vst v2;
	v2 =	vmul.f32 $4.525483320e+01, v6;
	v3 =	vmul.f32 $4.525483320e+01, v7;
	v7 =	vld [tilespmem:s2+$0x0]  }
0x405: {  	[tilespmem:s10+$0x0] =	vst v4;
	v4 =	vmul.f32 $4.525483320e+01, v9  }
0x406: {  	s15 =	sadd.s32 $0x14580, s23;
	[tilespmem:s12+$0x0] =	vst v2  }
0x407: {  	s16 =	sor.u32 s25, s15;
	[tilespmem:s28+$0x0] =	vst v4;
	v4 =	vmul.f32 $4.525483320e+01, v8  }
0x408: {  	s0 =	sor.u32 s21, s15;
	v9 =	vld [tilespmem:s16+$0x0];
	v2 =	vmul.f32 $4.525483320e+01, v5;
	[tilespmem:s3+$0x0] =	vst v3  }
0x409: {  	v3 =	vld [tilespmem:s0+$0x0];
	[tilespmem:s1+$0x0] =	vst v4;
	v4 =	vmul.f32 $4.525483320e+01, v7  }
0x40a: {  	[tilespmem:s14+$0x0] =	vst v2  }
0x40b: {  	[tilespmem:s2+$0x0] =	vst v4  }
0x40c: {  	s1 =	rddreg [dreg:$0x12]  }
0x40d: {  	v2 =	vmul.f32 $4.525483320e+01, v9;
	s2 =	rddreg [dreg:$0x19]  }
0x40e: {  	v3 =	vmul.f32 $4.525483320e+01, v3;
	s1 =	sadd.s32 s2, s1  }
0x40f: {  	s17 =	rddreg [dreg:$0x2];
	[tilespmem:s16+$0x0] =	vst v2;
	s1 =	sshll.u32 s1, $0xB  }
0x410: {  	s19 =	simm.s32 $0x14200;
	s18 =	simm.s32 $0x0;
	[tilespmem:s0+$0x0] =	vst v3;
	s0 =	sadd.s32 s17, s1  }
0x411: {  	[hbm4b:s0+s18] =	stream.linear.scatter [tilespmem:s19], [sflag:$0xD], $0x4000, $0x38;
	[tilespmem:$0x1C200] =	vst v63  }
0x412: {  	s0 =	simm.s32 @!p0 $0xC  }
0x413: {  	_ =	swait.ge @!p0 [sflag:s0], $0x4000  }
0x414: {  	[sflag:s0] =	ssyncset.done @!p0 $0x0  }
0x415: {  	[sflag:s0] =	ssyncadd.s32 @!p0 $0xFFFFC000;
	s0 =	rddreg [dreg:$0x18]  }
0x416: {  	v2 =	vld.msk @!p0 [tilespmem:s0+$0x58], $0xff;
	_ =	sdelay $0x4  }
0x417: {  	v3 =	vshll.u32 @!p0 v2, $0x4  }
0x418: {  	v4 =	vlaneseq.u32 @!p0;
	v2 =	vand.u32 @!p0 $0x7, v2;
	v3 =	vand.u32 @!p0 $0xFFFFFF80, v3  }
0x419: {  	v2 =	vor.u32 @!p0 v2, v3;
	v3 =	vand.u32 @!p0 $0x7, v4;
	v4 =	vshrl.u32 @!p0 v4, $0x3  }
0x41a: {  	v2 =	vperm.xlane @!p0 v2, v3;
	v3 =	vmul.u32 @!p0 $0x8, v4;
	_ =	sdelay $0x1  }
0x41b: {  	v2 =	vadd.s32 @!p0 v3, v2;
	_ =	sdelay $0x3  }
0x41c: {  	s1 =	simm.s32 @!p0 $0x10200;
	s0 =	simm.s32 @!p0 $0x0;
	s2 =	rddreg [dreg:$0x1]  }
0x41d: {  	[tilespmem:s1], [sflag:$0x5] =	stream.indirect_vreg.gather @!p0 [hbm4b:s2+s0], $0x80, v2, vm1, $0xb8;
	[tilespmem:$0x1C200] =	vst v63  }
0x41e: {  	s1 =	simm.s32 @!p0 $0x10A00;
	s2 =	rddreg [dreg:$0x7]  }
0x41f: {  	[tilespmem:s1], [sflag:$0x5] =	stream.indirect_vreg.gather @!p0 [hbm4b:s2+s0], $0x80, v2, vm1, $0xb8;
	[tilespmem:$0x1C200] =	vst v63  }
0x420: {  	s1 =	simm.s32 @!p0 $0x11200;
	s2 =	rddreg [dreg:$0x8]  }
0x421: {  	[tilespmem:s1], [sflag:$0x5] =	stream.indirect_vreg.gather @!p0 [hbm4b:s2+s0], $0x80, v2, vm1, $0xb8;
	[tilespmem:$0x1C200] =	vst v63  }
0x422: {  	s1 =	simm.s32 @!p0 $0x11A00;
	s2 =	rddreg [dreg:$0x9]  }
0x423: {  	[tilespmem:s1], [sflag:$0x5] =	stream.indirect_vreg.gather @!p0 [hbm4b:s2+s0], $0x80, v2, vm1, $0xb8;
	[tilespmem:$0x1C200] =	vst v63  }
0x424: {  	s1 =	simm.s32 @!p0 $0x12200;
	s2 =	rddreg [dreg:$0xa]  }
0x425: {  	[tilespmem:s1], [sflag:$0x5] =	stream.indirect_vreg.gather @!p0 [hbm4b:s2+s0], $0x80, v2, vm1, $0xb8;
	[tilespmem:$0x1C200] =	vst v63  }
0x426: {  	s20 =	simm.s32 $0x0;
	s1 =	simm.s32 @!p0 $0x12A00;
	s2 =	rddreg [dreg:$0xb]  }
0x427: {  	[tilespmem:s1], [sflag:$0x5] =	stream.indirect_vreg.gather @!p0 [hbm4b:s2+s0], $0x80, v2, vm1, $0xb8;
	[tilespmem:$0x1C200] =	vst v63  }
0x428: {  	s22 =	simm.s32 $0x7;
	s1 =	simm.s32 @!p0 $0x13200;
	s2 =	rddreg [dreg:$0xc]  }
0x429: {  	[tilespmem:s1], [sflag:$0x5] =	stream.indirect_vreg.gather @!p0 [hbm4b:s2+s0], $0x80, v2, vm1, $0xb8;
	[tilespmem:$0x1C200] =	vst v63  }
0x42a: {  	s21 =	simm.s32 $0x0;
	s1 =	simm.s32 @!p0 $0x13A00;
	s2 =	rddreg [dreg:$0xd]  }
0x42b: {  	[tilespmem:s1], [sflag:$0x5] =	stream.indirect_vreg.gather @!p0 [hbm4b:s2+s0], $0x80, v2, vm1, $0xb8;
	[tilespmem:$0x1C200] =	vst v63  }
0x42c: {  	s25 =	sand.u32 $0x60, s21;
	s0 =	sand.u32 $0x3C00, s20;
	_ =	swait.ge [sflag:s22], $0x4000  }
0x42d: {  	s29 =	sor.u32 $0x10, s25;
	s23 =	sor.u32 $0x18200, s0;
	[sflag:s22] =	ssyncset.done $0x0  }
0x42e: {  	s24 =	sor.u32 s29, s23;
	[sflag:s22] =	ssyncadd.s32 $0xFFFFC000  }
0x42f: {  	v2 =	vld [tilespmem:s24+$0x0];
	_ =	sdelay $0x2  }
0x430: {  	s1 =	sor.u32 s25, s23  }
0x431: {  	v3 =	vld [tilespmem:s1+$0x0]  }
0x432: {  	v2 =	vmul.f32 $4.525483320e+01, v2  }
0x433: {  	s26 =	sor.u32 $0x18280, s0  }
0x434: {  	s31 =	sor.u32 s29, s26;
	[tilespmem:s24+$0x0] =	vst v2  }
0x435: {  	v2 =	vld [tilespmem:s31+$0x0]  }
0x436: {  	v3 =	vmul.f32 $4.525483320e+01, v3;
	_ =	sdelay $0x1  }
0x437: {  	s6 =	simm.s32 $0x100;
	s5 =	simm.s32 $0x20;
	s3 =	sor.u32 s25, s26;
	[tilespmem:s1+$0x0] =	vst v3  }
0x438: {  	s5 =	sand.u32 $0x60, s5;
	s15 =	sand.u32 $0x3C00, s6;
	v3 =	vld [tilespmem:s3+$0x0]  }
0x439: {  	s7 =	sor.u32 $0x18200, s15;
	s18 =	sor.u32 $0x10, s5;
	v2 =	vmul.f32 $4.525483320e+01, v2  }
0x43a: {  	s8 =	sor.u32 s18, s7;
	s9 =	sor.u32 $0x18300, s0  }
0x43b: {  	s10 =	sor.u32 s29, s9;
	[tilespmem:s31+$0x0] =	vst v2;
	v2 =	vld [tilespmem:s8+$0x0]  }
0x43c: {  	v4 =	vld [tilespmem:s10+$0x0]  }
0x43d: {  	v3 =	vmul.f32 $4.525483320e+01, v3  }
0x43e: {  	s1 =	sor.u32 s5, s7  }
0x43f: {  	s6 =	sor.u32 s25, s9;
	[tilespmem:s3+$0x0] =	vst v3;
	v3 =	vld [tilespmem:s1+$0x0]  }
0x440: {  	v5 =	vld [tilespmem:s6+$0x0];
	v2 =	vmul.f32 $4.525483320e+01, v2  }
0x441: {  	s11 =	sor.u32 $0x18280, s15;
	v4 =	vmul.f32 $4.525483320e+01, v4  }
0x442: {  	s12 =	sor.u32 s18, s11;
	s13 =	sor.u32 $0x18380, s0;
	[tilespmem:s8+$0x0] =	vst v2  }
0x443: {  	s14 =	sor.u32 s29, s13;
	v2 =	vld [tilespmem:s12+$0x0];
	[tilespmem:s10+$0x0] =	vst v4  }
0x444: {  	v3 =	vmul.f32 $4.525483320e+01, v3;
	v4 =	vld [tilespmem:s14+$0x0]  }
0x445: {  	v5 =	vmul.f32 $4.525483320e+01, v5  }
0x446: {  	s16 =	simm.s32 $0x40;
	s17 =	simm.s32 $0x200;
	s3 =	sor.u32 s5, s11;
	[tilespmem:s1+$0x0] =	vst v3  }
0x447: {  	s16 =	sand.u32 $0x60, s16;
	s7 =	sor.u32 s25, s13;
	v3 =	vld [tilespmem:s3+$0x0];
	[tilespmem:s6+$0x0] =	vst v5;
	s6 =	sand.u32 $0x3C00, s17  }
0x448: {  	s17 =	sor.u32 $0x10, s16;
	v5 =	vld [tilespmem:s7+$0x0];
	s19 =	sor.u32 $0x18200, s6;
	v2 =	vmul.f32 $4.525483320e+01, v2  }
0x449: {  	s9 =	sor.u32 $0x18300, s15;
	s20 =	sor.u32 s17, s19;
	v4 =	vmul.f32 $4.525483320e+01, v4  }
0x44a: {  	s21 =	sor.u32 s18, s9;
	s10 =	sadd.s32 $0x18400, s0;
	[tilespmem:s12+$0x0] =	vst v2;
	v2 =	vld [tilespmem:s20+$0x0]  }
0x44b: {  	s22 =	sor.u32 s29, s10;
	[tilespmem:s14+$0x0] =	vst v4;
	v4 =	vld [tilespmem:s21+$0x0]  }
0x44c: {  	v3 =	vmul.f32 $4.525483320e+01, v3;
	v6 =	vld [tilespmem:s22+$0x0]  }
0x44d: {  	s1 =	sor.u32 s16, s19;
	v5 =	vmul.f32 $4.525483320e+01, v5  }
0x44e: {  	s9 =	sor.u32 s5, s9;
	[tilespmem:s3+$0x0] =	vst v3;
	v3 =	vld [tilespmem:s1+$0x0]  }
0x44f: {  	s23 =	sor.u32 s25, s10;
	[tilespmem:s7+$0x0] =	vst v5;
	v5 =	vld [tilespmem:s9+$0x0];
	v2 =	vmul.f32 $4.525483320e+01, v2  }
0x450: {  	s24 =	sor.u32 $0x18280, s6;
	v7 =	vld [tilespmem:s23+$0x0];
	v4 =	vmul.f32 $4.525483320e+01, v4  }
0x451: {  	s13 =	sor.u32 $0x18380, s15;
	s26 =	sor.u32 s17, s24;
	[tilespmem:s20+$0x0] =	vst v2;
	v2 =	vmul.f32 $4.525483320e+01, v6  }
0x452: {  	s14 =	sor.u32 s18, s13;
	s20 =	sadd.s32 $0x18480, s0;
	v6 =	vld [tilespmem:s26+$0x0];
	[tilespmem:s21+$0x0] =	vst v4  }
0x453: {  	v3 =	vmul.f32 $4.525483320e+01, v3;
	v4 =	vld [tilespmem:s14+$0x0];
	[tilespmem:s22+$0x0] =	vst v2;
	s22 =	sor.u32 s29, s20  }
0x454: {  	v2 =	vmul.f32 $4.525483320e+01, v5;
	v5 =	vld [tilespmem:s22+$0x0]  }
0x455: {  	s30 =	simm.s32 $0x60;
	s7 =	sor.u32 s16, s24;
	[tilespmem:s1+$0x0] =	vst v3;
	v3 =	vmul.f32 $4.525483320e+01, v7;
	s1 =	simm.s32 $0x300  }
0x456: {  	s10 =	sor.u32 s5, s13;
	s19 =	sand.u32 $0x60, s30;
	v7 =	vld [tilespmem:s7+$0x0];
	s21 =	sand.u32 $0x3C00, s1;
	[tilespmem:s9+$0x0] =	vst v2  }
0x457: {  	s11 =	sor.u32 s25, s20;
	[tilespmem:s23+$0x0] =	vst v3;
	s24 =	sor.u32 $0x18200, s21;
	s23 =	sor.u32 $0x10, s19;
	v2 =	vmul.f32 $4.525483320e+01, v6;
	v6 =	vld [tilespmem:s10+$0x0]  }
0x458: {  	s12 =	sor.u32 $0x18300, s6;
	s31 =	sor.u32 s23, s24;
	v3 =	vmul.f32 $4.525483320e+01, v4;
	v4 =	vld [tilespmem:s11+$0x0]  }
0x459: {  	s13 =	sadd.s32 $0x18400, s15;
	s20 =	sor.u32 s17, s12;
	[tilespmem:s26+$0x0] =	vst v2;
	v2 =	vmul.f32 $4.525483320e+01, v5;
	v5 =	vld [tilespmem:s31+$0x0]  }
0x45a: {  	s26 =	sor.u32 s18, s13;
	[tilespmem:s14+$0x0] =	vst v3;
	v3 =	vld [tilespmem:s20+$0x0];
	s14 =	sadd.s32 $0x18500, s0  }
0x45b: {  	v7 =	vmul.f32 $4.525483320e+01, v7;
	[tilespmem:s22+$0x0] =	vst v2;
	v2 =	vld [tilespmem:s26+$0x0];
	s2 =	sor.u32 s29, s14  }
0x45c: {  	s22 =	sor.u32 s19, s24;
	v6 =	vmul.f32 $4.525483320e+01, v6;
	v8 =	vld [tilespmem:s2+$0x0]  }
0x45d: {  	s3 =	sor.u32 s16, s12;
	[tilespmem:s7+$0x0] =	vst v7;
	v7 =	vld [tilespmem:s22+$0x0];
	v4 =	vmul.f32 $4.525483320e+01, v4  }
0x45e: {  	v9 =	vld [tilespmem:s3+$0x0];
	s24 =	sor.u32 s5, s13;
	[tilespmem:s10+$0x0] =	vst v6;
	v5 =	vmul.f32 $4.525483320e+01, v5  }
0x45f: {  	s28 =	sor.u32 s25, s14;
	s13 =	sor.u32 $0x18280, s21;
	[tilespmem:s11+$0x0] =	vst v4;
	v4 =	vmul.f32 $4.525483320e+01, v3;
	v10 =	vld [tilespmem:s24+$0x0]  }
0x460: {  	s14 =	sor.u32 $0x18380, s6;
	s11 =	sor.u32 s23, s13;
	[tilespmem:s31+$0x0] =	vst v5;
	v2 =	vmul.f32 $4.525483320e+01, v2;
	v3 =	vld [tilespmem:s28+$0x0]  }
0x461: {  	s31 =	sadd.s32 $0x18480, s15;
	v6 =	vld [tilespmem:s11+$0x0];
	[tilespmem:s20+$0x0] =	vst v4;
	s20 =	sor.u32 s17, s14;
	v4 =	vmul.f32 $4.525483320e+01, v8  }
0x462: {  	s0 =	sadd.s32 $0x18580, s0;
	v7 =	vmul.f32 $4.525483320e+01, v7;
	v5 =	vld [tilespmem:s20+$0x0];
	[tilespmem:s26+$0x0] =	vst v2;
	s26 =	sor.u32 s18, s31  }
0x463: {  	s25 =	sor.u32 s25, s0;
	s29 =	sor.u32 s29, s0;
	v8 =	vmul.f32 $4.525483320e+01, v9;
	[tilespmem:s2+$0x0] =	vst v4;
	v4 =	vld [tilespmem:s26+$0x0]  }
0x464: {  	s8 =	sor.u32 s19, s13;
	s0 =	sor.u32 s5, s31;
	[tilespmem:s22+$0x0] =	vst v7;
	s2 =	sor.u32 s16, s14;
	v7 =	vmul.f32 $4.525483320e+01, v10;
	v2 =	vld [tilespmem:s29+$0x0]  }
.LBB2_15:
0x465: {  	s30 =	sadd.s32 $0x20, s30;
	v9 =	vld [tilespmem:s8+$0x0];
	s1 =	sadd.s32 $0x100, s1;
	[tilespmem:s3+$0x0] =	vst v8;
	v3 =	vmul.f32 $4.525483320e+01, v3;
	s9 =	smov.u32 s6  }
0x466: {  	s6 =	smov.u32 s21;
	s10 =	sand.u32 $0x60, s30;
	v6 =	vmul.f32 $4.525483320e+01, v6;
	v8 =	vld [tilespmem:s2+$0x0];
	[tilespmem:s24+$0x0] =	vst v7;
	s21 =	sand.u32 $0x3C00, s1  }
0x467: {  	s13 =	smov.u32 s18;
	s3 =	sor.u32 $0x18200, s21;
	s4 =	sor.u32 $0x10, s10;
	v5 =	vmul.f32 $4.525483320e+01, v5;
	v7 =	vld [tilespmem:s0+$0x0];
	[tilespmem:s28+$0x0] =	vst v3  }
0x468: {  	s14 =	sor.u32 $0x18300, s6;
	s12 =	sor.u32 s10, s3;
	s7 =	sor.u32 s4, s3;
	[tilespmem:s11+$0x0] =	vst v6;
	v3 =	vmul.f32 $4.525483320e+01, v4;
	v4 =	vld [tilespmem:s25+$0x0]  }
0x469: {  	s3 =	sor.u32 s19, s14;
	s14 =	sor.u32 s23, s14;
	s11 =	sadd.s32 $0x18400, s9;
	v6 =	vld [tilespmem:s7+$0x0];
	[tilespmem:s20+$0x0] =	vst v5;
	v2 =	vmul.f32 $4.525483320e+01, v2  }
0x46a: {  	s24 =	sor.u32 s16, s11;
	s22 =	sor.u32 s17, s11;
	s11 =	sadd.s32 $0x18500, s15;
	v5 =	vmul.f32 $4.525483320e+01, v9;
	v9 =	vld [tilespmem:s14+$0x0];
	[tilespmem:s26+$0x0] =	vst v3  }
0x46b: {  	p1 =	slt.u32 s30, $0x7E0;
	s28 =	sor.u32 s5, s11;
	s31 =	sor.u32 s13, s11;
	v3 =	vmul.f32 $4.525483320e+01, v8;
	v8 =	vld [tilespmem:s22+$0x0];
	[tilespmem:s29+$0x0] =	vst v2  }
0x46c: {  	s18 =	smov.u32 s17;
	s17 =	smov.u32 s23;
	s23 =	smov.u32 s4;
	[tilespmem:s8+$0x0] =	vst v5;
	v2 =	vmul.f32 $4.525483320e+01, v7;
	v5 =	vld [tilespmem:s31+$0x0]  }
0x46d: {  	v7 =	vld [tilespmem:s12+$0x0];
	[tilespmem:s2+$0x0] =	vst v3;
	v3 =	vmul.f32 $4.525483320e+01, v4  }
0x46e: {  	v4 =	vmul.f32 $4.525483320e+01, v6;
	v10 =	vld [tilespmem:s3+$0x0];
	[tilespmem:s0+$0x0] =	vst v2;
	s0 =	sor.u32 $0x18280, s21  }
0x46f: {  	v2 =	vmul.f32 $4.525483320e+01, v9;
	v9 =	vld [tilespmem:s24+$0x0];
	[tilespmem:s25+$0x0] =	vst v3;
	s8 =	sor.u32 s10, s0  }
.Ltmp6:
0x470: {  	s11 =	sor.u32 s23, s0;
	s0 =	sor.u32 $0x18380, s6;
	[tilespmem:s7+$0x0] =	vst v4;
	v4 =	vmul.f32 $4.525483320e+01, v8;
	v3 =	vld [tilespmem:s28+$0x0];
	(pc) =	sbr.rel @p1 .LBB2_15-.Ltmp6, $4  }
0x471: {  	s4 =	sadd.s32 $0x18480, s9;
	s2 =	sor.u32 s19, s0;
	s20 =	sor.u32 s17, s0;
	v6 =	vld [tilespmem:s11+$0x0];
	[tilespmem:s14+$0x0] =	vst v2;
	v2 =	vmul.f32 $4.525483320e+01, v5  }
0x472: {  	s26 =	sor.u32 s18, s4;
	s0 =	sor.u32 s16, s4;
	s4 =	sadd.s32 $0x18580, s15;
	v7 =	vmul.f32 $4.525483320e+01, v7;
	v5 =	vld [tilespmem:s20+$0x0];
	[tilespmem:s22+$0x0] =	vst v4  }
0x473: {  	s25 =	sor.u32 s5, s4;
	s29 =	sor.u32 s13, s4;
	s5 =	smov.u32 s16;
	v8 =	vmul.f32 $4.525483320e+01, v10;
	v4 =	vld [tilespmem:s26+$0x0];
	[tilespmem:s31+$0x0] =	vst v2  }
0x474: {  	s15 =	smov.u32 s9;
	s16 =	smov.u32 s19;
	s19 =	smov.u32 s10;
	[tilespmem:s12+$0x0] =	vst v7;
	v7 =	vmul.f32 $4.525483320e+01, v9;
	v2 =	vld [tilespmem:s29+$0x0]  }
0x475: {  	v9 =	vld [tilespmem:s8+$0x0];
	_ =	sdelay $0x2  }
0x476: {  	v6 =	vmul.f32 $4.525483320e+01, v6  }
0x477: {  	s1 =	sor.u32 $0x18300, s21  }
0x478: {  	s4 =	sor.u32 s23, s1;
	[tilespmem:s11+$0x0] =	vst v6;
	v9 =	vmul.f32 $4.525483320e+01, v9  }
0x479: {  	v6 =	vld [tilespmem:s4+$0x0]  }
0x47a: {  	s1 =	sor.u32 s19, s1;
	[tilespmem:s8+$0x0] =	vst v9  }
0x47b: {  	v9 =	vld [tilespmem:s1+$0x0];
	_ =	sdelay $0x1  }
0x47c: {  	[tilespmem:s3+$0x0] =	vst v8  }
0x47d: {  	v46 =	vld [tilespmem:s2+$0x0];
	v6 =	vmul.f32 $4.525483320e+01, v6  }
0x47e: {  	s12 =	sor.u32 $0x18380, s21;
	v5 =	vmul.f32 $4.525483320e+01, v5  }
0x47f: {  	s14 =	sadd.s32 $0x18400, s6;
	s13 =	sor.u32 s23, s12;
	[tilespmem:s4+$0x0] =	vst v6;
	v45 =	vmul.f32 $4.525483320e+01, v9  }
0x480: {  	s7 =	sor.u32 s17, s14;
	[tilespmem:s20+$0x0] =	vst v5;
	v6 =	vld [tilespmem:s13+$0x0]  }
0x481: {  	s3 =	sor.u32 s19, s12;
	v48 =	vld [tilespmem:s7+$0x0];
	[tilespmem:s1+$0x0] =	vst v45  }
0x482: {  	v9 =	vmul.f32 $4.525483320e+01, v46;
	v8 =	vld [tilespmem:s3+$0x0];
	_ =	sdelay $0x1  }
0x483: {  	s1 =	sor.u32 s16, s14;
	[tilespmem:s2+$0x0] =	vst v9  }
0x484: {  	v9 =	vld [tilespmem:s1+$0x0];
	v47 =	vmul.f32 $4.525483320e+01, v6  }
0x485: {  	[tilespmem:s24+$0x0] =	vst v7;
	s20 =	sadd.s32 $0x18400, s21;
	v6 =	vmul.f32 $4.525483320e+01, v48  }
0x486: {  	s24 =	sadd.s32 $0x18480, s6;
	s22 =	sor.u32 s23, s20;
	[tilespmem:s13+$0x0] =	vst v47;
	v8 =	vmul.f32 $4.525483320e+01, v8  }
0x487: {  	s30 =	sor.u32 s17, s24;
	[tilespmem:s7+$0x0] =	vst v6;
	v5 =	vld [tilespmem:s22+$0x0]  }
0x488: {  	s2 =	sor.u32 s19, s20;
	v6 =	vld [tilespmem:s30+$0x0];
	[tilespmem:s3+$0x0] =	vst v8  }
0x489: {  	v49 =	vmul.f32 $4.525483320e+01, v9;
	v8 =	vld [tilespmem:s2+$0x0]  }
0x48a: {  	v50 =	vld [tilespmem:s0+$0x0]  }
0x48b: {  	v4 =	vmul.f32 $4.525483320e+01, v4;
	s3 =	sor.u32 s16, s24;
	[tilespmem:s1+$0x0] =	vst v49  }
0x48c: {  	s9 =	sadd.s32 $0x18500, s15;
	v52 =	vld [tilespmem:s3+$0x0];
	v5 =	vmul.f32 $4.525483320e+01, v5  }
0x48d: {  	s31 =	sadd.s32 $0x18480, s21;
	s10 =	sor.u32 s18, s9;
	[tilespmem:s26+$0x0] =	vst v4;
	v53 =	vmul.f32 $4.525483320e+01, v6  }
0x48e: {  	s11 =	sadd.s32 $0x18500, s6;
	v54 =	vld [tilespmem:s10+$0x0];
	s8 =	sor.u32 s23, s31;
	[tilespmem:s22+$0x0] =	vst v5;
	v51 =	vmul.f32 $4.525483320e+01, v8  }
0x48f: {  	s12 =	sor.u32 s17, s11;
	v9 =	vmul.f32 $4.525483320e+01, v50;
	[tilespmem:s30+$0x0] =	vst v53;
	v5 =	vld [tilespmem:s8+$0x0]  }
0x490: {  	s1 =	sor.u32 s19, s31;
	v56 =	vld [tilespmem:s12+$0x0];
	[tilespmem:s2+$0x0] =	vst v51  }
0x491: {  	[tilespmem:s0+$0x0] =	vst v9;
	v8 =	vmul.f32 $4.525483320e+01, v52;
	s2 =	sor.u32 s5, s9;
	v7 =	vld [tilespmem:s1+$0x0]  }
0x492: {  	v3 =	vmul.f32 $4.525483320e+01, v3;
	v9 =	vld [tilespmem:s2+$0x0]  }
0x493: {  	s0 =	sor.u32 s16, s11;
	v6 =	vmul.f32 $4.525483320e+01, v54;
	[tilespmem:s3+$0x0] =	vst v8  }
0x494: {  	[tilespmem:s28+$0x0] =	vst v3;
	v8 =	vld [tilespmem:s0+$0x0];
	v55 =	vmul.f32 $4.525483320e+01, v5  }
0x495: {  	s15 =	sadd.s32 $0x18580, s15;
	[tilespmem:s10+$0x0] =	vst v6;
	v5 =	vmul.f32 $4.525483320e+01, v56  }
0x496: {  	v57 =	vld [tilespmem:s25+$0x0];
	s20 =	sor.u32 s18, s15;
	s13 =	sadd.s32 $0x18500, s21;
	[tilespmem:s8+$0x0] =	vst v55;
	v7 =	vmul.f32 $4.525483320e+01, v7  }
0x497: {  	s14 =	sor.u32 s23, s13;
	v6 =	vld [tilespmem:s20+$0x0];
	[tilespmem:s12+$0x0] =	vst v5;
	v3 =	vmul.f32 $4.525483320e+01, v9  }
0x498: {  	s22 =	sadd.s32 $0x18580, s6;
	s3 =	sor.u32 s19, s13;
	v4 =	vld [tilespmem:s14+$0x0];
	[tilespmem:s1+$0x0] =	vst v7  }
0x499: {  	s24 =	sor.u32 s17, s22;
	[tilespmem:s2+$0x0] =	vst v3;
	v3 =	vmul.f32 $4.525483320e+01, v8;
	v7 =	vld [tilespmem:s3+$0x0]  }
0x49a: {  	v2 =	vmul.f32 $4.525483320e+01, v2;
	v5 =	vld [tilespmem:s24+$0x0];
	s1 =	sor.u32 s5, s15  }
0x49b: {  	v60 =	vmul.f32 $4.525483320e+01, v57;
	s2 =	sor.u32 s16, s22;
	v58 =	vld [tilespmem:s1+$0x0];
	[tilespmem:s0+$0x0] =	vst v3  }
0x49c: {  	[tilespmem:s29+$0x0] =	vst v2;
	v2 =	vmul.f32 $4.525483320e+01, v6;
	v59 =	vld [tilespmem:s2+$0x0]  }
0x49d: {  	[tilespmem:s25+$0x0] =	vst v60;
	v4 =	vmul.f32 $4.525483320e+01, v4  }
0x49e: {  	s26 =	sadd.s32 $0x18580, s21;
	[tilespmem:s20+$0x0] =	vst v2;
	v3 =	vmul.f32 $4.525483320e+01, v7  }
0x49f: {  	s28 =	sor.u32 s23, s26;
	v2 =	vmul.f32 $4.525483320e+01, v5;
	[tilespmem:s14+$0x0] =	vst v4  }
0x4a0: {  	s0 =	sor.u32 s19, s26;
	v61 =	vld [tilespmem:s28+$0x0];
	v62 =	vmul.f32 $4.525483320e+01, v58;
	[tilespmem:s3+$0x0] =	vst v3  }
0x4a1: {  	[tilespmem:s24+$0x0] =	vst v2;
	v63 =	vmul.f32 $4.525483320e+01, v59;
	v3 =	vld [tilespmem:s0+$0x0]  }
0x4a2: {  	[tilespmem:s1+$0x0] =	vst v62  }
0x4a3: {  	[tilespmem:s2+$0x0] =	vst v63  }
0x4a4: {  	s1 =	rddreg [dreg:$0x5]  }
.Ltmp7:
0x4a5: {  	v2 =	vmul.f32 $4.525483320e+01, v61;
	s2 =	rddreg [dreg:$0x17];
	(pc) =	sbr.rel @p0 .LBB2_18-.Ltmp7, $4  }
0x4a6: {  	s1 =	sadd.s32 s1, s2;
	v3 =	vmul.f32 $4.525483320e+01, v3  }
0x4a7: {  	s30 =	rddreg [dreg:$0x2];
	[tilespmem:s28+$0x0] =	vst v2;
	s1 =	sshll.u32 s1, $0xB  }
0x4a8: {  	s31 =	simm.s32 $0x18200;
	s14 =	simm.s32 $0x0;
	[tilespmem:s0+$0x0] =	vst v3;
	s0 =	sadd.s32 s30, s1  }
0x4a9: {  	[hbm4b:s0+s14] =	stream.linear.scatter [tilespmem:s31], [sflag:$0xE], $0x4000, $0x38;
	[tilespmem:$0x1C200] =	vst v63  }
0x4aa: {  	s0 =	simm.s32 $0xD  }
0x4ab: {  	_ =	swait.ge [sflag:s0], $0x4000  }
0x4ac: {  	[sflag:s0] =	ssyncset.done $0x0  }
0x4ad: {  	s13 =	rddreg [dreg:$0x18];
	[sflag:s0] =	ssyncadd.s32 $0xFFFFC000  }
0x4ae: {  	v2 =	vld.msk [tilespmem:s13+$0x60], $0xff;
	_ =	sdelay $0x4  }
0x4af: {  	v3 =	vshll.u32 v2, $0x4  }
0x4b0: {  	v2 =	vand.u32 $0x7, v2;
	v3 =	vand.u32 $0xFFFFFF80, v3  }
0x4b1: {  	v2 =	vor.u32 v2, v3  }
0x4b2: {  	v2 =	vperm.xlane v2, v0;
	_ =	sdelay $0x1  }
0x4b3: {  	v2 =	vadd.s32 v1, v2;
	_ =	sdelay $0x2  }
0x4b4: {  	s16 =	rddreg [dreg:$0x7]  }
0x4b5: {  	s1 =	simm.s32 $0x14200;
	s15 =	rddreg [dreg:$0x1]  }
0x4b6: {  	[tilespmem:s1], [sflag:$0x6] =	stream.indirect_vreg.gather [hbm4b:s15+s14], $0x80, v2, vm0, $0xb8;
	[tilespmem:$0x1C200] =	vst v63  }
0x4b7: {  	s17 =	simm.s32 $0x14A00;
	s18 =	rddreg [dreg:$0x8]  }
0x4b8: {  	[tilespmem:s17], [sflag:$0x6] =	stream.indirect_vreg.gather [hbm4b:s16+s14], $0x80, v2, vm0, $0xb8;
	[tilespmem:$0x1C200] =	vst v63  }
0x4b9: {  	s19 =	simm.s32 $0x15200;
	s20 =	rddreg [dreg:$0x9]  }
0x4ba: {  	[tilespmem:s19], [sflag:$0x6] =	stream.indirect_vreg.gather [hbm4b:s18+s14], $0x80, v2, vm0, $0xb8;
	[tilespmem:$0x1C200] =	vst v63  }
0x4bb: {  	s21 =	simm.s32 $0x15A00;
	s22 =	rddreg [dreg:$0xa]  }
0x4bc: {  	[tilespmem:s21], [sflag:$0x6] =	stream.indirect_vreg.gather [hbm4b:s20+s14], $0x80, v2, vm0, $0xb8;
	[tilespmem:$0x1C200] =	vst v63  }
0x4bd: {  	s23 =	simm.s32 $0x16200;
	s24 =	rddreg [dreg:$0xb]  }
0x4be: {  	[tilespmem:s23], [sflag:$0x6] =	stream.indirect_vreg.gather [hbm4b:s22+s14], $0x80, v2, vm0, $0xb8;
	[tilespmem:$0x1C200] =	vst v63  }
0x4bf: {  	s25 =	simm.s32 $0x16A00;
	s26 =	rddreg [dreg:$0xc]  }
0x4c0: {  	[tilespmem:s25], [sflag:$0x6] =	stream.indirect_vreg.gather [hbm4b:s24+s14], $0x80, v2, vm0, $0xb8;
	[tilespmem:$0x1C200] =	vst v63  }
.Ltmp8:
0x4c1: {  	s31 =	rddreg [dreg:$0x16];
	(pc) =	sbr.rel .LBB2_2-.Ltmp8, $4  }
0x4c2: {  	s28 =	simm.s32 $0x17200;
	s29 =	rddreg [dreg:$0xd];
	s0 =	sadd.s32 $0x1, s31  }
0x4c3: {  	[tilespmem:s28], [sflag:$0x6] =	stream.indirect_vreg.gather [hbm4b:s26+s14], $0x80, v2, vm0, $0xb8;
	[tilespmem:$0x1C200] =	vst v63  }
0x4c4: {  	s30 =	simm.s32 $0x17A00;
	[dreg:$0x16] =	wrdreg s0;
	s17 =	simm.s32 $0x200  }
0x4c5: {  	[tilespmem:s30], [sflag:$0x6] =	stream.indirect_vreg.gather [hbm4b:s29+s14], $0x80, v2, vm0, $0xb8;
	[tilespmem:$0x1C200] =	vst v63  }
.LBB2_18:
0x4c6: {  	s3 =	simm.s32 $0x1  }
0x4c7: {  	s0 =	simm.s32 $0x0;
	s1 =	simm.s32 $0x0;
	_ =	swait.ge [sflag:s3], $0x4000  }
0x4c8: {  	s1 =	sand.u32 $0x60, s1;
	s2 =	sand.u32 $0x3C00, s0;
	[sflag:s3] =	ssyncset.done $0x0  }
0x4c9: {  	s1 =	sor.u32 s1, s2;
	[sflag:s3] =	ssyncadd.s32 $0xFFFFC000  }
0x4ca: {  	v2 =	vld [tilespmem:s1+$0x210]  }
0x4cb: {  	v3 =	vld [tilespmem:s1+$0x290]  }
0x4cc: {  	v4 =	vld [tilespmem:s1+$0x310]  }
0x4cd: {  	v5 =	vld [tilespmem:s1+$0x390]  }
0x4ce: {  	v6 =	vld [tilespmem:s1+$0x410]  }
0x4cf: {  	v7 =	vld [tilespmem:s1+$0x490];
	v2 =	vmul.f32 $4.525483320e+01, v2  }
0x4d0: {  	v3 =	vmul.f32 $4.525483320e+01, v3  }
0x4d1: {  	[tilespmem:s1+$0x210] =	vst v2;
	v2 =	vmul.f32 $4.525483320e+01, v4  }
0x4d2: {  	s0 =	sand.u32 $0x3, s0;
	v4 =	vld [tilespmem:s1+$0x200];
	[tilespmem:s1+$0x290] =	vst v3;
	v3 =	vmul.f32 $4.525483320e+01, v5  }
0x4d3: {  	s0 =	sshll.u32 s0, $0x5;
	v5 =	vld [tilespmem:s1+$0x280];
	[tilespmem:s1+$0x310] =	vst v2;
	v2 =	vmul.f32 $4.525483320e+01, v6  }
0x4d4: {  	s23 =	sadd.s32 $0x0, s0;
	v6 =	vld [tilespmem:s1+$0x300];
	[tilespmem:s1+$0x390] =	vst v3;
	v3 =	vmul.f32 $4.525483320e+01, v7  }
0x4d5: {  	s0 =	sadd.s32 $0x10, s23;
	v7 =	vld [tilespmem:s1+$0x380];
	[tilespmem:s1+$0x410] =	vst v2  }
0x4d6: {  	s24 =	simm.s32 $0x20;
	s5 =	simm.s32 $0x100;
	s4 =	sor.u32 $0x300, s0;
	v2 =	vld [tilespmem:s1+$0x400];
	[tilespmem:s1+$0x490] =	vst v3  }
0x4d7: {  	s5 =	sand.u32 $0x3C00, s5;
	s3 =	sand.u32 $0x60, s24;
	v3 =	vmul.f32 $4.525483320e+01, v4;
	v4 =	vld [tilespmem:s4+$0x200]  }
0x4d8: {  	v8 =	vld [tilespmem:s1+$0x480];
	s3 =	sor.u32 s3, s5;
	v5 =	vmul.f32 $4.525483320e+01, v5  }
0x4d9: {  	[tilespmem:s1+$0x200] =	vst v3;
	v3 =	vmul.f32 $4.525483320e+01, v6;
	v6 =	vld [tilespmem:s3+$0x210]  }
0x4da: {  	[tilespmem:s1+$0x280] =	vst v5;
	v5 =	vmul.f32 $4.525483320e+01, v7;
	v7 =	vld [tilespmem:s3+$0x290]  }
0x4db: {  	[tilespmem:s1+$0x300] =	vst v3;
	v2 =	vmul.f32 $4.525483320e+01, v2;
	v3 =	vld [tilespmem:s3+$0x310]  }
0x4dc: {  	[tilespmem:s1+$0x380] =	vst v5;
	v5 =	vld [tilespmem:s3+$0x390];
	v4 =	vmul.f32 $4.525483320e+01, v4  }
0x4dd: {  	v8 =	vmul.f32 $4.525483320e+01, v8;
	[tilespmem:s1+$0x400] =	vst v2;
	v2 =	vld [tilespmem:s3+$0x410]  }
0x4de: {  	v9 =	vld [tilespmem:s3+$0x490];
	s0 =	sor.u32 $0x380, s0;
	v6 =	vmul.f32 $4.525483320e+01, v6;
	[tilespmem:s4+$0x200] =	vst v4  }
0x4df: {  	[tilespmem:s1+$0x480] =	vst v8;
	v4 =	vmul.f32 $4.525483320e+01, v7;
	v7 =	vld [tilespmem:s0+$0x200]  }
0x4e0: {  	s25 =	simm.s32 $0x1;
	v8 =	vld [tilespmem:s3+$0x200];
	[tilespmem:s3+$0x210] =	vst v6;
	v3 =	vmul.f32 $4.525483320e+01, v3  }
0x4e1: {  	s1 =	sand.u32 $0x3, s25;
	v6 =	vld [tilespmem:s3+$0x280];
	[tilespmem:s3+$0x290] =	vst v4;
	v4 =	vmul.f32 $4.525483320e+01, v5  }
0x4e2: {  	s1 =	sshll.u32 s1, $0x5;
	v5 =	vld [tilespmem:s3+$0x300];
	[tilespmem:s3+$0x310] =	vst v3;
	v2 =	vmul.f32 $4.525483320e+01, v2  }
0x4e3: {  	s26 =	sadd.s32 $0x100, s1;
	v3 =	vld [tilespmem:s3+$0x380];
	[tilespmem:s3+$0x390] =	vst v4;
	v4 =	vmul.f32 $4.525483320e+01, v9  }
0x4e4: {  	s6 =	sadd.s32 $0x10, s26;
	v9 =	vld [tilespmem:s3+$0x400];
	[tilespmem:s3+$0x410] =	vst v2;
	v2 =	vmul.f32 $4.525483320e+01, v7  }
0x4e5: {  	s5 =	simm.s32 $0x200;
	s1 =	simm.s32 $0x40;
	s7 =	sor.u32 $0x300, s6;
	v7 =	vmul.f32 $4.525483320e+01, v8;
	v8 =	vld [tilespmem:s3+$0x480];
	[tilespmem:s3+$0x490] =	vst v4  }
0x4e6: {  	s8 =	sor.u32 $0x300, s23;
	s9 =	sand.u32 $0x3C00, s5;
	s28 =	sand.u32 $0x60, s1;
	v4 =	vmul.f32 $4.525483320e+01, v6;
	[tilespmem:s0+$0x200] =	vst v2;
	v2 =	vld [tilespmem:s7+$0x200]  }
0x4e7: {  	v6 =	vld [tilespmem:s8+$0x200];
	v5 =	vmul.f32 $4.525483320e+01, v5;
	[tilespmem:s3+$0x200] =	vst v7;
	s0 =	sor.u32 s28, s9  }
0x4e8: {  	[tilespmem:s3+$0x280] =	vst v4;
	v3 =	vmul.f32 $4.525483320e+01, v3;
	v4 =	vld [tilespmem:s0+$0x210]  }
0x4e9: {  	[tilespmem:s3+$0x300] =	vst v5;
	v5 =	vmul.f32 $4.525483320e+01, v9;
	v7 =	vld [tilespmem:s0+$0x290]  }
0x4ea: {  	[tilespmem:s3+$0x380] =	vst v3;
	v3 =	vmul.f32 $4.525483320e+01, v8;
	v8 =	vld [tilespmem:s0+$0x310]  }
0x4eb: {  	[tilespmem:s3+$0x400] =	vst v5;
	v5 =	vld [tilespmem:s0+$0x390];
	v2 =	vmul.f32 $4.525483320e+01, v2  }
0x4ec: {  	v9 =	vld [tilespmem:s0+$0x410];
	v6 =	vmul.f32 $4.525483320e+01, v6;
	[tilespmem:s3+$0x480] =	vst v3  }
0x4ed: {  	s15 =	sor.u32 $0x380, s6;
	v10 =	vld [tilespmem:s0+$0x490];
	v3 =	vmul.f32 $4.525483320e+01, v4;
	[tilespmem:s7+$0x200] =	vst v2  }
0x4ee: {  	[tilespmem:s8+$0x200] =	vst v6;
	v4 =	vmul.f32 $4.525483320e+01, v7;
	v7 =	vld [tilespmem:s15+$0x200]  }
0x4ef: {  	v11 =	vld [tilespmem:s0+$0x200];
	[tilespmem:s0+$0x210] =	vst v3;
	v6 =	vmul.f32 $4.525483320e+01, v8  }
0x4f0: {  	v2 =	vld [tilespmem:s0+$0x280];
	s7 =	simm.s32 $0x2;
	[tilespmem:s0+$0x290] =	vst v4;
	v5 =	vmul.f32 $4.525483320e+01, v5  }
0x4f1: {  	s29 =	sand.u32 $0x3, s7;
	v3 =	vld [tilespmem:s0+$0x300];
	v8 =	vmul.f32 $4.525483320e+01, v9;
	[tilespmem:s0+$0x310] =	vst v6  }
0x4f2: {  	s17 =	simm.s32 $0x200;
	s2 =	sor.u32 $0x300, s26;
	v4 =	vld [tilespmem:s0+$0x380];
	v9 =	vmul.f32 $4.525483320e+01, v10;
	s30 =	sshll.u32 s29, $0x5;
	[tilespmem:s0+$0x390] =	vst v5  }
0x4f3: {  	s6 =	sor.u32 $0x380, s23;
	s3 =	sor.u32 $0x380, s26;
	s31 =	sadd.s32 $0x200, s30;
	v6 =	vld [tilespmem:s0+$0x400];
	[tilespmem:s0+$0x410] =	vst v8;
	v5 =	vmul.f32 $4.525483320e+01, v7  }
0x4f4: {  	v8 =	vmul.f32 $4.525483320e+01, v11;
	[tilespmem:s0+$0x490] =	vst v9;
	s9 =	sor.u32 $0x300, s31;
	s8 =	sor.u32 $0x380, s31;
	s10 =	sadd.s32 $0x10, s31;
	v7 =	vld [tilespmem:s0+$0x480]  }
.LBB2_19:
0x4f5: {  	s1 =	sadd.s32 $0x20, s1;
	v2 =	vmul.f32 $4.525483320e+01, v2;
	s4 =	sor.u32 $0x300, s10;
	s5 =	sadd.s32 $0x100, s5;
	v9 =	vld [tilespmem:s2+$0x200];
	[tilespmem:s15+$0x200] =	vst v5  }
0x4f6: {  	s11 =	sand.u32 $0x60, s1;
	s12 =	sand.u32 $0x3C00, s5;
	[tilespmem:s0+$0x200] =	vst v8;
	v3 =	vmul.f32 $4.525483320e+01, v3;
	v5 =	vld [tilespmem:s4+$0x200]  }
0x4f7: {  	s11 =	sor.u32 s11, s12;
	[tilespmem:s0+$0x280] =	vst v2;
	v2 =	vmul.f32 $4.525483320e+01, v4;
	v4 =	vld [tilespmem:s6+$0x200]  }
0x4f8: {  	v8 =	vld [tilespmem:s11+$0x210];
	[tilespmem:s0+$0x300] =	vst v3;
	v3 =	vmul.f32 $4.525483320e+01, v6  }
0x4f9: {  	v6 =	vld [tilespmem:s11+$0x290];
	[tilespmem:s0+$0x380] =	vst v2;
	v2 =	vmul.f32 $4.525483320e+01, v7  }
0x4fa: {  	v7 =	vld [tilespmem:s11+$0x310];
	[tilespmem:s0+$0x400] =	vst v3;
	v3 =	vmul.f32 $4.525483320e+01, v9  }
0x4fb: {  	p0 =	slt.u32 s1, $0x7E0;
	v9 =	vld [tilespmem:s11+$0x390];
	[tilespmem:s0+$0x480] =	vst v2;
	v2 =	vmul.f32 $4.525483320e+01, v5;
	s0 =	smov.u32 s11  }
0x4fc: {  	v5 =	vld [tilespmem:s0+$0x410];
	[tilespmem:s2+$0x200] =	vst v3;
	v3 =	vmul.f32 $4.525483320e+01, v4;
	s2 =	smov.u32 s9  }
0x4fd: {  	s15 =	sor.u32 $0x380, s10;
	v4 =	vmul.f32 $4.525483320e+01, v8;
	v8 =	vld [tilespmem:s0+$0x490];
	[tilespmem:s4+$0x200] =	vst v2  }
0x4fe: {  	v6 =	vmul.f32 $4.525483320e+01, v6;
	v10 =	vld [tilespmem:s15+$0x200];
	[tilespmem:s6+$0x200] =	vst v3;
	s6 =	smov.u32 s3;
	s3 =	smov.u32 s8  }
0x4ff: {  	v11 =	vld [tilespmem:s0+$0x200];
	[tilespmem:s0+$0x210] =	vst v4;
	v4 =	vmul.f32 $4.525483320e+01, v7  }
.Ltmp9:
0x500: {  	s7 =	sadd.s32 $0x1, s7;
	v2 =	vld [tilespmem:s0+$0x280];
	[tilespmem:s0+$0x290] =	vst v6;
	v6 =	vmul.f32 $4.525483320e+01, v9;
	(pc) =	sbr.rel @p0 .LBB2_19-.Ltmp9, $4  }
0x501: {  	s4 =	sand.u32 $0x3, s7;
	v3 =	vld [tilespmem:s0+$0x300];
	[tilespmem:s0+$0x310] =	vst v4;
	v5 =	vmul.f32 $4.525483320e+01, v5  }
0x502: {  	s4 =	sshll.u32 s4, $0x5;
	v4 =	vld [tilespmem:s0+$0x380];
	[tilespmem:s0+$0x390] =	vst v6;
	v9 =	vmul.f32 $4.525483320e+01, v8  }
0x503: {  	s4 =	sadd.s32 s4, s5;
	v6 =	vld [tilespmem:s0+$0x400];
	[tilespmem:s0+$0x410] =	vst v5;
	v5 =	vmul.f32 $4.525483320e+01, v10  }
0x504: {  	s9 =	sor.u32 $0x300, s4;
	s8 =	sor.u32 $0x380, s4;
	s10 =	sadd.s32 $0x10, s4;
	v8 =	vmul.f32 $4.525483320e+01, v11;
	v7 =	vld [tilespmem:s0+$0x480];
	[tilespmem:s0+$0x490] =	vst v9  }
0x505: {  	v2 =	vmul.f32 $4.525483320e+01, v2  }
0x506: {  	[tilespmem:s0+$0x200] =	vst v8;
	v3 =	vmul.f32 $4.525483320e+01, v3  }
0x507: {  	[tilespmem:s0+$0x280] =	vst v2;
	v2 =	vmul.f32 $4.525483320e+01, v4  }
0x508: {  	[tilespmem:s0+$0x300] =	vst v3;
	v3 =	vmul.f32 $4.525483320e+01, v6  }
0x509: {  	s1 =	sor.u32 $0x300, s10;
	[tilespmem:s0+$0x380] =	vst v2;
	v2 =	vmul.f32 $4.525483320e+01, v7  }
0x50a: {  	v61 =	vld [tilespmem:s1+$0x200];
	[tilespmem:s0+$0x400] =	vst v3  }
0x50b: {  	v3 =	vld [tilespmem:s2+$0x200];
	[tilespmem:s0+$0x480] =	vst v2  }
0x50c: {  	v2 =	vld [tilespmem:s9+$0x200];
	_ =	sdelay $0x2  }
0x50d: {  	v4 =	vmul.f32 $4.525483320e+01, v61  }
0x50e: {  	v3 =	vmul.f32 $4.525483320e+01, v3  }
0x50f: {  	v62 =	vld [tilespmem:s6+$0x200];
	s21 =	sor.u32 $0x380, s10;
	[tilespmem:s1+$0x200] =	vst v4;
	v2 =	vmul.f32 $4.525483320e+01, v2  }
0x510: {  	[tilespmem:s2+$0x200] =	vst v3;
	v3 =	vld [tilespmem:s21+$0x200]  }
0x511: {  	v63 =	vld [tilespmem:s3+$0x200];
	[tilespmem:s9+$0x200] =	vst v2  }
0x512: {  	v2 =	vld [tilespmem:s8+$0x200];
	_ =	sdelay $0x1  }
0x513: {  	v6 =	vmul.f32 $4.525483320e+01, v62  }
0x514: {  	[tilespmem:s15+$0x200] =	vst v5;
	v3 =	vmul.f32 $4.525483320e+01, v3  }
0x515: {  	[tilespmem:s6+$0x200] =	vst v6;
	v4 =	vmul.f32 $4.525483320e+01, v63  }
0x516: {  	[tilespmem:s21+$0x200] =	vst v3;
	v2 =	vmul.f32 $4.525483320e+01, v2  }
0x517: {  	[tilespmem:s3+$0x200] =	vst v4  }
0x518: {  	[tilespmem:s8+$0x200] =	vst v2  }
0x519: {  	s22 =	simm.s32 $0x9;
	s0 =	rddreg [dreg:$0x13]  }
0x51a: {  	[hbm4b:s0+s14] =	stream.linear.scatter [tilespmem:s17], [sflag:$0x8], $0x4000, $0x38;
	[tilespmem:$0x1C200] =	vst v63  }
0x51b: {  	_ =	swait.ge [sflag:s22], $0x4000  }
0x51c: {  	[sflag:s22] =	ssyncset.done $0x0  }
0x51d: {  	s23 =	simm.s32 $0xA;
	[sflag:s22] =	ssyncadd.s32 $0xFFFFC000  }
0x51e: {  	_ =	swait.ge [sflag:s23], $0x4000  }
0x51f: {  	[sflag:s23] =	ssyncset.done $0x0  }
0x520: {  	s24 =	simm.s32 $0xB;
	[sflag:s23] =	ssyncadd.s32 $0xFFFFC000  }
0x521: {  	_ =	swait.ge [sflag:s24], $0x4000  }
0x522: {  	[sflag:s24] =	ssyncset.done $0x0  }
0x523: {  	s25 =	simm.s32 $0xC;
	[sflag:s24] =	ssyncadd.s32 $0xFFFFC000  }
0x524: {  	_ =	swait.ge [sflag:s25], $0x4000  }
0x525: {  	[sflag:s25] =	ssyncset.done $0x0  }
0x526: {  	s26 =	simm.s32 $0xD;
	[sflag:s25] =	ssyncadd.s32 $0xFFFFC000  }
0x527: {  	_ =	swait.ge [sflag:s26], $0x4000  }
0x528: {  	[sflag:s26] =	ssyncset.done $0x0  }
0x529: {  	s28 =	simm.s32 $0xE;
	[sflag:s26] =	ssyncadd.s32 $0xFFFFC000  }
0x52a: {  	_ =	swait.ge [sflag:s28], $0x4000  }
0x52b: {  	[sflag:s28] =	ssyncset.done $0x0  }
0x52c: {  	s29 =	simm.s32 $0x8;
	[sflag:s28] =	ssyncadd.s32 $0xFFFFC000  }
0x52d: {  	_ =	swait.ge [sflag:s29], $0x4000  }
0x52e: {  	s30 =	rddreg [dreg:$0x15]  }
0x52f: {  	s31 =	rddreg [dreg:$0x14];
	s2 =	sadd.s32 $0x1, s30  }
0x530: {  	p0 =	sne.s32 s2, s31  }
.Ltmp10:
0x531: {  	_ = 	snop;
	(pc) =	sbr.rel @p0 .LBB2_1-.Ltmp10, $3  }
0x532: {  	_ =	sdelay $0x1  }
0x533: {  	[sflag:s29] =	ssyncset.done $0x0  }
0x534: {  	[sflag:s29] =	ssyncadd.s32 $0xFFFFC000  }
0x535: {  	_ =	sfence.sel $0x180000  }
0x536: {  	[bflag:$0x0] =	sbarrier.arrive $0xFFFF  }
0x537: {  	_ =	strace $0x90000047  }
0x538: {  	s0 =	stileid.u32;
	[bflag:$0x2] =	sbarrier.arrive $0xFFFF  }
0x539: {  	p0 =	sne.s32 s0, $0x0;
	s0 =	rddreg [dreg:$0x3]  }
0x53a: {  	s0 =	sadd.s32 @!p0 $0x100000, s0  }
0x53b: {  	[sflag:s0] =	ssyncadd.tile.s32 @!p0 $0x1;
	_ =	shalt  }
.Lfunc_end2:
_tile_overlayer_lowered:
.L_overlay_start_2:
0x53c: {  	(tag) =	ssettag $0x2  }
0x53d: {  	s0 =	rddreg [dreg:$0x0];
	s2 =	stileid.u32  }
0x53e: {  	s1 =	rddreg [dreg:$0x1];
	p0 =	sne.s32 s2, $0x0  }
0x53f: {  	s3 =	rddreg [dreg:$0x2];
	[bflag:$0x3] =	sbarrier.arrive $0xFFFF;
	s2 =	simm.s32 @!p0 $0x1C0F  }
0x540: {  	[timem:s3], [sflag:s2] =	dma.local @!p0 [hbm:s0], s1  }
0x541: {  	s0 =	simm.s32 @!p0 $0xF  }
0x542: {  	_ =	swait.ge @!p0 [sflag:s0], s1  }
0x543: {  	s1 =	ssub.s32 @!p0 $0x0, s1;
	[sflag:s0] =	ssyncset.done @!p0 $0x0  }
0x544: {  	[sflag:s0] =	ssyncadd.s32 @!p0 s1  }
0x545: {  	[bflag:$0x3] =	sbarrier.arrive $0xFFFF  }
0x546: {  	_ =	shalt  }

</sc_bundles>
